<compile_context>
chip_gen: v7x
topology: tpu7x:2x2x1
jax: 0.10.2.dev20260603
libtpu: 0.0.44.dev20260713+nightly
codegen_flags: <defaults>
</compile_context>

<pallas_src>
import functools

import jax
import jax.numpy as jnp
from jax import lax
from jax.experimental import pallas as pl
from jax.experimental.pallas import tpu as pltpu
from jax.experimental.pallas import tpu_sc as plsc

_LANES = 16
_NUM_CORES = 2
_NUM_SUBCORES = 16
_MAX_IDX = 128


@functools.lru_cache(maxsize=None)
def _build_sc_kernel(N, Q, K, D, C):
    NW = _NUM_CORES * _NUM_SUBCORES
    TPW = N // NW
    S = TPW // C
    R = C * Q
    G = R // _MAX_IDX

    mesh = plsc.VectorSubcoreMesh(
        core_axis_name="c", subcore_axis_name="s",
        num_cores=_NUM_CORES, num_subcores=_NUM_SUBCORES)

    @functools.partial(
        pl.kernel,
        out_type=jax.ShapeDtypeStruct((N, D), jnp.float32),
        mesh=mesh,
        scratch_types=[
            pltpu.VMEM((TPW * Q,), jnp.int32),
            pltpu.VMEM((R, D // 2), jnp.int32),
            pltpu.VMEM((R, D // 2), jnp.int32),
            pltpu.VMEM((C, D), jnp.float32),
            pltpu.VMEM((C, D), jnp.float32),
            pltpu.SemaphoreType.DMA,
            pltpu.SemaphoreType.DMA,
            pltpu.SemaphoreType.DMA,
            pltpu.SemaphoreType.DMA,
        ],
    )
    def sc_kernel(tab_hbm, val_hbm, out_hbm, fidx_v,
                  rows0, rows1, ob0, ob1, g0, g1, o0, o1):
        wid = lax.axis_index("s") * _NUM_CORES + lax.axis_index("c")
        tbase = wid * TPW
        bufs = ((rows0, g0, ob0, o0), (rows1, g1, ob1, o1))

        pltpu.sync_copy(val_hbm.at[pl.ds(tbase * Q, TPW * Q)], fidx_v)
        lanes = lax.iota(jnp.int32, _LANES)
        kbits = K.bit_length() - 1
        lq = lanes & (Q - 1)
        offp = (lq << kbits) + lq

        def build(c, carry3):
            sl = pl.ds(c * _LANES, _LANES)
            fidx_v[sl] = fidx_v[sl] + offp
            return carry3
        lax.fori_loop(0, TPW * Q // _LANES, build, 0)

        def gather(s, rows, gsem):
            for h in range(G):
                pltpu.async_copy(
                    tab_hbm.at[fidx_v.at[pl.ds(s * R + h * _MAX_IDX, _MAX_IDX)]],
                    rows.at[pl.ds(h * _MAX_IDX, _MAX_IDX)], gsem)

        def gather_wait(s, rows, gsem):
            for h in range(G):
                pltpu.make_async_copy(
                    tab_hbm.at[fidx_v.at[pl.ds(s * R + h * _MAX_IDX, _MAX_IDX)]],
                    rows.at[pl.ds(h * _MAX_IDX, _MAX_IDX)], gsem).wait()

        himask = jnp.full((_LANES,), -65536, jnp.int32)

        def compute(rows_v, ob_v):
            @plsc.parallel_loop(0, C, unroll=2)
            def token(t):
                r0 = t * Q
                for jj in range(D // (2 * _LANES)):
                    sl = pl.ds(jj * _LANES, _LANES)
                    vs = [rows_v[r0 + q, sl] for q in range(Q)]
                    los = [lax.bitcast_convert_type(v << 16, jnp.float32)
                           for v in vs]
                    his = [lax.bitcast_convert_type(v & himask, jnp.float32)
                           for v in vs]
                    while len(los) > 1:
                        los = [los[i] + los[i + 1] for i in range(0, len(los), 2)]
                        his = [his[i] + his[i + 1] for i in range(0, len(his), 2)]
                    ob_v[t, pl.ds(jj * 2 * _LANES, _LANES)] = los[0]
                    ob_v[t, pl.ds(jj * 2 * _LANES + _LANES, _LANES)] = his[0]

        gather(0, rows0, g0)
        gather(1, rows1, g1)

        def body(i, carry):
            for b in range(2):
                rows, gsem, ob, osem = bufs[b]
                s = 2 * i + b
                gather_wait(s, rows, gsem)
                @pl.when(i > 0)
                def _():
                    pltpu.make_async_copy(
                        ob, out_hbm.at[pl.ds(tbase + (s - 2) * C, C)], osem).wait()
                compute(rows, ob)
                pltpu.async_copy(ob, out_hbm.at[pl.ds(tbase + s * C, C)], osem)
                @pl.when(s + 2 < S)
                def _():
                    gather(s + 2, rows, gsem)
            return carry

        lax.fori_loop(0, S // 2, body, 0)
        for b in range(2):
            s_last = S - 2 + b
            pltpu.make_async_copy(
                bufs[b][2], out_hbm.at[pl.ds(tbase + s_last * C, C)],
                bufs[b][3]).wait()

    return sc_kernel


def kernel(value, mask, tables):
    B, T, Q = value.shape
    Qt, K, D = tables.shape
    N = B * T

    val = jnp.where(mask[..., None], value, K).reshape(N * Q).astype(jnp.int32)
    tb = jnp.concatenate([tables, jnp.zeros((Q, 1, D), jnp.float32)], axis=1)
    tb = tb.reshape(Q * (K + 1), D // 32, 2, 16)

    def bf16_bits(x):
        r = lax.bitcast_convert_type(x, jnp.int32)
        return ((r + 0x7FFF + ((r >> 16) & 1)) >> 16) & 0xFFFF

    tab = (bf16_bits(tb[:, :, 0, :])
           | (bf16_bits(tb[:, :, 1, :]) << 16)).reshape(Q * (K + 1), D // 2)

    out = _build_sc_kernel(N, Q, K, D, 32)(tab, val)
    return out.reshape(B, T, D)

# --- scband reference (transcript-rebuilt; emitter-appended) ---
"""Pipeline reference for scband-rvqembedding-13915694039140 (READ-ONLY COPY).

The authoritative reference and input builder live on the scoring server;
editing this copy changes nothing except your own understanding.
"""

import jax, jax.numpy as jnp
import numpy as np

B, T, Q, K, D = 16, 2048, 8, 1024, 256

def setup_inputs(seed: int = 0) -> dict:
    key = jax.random.key(seed)
    k1, k2 = jax.random.split(key)
    value = jax.random.randint(k1, (B, T, Q), 0, K, dtype=jnp.int64 if jax.config.read('jax_enable_x64') else jnp.int32)
    mask = jnp.ones((B, T), dtype=bool)
    # learned parameters: one embedding table per quantizer, stacked [Q, K, D]
    tables = jax.random.normal(k2, (Q, K, D), dtype=jnp.float32)
    return {"value": value, "mask": mask, "tables": tables}

def reference(value, mask, tables):
    # output = sum_i embeddings[i](value[..., i]); then apply mask
    out = jnp.zeros(value.shape[:2] + (tables.shape[-1],), dtype=tables.dtype)
    for i in range(tables.shape[0]):
        out = out + jnp.take(tables[i], value[..., i], axis=0)
    # TensorMask.apply_mask(): zero out masked-off timesteps
    out = out * mask[..., None].astype(out.dtype)
    return out

if __name__ == "__main__":
    import jax
    _d = setup_inputs()
    print(jax.jit(kernel)(*tuple(_d.values())))

</pallas_src>

<mosaic_0001>
#map = affine_map<(d0, d1) -> (0, 0)>
#map1 = affine_map<(d0, d1) -> (0)>
module attributes {stable_mosaic.version = 14 : i64} {
  func.func @sc_kernel(%arg0: i32, %arg1: i32, %arg2: memref<8200x128xi32, #tpu.memory_space<hbm>>, %arg3: memref<262144xi32, #tpu.memory_space<hbm>>, %arg4: memref<32768x256xf32, #tpu.memory_space<hbm>>, %arg5: memref<8192xi32, #tpu.memory_space<vmem>>, %arg6: memref<256x128xi32, #tpu.memory_space<vmem>>, %arg7: memref<256x128xi32, #tpu.memory_space<vmem>>, %arg8: memref<32x256xf32, #tpu.memory_space<vmem>>, %arg9: memref<32x256xf32, #tpu.memory_space<vmem>>, %arg10: memref<!tpu.dma_semaphore, #tpu.memory_space<semaphore_mem>>, %arg11: memref<!tpu.dma_semaphore, #tpu.memory_space<semaphore_mem>>, %arg12: memref<!tpu.dma_semaphore, #tpu.memory_space<semaphore_mem>>, %arg13: memref<!tpu.dma_semaphore, #tpu.memory_space<semaphore_mem>>) attributes {dimension_semantics = [#tpu.dimension_semantics<core_parallel>, #tpu.dimension_semantics<subcore_parallel>], iteration_bounds = array<i64: 2, 16>, scalar_prefetch = 0 : i64, scratch_operands = 9 : i64, tpu.core_type = #tpu.core_type<sc_vector_subcore>, window_params = [{transform_indices = #map}, {transform_indices = #map1}, {transform_indices = #map}]} {
    %mul3A = arith.constant 2 : i32
    %mul3A_0 = arith.muli %arg1, %mul3A : i32
    %add3A = arith.addi %mul3A_0, %arg0 : i32
    %mul3A_1 = arith.constant 1024 : i32
    %mul3A_2 = arith.muli %add3A, %mul3A_1 : i32
    %mul3A_3 = arith.constant 8 : i32
    %mul3A_4 = arith.muli %mul3A_2, %mul3A_3 : i32
    "tpu.region"() ({
      %run_scoped3A = tpu.sem_alloc : memref<!tpu.dma_semaphore, #tpu.memory_space<semaphore_mem>>
      %dma_start3A_64 = tpu.memref_slice %arg3[%mul3A_4] : memref<262144xi32, #tpu.memory_space<hbm>> -> memref<8192xi32, #tpu.memory_space<hbm>>
      %dma_start3A_65 = tpu.memref_slice %arg3[%mul3A_4] : memref<262144xi32, #tpu.memory_space<hbm>> -> memref<8192xi32, #tpu.memory_space<hbm>>
      tpu.enqueue_dma source(%dma_start3A_65 : memref<8192xi32, #tpu.memory_space<hbm>>) target(%arg5 : memref<8192xi32, #tpu.memory_space<vmem>>) target_semaphore(%run_scoped3A : memref<!tpu.dma_semaphore, #tpu.memory_space<semaphore_mem>>)
      %dma_wait3A_66 = tpu.memref_slice %arg3[%mul3A_4] : memref<262144xi32, #tpu.memory_space<hbm>> -> memref<8192xi32, #tpu.memory_space<hbm>>
      %dma_wait3A_67 = tpu.memref_slice %arg3[%mul3A_4] : memref<262144xi32, #tpu.memory_space<hbm>> -> memref<8192xi32, #tpu.memory_space<hbm>>
      tpu.wait_dma2 semaphore(%run_scoped3A : memref<!tpu.dma_semaphore, #tpu.memory_space<semaphore_mem>>) src(%dma_wait3A_67 : memref<8192xi32, #tpu.memory_space<hbm>>) dst(%arg5 : memref<8192xi32, #tpu.memory_space<vmem>>)
      tpu.yield
    }) : () -> ()
    %iota3A = tpu.iota {dimensions = array<i32: 0>} : vector<16xi32>
    %and3A = arith.constant 7 : i32
    %and3A_5 = vector.broadcast %and3A : i32 to vector<16xi32>
    %and3A_6 = arith.andi %iota3A, %and3A_5 : vector<16xi32>
    %shift_left3A = arith.constant 10 : i32
    %shift_left3A_7 = vector.broadcast %shift_left3A : i32 to vector<16xi32>
    %shift_left3A_8 = arith.shli %and3A_6, %shift_left3A_7 : vector<16xi32>
    %add3A_9 = arith.addi %shift_left3A_8, %and3A_6 : vector<16xi32>
    %scan3A = arith.constant 0 : i32
    %scan3A_10 = arith.constant 0 : i32
    %scan3A_11 = arith.constant 512 : i32
    %scan3A_12 = arith.addi %scan3A_10, %scan3A_11 : i32
    %scan3A_13 = arith.constant 1 : i32
    scf.for %scan3A_64 = %scan3A_10 to %scan3A_12 step %scan3A_13  : i32 {
      %mul3A_65 = arith.constant 16 : i32
      %mul3A_66 = arith.muli %scan3A_64, %mul3A_65 : i32
      %get3A = arith.index_cast %mul3A_66 : i32 to index
      %get3A_67 = tpu.vector_load %arg5[%get3A] {strides = array<i32>} : memref<8192xi32, #tpu.memory_space<vmem>>, vector<16xi32>,
      %get3A_68 = vector.shape_cast %get3A_67 : vector<16xi32> to vector<16xi32>
      %add3A_69 = arith.addi %get3A_68, %add3A_9 : vector<16xi32>
      %swap3A = arith.index_cast %mul3A_66 : i32 to index
      %swap3A_70 = tpu.vector_load %arg5[%swap3A] {strides = array<i32>} : memref<8192xi32, #tpu.memory_space<vmem>>, vector<16xi32>,
      %swap3A_71 = vector.shape_cast %swap3A_70 : vector<16xi32> to vector<16xi32>
      %swap3A_72 = vector.shape_cast %add3A_69 : vector<16xi32> to vector<16xi32>
      tpu.vector_store %arg5[%swap3A], %swap3A_72 {strides = array<i32>} : memref<8192xi32, #tpu.memory_space<vmem>>, vector<16xi32>,
    }
    %scan3A_14 = arith.constant 512 : i32
    %broadcast_in_dim3A = arith.constant -65536 : i32
    %broadcast_in_dim3A_15 = vector.broadcast %broadcast_in_dim3A : i32 to vector<16xi32>
    %dma_start3A = arith.constant 0 : i32
    %dma_start3A_16 = arith.constant 0 : i32
    %dma_start3A_17 = tpu.memref_slice %arg6[%dma_start3A, %dma_start3A_16] : memref<256x128xi32, #tpu.memory_space<vmem>> -> memref<128x128xi32, #tpu.memory_space<vmem>>
    %dma_start3A_18 = arith.constant 0 : i32
    %dma_start3A_19 = tpu.memref_slice %arg5[%dma_start3A_18] : memref<8192xi32, #tpu.memory_space<vmem>> -> memref<128xi32, #tpu.memory_space<vmem>>
    %dma_start3A_20 = arith.constant 0 : i32
    %dma_start3A_21 = arith.constant 0 : i32
    %dma_start3A_22 = tpu.memref_slice %arg2[%dma_start3A_20, %dma_start3A_21] : memref<8200x128xi32, #tpu.memory_space<hbm>> -> memref<8200x128xi32, #tpu.memory_space<hbm>>
    tpu.enqueue_indirect_dma source(%dma_start3A_22 : memref<8200x128xi32, #tpu.memory_space<hbm>>) target(%dma_start3A_17 : memref<128x128xi32, #tpu.memory_space<vmem>>) offsets(%dma_start3A_19 : memref<128xi32, #tpu.memory_space<vmem>>) semaphore(%arg10 : memref<!tpu.dma_semaphore, #tpu.memory_space<semaphore_mem>>)
    %dma_start3A_23 = arith.constant 128 : i32
    %dma_start3A_24 = arith.constant 0 : i32
    %dma_start3A_25 = tpu.memref_slice %arg6[%dma_start3A_23, %dma_start3A_24] : memref<256x128xi32, #tpu.memory_space<vmem>> -> memref<128x128xi32, #tpu.memory_space<vmem>>
    %dma_start3A_26 = arith.constant 128 : i32
    %dma_start3A_27 = tpu.memref_slice %arg5[%dma_start3A_26] : memref<8192xi32, #tpu.memory_space<vmem>> -> memref<128xi32, #tpu.memory_space<vmem>>
    %dma_start3A_28 = arith.constant 0 : i32
    %dma_start3A_29 = arith.constant 0 : i32
    %dma_start3A_30 = tpu.memref_slice %arg2[%dma_start3A_28, %dma_start3A_29] : memref<8200x128xi32, #tpu.memory_space<hbm>> -> memref<8200x128xi32, #tpu.memory_space<hbm>>
    tpu.enqueue_indirect_dma source(%dma_start3A_30 : memref<8200x128xi32, #tpu.memory_space<hbm>>) target(%dma_start3A_25 : memref<128x128xi32, #tpu.memory_space<vmem>>) offsets(%dma_start3A_27 : memref<128xi32, #tpu.memory_space<vmem>>) semaphore(%arg10 : memref<!tpu.dma_semaphore, #tpu.memory_space<semaphore_mem>>)
    %dma_start3A_31 = arith.constant 0 : i32
    %dma_start3A_32 = arith.constant 0 : i32
    %dma_start3A_33 = tpu.memref_slice %arg7[%dma_start3A_31, %dma_start3A_32] : memref<256x128xi32, #tpu.memory_space<vmem>> -> memref<128x128xi32, #tpu.memory_space<vmem>>
    %dma_start3A_34 = arith.constant 256 : i32
    %dma_start3A_35 = tpu.memref_slice %arg5[%dma_start3A_34] : memref<8192xi32, #tpu.memory_space<vmem>> -> memref<128xi32, #tpu.memory_space<vmem>>
    %dma_start3A_36 = arith.constant 0 : i32
    %dma_start3A_37 = arith.constant 0 : i32
    %dma_start3A_38 = tpu.memref_slice %arg2[%dma_start3A_36, %dma_start3A_37] : memref<8200x128xi32, #tpu.memory_space<hbm>> -> memref<8200x128xi32, #tpu.memory_space<hbm>>
    tpu.enqueue_indirect_dma source(%dma_start3A_38 : memref<8200x128xi32, #tpu.memory_space<hbm>>) target(%dma_start3A_33 : memref<128x128xi32, #tpu.memory_space<vmem>>) offsets(%dma_start3A_35 : memref<128xi32, #tpu.memory_space<vmem>>) semaphore(%arg11 : memref<!tpu.dma_semaphore, #tpu.memory_space<semaphore_mem>>)
    %dma_start3A_39 = arith.constant 128 : i32
    %dma_start3A_40 = arith.constant 0 : i32
    %dma_start3A_41 = tpu.memref_slice %arg7[%dma_start3A_39, %dma_start3A_40] : memref<256x128xi32, #tpu.memory_space<vmem>> -> memref<128x128xi32, #tpu.memory_space<vmem>>
    %dma_start3A_42 = arith.constant 384 : i32
    %dma_start3A_43 = tpu.memref_slice %arg5[%dma_start3A_42] : memref<8192xi32, #tpu.memory_space<vmem>> -> memref<128xi32, #tpu.memory_space<vmem>>
    %dma_start3A_44 = arith.constant 0 : i32
    %dma_start3A_45 = arith.constant 0 : i32
    %dma_start3A_46 = tpu.memref_slice %arg2[%dma_start3A_44, %dma_start3A_45] : memref<8200x128xi32, #tpu.memory_space<hbm>> -> memref<8200x128xi32, #tpu.memory_space<hbm>>
    tpu.enqueue_indirect_dma source(%dma_start3A_46 : memref<8200x128xi32, #tpu.memory_space<hbm>>) target(%dma_start3A_41 : memref<128x128xi32, #tpu.memory_space<vmem>>) offsets(%dma_start3A_43 : memref<128xi32, #tpu.memory_space<vmem>>) semaphore(%arg11 : memref<!tpu.dma_semaphore, #tpu.memory_space<semaphore_mem>>)
    %scan3A_47 = arith.constant 0 : i32
    %scan3A_48 = arith.constant 0 : i32
    %scan3A_49 = arith.constant 16 : i32
    %scan3A_50 = arith.addi %scan3A_48, %scan3A_49 : i32
    %scan3A_51 = arith.constant 1 : i32
    scf.for %scan3A_64 = %scan3A_48 to %scan3A_50 step %scan3A_51  : i32 {
      %mul3A_65 = arith.constant 2 : i32
      %mul3A_66 = arith.muli %mul3A_65, %scan3A_64 : i32
      %add3A_67 = arith.constant 0 : i32
      %add3A_68 = arith.addi %mul3A_66, %add3A_67 : i32
      %mul3A_69 = arith.constant 256 : i32
      %mul3A_70 = arith.muli %add3A_68, %mul3A_69 : i32
      %add3A_71 = arith.constant 0 : i32
      %add3A_72 = arith.addi %mul3A_70, %add3A_71 : i32
      %dma_wait3A_73 = arith.constant 0 : i32
      %dma_wait3A_74 = arith.constant 0 : i32
      %dma_wait3A_75 = tpu.memref_slice %arg6[%dma_wait3A_73, %dma_wait3A_74] : memref<256x128xi32, #tpu.memory_space<vmem>> -> memref<128x128xi32, #tpu.memory_space<vmem>>
      %dma_wait3A_76 = tpu.memref_slice %arg5[%add3A_72] : memref<8192xi32, #tpu.memory_space<vmem>> -> memref<128xi32, #tpu.memory_space<vmem>>
      %dma_wait3A_77 = arith.constant 0 : i32
      %dma_wait3A_78 = arith.constant 0 : i32
      %dma_wait3A_79 = tpu.memref_slice %arg2[%dma_wait3A_77, %dma_wait3A_78] : memref<8200x128xi32, #tpu.memory_space<hbm>> -> memref<8200x128xi32, #tpu.memory_space<hbm>>
      tpu.wait_indirect_dma semaphore(%arg10 : memref<!tpu.dma_semaphore, #tpu.memory_space<semaphore_mem>>) src(%dma_wait3A_79 : memref<8200x128xi32, #tpu.memory_space<hbm>>) dst(%dma_wait3A_75 : memref<128x128xi32, #tpu.memory_space<vmem>>)
      %mul3A_80 = arith.constant 256 : i32
      %mul3A_81 = arith.muli %add3A_68, %mul3A_80 : i32
      %add3A_82 = arith.constant 128 : i32
      %add3A_83 = arith.addi %mul3A_81, %add3A_82 : i32
      %dma_wait3A_84 = arith.constant 128 : i32
      %dma_wait3A_85 = arith.constant 0 : i32
      %dma_wait3A_86 = tpu.memref_slice %arg6[%dma_wait3A_84, %dma_wait3A_85] : memref<256x128xi32, #tpu.memory_space<vmem>> -> memref<128x128xi32, #tpu.memory_space<vmem>>
      %dma_wait3A_87 = tpu.memref_slice %arg5[%add3A_83] : memref<8192xi32, #tpu.memory_space<vmem>> -> memref<128xi32, #tpu.memory_space<vmem>>
      %dma_wait3A_88 = arith.constant 0 : i32
      %dma_wait3A_89 = arith.constant 0 : i32
      %dma_wait3A_90 = tpu.memref_slice %arg2[%dma_wait3A_88, %dma_wait3A_89] : memref<8200x128xi32, #tpu.memory_space<hbm>> -> memref<8200x128xi32, #tpu.memory_space<hbm>>
      tpu.wait_indirect_dma semaphore(%arg10 : memref<!tpu.dma_semaphore, #tpu.memory_space<semaphore_mem>>) src(%dma_wait3A_90 : memref<8200x128xi32, #tpu.memory_space<hbm>>) dst(%dma_wait3A_86 : memref<128x128xi32, #tpu.memory_space<vmem>>)
      %gt3A = arith.constant 0 : i32
      %gt3A_91 = arith.cmpi sgt, %scan3A_64, %gt3A : i32
      %convert_element_type3A = arith.extui %gt3A_91 : i1 to i32
      %cond3A = arith.constant 0 : i32
      %cond3A_92 = arith.cmpi ne, %convert_element_type3A, %cond3A : i32
      scf.if %cond3A_92 {
        %sub3A = arith.constant 2 : i32
        %sub3A_156 = arith.subi %add3A_68, %sub3A : i32
        %mul3A_157 = arith.constant 32 : i32
        %mul3A_158 = arith.muli %sub3A_156, %mul3A_157 : i32
        %add3A_159 = arith.addi %mul3A_2, %mul3A_158 : i32
        %dma_wait3A_160 = arith.constant 0 : i32
        %dma_wait3A_161 = tpu.memref_slice %arg4[%add3A_159, %dma_wait3A_160] : memref<32768x256xf32, #tpu.memory_space<hbm>> -> memref<32x256xf32, #tpu.memory_space<hbm>>
        %dma_wait3A_162 = arith.constant 0 : i32
        %dma_wait3A_163 = tpu.memref_slice %arg4[%add3A_159, %dma_wait3A_162] : memref<32768x256xf32, #tpu.memory_space<hbm>> -> memref<32x256xf32, #tpu.memory_space<hbm>>
        tpu.wait_dma2 semaphore(%arg12 : memref<!tpu.dma_semaphore, #tpu.memory_space<semaphore_mem>>) src(%arg8 : memref<32x256xf32, #tpu.memory_space<vmem>>) dst(%dma_wait3A_163 : memref<32x256xf32, #tpu.memory_space<hbm>>)
      } else {
      }
      %parallel_loop3A = arith.constant 0 : i32
      %parallel_loop3A_93 = arith.constant 32 : i32
      %parallel_loop3A_94 = arith.constant 1 : i32
      scf.for %parallel_loop3A_156 = %parallel_loop3A to %parallel_loop3A_93 step %parallel_loop3A_94  : i32 {
        %parallel_loop3A_157 = arith.constant 8 : i32
        %parallel_loop3A_158 = arith.muli %parallel_loop3A_156, %parallel_loop3A_157 : i32
        %parallel_loop3A_159 = arith.constant 0 : i32
        %parallel_loop3A_160 = arith.addi %parallel_loop3A_158, %parallel_loop3A_159 : i32
        %parallel_loop3A_161 = arith.index_cast %parallel_loop3A_160 : i32 to index
        %parallel_loop3A_162 = arith.constant 0 : index
        %parallel_loop3A_163 = tpu.vector_load %arg6[%parallel_loop3A_161, %parallel_loop3A_162] {strides = array<i32>} : memref<256x128xi32, #tpu.memory_space<vmem>>, vector<1x16xi32>,
        %parallel_loop3A_164 = vector.shape_cast %parallel_loop3A_163 : vector<1x16xi32> to vector<16xi32>
        %parallel_loop3A_165 = arith.constant 1 : i32
        %parallel_loop3A_166 = arith.addi %parallel_loop3A_158, %parallel_loop3A_165 : i32
        %parallel_loop3A_167 = arith.index_cast %parallel_loop3A_166 : i32 to index
        %parallel_loop3A_168 = arith.constant 0 : index
        %parallel_loop3A_169 = tpu.vector_load %arg6[%parallel_loop3A_167, %parallel_loop3A_168] {strides = array<i32>} : memref<256x128xi32, #tpu.memory_space<vmem>>, vector<1x16xi32>,
        %parallel_loop3A_170 = vector.shape_cast %parallel_loop3A_169 : vector<1x16xi32> to vector<16xi32>
        %parallel_loop3A_171 = arith.constant 2 : i32
        %parallel_loop3A_172 = arith.addi %parallel_loop3A_158, %parallel_loop3A_171 : i32
        %parallel_loop3A_173 = arith.index_cast %parallel_loop3A_172 : i32 to index
        %parallel_loop3A_174 = arith.constant 0 : index
        %parallel_loop3A_175 = tpu.vector_load %arg6[%parallel_loop3A_173, %parallel_loop3A_174] {strides = array<i32>} : memref<256x128xi32, #tpu.memory_space<vmem>>, vector<1x16xi32>,
        %parallel_loop3A_176 = vector.shape_cast %parallel_loop3A_175 : vector<1x16xi32> to vector<16xi32>
        %parallel_loop3A_177 = arith.constant 3 : i32
        %parallel_loop3A_178 = arith.addi %parallel_loop3A_158, %parallel_loop3A_177 : i32
        %parallel_loop3A_179 = arith.index_cast %parallel_loop3A_178 : i32 to index
        %parallel_loop3A_180 = arith.constant 0 : index
        %parallel_loop3A_181 = tpu.vector_load %arg6[%parallel_loop3A_179, %parallel_loop3A_180] {strides = array<i32>} : memref<256x128xi32, #tpu.memory_space<vmem>>, vector<1x16xi32>,
        %parallel_loop3A_182 = vector.shape_cast %parallel_loop3A_181 : vector<1x16xi32> to vector<16xi32>
        %parallel_loop3A_183 = arith.constant 4 : i32
        %parallel_loop3A_184 = arith.addi %parallel_loop3A_158, %parallel_loop3A_183 : i32
        %parallel_loop3A_185 = arith.index_cast %parallel_loop3A_184 : i32 to index
        %parallel_loop3A_186 = arith.constant 0 : index
        %parallel_loop3A_187 = tpu.vector_load %arg6[%parallel_loop3A_185, %parallel_loop3A_186] {strides = array<i32>} : memref<256x128xi32, #tpu.memory_space<vmem>>, vector<1x16xi32>,
        %parallel_loop3A_188 = vector.shape_cast %parallel_loop3A_187 : vector<1x16xi32> to vector<16xi32>
        %parallel_loop3A_189 = arith.constant 5 : i32
        %parallel_loop3A_190 = arith.addi %parallel_loop3A_158, %parallel_loop3A_189 : i32
        %parallel_loop3A_191 = arith.index_cast %parallel_loop3A_190 : i32 to index
        %parallel_loop3A_192 = arith.constant 0 : index
        %parallel_loop3A_193 = tpu.vector_load %arg6[%parallel_loop3A_191, %parallel_loop3A_192] {strides = array<i32>} : memref<256x128xi32, #tpu.memory_space<vmem>>, vector<1x16xi32>,
        %parallel_loop3A_194 = vector.shape_cast %parallel_loop3A_193 : vector<1x16xi32> to vector<16xi32>
        %parallel_loop3A_195 = arith.constant 6 : i32
        %parallel_loop3A_196 = arith.addi %parallel_loop3A_158, %parallel_loop3A_195 : i32
        %parallel_loop3A_197 = arith.index_cast %parallel_loop3A_196 : i32 to index
        %parallel_loop3A_198 = arith.constant 0 : index
        %parallel_loop3A_199 = tpu.vector_load %arg6[%parallel_loop3A_197, %parallel_loop3A_198] {strides = array<i32>} : memref<256x128xi32, #tpu.memory_space<vmem>>, vector<1x16xi32>,
        %parallel_loop3A_200 = vector.shape_cast %parallel_loop3A_199 : vector<1x16xi32> to vector<16xi32>
        %parallel_loop3A_201 = arith.constant 7 : i32
        %parallel_loop3A_202 = arith.addi %parallel_loop3A_158, %parallel_loop3A_201 : i32
        %parallel_loop3A_203 = arith.index_cast %parallel_loop3A_202 : i32 to index
        %parallel_loop3A_204 = arith.constant 0 : index
        %parallel_loop3A_205 = tpu.vector_load %arg6[%parallel_loop3A_203, %parallel_loop3A_204] {strides = array<i32>} : memref<256x128xi32, #tpu.memory_space<vmem>>, vector<1x16xi32>,
        %parallel_loop3A_206 = vector.shape_cast %parallel_loop3A_205 : vector<1x16xi32> to vector<16xi32>
        %parallel_loop3A_207 = arith.constant 16 : i32
        %parallel_loop3A_208 = vector.broadcast %parallel_loop3A_207 : i32 to vector<16xi32>
        %parallel_loop3A_209 = arith.shli %parallel_loop3A_164, %parallel_loop3A_208 : vector<16xi32>
        %parallel_loop3A_210 = tpu.bitcast %parallel_loop3A_209 : vector<16xi32> -> vector<16xf32>
        %parallel_loop3A_211 = arith.constant 16 : i32
        %parallel_loop3A_212 = vector.broadcast %parallel_loop3A_211 : i32 to vector<16xi32>
        %parallel_loop3A_213 = arith.shli %parallel_loop3A_170, %parallel_loop3A_212 : vector<16xi32>
        %parallel_loop3A_214 = tpu.bitcast %parallel_loop3A_213 : vector<16xi32> -> vector<16xf32>
        %parallel_loop3A_215 = arith.constant 16 : i32
        %parallel_loop3A_216 = vector.broadcast %parallel_loop3A_215 : i32 to vector<16xi32>
        %parallel_loop3A_217 = arith.shli %parallel_loop3A_176, %parallel_loop3A_216 : vector<16xi32>
        %parallel_loop3A_218 = tpu.bitcast %parallel_loop3A_217 : vector<16xi32> -> vector<16xf32>
        %parallel_loop3A_219 = arith.constant 16 : i32
        %parallel_loop3A_220 = vector.broadcast %parallel_loop3A_219 : i32 to vector<16xi32>
        %parallel_loop3A_221 = arith.shli %parallel_loop3A_182, %parallel_loop3A_220 : vector<16xi32>
        %parallel_loop3A_222 = tpu.bitcast %parallel_loop3A_221 : vector<16xi32> -> vector<16xf32>
        %parallel_loop3A_223 = arith.constant 16 : i32
        %parallel_loop3A_224 = vector.broadcast %parallel_loop3A_223 : i32 to vector<16xi32>
        %parallel_loop3A_225 = arith.shli %parallel_loop3A_188, %parallel_loop3A_224 : vector<16xi32>
        %parallel_loop3A_226 = tpu.bitcast %parallel_loop3A_225 : vector<16xi32> -> vector<16xf32>
        %parallel_loop3A_227 = arith.constant 16 : i32
        %parallel_loop3A_228 = vector.broadcast %parallel_loop3A_227 : i32 to vector<16xi32>
        %parallel_loop3A_229 = arith.shli %parallel_loop3A_194, %parallel_loop3A_228 : vector<16xi32>
        %parallel_loop3A_230 = tpu.bitcast %parallel_loop3A_229 : vector<16xi32> -> vector<16xf32>
        %parallel_loop3A_231 = arith.constant 16 : i32
        %parallel_loop3A_232 = vector.broadcast %parallel_loop3A_231 : i32 to vector<16xi32>
        %parallel_loop3A_233 = arith.shli %parallel_loop3A_200, %parallel_loop3A_232 : vector<16xi32>
        %parallel_loop3A_234 = tpu.bitcast %parallel_loop3A_233 : vector<16xi32> -> vector<16xf32>
        %parallel_loop3A_235 = arith.constant 16 : i32
        %parallel_loop3A_236 = vector.broadcast %parallel_loop3A_235 : i32 to vector<16xi32>
        %parallel_loop3A_237 = arith.shli %parallel_loop3A_206, %parallel_loop3A_236 : vector<16xi32>
        %parallel_loop3A_238 = tpu.bitcast %parallel_loop3A_237 : vector<16xi32> -> vector<16xf32>
        %parallel_loop3A_239 = arith.andi %parallel_loop3A_164, %broadcast_in_dim3A_15 : vector<16xi32>
        %parallel_loop3A_240 = tpu.bitcast %parallel_loop3A_239 : vector<16xi32> -> vector<16xf32>
        %parallel_loop3A_241 = arith.andi %parallel_loop3A_170, %broadcast_in_dim3A_15 : vector<16xi32>
        %parallel_loop3A_242 = tpu.bitcast %parallel_loop3A_241 : vector<16xi32> -> vector<16xf32>
        %parallel_loop3A_243 = arith.andi %parallel_loop3A_176, %broadcast_in_dim3A_15 : vector<16xi32>
        %parallel_loop3A_244 = tpu.bitcast %parallel_loop3A_243 : vector<16xi32> -> vector<16xf32>
        %parallel_loop3A_245 = arith.andi %parallel_loop3A_182, %broadcast_in_dim3A_15 : vector<16xi32>
        %parallel_loop3A_246 = tpu.bitcast %parallel_loop3A_245 : vector<16xi32> -> vector<16xf32>
        %parallel_loop3A_247 = arith.andi %parallel_loop3A_188, %broadcast_in_dim3A_15 : vector<16xi32>
        %parallel_loop3A_248 = tpu.bitcast %parallel_loop3A_247 : vector<16xi32> -> vector<16xf32>
        %parallel_loop3A_249 = arith.andi %parallel_loop3A_194, %broadcast_in_dim3A_15 : vector<16xi32>
        %parallel_loop3A_250 = tpu.bitcast %parallel_loop3A_249 : vector<16xi32> -> vector<16xf32>
        %parallel_loop3A_251 = arith.andi %parallel_loop3A_200, %broadcast_in_dim3A_15 : vector<16xi32>
        %parallel_loop3A_252 = tpu.bitcast %parallel_loop3A_251 : vector<16xi32> -> vector<16xf32>
        %parallel_loop3A_253 = arith.andi %parallel_loop3A_206, %broadcast_in_dim3A_15 : vector<16xi32>
        %parallel_loop3A_254 = tpu.bitcast %parallel_loop3A_253 : vector<16xi32> -> vector<16xf32>
        %parallel_loop3A_255 = arith.addf %parallel_loop3A_210, %parallel_loop3A_214 : vector<16xf32>
        %parallel_loop3A_256 = arith.addf %parallel_loop3A_218, %parallel_loop3A_222 : vector<16xf32>
        %parallel_loop3A_257 = arith.addf %parallel_loop3A_226, %parallel_loop3A_230 : vector<16xf32>
        %parallel_loop3A_258 = arith.addf %parallel_loop3A_234, %parallel_loop3A_238 : vector<16xf32>
        %parallel_loop3A_259 = arith.addf %parallel_loop3A_240, %parallel_loop3A_242 : vector<16xf32>
        %parallel_loop3A_260 = arith.addf %parallel_loop3A_244, %parallel_loop3A_246 : vector<16xf32>
        %parallel_loop3A_261 = arith.addf %parallel_loop3A_248, %parallel_loop3A_250 : vector<16xf32>
        %parallel_loop3A_262 = arith.addf %parallel_loop3A_252, %parallel_loop3A_254 : vector<16xf32>
        %parallel_loop3A_263 = arith.addf %parallel_loop3A_255, %parallel_loop3A_256 : vector<16xf32>
        %parallel_loop3A_264 = arith.addf %parallel_loop3A_257, %parallel_loop3A_258 : vector<16xf32>
        %parallel_loop3A_265 = arith.addf %parallel_loop3A_259, %parallel_loop3A_260 : vector<16xf32>
        %parallel_loop3A_266 = arith.addf %parallel_loop3A_261, %parallel_loop3A_262 : vector<16xf32>
        %parallel_loop3A_267 = arith.addf %parallel_loop3A_263, %parallel_loop3A_264 : vector<16xf32>
        %parallel_loop3A_268 = arith.addf %parallel_loop3A_265, %parallel_loop3A_266 : vector<16xf32>
        %parallel_loop3A_269 = arith.index_cast %parallel_loop3A_156 : i32 to index
        %parallel_loop3A_270 = arith.constant 0 : index
        %parallel_loop3A_271 = tpu.vector_load %arg8[%parallel_loop3A_269, %parallel_loop3A_270] {strides = array<i32>} : memref<32x256xf32, #tpu.memory_space<vmem>>, vector<1x16xf32>,
        %parallel_loop3A_272 = vector.shape_cast %parallel_loop3A_271 : vector<1x16xf32> to vector<16xf32>
        %parallel_loop3A_273 = vector.shape_cast %parallel_loop3A_267 : vector<16xf32> to vector<1x16xf32>
        tpu.vector_store %arg8[%parallel_loop3A_269, %parallel_loop3A_270], %parallel_loop3A_273 {strides = array<i32>} : memref<32x256xf32, #tpu.memory_space<vmem>>, vector<1x16xf32>,
        %parallel_loop3A_274 = arith.index_cast %parallel_loop3A_156 : i32 to index
        %parallel_loop3A_275 = arith.constant 16 : index
        %parallel_loop3A_276 = tpu.vector_load %arg8[%parallel_loop3A_274, %parallel_loop3A_275] {strides = array<i32>} : memref<32x256xf32, #tpu.memory_space<vmem>>, vector<1x16xf32>,
        %parallel_loop3A_277 = vector.shape_cast %parallel_loop3A_276 : vector<1x16xf32> to vector<16xf32>
        %parallel_loop3A_278 = vector.shape_cast %parallel_loop3A_268 : vector<16xf32> to vector<1x16xf32>
        tpu.vector_store %arg8[%parallel_loop3A_274, %parallel_loop3A_275], %parallel_loop3A_278 {strides = array<i32>} : memref<32x256xf32, #tpu.memory_space<vmem>>, vector<1x16xf32>,
        %parallel_loop3A_279 = arith.constant 0 : i32
        %parallel_loop3A_280 = arith.addi %parallel_loop3A_158, %parallel_loop3A_279 : i32
        %parallel_loop3A_281 = arith.index_cast %parallel_loop3A_280 : i32 to index
        %parallel_loop3A_282 = arith.constant 16 : index
        %parallel_loop3A_283 = tpu.vector_load %arg6[%parallel_loop3A_281, %parallel_loop3A_282] {strides = array<i32>} : memref<256x128xi32, #tpu.memory_space<vmem>>, vector<1x16xi32>,
        %parallel_loop3A_284 = vector.shape_cast %parallel_loop3A_283 : vector<1x16xi32> to vector<16xi32>
        %parallel_loop3A_285 = arith.constant 1 : i32
        %parallel_loop3A_286 = arith.addi %parallel_loop3A_158, %parallel_loop3A_285 : i32
        %parallel_loop3A_287 = arith.index_cast %parallel_loop3A_286 : i32 to index
        %parallel_loop3A_288 = arith.constant 16 : index
        %parallel_loop3A_289 = tpu.vector_load %arg6[%parallel_loop3A_287, %parallel_loop3A_288] {strides = array<i32>} : memref<256x128xi32, #tpu.memory_space<vmem>>, vector<1x16xi32>,
        %parallel_loop3A_290 = vector.shape_cast %parallel_loop3A_289 : vector<1x16xi32> to vector<16xi32>
        %parallel_loop3A_291 = arith.constant 2 : i32
        %parallel_loop3A_292 = arith.addi %parallel_loop3A_158, %parallel_loop3A_291 : i32
        %parallel_loop3A_293 = arith.index_cast %parallel_loop3A_292 : i32 to index
        %parallel_loop3A_294 = arith.constant 16 : index
        %parallel_loop3A_295 = tpu.vector_load %arg6[%parallel_loop3A_293, %parallel_loop3A_294] {strides = array<i32>} : memref<256x128xi32, #tpu.memory_space<vmem>>, vector<1x16xi32>,
        %parallel_loop3A_296 = vector.shape_cast %parallel_loop3A_295 : vector<1x16xi32> to vector<16xi32>
        %parallel_loop3A_297 = arith.constant 3 : i32
        %parallel_loop3A_298 = arith.addi %parallel_loop3A_158, %parallel_loop3A_297 : i32
        %parallel_loop3A_299 = arith.index_cast %parallel_loop3A_298 : i32 to index
        %parallel_loop3A_300 = arith.constant 16 : index
        %parallel_loop3A_301 = tpu.vector_load %arg6[%parallel_loop3A_299, %parallel_loop3A_300] {strides = array<i32>} : memref<256x128xi32, #tpu.memory_space<vmem>>, vector<1x16xi32>,
        %parallel_loop3A_302 = vector.shape_cast %parallel_loop3A_301 : vector<1x16xi32> to vector<16xi32>
        %parallel_loop3A_303 = arith.constant 4 : i32
        %parallel_loop3A_304 = arith.addi %parallel_loop3A_158, %parallel_loop3A_303 : i32
        %parallel_loop3A_305 = arith.index_cast %parallel_loop3A_304 : i32 to index
        %parallel_loop3A_306 = arith.constant 16 : index
        %parallel_loop3A_307 = tpu.vector_load %arg6[%parallel_loop3A_305, %parallel_loop3A_306] {strides = array<i32>} : memref<256x128xi32, #tpu.memory_space<vmem>>, vector<1x16xi32>,
        %parallel_loop3A_308 = vector.shape_cast %parallel_loop3A_307 : vector<1x16xi32> to vector<16xi32>
        %parallel_loop3A_309 = arith.constant 5 : i32
        %parallel_loop3A_310 = arith.addi %parallel_loop3A_158, %parallel_loop3A_309 : i32
        %parallel_loop3A_311 = arith.index_cast %parallel_loop3A_310 : i32 to index
        %parallel_loop3A_312 = arith.constant 16 : index
        %parallel_loop3A_313 = tpu.vector_load %arg6[%parallel_loop3A_311, %parallel_loop3A_312] {strides = array<i32>} : memref<256x128xi32, #tpu.memory_space<vmem>>, vector<1x16xi32>,
        %parallel_loop3A_314 = vector.shape_cast %parallel_loop3A_313 : vector<1x16xi32> to vector<16xi32>
        %parallel_loop3A_315 = arith.constant 6 : i32
        %parallel_loop3A_316 = arith.addi %parallel_loop3A_158, %parallel_loop3A_315 : i32
        %parallel_loop3A_317 = arith.index_cast %parallel_loop3A_316 : i32 to index
        %parallel_loop3A_318 = arith.constant 16 : index
        %parallel_loop3A_319 = tpu.vector_load %arg6[%parallel_loop3A_317, %parallel_loop3A_318] {strides = array<i32>} : memref<256x128xi32, #tpu.memory_space<vmem>>, vector<1x16xi32>,
        %parallel_loop3A_320 = vector.shape_cast %parallel_loop3A_319 : vector<1x16xi32> to vector<16xi32>
        %parallel_loop3A_321 = arith.constant 7 : i32
        %parallel_loop3A_322 = arith.addi %parallel_loop3A_158, %parallel_loop3A_321 : i32
        %parallel_loop3A_323 = arith.index_cast %parallel_loop3A_322 : i32 to index
        %parallel_loop3A_324 = arith.constant 16 : index
        %parallel_loop3A_325 = tpu.vector_load %arg6[%parallel_loop3A_323, %parallel_loop3A_324] {strides = array<i32>} : memref<256x128xi32, #tpu.memory_space<vmem>>, vector<1x16xi32>,
        %parallel_loop3A_326 = vector.shape_cast %parallel_loop3A_325 : vector<1x16xi32> to vector<16xi32>
        %parallel_loop3A_327 = arith.constant 16 : i32
        %parallel_loop3A_328 = vector.broadcast %parallel_loop3A_327 : i32 to vector<16xi32>
        %parallel_loop3A_329 = arith.shli %parallel_loop3A_284, %parallel_loop3A_328 : vector<16xi32>
        %parallel_loop3A_330 = tpu.bitcast %parallel_loop3A_329 : vector<16xi32> -> vector<16xf32>
        %parallel_loop3A_331 = arith.constant 16 : i32
        %parallel_loop3A_332 = vector.broadcast %parallel_loop3A_331 : i32 to vector<16xi32>
        %parallel_loop3A_333 = arith.shli %parallel_loop3A_290, %parallel_loop3A_332 : vector<16xi32>
        %parallel_loop3A_334 = tpu.bitcast %parallel_loop3A_333 : vector<16xi32> -> vector<16xf32>
        %parallel_loop3A_335 = arith.constant 16 : i32
        %parallel_loop3A_336 = vector.broadcast %parallel_loop3A_335 : i32 to vector<16xi32>
        %parallel_loop3A_337 = arith.shli %parallel_loop3A_296, %parallel_loop3A_336 : vector<16xi32>
        %parallel_loop3A_338 = tpu.bitcast %parallel_loop3A_337 : vector<16xi32> -> vector<16xf32>
        %parallel_loop3A_339 = arith.constant 16 : i32
        %parallel_loop3A_340 = vector.broadcast %parallel_loop3A_339 : i32 to vector<16xi32>
        %parallel_loop3A_341 = arith.shli %parallel_loop3A_302, %parallel_loop3A_340 : vector<16xi32>
        %parallel_loop3A_342 = tpu.bitcast %parallel_loop3A_341 : vector<16xi32> -> vector<16xf32>
        %parallel_loop3A_343 = arith.constant 16 : i32
        %parallel_loop3A_344 = vector.broadcast %parallel_loop3A_343 : i32 to vector<16xi32>
        %parallel_loop3A_345 = arith.shli %parallel_loop3A_308, %parallel_loop3A_344 : vector<16xi32>
        %parallel_loop3A_346 = tpu.bitcast %parallel_loop3A_345 : vector<16xi32> -> vector<16xf32>
        %parallel_loop3A_347 = arith.constant 16 : i32
        %parallel_loop3A_348 = vector.broadcast %parallel_loop3A_347 : i32 to vector<16xi32>
        %parallel_loop3A_349 = arith.shli %parallel_loop3A_314, %parallel_loop3A_348 : vector<16xi32>
        %parallel_loop3A_350 = tpu.bitcast %parallel_loop3A_349 : vector<16xi32> -> vector<16xf32>
        %parallel_loop3A_351 = arith.constant 16 : i32
        %parallel_loop3A_352 = vector.broadcast %parallel_loop3A_351 : i32 to vector<16xi32>
        %parallel_loop3A_353 = arith.shli %parallel_loop3A_320, %parallel_loop3A_352 : vector<16xi32>
        %parallel_loop3A_354 = tpu.bitcast %parallel_loop3A_353 : vector<16xi32> -> vector<16xf32>
        %parallel_loop3A_355 = arith.constant 16 : i32
        %parallel_loop3A_356 = vector.broadcast %parallel_loop3A_355 : i32 to vector<16xi32>
        %parallel_loop3A_357 = arith.shli %parallel_loop3A_326, %parallel_loop3A_356 : vector<16xi32>
        %parallel_loop3A_358 = tpu.bitcast %parallel_loop3A_357 : vector<16xi32> -> vector<16xf32>
        %parallel_loop3A_359 = arith.andi %parallel_loop3A_284, %broadcast_in_dim3A_15 : vector<16xi32>
        %parallel_loop3A_360 = tpu.bitcast %parallel_loop3A_359 : vector<16xi32> -> vector<16xf32>
        %parallel_loop3A_361 = arith.andi %parallel_loop3A_290, %broadcast_in_dim3A_15 : vector<16xi32>
        %parallel_loop3A_362 = tpu.bitcast %parallel_loop3A_361 : vector<16xi32> -> vector<16xf32>
        %parallel_loop3A_363 = arith.andi %parallel_loop3A_296, %broadcast_in_dim3A_15 : vector<16xi32>
        %parallel_loop3A_364 = tpu.bitcast %parallel_loop3A_363 : vector<16xi32> -> vector<16xf32>
        %parallel_loop3A_365 = arith.andi %parallel_loop3A_302, %broadcast_in_dim3A_15 : vector<16xi32>
        %parallel_loop3A_366 = tpu.bitcast %parallel_loop3A_365 : vector<16xi32> -> vector<16xf32>
        %parallel_loop3A_367 = arith.andi %parallel_loop3A_308, %broadcast_in_dim3A_15 : vector<16xi32>
        %parallel_loop3A_368 = tpu.bitcast %parallel_loop3A_367 : vector<16xi32> -> vector<16xf32>
        %parallel_loop3A_369 = arith.andi %parallel_loop3A_314, %broadcast_in_dim3A_15 : vector<16xi32>
        %parallel_loop3A_370 = tpu.bitcast %parallel_loop3A_369 : vector<16xi32> -> vector<16xf32>
        %parallel_loop3A_371 = arith.andi %parallel_loop3A_320, %broadcast_in_dim3A_15 : vector<16xi32>
        %parallel_loop3A_372 = tpu.bitcast %parallel_loop3A_371 : vector<16xi32> -> vector<16xf32>
        %parallel_loop3A_373 = arith.andi %parallel_loop3A_326, %broadcast_in_dim3A_15 : vector<16xi32>
        %parallel_loop3A_374 = tpu.bitcast %parallel_loop3A_373 : vector<16xi32> -> vector<16xf32>
        %parallel_loop3A_375 = arith.addf %parallel_loop3A_330, %parallel_loop3A_334 : vector<16xf32>
        %parallel_loop3A_376 = arith.addf %parallel_loop3A_338, %parallel_loop3A_342 : vector<16xf32>
        %parallel_loop3A_377 = arith.addf %parallel_loop3A_346, %parallel_loop3A_350 : vector<16xf32>
        %parallel_loop3A_378 = arith.addf %parallel_loop3A_354, %parallel_loop3A_358 : vector<16xf32>
        %parallel_loop3A_379 = arith.addf %parallel_loop3A_360, %parallel_loop3A_362 : vector<16xf32>
        %parallel_loop3A_380 = arith.addf %parallel_loop3A_364, %parallel_loop3A_366 : vector<16xf32>
        %parallel_loop3A_381 = arith.addf %parallel_loop3A_368, %parallel_loop3A_370 : vector<16xf32>
        %parallel_loop3A_382 = arith.addf %parallel_loop3A_372, %parallel_loop3A_374 : vector<16xf32>
        %parallel_loop3A_383 = arith.addf %parallel_loop3A_375, %parallel_loop3A_376 : vector<16xf32>
        %parallel_loop3A_384 = arith.addf %parallel_loop3A_377, %parallel_loop3A_378 : vector<16xf32>
        %parallel_loop3A_385 = arith.addf %parallel_loop3A_379, %parallel_loop3A_380 : vector<16xf32>
        %parallel_loop3A_386 = arith.addf %parallel_loop3A_381, %parallel_loop3A_382 : vector<16xf32>
        %parallel_loop3A_387 = arith.addf %parallel_loop3A_383, %parallel_loop3A_384 : vector<16xf32>
        %parallel_loop3A_388 = arith.addf %parallel_loop3A_385, %parallel_loop3A_386 : vector<16xf32>
        %parallel_loop3A_389 = arith.index_cast %parallel_loop3A_156 : i32 to index
        %parallel_loop3A_390 = arith.constant 32 : index
        %parallel_loop3A_391 = tpu.vector_load %arg8[%parallel_loop3A_389, %parallel_loop3A_390] {strides = array<i32>} : memref<32x256xf32, #tpu.memory_space<vmem>>, vector<1x16xf32>,
        %parallel_loop3A_392 = vector.shape_cast %parallel_loop3A_391 : vector<1x16xf32> to vector<16xf32>
        %parallel_loop3A_393 = vector.shape_cast %parallel_loop3A_387 : vector<16xf32> to vector<1x16xf32>
        tpu.vector_store %arg8[%parallel_loop3A_389, %parallel_loop3A_390], %parallel_loop3A_393 {strides = array<i32>} : memref<32x256xf32, #tpu.memory_space<vmem>>, vector<1x16xf32>,
        %parallel_loop3A_394 = arith.index_cast %parallel_loop3A_156 : i32 to index
        %parallel_loop3A_395 = arith.constant 48 : index
        %parallel_loop3A_396 = tpu.vector_load %arg8[%parallel_loop3A_394, %parallel_loop3A_395] {strides = array<i32>} : memref<32x256xf32, #tpu.memory_space<vmem>>, vector<1x16xf32>,
        %parallel_loop3A_397 = vector.shape_cast %parallel_loop3A_396 : vector<1x16xf32> to vector<16xf32>
        %parallel_loop3A_398 = vector.shape_cast %parallel_loop3A_388 : vector<16xf32> to vector<1x16xf32>
        tpu.vector_store %arg8[%parallel_loop3A_394, %parallel_loop3A_395], %parallel_loop3A_398 {strides = array<i32>} : memref<32x256xf32, #tpu.memory_space<vmem>>, vector<1x16xf32>,
        %parallel_loop3A_399 = arith.constant 0 : i32
        %parallel_loop3A_400 = arith.addi %parallel_loop3A_158, %parallel_loop3A_399 : i32
        %parallel_loop3A_401 = arith.index_cast %parallel_loop3A_400 : i32 to index
        %parallel_loop3A_402 = arith.constant 32 : index
        %parallel_loop3A_403 = tpu.vector_load %arg6[%parallel_loop3A_401, %parallel_loop3A_402] {strides = array<i32>} : memref<256x128xi32, #tpu.memory_space<vmem>>, vector<1x16xi32>,
        %parallel_loop3A_404 = vector.shape_cast %parallel_loop3A_403 : vector<1x16xi32> to vector<16xi32>
        %parallel_loop3A_405 = arith.constant 1 : i32
        %parallel_loop3A_406 = arith.addi %parallel_loop3A_158, %parallel_loop3A_405 : i32
        %parallel_loop3A_407 = arith.index_cast %parallel_loop3A_406 : i32 to index
        %parallel_loop3A_408 = arith.constant 32 : index
        %parallel_loop3A_409 = tpu.vector_load %arg6[%parallel_loop3A_407, %parallel_loop3A_408] {strides = array<i32>} : memref<256x128xi32, #tpu.memory_space<vmem>>, vector<1x16xi32>,
        %parallel_loop3A_410 = vector.shape_cast %parallel_loop3A_409 : vector<1x16xi32> to vector<16xi32>
        %parallel_loop3A_411 = arith.constant 2 : i32
        %parallel_loop3A_412 = arith.addi %parallel_loop3A_158, %parallel_loop3A_411 : i32
        %parallel_loop3A_413 = arith.index_cast %parallel_loop3A_412 : i32 to index
        %parallel_loop3A_414 = arith.constant 32 : index
        %parallel_loop3A_415 = tpu.vector_load %arg6[%parallel_loop3A_413, %parallel_loop3A_414] {strides = array<i32>} : memref<256x128xi32, #tpu.memory_space<vmem>>, vector<1x16xi32>,
        %parallel_loop3A_416 = vector.shape_cast %parallel_loop3A_415 : vector<1x16xi32> to vector<16xi32>
        %parallel_loop3A_417 = arith.constant 3 : i32
        %parallel_loop3A_418 = arith.addi %parallel_loop3A_158, %parallel_loop3A_417 : i32
        %parallel_loop3A_419 = arith.index_cast %parallel_loop3A_418 : i32 to index
        %parallel_loop3A_420 = arith.constant 32 : index
        %parallel_loop3A_421 = tpu.vector_load %arg6[%parallel_loop3A_419, %parallel_loop3A_420] {strides = array<i32>} : memref<256x128xi32, #tpu.memory_space<vmem>>, vector<1x16xi32>,
        %parallel_loop3A_422 = vector.shape_cast %parallel_loop3A_421 : vector<1x16xi32> to vector<16xi32>
        %parallel_loop3A_423 = arith.constant 4 : i32
        %parallel_loop3A_424 = arith.addi %parallel_loop3A_158, %parallel_loop3A_423 : i32
        %parallel_loop3A_425 = arith.index_cast %parallel_loop3A_424 : i32 to index
        %parallel_loop3A_426 = arith.constant 32 : index
        %parallel_loop3A_427 = tpu.vector_load %arg6[%parallel_loop3A_425, %parallel_loop3A_426] {strides = array<i32>} : memref<256x128xi32, #tpu.memory_space<vmem>>, vector<1x16xi32>,
        %parallel_loop3A_428 = vector.shape_cast %parallel_loop3A_427 : vector<1x16xi32> to vector<16xi32>
        %parallel_loop3A_429 = arith.constant 5 : i32
        %parallel_loop3A_430 = arith.addi %parallel_loop3A_158, %parallel_loop3A_429 : i32
        %parallel_loop3A_431 = arith.index_cast %parallel_loop3A_430 : i32 to index
        %parallel_loop3A_432 = arith.constant 32 : index
        %parallel_loop3A_433 = tpu.vector_load %arg6[%parallel_loop3A_431, %parallel_loop3A_432] {strides = array<i32>} : memref<256x128xi32, #tpu.memory_space<vmem>>, vector<1x16xi32>,
        %parallel_loop3A_434 = vector.shape_cast %parallel_loop3A_433 : vector<1x16xi32> to vector<16xi32>
        %parallel_loop3A_435 = arith.constant 6 : i32
        %parallel_loop3A_436 = arith.addi %parallel_loop3A_158, %parallel_loop3A_435 : i32
        %parallel_loop3A_437 = arith.index_cast %parallel_loop3A_436 : i32 to index
        %parallel_loop3A_438 = arith.constant 32 : index
        %parallel_loop3A_439 = tpu.vector_load %arg6[%parallel_loop3A_437, %parallel_loop3A_438] {strides = array<i32>} : memref<256x128xi32, #tpu.memory_space<vmem>>, vector<1x16xi32>,
        %parallel_loop3A_440 = vector.shape_cast %parallel_loop3A_439 : vector<1x16xi32> to vector<16xi32>
        %parallel_loop3A_441 = arith.constant 7 : i32
        %parallel_loop3A_442 = arith.addi %parallel_loop3A_158, %parallel_loop3A_441 : i32
        %parallel_loop3A_443 = arith.index_cast %parallel_loop3A_442 : i32 to index
        %parallel_loop3A_444 = arith.constant 32 : index
        %parallel_loop3A_445 = tpu.vector_load %arg6[%parallel_loop3A_443, %parallel_loop3A_444] {strides = array<i32>} : memref<256x128xi32, #tpu.memory_space<vmem>>, vector<1x16xi32>,
        %parallel_loop3A_446 = vector.shape_cast %parallel_loop3A_445 : vector<1x16xi32> to vector<16xi32>
        %parallel_loop3A_447 = arith.constant 16 : i32
        %parallel_loop3A_448 = vector.broadcast %parallel_loop3A_447 : i32 to vector<16xi32>
        %parallel_loop3A_449 = arith.shli %parallel_loop3A_404, %parallel_loop3A_448 : vector<16xi32>
        %parallel_loop3A_450 = tpu.bitcast %parallel_loop3A_449 : vector<16xi32> -> vector<16xf32>
        %parallel_loop3A_451 = arith.constant 16 : i32
        %parallel_loop3A_452 = vector.broadcast %parallel_loop3A_451 : i32 to vector<16xi32>
        %parallel_loop3A_453 = arith.shli %parallel_loop3A_410, %parallel_loop3A_452 : vector<16xi32>
        %parallel_loop3A_454 = tpu.bitcast %parallel_loop3A_453 : vector<16xi32> -> vector<16xf32>
        %parallel_loop3A_455 = arith.constant 16 : i32
        %parallel_loop3A_456 = vector.broadcast %parallel_loop3A_455 : i32 to vector<16xi32>
        %parallel_loop3A_457 = arith.shli %parallel_loop3A_416, %parallel_loop3A_456 : vector<16xi32>
        %parallel_loop3A_458 = tpu.bitcast %parallel_loop3A_457 : vector<16xi32> -> vector<16xf32>
        %parallel_loop3A_459 = arith.constant 16 : i32
        %parallel_loop3A_460 = vector.broadcast %parallel_loop3A_459 : i32 to vector<16xi32>
        %parallel_loop3A_461 = arith.shli %parallel_loop3A_422, %parallel_loop3A_460 : vector<16xi32>
        %parallel_loop3A_462 = tpu.bitcast %parallel_loop3A_461 : vector<16xi32> -> vector<16xf32>
        %parallel_loop3A_463 = arith.constant 16 : i32
        %parallel_loop3A_464 = vector.broadcast %parallel_loop3A_463 : i32 to vector<16xi32>
        %parallel_loop3A_465 = arith.shli %parallel_loop3A_428, %parallel_loop3A_464 : vector<16xi32>
        %parallel_loop3A_466 = tpu.bitcast %parallel_loop3A_465 : vector<16xi32> -> vector<16xf32>
        %parallel_loop3A_467 = arith.constant 16 : i32
        %parallel_loop3A_468 = vector.broadcast %parallel_loop3A_467 : i32 to vector<16xi32>
        %parallel_loop3A_469 = arith.shli %parallel_loop3A_434, %parallel_loop3A_468 : vector<16xi32>
        %parallel_loop3A_470 = tpu.bitcast %parallel_loop3A_469 : vector<16xi32> -> vector<16xf32>
        %parallel_loop3A_471 = arith.constant 16 : i32
        %parallel_loop3A_472 = vector.broadcast %parallel_loop3A_471 : i32 to vector<16xi32>
        %parallel_loop3A_473 = arith.shli %parallel_loop3A_440, %parallel_loop3A_472 : vector<16xi32>
        %parallel_loop3A_474 = tpu.bitcast %parallel_loop3A_473 : vector<16xi32> -> vector<16xf32>
        %parallel_loop3A_475 = arith.constant 16 : i32
        %parallel_loop3A_476 = vector.broadcast %parallel_loop3A_475 : i32 to vector<16xi32>
        %parallel_loop3A_477 = arith.shli %parallel_loop3A_446, %parallel_loop3A_476 : vector<16xi32>
        %parallel_loop3A_478 = tpu.bitcast %parallel_loop3A_477 : vector<16xi32> -> vector<16xf32>
        %parallel_loop3A_479 = arith.andi %parallel_loop3A_404, %broadcast_in_dim3A_15 : vector<16xi32>
        %parallel_loop3A_480 = tpu.bitcast %parallel_loop3A_479 : vector<16xi32> -> vector<16xf32>
        %parallel_loop3A_481 = arith.andi %parallel_loop3A_410, %broadcast_in_dim3A_15 : vector<16xi32>
        %parallel_loop3A_482 = tpu.bitcast %parallel_loop3A_481 : vector<16xi32> -> vector<16xf32>
        %parallel_loop3A_483 = arith.andi %parallel_loop3A_416, %broadcast_in_dim3A_15 : vector<16xi32>
        %parallel_loop3A_484 = tpu.bitcast %parallel_loop3A_483 : vector<16xi32> -> vector<16xf32>
        %parallel_loop3A_485 = arith.andi %parallel_loop3A_422, %broadcast_in_dim3A_15 : vector<16xi32>
        %parallel_loop3A_486 = tpu.bitcast %parallel_loop3A_485 : vector<16xi32> -> vector<16xf32>
        %parallel_loop3A_487 = arith.andi %parallel_loop3A_428, %broadcast_in_dim3A_15 : vector<16xi32>
        %parallel_loop3A_488 = tpu.bitcast %parallel_loop3A_487 : vector<16xi32> -> vector<16xf32>
        %parallel_loop3A_489 = arith.andi %parallel_loop3A_434, %broadcast_in_dim3A_15 : vector<16xi32>
        %parallel_loop3A_490 = tpu.bitcast %parallel_loop3A_489 : vector<16xi32> -> vector<16xf32>
        %parallel_loop3A_491 = arith.andi %parallel_loop3A_440, %broadcast_in_dim3A_15 : vector<16xi32>
        %parallel_loop3A_492 = tpu.bitcast %parallel_loop3A_491 : vector<16xi32> -> vector<16xf32>
        %parallel_loop3A_493 = arith.andi %parallel_loop3A_446, %broadcast_in_dim3A_15 : vector<16xi32>
        %parallel_loop3A_494 = tpu.bitcast %parallel_loop3A_493 : vector<16xi32> -> vector<16xf32>
        %parallel_loop3A_495 = arith.addf %parallel_loop3A_450, %parallel_loop3A_454 : vector<16xf32>
        %parallel_loop3A_496 = arith.addf %parallel_loop3A_458, %parallel_loop3A_462 : vector<16xf32>
        %parallel_loop3A_497 = arith.addf %parallel_loop3A_466, %parallel_loop3A_470 : vector<16xf32>
        %parallel_loop3A_498 = arith.addf %parallel_loop3A_474, %parallel_loop3A_478 : vector<16xf32>
        %parallel_loop3A_499 = arith.addf %parallel_loop3A_480, %parallel_loop3A_482 : vector<16xf32>
        %parallel_loop3A_500 = arith.addf %parallel_loop3A_484, %parallel_loop3A_486 : vector<16xf32>
        %parallel_loop3A_501 = arith.addf %parallel_loop3A_488, %parallel_loop3A_490 : vector<16xf32>
        %parallel_loop3A_502 = arith.addf %parallel_loop3A_492, %parallel_loop3A_494 : vector<16xf32>
        %parallel_loop3A_503 = arith.addf %parallel_loop3A_495, %parallel_loop3A_496 : vector<16xf32>
        %parallel_loop3A_504 = arith.addf %parallel_loop3A_497, %parallel_loop3A_498 : vector<16xf32>
        %parallel_loop3A_505 = arith.addf %parallel_loop3A_499, %parallel_loop3A_500 : vector<16xf32>
        %parallel_loop3A_506 = arith.addf %parallel_loop3A_501, %parallel_loop3A_502 : vector<16xf32>
        %parallel_loop3A_507 = arith.addf %parallel_loop3A_503, %parallel_loop3A_504 : vector<16xf32>
        %parallel_loop3A_508 = arith.addf %parallel_loop3A_505, %parallel_loop3A_506 : vector<16xf32>
        %parallel_loop3A_509 = arith.index_cast %parallel_loop3A_156 : i32 to index
        %parallel_loop3A_510 = arith.constant 64 : index
        %parallel_loop3A_511 = tpu.vector_load %arg8[%parallel_loop3A_509, %parallel_loop3A_510] {strides = array<i32>} : memref<32x256xf32, #tpu.memory_space<vmem>>, vector<1x16xf32>,
        %parallel_loop3A_512 = vector.shape_cast %parallel_loop3A_511 : vector<1x16xf32> to vector<16xf32>
        %parallel_loop3A_513 = vector.shape_cast %parallel_loop3A_507 : vector<16xf32> to vector<1x16xf32>
        tpu.vector_store %arg8[%parallel_loop3A_509, %parallel_loop3A_510], %parallel_loop3A_513 {strides = array<i32>} : memref<32x256xf32, #tpu.memory_space<vmem>>, vector<1x16xf32>,
        %parallel_loop3A_514 = arith.index_cast %parallel_loop3A_156 : i32 to index
        %parallel_loop3A_515 = arith.constant 80 : index
        %parallel_loop3A_516 = tpu.vector_load %arg8[%parallel_loop3A_514, %parallel_loop3A_515] {strides = array<i32>} : memref<32x256xf32, #tpu.memory_space<vmem>>, vector<1x16xf32>,
        %parallel_loop3A_517 = vector.shape_cast %parallel_loop3A_516 : vector<1x16xf32> to vector<16xf32>
        %parallel_loop3A_518 = vector.shape_cast %parallel_loop3A_508 : vector<16xf32> to vector<1x16xf32>
        tpu.vector_store %arg8[%parallel_loop3A_514, %parallel_loop3A_515], %parallel_loop3A_518 {strides = array<i32>} : memref<32x256xf32, #tpu.memory_space<vmem>>, vector<1x16xf32>,
        %parallel_loop3A_519 = arith.constant 0 : i32
        %parallel_loop3A_520 = arith.addi %parallel_loop3A_158, %parallel_loop3A_519 : i32
        %parallel_loop3A_521 = arith.index_cast %parallel_loop3A_520 : i32 to index
        %parallel_loop3A_522 = arith.constant 48 : index
        %parallel_loop3A_523 = tpu.vector_load %arg6[%parallel_loop3A_521, %parallel_loop3A_522] {strides = array<i32>} : memref<256x128xi32, #tpu.memory_space<vmem>>, vector<1x16xi32>,
        %parallel_loop3A_524 = vector.shape_cast %parallel_loop3A_523 : vector<1x16xi32> to vector<16xi32>
        %parallel_loop3A_525 = arith.constant 1 : i32
        %parallel_loop3A_526 = arith.addi %parallel_loop3A_158, %parallel_loop3A_525 : i32
        %parallel_loop3A_527 = arith.index_cast %parallel_loop3A_526 : i32 to index
        %parallel_loop3A_528 = arith.constant 48 : index
        %parallel_loop3A_529 = tpu.vector_load %arg6[%parallel_loop3A_527, %parallel_loop3A_528] {strides = array<i32>} : memref<256x128xi32, #tpu.memory_space<vmem>>, vector<1x16xi32>,
        %parallel_loop3A_530 = vector.shape_cast %parallel_loop3A_529 : vector<1x16xi32> to vector<16xi32>
        %parallel_loop3A_531 = arith.constant 2 : i32
        %parallel_loop3A_532 = arith.addi %parallel_loop3A_158, %parallel_loop3A_531 : i32
        %parallel_loop3A_533 = arith.index_cast %parallel_loop3A_532 : i32 to index
        %parallel_loop3A_534 = arith.constant 48 : index
        %parallel_loop3A_535 = tpu.vector_load %arg6[%parallel_loop3A_533, %parallel_loop3A_534] {strides = array<i32>} : memref<256x128xi32, #tpu.memory_space<vmem>>, vector<1x16xi32>,
        %parallel_loop3A_536 = vector.shape_cast %parallel_loop3A_535 : vector<1x16xi32> to vector<16xi32>
        %parallel_loop3A_537 = arith.constant 3 : i32
        %parallel_loop3A_538 = arith.addi %parallel_loop3A_158, %parallel_loop3A_537 : i32
        %parallel_loop3A_539 = arith.index_cast %parallel_loop3A_538 : i32 to index
        %parallel_loop3A_540 = arith.constant 48 : index
        %parallel_loop3A_541 = tpu.vector_load %arg6[%parallel_loop3A_539, %parallel_loop3A_540] {strides = array<i32>} : memref<256x128xi32, #tpu.memory_space<vmem>>, vector<1x16xi32>,
        %parallel_loop3A_542 = vector.shape_cast %parallel_loop3A_541 : vector<1x16xi32> to vector<16xi32>
        %parallel_loop3A_543 = arith.constant 4 : i32
        %parallel_loop3A_544 = arith.addi %parallel_loop3A_158, %parallel_loop3A_543 : i32
        %parallel_loop3A_545 = arith.index_cast %parallel_loop3A_544 : i32 to index
        %parallel_loop3A_546 = arith.constant 48 : index
        %parallel_loop3A_547 = tpu.vector_load %arg6[%parallel_loop3A_545, %parallel_loop3A_546] {strides = array<i32>} : memref<256x128xi32, #tpu.memory_space<vmem>>, vector<1x16xi32>,
        %parallel_loop3A_548 = vector.shape_cast %parallel_loop3A_547 : vector<1x16xi32> to vector<16xi32>
        %parallel_loop3A_549 = arith.constant 5 : i32
        %parallel_loop3A_550 = arith.addi %parallel_loop3A_158, %parallel_loop3A_549 : i32
        %parallel_loop3A_551 = arith.index_cast %parallel_loop3A_550 : i32 to index
        %parallel_loop3A_552 = arith.constant 48 : index
        %parallel_loop3A_553 = tpu.vector_load %arg6[%parallel_loop3A_551, %parallel_loop3A_552] {strides = array<i32>} : memref<256x128xi32, #tpu.memory_space<vmem>>, vector<1x16xi32>,
        %parallel_loop3A_554 = vector.shape_cast %parallel_loop3A_553 : vector<1x16xi32> to vector<16xi32>
        %parallel_loop3A_555 = arith.constant 6 : i32
        %parallel_loop3A_556 = arith.addi %parallel_loop3A_158, %parallel_loop3A_555 : i32
        %parallel_loop3A_557 = arith.index_cast %parallel_loop3A_556 : i32 to index
        %parallel_loop3A_558 = arith.constant 48 : index
        %parallel_loop3A_559 = tpu.vector_load %arg6[%parallel_loop3A_557, %parallel_loop3A_558] {strides = array<i32>} : memref<256x128xi32, #tpu.memory_space<vmem>>, vector<1x16xi32>,
        %parallel_loop3A_560 = vector.shape_cast %parallel_loop3A_559 : vector<1x16xi32> to vector<16xi32>
        %parallel_loop3A_561 = arith.constant 7 : i32
        %parallel_loop3A_562 = arith.addi %parallel_loop3A_158, %parallel_loop3A_561 : i32
        %parallel_loop3A_563 = arith.index_cast %parallel_loop3A_562 : i32 to index
        %parallel_loop3A_564 = arith.constant 48 : index
        %parallel_loop3A_565 = tpu.vector_load %arg6[%parallel_loop3A_563, %parallel_loop3A_564] {strides = array<i32>} : memref<256x128xi32, #tpu.memory_space<vmem>>, vector<1x16xi32>,
        %parallel_loop3A_566 = vector.shape_cast %parallel_loop3A_565 : vector<1x16xi32> to vector<16xi32>
        %parallel_loop3A_567 = arith.constant 16 : i32
        %parallel_loop3A_568 = vector.broadcast %parallel_loop3A_567 : i32 to vector<16xi32>
        %parallel_loop3A_569 = arith.shli %parallel_loop3A_524, %parallel_loop3A_568 : vector<16xi32>
        %parallel_loop3A_570 = tpu.bitcast %parallel_loop3A_569 : vector<16xi32> -> vector<16xf32>
        %parallel_loop3A_571 = arith.constant 16 : i32
        %parallel_loop3A_572 = vector.broadcast %parallel_loop3A_571 : i32 to vector<16xi32>
        %parallel_loop3A_573 = arith.shli %parallel_loop3A_530, %parallel_loop3A_572 : vector<16xi32>
        %parallel_loop3A_574 = tpu.bitcast %parallel_loop3A_573 : vector<16xi32> -> vector<16xf32>
        %parallel_loop3A_575 = arith.constant 16 : i32
        %parallel_loop3A_576 = vector.broadcast %parallel_loop3A_575 : i32 to vector<16xi32>
        %parallel_loop3A_577 = arith.shli %parallel_loop3A_536, %parallel_loop3A_576 : vector<16xi32>
        %parallel_loop3A_578 = tpu.bitcast %parallel_loop3A_577 : vector<16xi32> -> vector<16xf32>
        %parallel_loop3A_579 = arith.constant 16 : i32
        %parallel_loop3A_580 = vector.broadcast %parallel_loop3A_579 : i32 to vector<16xi32>
        %parallel_loop3A_581 = arith.shli %parallel_loop3A_542, %parallel_loop3A_580 : vector<16xi32>
        %parallel_loop3A_582 = tpu.bitcast %parallel_loop3A_581 : vector<16xi32> -> vector<16xf32>
        %parallel_loop3A_583 = arith.constant 16 : i32
        %parallel_loop3A_584 = vector.broadcast %parallel_loop3A_583 : i32 to vector<16xi32>
        %parallel_loop3A_585 = arith.shli %parallel_loop3A_548, %parallel_loop3A_584 : vector<16xi32>
        %parallel_loop3A_586 = tpu.bitcast %parallel_loop3A_585 : vector<16xi32> -> vector<16xf32>
        %parallel_loop3A_587 = arith.constant 16 : i32
        %parallel_loop3A_588 = vector.broadcast %parallel_loop3A_587 : i32 to vector<16xi32>
        %parallel_loop3A_589 = arith.shli %parallel_loop3A_554, %parallel_loop3A_588 : vector<16xi32>
        %parallel_loop3A_590 = tpu.bitcast %parallel_loop3A_589 : vector<16xi32> -> vector<16xf32>
        %parallel_loop3A_591 = arith.constant 16 : i32
        %parallel_loop3A_592 = vector.broadcast %parallel_loop3A_591 : i32 to vector<16xi32>
        %parallel_loop3A_593 = arith.shli %parallel_loop3A_560, %parallel_loop3A_592 : vector<16xi32>
        %parallel_loop3A_594 = tpu.bitcast %parallel_loop3A_593 : vector<16xi32> -> vector<16xf32>
        %parallel_loop3A_595 = arith.constant 16 : i32
        %parallel_loop3A_596 = vector.broadcast %parallel_loop3A_595 : i32 to vector<16xi32>
        %parallel_loop3A_597 = arith.shli %parallel_loop3A_566, %parallel_loop3A_596 : vector<16xi32>
        %parallel_loop3A_598 = tpu.bitcast %parallel_loop3A_597 : vector<16xi32> -> vector<16xf32>
        %parallel_loop3A_599 = arith.andi %parallel_loop3A_524, %broadcast_in_dim3A_15 : vector<16xi32>
        %parallel_loop3A_600 = tpu.bitcast %parallel_loop3A_599 : vector<16xi32> -> vector<16xf32>
        %parallel_loop3A_601 = arith.andi %parallel_loop3A_530, %broadcast_in_dim3A_15 : vector<16xi32>
        %parallel_loop3A_602 = tpu.bitcast %parallel_loop3A_601 : vector<16xi32> -> vector<16xf32>
        %parallel_loop3A_603 = arith.andi %parallel_loop3A_536, %broadcast_in_dim3A_15 : vector<16xi32>
        %parallel_loop3A_604 = tpu.bitcast %parallel_loop3A_603 : vector<16xi32> -> vector<16xf32>
        %parallel_loop3A_605 = arith.andi %parallel_loop3A_542, %broadcast_in_dim3A_15 : vector<16xi32>
        %parallel_loop3A_606 = tpu.bitcast %parallel_loop3A_605 : vector<16xi32> -> vector<16xf32>
        %parallel_loop3A_607 = arith.andi %parallel_loop3A_548, %broadcast_in_dim3A_15 : vector<16xi32>
        %parallel_loop3A_608 = tpu.bitcast %parallel_loop3A_607 : vector<16xi32> -> vector<16xf32>
        %parallel_loop3A_609 = arith.andi %parallel_loop3A_554, %broadcast_in_dim3A_15 : vector<16xi32>
        %parallel_loop3A_610 = tpu.bitcast %parallel_loop3A_609 : vector<16xi32> -> vector<16xf32>
        %parallel_loop3A_611 = arith.andi %parallel_loop3A_560, %broadcast_in_dim3A_15 : vector<16xi32>
        %parallel_loop3A_612 = tpu.bitcast %parallel_loop3A_611 : vector<16xi32> -> vector<16xf32>
        %parallel_loop3A_613 = arith.andi %parallel_loop3A_566, %broadcast_in_dim3A_15 : vector<16xi32>
        %parallel_loop3A_614 = tpu.bitcast %parallel_loop3A_613 : vector<16xi32> -> vector<16xf32>
        %parallel_loop3A_615 = arith.addf %parallel_loop3A_570, %parallel_loop3A_574 : vector<16xf32>
        %parallel_loop3A_616 = arith.addf %parallel_loop3A_578, %parallel_loop3A_582 : vector<16xf32>
        %parallel_loop3A_617 = arith.addf %parallel_loop3A_586, %parallel_loop3A_590 : vector<16xf32>
        %parallel_loop3A_618 = arith.addf %parallel_loop3A_594, %parallel_loop3A_598 : vector<16xf32>
        %parallel_loop3A_619 = arith.addf %parallel_loop3A_600, %parallel_loop3A_602 : vector<16xf32>
        %parallel_loop3A_620 = arith.addf %parallel_loop3A_604, %parallel_loop3A_606 : vector<16xf32>
        %parallel_loop3A_621 = arith.addf %parallel_loop3A_608, %parallel_loop3A_610 : vector<16xf32>
        %parallel_loop3A_622 = arith.addf %parallel_loop3A_612, %parallel_loop3A_614 : vector<16xf32>
        %parallel_loop3A_623 = arith.addf %parallel_loop3A_615, %parallel_loop3A_616 : vector<16xf32>
        %parallel_loop3A_624 = arith.addf %parallel_loop3A_617, %parallel_loop3A_618 : vector<16xf32>
        %parallel_loop3A_625 = arith.addf %parallel_loop3A_619, %parallel_loop3A_620 : vector<16xf32>
        %parallel_loop3A_626 = arith.addf %parallel_loop3A_621, %parallel_loop3A_622 : vector<16xf32>
        %parallel_loop3A_627 = arith.addf %parallel_loop3A_623, %parallel_loop3A_624 : vector<16xf32>
        %parallel_loop3A_628 = arith.addf %parallel_loop3A_625, %parallel_loop3A_626 : vector<16xf32>
        %parallel_loop3A_629 = arith.index_cast %parallel_loop3A_156 : i32 to index
        %parallel_loop3A_630 = arith.constant 96 : index
        %parallel_loop3A_631 = tpu.vector_load %arg8[%parallel_loop3A_629, %parallel_loop3A_630] {strides = array<i32>} : memref<32x256xf32, #tpu.memory_space<vmem>>, vector<1x16xf32>,
        %parallel_loop3A_632 = vector.shape_cast %parallel_loop3A_631 : vector<1x16xf32> to vector<16xf32>
        %parallel_loop3A_633 = vector.shape_cast %parallel_loop3A_627 : vector<16xf32> to vector<1x16xf32>
        tpu.vector_store %arg8[%parallel_loop3A_629, %parallel_loop3A_630], %parallel_loop3A_633 {strides = array<i32>} : memref<32x256xf32, #tpu.memory_space<vmem>>, vector<1x16xf32>,
        %parallel_loop3A_634 = arith.index_cast %parallel_loop3A_156 : i32 to index
        %parallel_loop3A_635 = arith.constant 112 : index
        %parallel_loop3A_636 = tpu.vector_load %arg8[%parallel_loop3A_634, %parallel_loop3A_635] {strides = array<i32>} : memref<32x256xf32, #tpu.memory_space<vmem>>, vector<1x16xf32>,
        %parallel_loop3A_637 = vector.shape_cast %parallel_loop3A_636 : vector<1x16xf32> to vector<16xf32>
        %parallel_loop3A_638 = vector.shape_cast %parallel_loop3A_628 : vector<16xf32> to vector<1x16xf32>
        tpu.vector_store %arg8[%parallel_loop3A_634, %parallel_loop3A_635], %parallel_loop3A_638 {strides = array<i32>} : memref<32x256xf32, #tpu.memory_space<vmem>>, vector<1x16xf32>,
        %parallel_loop3A_639 = arith.constant 0 : i32
        %parallel_loop3A_640 = arith.addi %parallel_loop3A_158, %parallel_loop3A_639 : i32
        %parallel_loop3A_641 = arith.index_cast %parallel_loop3A_640 : i32 to index
        %parallel_loop3A_642 = arith.constant 64 : index
        %parallel_loop3A_643 = tpu.vector_load %arg6[%parallel_loop3A_641, %parallel_loop3A_642] {strides = array<i32>} : memref<256x128xi32, #tpu.memory_space<vmem>>, vector<1x16xi32>,
        %parallel_loop3A_644 = vector.shape_cast %parallel_loop3A_643 : vector<1x16xi32> to vector<16xi32>
        %parallel_loop3A_645 = arith.constant 1 : i32
        %parallel_loop3A_646 = arith.addi %parallel_loop3A_158, %parallel_loop3A_645 : i32
        %parallel_loop3A_647 = arith.index_cast %parallel_loop3A_646 : i32 to index
        %parallel_loop3A_648 = arith.constant 64 : index
        %parallel_loop3A_649 = tpu.vector_load %arg6[%parallel_loop3A_647, %parallel_loop3A_648] {strides = array<i32>} : memref<256x128xi32, #tpu.memory_space<vmem>>, vector<1x16xi32>,
        %parallel_loop3A_650 = vector.shape_cast %parallel_loop3A_649 : vector<1x16xi32> to vector<16xi32>
        %parallel_loop3A_651 = arith.constant 2 : i32
        %parallel_loop3A_652 = arith.addi %parallel_loop3A_158, %parallel_loop3A_651 : i32
        %parallel_loop3A_653 = arith.index_cast %parallel_loop3A_652 : i32 to index
        %parallel_loop3A_654 = arith.constant 64 : index
        %parallel_loop3A_655 = tpu.vector_load %arg6[%parallel_loop3A_653, %parallel_loop3A_654] {strides = array<i32>} : memref<256x128xi32, #tpu.memory_space<vmem>>, vector<1x16xi32>,
        %parallel_loop3A_656 = vector.shape_cast %parallel_loop3A_655 : vector<1x16xi32> to vector<16xi32>
        %parallel_loop3A_657 = arith.constant 3 : i32
        %parallel_loop3A_658 = arith.addi %parallel_loop3A_158, %parallel_loop3A_657 : i32
        %parallel_loop3A_659 = arith.index_cast %parallel_loop3A_658 : i32 to index
        %parallel_loop3A_660 = arith.constant 64 : index
        %parallel_loop3A_661 = tpu.vector_load %arg6[%parallel_loop3A_659, %parallel_loop3A_660] {strides = array<i32>} : memref<256x128xi32, #tpu.memory_space<vmem>>, vector<1x16xi32>,
        %parallel_loop3A_662 = vector.shape_cast %parallel_loop3A_661 : vector<1x16xi32> to vector<16xi32>
        %parallel_loop3A_663 = arith.constant 4 : i32
        %parallel_loop3A_664 = arith.addi %parallel_loop3A_158, %parallel_loop3A_663 : i32
        %parallel_loop3A_665 = arith.index_cast %parallel_loop3A_664 : i32 to index
        %parallel_loop3A_666 = arith.constant 64 : index
        %parallel_loop3A_667 = tpu.vector_load %arg6[%parallel_loop3A_665, %parallel_loop3A_666] {strides = array<i32>} : memref<256x128xi32, #tpu.memory_space<vmem>>, vector<1x16xi32>,
        %parallel_loop3A_668 = vector.shape_cast %parallel_loop3A_667 : vector<1x16xi32> to vector<16xi32>
        %parallel_loop3A_669 = arith.constant 5 : i32
        %parallel_loop3A_670 = arith.addi %parallel_loop3A_158, %parallel_loop3A_669 : i32
        %parallel_loop3A_671 = arith.index_cast %parallel_loop3A_670 : i32 to index
        %parallel_loop3A_672 = arith.constant 64 : index
        %parallel_loop3A_673 = tpu.vector_load %arg6[%parallel_loop3A_671, %parallel_loop3A_672] {strides = array<i32>} : memref<256x128xi32, #tpu.memory_space<vmem>>, vector<1x16xi32>,
        %parallel_loop3A_674 = vector.shape_cast %parallel_loop3A_673 : vector<1x16xi32> to vector<16xi32>
        %parallel_loop3A_675 = arith.constant 6 : i32
        %parallel_loop3A_676 = arith.addi %parallel_loop3A_158, %parallel_loop3A_675 : i32
        %parallel_loop3A_677 = arith.index_cast %parallel_loop3A_676 : i32 to index
        %parallel_loop3A_678 = arith.constant 64 : index
        %parallel_loop3A_679 = tpu.vector_load %arg6[%parallel_loop3A_677, %parallel_loop3A_678] {strides = array<i32>} : memref<256x128xi32, #tpu.memory_space<vmem>>, vector<1x16xi32>,
        %parallel_loop3A_680 = vector.shape_cast %parallel_loop3A_679 : vector<1x16xi32> to vector<16xi32>
        %parallel_loop3A_681 = arith.constant 7 : i32
        %parallel_loop3A_682 = arith.addi %parallel_loop3A_158, %parallel_loop3A_681 : i32
        %parallel_loop3A_683 = arith.index_cast %parallel_loop3A_682 : i32 to index
        %parallel_loop3A_684 = arith.constant 64 : index
        %parallel_loop3A_685 = tpu.vector_load %arg6[%parallel_loop3A_683, %parallel_loop3A_684] {strides = array<i32>} : memref<256x128xi32, #tpu.memory_space<vmem>>, vector<1x16xi32>,
        %parallel_loop3A_686 = vector.shape_cast %parallel_loop3A_685 : vector<1x16xi32> to vector<16xi32>
        %parallel_loop3A_687 = arith.constant 16 : i32
        %parallel_loop3A_688 = vector.broadcast %parallel_loop3A_687 : i32 to vector<16xi32>
        %parallel_loop3A_689 = arith.shli %parallel_loop3A_644, %parallel_loop3A_688 : vector<16xi32>
        %parallel_loop3A_690 = tpu.bitcast %parallel_loop3A_689 : vector<16xi32> -> vector<16xf32>
        %parallel_loop3A_691 = arith.constant 16 : i32
        %parallel_loop3A_692 = vector.broadcast %parallel_loop3A_691 : i32 to vector<16xi32>
        %parallel_loop3A_693 = arith.shli %parallel_loop3A_650, %parallel_loop3A_692 : vector<16xi32>
        %parallel_loop3A_694 = tpu.bitcast %parallel_loop3A_693 : vector<16xi32> -> vector<16xf32>
        %parallel_loop3A_695 = arith.constant 16 : i32
        %parallel_loop3A_696 = vector.broadcast %parallel_loop3A_695 : i32 to vector<16xi32>
        %parallel_loop3A_697 = arith.shli %parallel_loop3A_656, %parallel_loop3A_696 : vector<16xi32>
        %parallel_loop3A_698 = tpu.bitcast %parallel_loop3A_697 : vector<16xi32> -> vector<16xf32>
        %parallel_loop3A_699 = arith.constant 16 : i32
        %parallel_loop3A_700 = vector.broadcast %parallel_loop3A_699 : i32 to vector<16xi32>
        %parallel_loop3A_701 = arith.shli %parallel_loop3A_662, %parallel_loop3A_700 : vector<16xi32>
        %parallel_loop3A_702 = tpu.bitcast %parallel_loop3A_701 : vector<16xi32> -> vector<16xf32>
        %parallel_loop3A_703 = arith.constant 16 : i32
        %parallel_loop3A_704 = vector.broadcast %parallel_loop3A_703 : i32 to vector<16xi32>
        %parallel_loop3A_705 = arith.shli %parallel_loop3A_668, %parallel_loop3A_704 : vector<16xi32>
        %parallel_loop3A_706 = tpu.bitcast %parallel_loop3A_705 : vector<16xi32> -> vector<16xf32>
        %parallel_loop3A_707 = arith.constant 16 : i32
        %parallel_loop3A_708 = vector.broadcast %parallel_loop3A_707 : i32 to vector<16xi32>
        %parallel_loop3A_709 = arith.shli %parallel_loop3A_674, %parallel_loop3A_708 : vector<16xi32>
        %parallel_loop3A_710 = tpu.bitcast %parallel_loop3A_709 : vector<16xi32> -> vector<16xf32>
        %parallel_loop3A_711 = arith.constant 16 : i32
        %parallel_loop3A_712 = vector.broadcast %parallel_loop3A_711 : i32 to vector<16xi32>
        %parallel_loop3A_713 = arith.shli %parallel_loop3A_680, %parallel_loop3A_712 : vector<16xi32>
        %parallel_loop3A_714 = tpu.bitcast %parallel_loop3A_713 : vector<16xi32> -> vector<16xf32>
        %parallel_loop3A_715 = arith.constant 16 : i32
        %parallel_loop3A_716 = vector.broadcast %parallel_loop3A_715 : i32 to vector<16xi32>
        %parallel_loop3A_717 = arith.shli %parallel_loop3A_686, %parallel_loop3A_716 : vector<16xi32>
        %parallel_loop3A_718 = tpu.bitcast %parallel_loop3A_717 : vector<16xi32> -> vector<16xf32>
        %parallel_loop3A_719 = arith.andi %parallel_loop3A_644, %broadcast_in_dim3A_15 : vector<16xi32>
        %parallel_loop3A_720 = tpu.bitcast %parallel_loop3A_719 : vector<16xi32> -> vector<16xf32>
        %parallel_loop3A_721 = arith.andi %parallel_loop3A_650, %broadcast_in_dim3A_15 : vector<16xi32>
        %parallel_loop3A_722 = tpu.bitcast %parallel_loop3A_721 : vector<16xi32> -> vector<16xf32>
        %parallel_loop3A_723 = arith.andi %parallel_loop3A_656, %broadcast_in_dim3A_15 : vector<16xi32>
        %parallel_loop3A_724 = tpu.bitcast %parallel_loop3A_723 : vector<16xi32> -> vector<16xf32>
        %parallel_loop3A_725 = arith.andi %parallel_loop3A_662, %broadcast_in_dim3A_15 : vector<16xi32>
        %parallel_loop3A_726 = tpu.bitcast %parallel_loop3A_725 : vector<16xi32> -> vector<16xf32>
        %parallel_loop3A_727 = arith.andi %parallel_loop3A_668, %broadcast_in_dim3A_15 : vector<16xi32>
        %parallel_loop3A_728 = tpu.bitcast %parallel_loop3A_727 : vector<16xi32> -> vector<16xf32>
        %parallel_loop3A_729 = arith.andi %parallel_loop3A_674, %broadcast_in_dim3A_15 : vector<16xi32>
        %parallel_loop3A_730 = tpu.bitcast %parallel_loop3A_729 : vector<16xi32> -> vector<16xf32>
        %parallel_loop3A_731 = arith.andi %parallel_loop3A_680, %broadcast_in_dim3A_15 : vector<16xi32>
        %parallel_loop3A_732 = tpu.bitcast %parallel_loop3A_731 : vector<16xi32> -> vector<16xf32>
        %parallel_loop3A_733 = arith.andi %parallel_loop3A_686, %broadcast_in_dim3A_15 : vector<16xi32>
        %parallel_loop3A_734 = tpu.bitcast %parallel_loop3A_733 : vector<16xi32> -> vector<16xf32>
        %parallel_loop3A_735 = arith.addf %parallel_loop3A_690, %parallel_loop3A_694 : vector<16xf32>
        %parallel_loop3A_736 = arith.addf %parallel_loop3A_698, %parallel_loop3A_702 : vector<16xf32>
        %parallel_loop3A_737 = arith.addf %parallel_loop3A_706, %parallel_loop3A_710 : vector<16xf32>
        %parallel_loop3A_738 = arith.addf %parallel_loop3A_714, %parallel_loop3A_718 : vector<16xf32>
        %parallel_loop3A_739 = arith.addf %parallel_loop3A_720, %parallel_loop3A_722 : vector<16xf32>
        %parallel_loop3A_740 = arith.addf %parallel_loop3A_724, %parallel_loop3A_726 : vector<16xf32>
        %parallel_loop3A_741 = arith.addf %parallel_loop3A_728, %parallel_loop3A_730 : vector<16xf32>
        %parallel_loop3A_742 = arith.addf %parallel_loop3A_732, %parallel_loop3A_734 : vector<16xf32>
        %parallel_loop3A_743 = arith.addf %parallel_loop3A_735, %parallel_loop3A_736 : vector<16xf32>
        %parallel_loop3A_744 = arith.addf %parallel_loop3A_737, %parallel_loop3A_738 : vector<16xf32>
        %parallel_loop3A_745 = arith.addf %parallel_loop3A_739, %parallel_loop3A_740 : vector<16xf32>
        %parallel_loop3A_746 = arith.addf %parallel_loop3A_741, %parallel_loop3A_742 : vector<16xf32>
        %parallel_loop3A_747 = arith.addf %parallel_loop3A_743, %parallel_loop3A_744 : vector<16xf32>
        %parallel_loop3A_748 = arith.addf %parallel_loop3A_745, %parallel_loop3A_746 : vector<16xf32>
        %parallel_loop3A_749 = arith.index_cast %parallel_loop3A_156 : i32 to index
        %parallel_loop3A_750 = arith.constant 128 : index
        %parallel_loop3A_751 = tpu.vector_load %arg8[%parallel_loop3A_749, %parallel_loop3A_750] {strides = array<i32>} : memref<32x256xf32, #tpu.memory_space<vmem>>, vector<1x16xf32>,
        %parallel_loop3A_752 = vector.shape_cast %parallel_loop3A_751 : vector<1x16xf32> to vector<16xf32>
        %parallel_loop3A_753 = vector.shape_cast %parallel_loop3A_747 : vector<16xf32> to vector<1x16xf32>
        tpu.vector_store %arg8[%parallel_loop3A_749, %parallel_loop3A_750], %parallel_loop3A_753 {strides = array<i32>} : memref<32x256xf32, #tpu.memory_space<vmem>>, vector<1x16xf32>,
        %parallel_loop3A_754 = arith.index_cast %parallel_loop3A_156 : i32 to index
        %parallel_loop3A_755 = arith.constant 144 : index
        %parallel_loop3A_756 = tpu.vector_load %arg8[%parallel_loop3A_754, %parallel_loop3A_755] {strides = array<i32>} : memref<32x256xf32, #tpu.memory_space<vmem>>, vector<1x16xf32>,
        %parallel_loop3A_757 = vector.shape_cast %parallel_loop3A_756 : vector<1x16xf32> to vector<16xf32>
        %parallel_loop3A_758 = vector.shape_cast %parallel_loop3A_748 : vector<16xf32> to vector<1x16xf32>
        tpu.vector_store %arg8[%parallel_loop3A_754, %parallel_loop3A_755], %parallel_loop3A_758 {strides = array<i32>} : memref<32x256xf32, #tpu.memory_space<vmem>>, vector<1x16xf32>,
        %parallel_loop3A_759 = arith.constant 0 : i32
        %parallel_loop3A_760 = arith.addi %parallel_loop3A_158, %parallel_loop3A_759 : i32
        %parallel_loop3A_761 = arith.index_cast %parallel_loop3A_760 : i32 to index
        %parallel_loop3A_762 = arith.constant 80 : index
        %parallel_loop3A_763 = tpu.vector_load %arg6[%parallel_loop3A_761, %parallel_loop3A_762] {strides = array<i32>} : memref<256x128xi32, #tpu.memory_space<vmem>>, vector<1x16xi32>,
        %parallel_loop3A_764 = vector.shape_cast %parallel_loop3A_763 : vector<1x16xi32> to vector<16xi32>
        %parallel_loop3A_765 = arith.constant 1 : i32
        %parallel_loop3A_766 = arith.addi %parallel_loop3A_158, %parallel_loop3A_765 : i32
        %parallel_loop3A_767 = arith.index_cast %parallel_loop3A_766 : i32 to index
        %parallel_loop3A_768 = arith.constant 80 : index
        %parallel_loop3A_769 = tpu.vector_load %arg6[%parallel_loop3A_767, %parallel_loop3A_768] {strides = array<i32>} : memref<256x128xi32, #tpu.memory_space<vmem>>, vector<1x16xi32>,
        %parallel_loop3A_770 = vector.shape_cast %parallel_loop3A_769 : vector<1x16xi32> to vector<16xi32>
        %parallel_loop3A_771 = arith.constant 2 : i32
        %parallel_loop3A_772 = arith.addi %parallel_loop3A_158, %parallel_loop3A_771 : i32
        %parallel_loop3A_773 = arith.index_cast %parallel_loop3A_772 : i32 to index
        %parallel_loop3A_774 = arith.constant 80 : index
        %parallel_loop3A_775 = tpu.vector_load %arg6[%parallel_loop3A_773, %parallel_loop3A_774] {strides = array<i32>} : memref<256x128xi32, #tpu.memory_space<vmem>>, vector<1x16xi32>,
        %parallel_loop3A_776 = vector.shape_cast %parallel_loop3A_775 : vector<1x16xi32> to vector<16xi32>
        %parallel_loop3A_777 = arith.constant 3 : i32
        %parallel_loop3A_778 = arith.addi %parallel_loop3A_158, %parallel_loop3A_777 : i32
        %parallel_loop3A_779 = arith.index_cast %parallel_loop3A_778 : i32 to index
        %parallel_loop3A_780 = arith.constant 80 : index
        %parallel_loop3A_781 = tpu.vector_load %arg6[%parallel_loop3A_779, %parallel_loop3A_780] {strides = array<i32>} : memref<256x128xi32, #tpu.memory_space<vmem>>, vector<1x16xi32>,
        %parallel_loop3A_782 = vector.shape_cast %parallel_loop3A_781 : vector<1x16xi32> to vector<16xi32>
        %parallel_loop3A_783 = arith.constant 4 : i32
        %parallel_loop3A_784 = arith.addi %parallel_loop3A_158, %parallel_loop3A_783 : i32
        %parallel_loop3A_785 = arith.index_cast %parallel_loop3A_784 : i32 to index
        %parallel_loop3A_786 = arith.constant 80 : index
        %parallel_loop3A_787 = tpu.vector_load %arg6[%parallel_loop3A_785, %parallel_loop3A_786] {strides = array<i32>} : memref<256x128xi32, #tpu.memory_space<vmem>>, vector<1x16xi32>,
        %parallel_loop3A_788 = vector.shape_cast %parallel_loop3A_787 : vector<1x16xi32> to vector<16xi32>
        %parallel_loop3A_789 = arith.constant 5 : i32
        %parallel_loop3A_790 = arith.addi %parallel_loop3A_158, %parallel_loop3A_789 : i32
        %parallel_loop3A_791 = arith.index_cast %parallel_loop3A_790 : i32 to index
        %parallel_loop3A_792 = arith.constant 80 : index
        %parallel_loop3A_793 = tpu.vector_load %arg6[%parallel_loop3A_791, %parallel_loop3A_792] {strides = array<i32>} : memref<256x128xi32, #tpu.memory_space<vmem>>, vector<1x16xi32>,
        %parallel_loop3A_794 = vector.shape_cast %parallel_loop3A_793 : vector<1x16xi32> to vector<16xi32>
        %parallel_loop3A_795 = arith.constant 6 : i32
        %parallel_loop3A_796 = arith.addi %parallel_loop3A_158, %parallel_loop3A_795 : i32
        %parallel_loop3A_797 = arith.index_cast %parallel_loop3A_796 : i32 to index
        %parallel_loop3A_798 = arith.constant 80 : index
        %parallel_loop3A_799 = tpu.vector_load %arg6[%parallel_loop3A_797, %parallel_loop3A_798] {strides = array<i32>} : memref<256x128xi32, #tpu.memory_space<vmem>>, vector<1x16xi32>,
        %parallel_loop3A_800 = vector.shape_cast %parallel_loop3A_799 : vector<1x16xi32> to vector<16xi32>
        %parallel_loop3A_801 = arith.constant 7 : i32
        %parallel_loop3A_802 = arith.addi %parallel_loop3A_158, %parallel_loop3A_801 : i32
        %parallel_loop3A_803 = arith.index_cast %parallel_loop3A_802 : i32 to index
        %parallel_loop3A_804 = arith.constant 80 : index
        %parallel_loop3A_805 = tpu.vector_load %arg6[%parallel_loop3A_803, %parallel_loop3A_804] {strides = array<i32>} : memref<256x128xi32, #tpu.memory_space<vmem>>, vector<1x16xi32>,
        %parallel_loop3A_806 = vector.shape_cast %parallel_loop3A_805 : vector<1x16xi32> to vector<16xi32>
        %parallel_loop3A_807 = arith.constant 16 : i32
        %parallel_loop3A_808 = vector.broadcast %parallel_loop3A_807 : i32 to vector<16xi32>
        %parallel_loop3A_809 = arith.shli %parallel_loop3A_764, %parallel_loop3A_808 : vector<16xi32>
        %parallel_loop3A_810 = tpu.bitcast %parallel_loop3A_809 : vector<16xi32> -> vector<16xf32>
        %parallel_loop3A_811 = arith.constant 16 : i32
        %parallel_loop3A_812 = vector.broadcast %parallel_loop3A_811 : i32 to vector<16xi32>
        %parallel_loop3A_813 = arith.shli %parallel_loop3A_770, %parallel_loop3A_812 : vector<16xi32>
        %parallel_loop3A_814 = tpu.bitcast %parallel_loop3A_813 : vector<16xi32> -> vector<16xf32>
        %parallel_loop3A_815 = arith.constant 16 : i32
        %parallel_loop3A_816 = vector.broadcast %parallel_loop3A_815 : i32 to vector<16xi32>
        %parallel_loop3A_817 = arith.shli %parallel_loop3A_776, %parallel_loop3A_816 : vector<16xi32>
        %parallel_loop3A_818 = tpu.bitcast %parallel_loop3A_817 : vector<16xi32> -> vector<16xf32>
        %parallel_loop3A_819 = arith.constant 16 : i32
        %parallel_loop3A_820 = vector.broadcast %parallel_loop3A_819 : i32 to vector<16xi32>
        %parallel_loop3A_821 = arith.shli %parallel_loop3A_782, %parallel_loop3A_820 : vector<16xi32>
        %parallel_loop3A_822 = tpu.bitcast %parallel_loop3A_821 : vector<16xi32> -> vector<16xf32>
        %parallel_loop3A_823 = arith.constant 16 : i32
        %parallel_loop3A_824 = vector.broadcast %parallel_loop3A_823 : i32 to vector<16xi32>
        %parallel_loop3A_825 = arith.shli %parallel_loop3A_788, %parallel_loop3A_824 : vector<16xi32>
        %parallel_loop3A_826 = tpu.bitcast %parallel_loop3A_825 : vector<16xi32> -> vector<16xf32>
        %parallel_loop3A_827 = arith.constant 16 : i32
        %parallel_loop3A_828 = vector.broadcast %parallel_loop3A_827 : i32 to vector<16xi32>
        %parallel_loop3A_829 = arith.shli %parallel_loop3A_794, %parallel_loop3A_828 : vector<16xi32>
        %parallel_loop3A_830 = tpu.bitcast %parallel_loop3A_829 : vector<16xi32> -> vector<16xf32>
        %parallel_loop3A_831 = arith.constant 16 : i32
        %parallel_loop3A_832 = vector.broadcast %parallel_loop3A_831 : i32 to vector<16xi32>
        %parallel_loop3A_833 = arith.shli %parallel_loop3A_800, %parallel_loop3A_832 : vector<16xi32>
        %parallel_loop3A_834 = tpu.bitcast %parallel_loop3A_833 : vector<16xi32> -> vector<16xf32>
        %parallel_loop3A_835 = arith.constant 16 : i32
        %parallel_loop3A_836 = vector.broadcast %parallel_loop3A_835 : i32 to vector<16xi32>
        %parallel_loop3A_837 = arith.shli %parallel_loop3A_806, %parallel_loop3A_836 : vector<16xi32>
        %parallel_loop3A_838 = tpu.bitcast %parallel_loop3A_837 : vector<16xi32> -> vector<16xf32>
        %parallel_loop3A_839 = arith.andi %parallel_loop3A_764, %broadcast_in_dim3A_15 : vector<16xi32>
        %parallel_loop3A_840 = tpu.bitcast %parallel_loop3A_839 : vector<16xi32> -> vector<16xf32>
        %parallel_loop3A_841 = arith.andi %parallel_loop3A_770, %broadcast_in_dim3A_15 : vector<16xi32>
        %parallel_loop3A_842 = tpu.bitcast %parallel_loop3A_841 : vector<16xi32> -> vector<16xf32>
        %parallel_loop3A_843 = arith.andi %parallel_loop3A_776, %broadcast_in_dim3A_15 : vector<16xi32>
        %parallel_loop3A_844 = tpu.bitcast %parallel_loop3A_843 : vector<16xi32> -> vector<16xf32>
        %parallel_loop3A_845 = arith.andi %parallel_loop3A_782, %broadcast_in_dim3A_15 : vector<16xi32>
        %parallel_loop3A_846 = tpu.bitcast %parallel_loop3A_845 : vector<16xi32> -> vector<16xf32>
        %parallel_loop3A_847 = arith.andi %parallel_loop3A_788, %broadcast_in_dim3A_15 : vector<16xi32>
        %parallel_loop3A_848 = tpu.bitcast %parallel_loop3A_847 : vector<16xi32> -> vector<16xf32>
        %parallel_loop3A_849 = arith.andi %parallel_loop3A_794, %broadcast_in_dim3A_15 : vector<16xi32>
        %parallel_loop3A_850 = tpu.bitcast %parallel_loop3A_849 : vector<16xi32> -> vector<16xf32>
        %parallel_loop3A_851 = arith.andi %parallel_loop3A_800, %broadcast_in_dim3A_15 : vector<16xi32>
        %parallel_loop3A_852 = tpu.bitcast %parallel_loop3A_851 : vector<16xi32> -> vector<16xf32>
        %parallel_loop3A_853 = arith.andi %parallel_loop3A_806, %broadcast_in_dim3A_15 : vector<16xi32>
        %parallel_loop3A_854 = tpu.bitcast %parallel_loop3A_853 : vector<16xi32> -> vector<16xf32>
        %parallel_loop3A_855 = arith.addf %parallel_loop3A_810, %parallel_loop3A_814 : vector<16xf32>
        %parallel_loop3A_856 = arith.addf %parallel_loop3A_818, %parallel_loop3A_822 : vector<16xf32>
        %parallel_loop3A_857 = arith.addf %parallel_loop3A_826, %parallel_loop3A_830 : vector<16xf32>
        %parallel_loop3A_858 = arith.addf %parallel_loop3A_834, %parallel_loop3A_838 : vector<16xf32>
        %parallel_loop3A_859 = arith.addf %parallel_loop3A_840, %parallel_loop3A_842 : vector<16xf32>
        %parallel_loop3A_860 = arith.addf %parallel_loop3A_844, %parallel_loop3A_846 : vector<16xf32>
        %parallel_loop3A_861 = arith.addf %parallel_loop3A_848, %parallel_loop3A_850 : vector<16xf32>
        %parallel_loop3A_862 = arith.addf %parallel_loop3A_852, %parallel_loop3A_854 : vector<16xf32>
        %parallel_loop3A_863 = arith.addf %parallel_loop3A_855, %parallel_loop3A_856 : vector<16xf32>
        %parallel_loop3A_864 = arith.addf %parallel_loop3A_857, %parallel_loop3A_858 : vector<16xf32>
        %parallel_loop3A_865 = arith.addf %parallel_loop3A_859, %parallel_loop3A_860 : vector<16xf32>
        %parallel_loop3A_866 = arith.addf %parallel_loop3A_861, %parallel_loop3A_862 : vector<16xf32>
        %parallel_loop3A_867 = arith.addf %parallel_loop3A_863, %parallel_loop3A_864 : vector<16xf32>
        %parallel_loop3A_868 = arith.addf %parallel_loop3A_865, %parallel_loop3A_866 : vector<16xf32>
        %parallel_loop3A_869 = arith.index_cast %parallel_loop3A_156 : i32 to index
        %parallel_loop3A_870 = arith.constant 160 : index
        %parallel_loop3A_871 = tpu.vector_load %arg8[%parallel_loop3A_869, %parallel_loop3A_870] {strides = array<i32>} : memref<32x256xf32, #tpu.memory_space<vmem>>, vector<1x16xf32>,
        %parallel_loop3A_872 = vector.shape_cast %parallel_loop3A_871 : vector<1x16xf32> to vector<16xf32>
        %parallel_loop3A_873 = vector.shape_cast %parallel_loop3A_867 : vector<16xf32> to vector<1x16xf32>
        tpu.vector_store %arg8[%parallel_loop3A_869, %parallel_loop3A_870], %parallel_loop3A_873 {strides = array<i32>} : memref<32x256xf32, #tpu.memory_space<vmem>>, vector<1x16xf32>,
        %parallel_loop3A_874 = arith.index_cast %parallel_loop3A_156 : i32 to index
        %parallel_loop3A_875 = arith.constant 176 : index
        %parallel_loop3A_876 = tpu.vector_load %arg8[%parallel_loop3A_874, %parallel_loop3A_875] {strides = array<i32>} : memref<32x256xf32, #tpu.memory_space<vmem>>, vector<1x16xf32>,
        %parallel_loop3A_877 = vector.shape_cast %parallel_loop3A_876 : vector<1x16xf32> to vector<16xf32>
        %parallel_loop3A_878 = vector.shape_cast %parallel_loop3A_868 : vector<16xf32> to vector<1x16xf32>
        tpu.vector_store %arg8[%parallel_loop3A_874, %parallel_loop3A_875], %parallel_loop3A_878 {strides = array<i32>} : memref<32x256xf32, #tpu.memory_space<vmem>>, vector<1x16xf32>,
        %parallel_loop3A_879 = arith.constant 0 : i32
        %parallel_loop3A_880 = arith.addi %parallel_loop3A_158, %parallel_loop3A_879 : i32
        %parallel_loop3A_881 = arith.index_cast %parallel_loop3A_880 : i32 to index
        %parallel_loop3A_882 = arith.constant 96 : index
        %parallel_loop3A_883 = tpu.vector_load %arg6[%parallel_loop3A_881, %parallel_loop3A_882] {strides = array<i32>} : memref<256x128xi32, #tpu.memory_space<vmem>>, vector<1x16xi32>,
        %parallel_loop3A_884 = vector.shape_cast %parallel_loop3A_883 : vector<1x16xi32> to vector<16xi32>
        %parallel_loop3A_885 = arith.constant 1 : i32
        %parallel_loop3A_886 = arith.addi %parallel_loop3A_158, %parallel_loop3A_885 : i32
        %parallel_loop3A_887 = arith.index_cast %parallel_loop3A_886 : i32 to index
        %parallel_loop3A_888 = arith.constant 96 : index
        %parallel_loop3A_889 = tpu.vector_load %arg6[%parallel_loop3A_887, %parallel_loop3A_888] {strides = array<i32>} : memref<256x128xi32, #tpu.memory_space<vmem>>, vector<1x16xi32>,
        %parallel_loop3A_890 = vector.shape_cast %parallel_loop3A_889 : vector<1x16xi32> to vector<16xi32>
        %parallel_loop3A_891 = arith.constant 2 : i32
        %parallel_loop3A_892 = arith.addi %parallel_loop3A_158, %parallel_loop3A_891 : i32
        %parallel_loop3A_893 = arith.index_cast %parallel_loop3A_892 : i32 to index
        %parallel_loop3A_894 = arith.constant 96 : index
        %parallel_loop3A_895 = tpu.vector_load %arg6[%parallel_loop3A_893, %parallel_loop3A_894] {strides = array<i32>} : memref<256x128xi32, #tpu.memory_space<vmem>>, vector<1x16xi32>,
        %parallel_loop3A_896 = vector.shape_cast %parallel_loop3A_895 : vector<1x16xi32> to vector<16xi32>
        %parallel_loop3A_897 = arith.constant 3 : i32
        %parallel_loop3A_898 = arith.addi %parallel_loop3A_158, %parallel_loop3A_897 : i32
        %parallel_loop3A_899 = arith.index_cast %parallel_loop3A_898 : i32 to index
        %parallel_loop3A_900 = arith.constant 96 : index
        %parallel_loop3A_901 = tpu.vector_load %arg6[%parallel_loop3A_899, %parallel_loop3A_900] {strides = array<i32>} : memref<256x128xi32, #tpu.memory_space<vmem>>, vector<1x16xi32>,
        %parallel_loop3A_902 = vector.shape_cast %parallel_loop3A_901 : vector<1x16xi32> to vector<16xi32>
        %parallel_loop3A_903 = arith.constant 4 : i32
        %parallel_loop3A_904 = arith.addi %parallel_loop3A_158, %parallel_loop3A_903 : i32
        %parallel_loop3A_905 = arith.index_cast %parallel_loop3A_904 : i32 to index
        %parallel_loop3A_906 = arith.constant 96 : index
        %parallel_loop3A_907 = tpu.vector_load %arg6[%parallel_loop3A_905, %parallel_loop3A_906] {strides = array<i32>} : memref<256x128xi32, #tpu.memory_space<vmem>>, vector<1x16xi32>,
        %parallel_loop3A_908 = vector.shape_cast %parallel_loop3A_907 : vector<1x16xi32> to vector<16xi32>
        %parallel_loop3A_909 = arith.constant 5 : i32
        %parallel_loop3A_910 = arith.addi %parallel_loop3A_158, %parallel_loop3A_909 : i32
        %parallel_loop3A_911 = arith.index_cast %parallel_loop3A_910 : i32 to index
        %parallel_loop3A_912 = arith.constant 96 : index
        %parallel_loop3A_913 = tpu.vector_load %arg6[%parallel_loop3A_911, %parallel_loop3A_912] {strides = array<i32>} : memref<256x128xi32, #tpu.memory_space<vmem>>, vector<1x16xi32>,
        %parallel_loop3A_914 = vector.shape_cast %parallel_loop3A_913 : vector<1x16xi32> to vector<16xi32>
        %parallel_loop3A_915 = arith.constant 6 : i32
        %parallel_loop3A_916 = arith.addi %parallel_loop3A_158, %parallel_loop3A_915 : i32
        %parallel_loop3A_917 = arith.index_cast %parallel_loop3A_916 : i32 to index
        %parallel_loop3A_918 = arith.constant 96 : index
        %parallel_loop3A_919 = tpu.vector_load %arg6[%parallel_loop3A_917, %parallel_loop3A_918] {strides = array<i32>} : memref<256x128xi32, #tpu.memory_space<vmem>>, vector<1x16xi32>,
        %parallel_loop3A_920 = vector.shape_cast %parallel_loop3A_919 : vector<1x16xi32> to vector<16xi32>
        %parallel_loop3A_921 = arith.constant 7 : i32
        %parallel_loop3A_922 = arith.addi %parallel_loop3A_158, %parallel_loop3A_921 : i32
        %parallel_loop3A_923 = arith.index_cast %parallel_loop3A_922 : i32 to index
        %parallel_loop3A_924 = arith.constant 96 : index
        %parallel_loop3A_925 = tpu.vector_load %arg6[%parallel_loop3A_923, %parallel_loop3A_924] {strides = array<i32>} : memref<256x128xi32, #tpu.memory_space<vmem>>, vector<1x16xi32>,
        %parallel_loop3A_926 = vector.shape_cast %parallel_loop3A_925 : vector<1x16xi32> to vector<16xi32>
        %parallel_loop3A_927 = arith.constant 16 : i32
        %parallel_loop3A_928 = vector.broadcast %parallel_loop3A_927 : i32 to vector<16xi32>
        %parallel_loop3A_929 = arith.shli %parallel_loop3A_884, %parallel_loop3A_928 : vector<16xi32>
        %parallel_loop3A_930 = tpu.bitcast %parallel_loop3A_929 : vector<16xi32> -> vector<16xf32>
        %parallel_loop3A_931 = arith.constant 16 : i32
        %parallel_loop3A_932 = vector.broadcast %parallel_loop3A_931 : i32 to vector<16xi32>
        %parallel_loop3A_933 = arith.shli %parallel_loop3A_890, %parallel_loop3A_932 : vector<16xi32>
        %parallel_loop3A_934 = tpu.bitcast %parallel_loop3A_933 : vector<16xi32> -> vector<16xf32>
        %parallel_loop3A_935 = arith.constant 16 : i32
        %parallel_loop3A_936 = vector.broadcast %parallel_loop3A_935 : i32 to vector<16xi32>
        %parallel_loop3A_937 = arith.shli %parallel_loop3A_896, %parallel_loop3A_936 : vector<16xi32>
        %parallel_loop3A_938 = tpu.bitcast %parallel_loop3A_937 : vector<16xi32> -> vector<16xf32>
        %parallel_loop3A_939 = arith.constant 16 : i32
        %parallel_loop3A_940 = vector.broadcast %parallel_loop3A_939 : i32 to vector<16xi32>
        %parallel_loop3A_941 = arith.shli %parallel_loop3A_902, %parallel_loop3A_940 : vector<16xi32>
        %parallel_loop3A_942 = tpu.bitcast %parallel_loop3A_941 : vector<16xi32> -> vector<16xf32>
        %parallel_loop3A_943 = arith.constant 16 : i32
        %parallel_loop3A_944 = vector.broadcast %parallel_loop3A_943 : i32 to vector<16xi32>
        %parallel_loop3A_945 = arith.shli %parallel_loop3A_908, %parallel_loop3A_944 : vector<16xi32>
        %parallel_loop3A_946 = tpu.bitcast %parallel_loop3A_945 : vector<16xi32> -> vector<16xf32>
        %parallel_loop3A_947 = arith.constant 16 : i32
        %parallel_loop3A_948 = vector.broadcast %parallel_loop3A_947 : i32 to vector<16xi32>
        %parallel_loop3A_949 = arith.shli %parallel_loop3A_914, %parallel_loop3A_948 : vector<16xi32>
        %parallel_loop3A_950 = tpu.bitcast %parallel_loop3A_949 : vector<16xi32> -> vector<16xf32>
        %parallel_loop3A_951 = arith.constant 16 : i32
        %parallel_loop3A_952 = vector.broadcast %parallel_loop3A_951 : i32 to vector<16xi32>
        %parallel_loop3A_953 = arith.shli %parallel_loop3A_920, %parallel_loop3A_952 : vector<16xi32>
        %parallel_loop3A_954 = tpu.bitcast %parallel_loop3A_953 : vector<16xi32> -> vector<16xf32>
        %parallel_loop3A_955 = arith.constant 16 : i32
        %parallel_loop3A_956 = vector.broadcast %parallel_loop3A_955 : i32 to vector<16xi32>
        %parallel_loop3A_957 = arith.shli %parallel_loop3A_926, %parallel_loop3A_956 : vector<16xi32>
        %parallel_loop3A_958 = tpu.bitcast %parallel_loop3A_957 : vector<16xi32> -> vector<16xf32>
        %parallel_loop3A_959 = arith.andi %parallel_loop3A_884, %broadcast_in_dim3A_15 : vector<16xi32>
        %parallel_loop3A_960 = tpu.bitcast %parallel_loop3A_959 : vector<16xi32> -> vector<16xf32>
        %parallel_loop3A_961 = arith.andi %parallel_loop3A_890, %broadcast_in_dim3A_15 : vector<16xi32>
        %parallel_loop3A_962 = tpu.bitcast %parallel_loop3A_961 : vector<16xi32> -> vector<16xf32>
        %parallel_loop3A_963 = arith.andi %parallel_loop3A_896, %broadcast_in_dim3A_15 : vector<16xi32>
        %parallel_loop3A_964 = tpu.bitcast %parallel_loop3A_963 : vector<16xi32> -> vector<16xf32>
        %parallel_loop3A_965 = arith.andi %parallel_loop3A_902, %broadcast_in_dim3A_15 : vector<16xi32>
        %parallel_loop3A_966 = tpu.bitcast %parallel_loop3A_965 : vector<16xi32> -> vector<16xf32>
        %parallel_loop3A_967 = arith.andi %parallel_loop3A_908, %broadcast_in_dim3A_15 : vector<16xi32>
        %parallel_loop3A_968 = tpu.bitcast %parallel_loop3A_967 : vector<16xi32> -> vector<16xf32>
        %parallel_loop3A_969 = arith.andi %parallel_loop3A_914, %broadcast_in_dim3A_15 : vector<16xi32>
        %parallel_loop3A_970 = tpu.bitcast %parallel_loop3A_969 : vector<16xi32> -> vector<16xf32>
        %parallel_loop3A_971 = arith.andi %parallel_loop3A_920, %broadcast_in_dim3A_15 : vector<16xi32>
        %parallel_loop3A_972 = tpu.bitcast %parallel_loop3A_971 : vector<16xi32> -> vector<16xf32>
        %parallel_loop3A_973 = arith.andi %parallel_loop3A_926, %broadcast_in_dim3A_15 : vector<16xi32>
        %parallel_loop3A_974 = tpu.bitcast %parallel_loop3A_973 : vector<16xi32> -> vector<16xf32>
        %parallel_loop3A_975 = arith.addf %parallel_loop3A_930, %parallel_loop3A_934 : vector<16xf32>
        %parallel_loop3A_976 = arith.addf %parallel_loop3A_938, %parallel_loop3A_942 : vector<16xf32>
        %parallel_loop3A_977 = arith.addf %parallel_loop3A_946, %parallel_loop3A_950 : vector<16xf32>
        %parallel_loop3A_978 = arith.addf %parallel_loop3A_954, %parallel_loop3A_958 : vector<16xf32>
        %parallel_loop3A_979 = arith.addf %parallel_loop3A_960, %parallel_loop3A_962 : vector<16xf32>
        %parallel_loop3A_980 = arith.addf %parallel_loop3A_964, %parallel_loop3A_966 : vector<16xf32>
        %parallel_loop3A_981 = arith.addf %parallel_loop3A_968, %parallel_loop3A_970 : vector<16xf32>
        %parallel_loop3A_982 = arith.addf %parallel_loop3A_972, %parallel_loop3A_974 : vector<16xf32>
        %parallel_loop3A_983 = arith.addf %parallel_loop3A_975, %parallel_loop3A_976 : vector<16xf32>
        %parallel_loop3A_984 = arith.addf %parallel_loop3A_977, %parallel_loop3A_978 : vector<16xf32>
        %parallel_loop3A_985 = arith.addf %parallel_loop3A_979, %parallel_loop3A_980 : vector<16xf32>
        %parallel_loop3A_986 = arith.addf %parallel_loop3A_981, %parallel_loop3A_982 : vector<16xf32>
        %parallel_loop3A_987 = arith.addf %parallel_loop3A_983, %parallel_loop3A_984 : vector<16xf32>
        %parallel_loop3A_988 = arith.addf %parallel_loop3A_985, %parallel_loop3A_986 : vector<16xf32>
        %parallel_loop3A_989 = arith.index_cast %parallel_loop3A_156 : i32 to index
        %parallel_loop3A_990 = arith.constant 192 : index
        %parallel_loop3A_991 = tpu.vector_load %arg8[%parallel_loop3A_989, %parallel_loop3A_990] {strides = array<i32>} : memref<32x256xf32, #tpu.memory_space<vmem>>, vector<1x16xf32>,
        %parallel_loop3A_992 = vector.shape_cast %parallel_loop3A_991 : vector<1x16xf32> to vector<16xf32>
        %parallel_loop3A_993 = vector.shape_cast %parallel_loop3A_987 : vector<16xf32> to vector<1x16xf32>
        tpu.vector_store %arg8[%parallel_loop3A_989, %parallel_loop3A_990], %parallel_loop3A_993 {strides = array<i32>} : memref<32x256xf32, #tpu.memory_space<vmem>>, vector<1x16xf32>,
        %parallel_loop3A_994 = arith.index_cast %parallel_loop3A_156 : i32 to index
        %parallel_loop3A_995 = arith.constant 208 : index
        %parallel_loop3A_996 = tpu.vector_load %arg8[%parallel_loop3A_994, %parallel_loop3A_995] {strides = array<i32>} : memref<32x256xf32, #tpu.memory_space<vmem>>, vector<1x16xf32>,
        %parallel_loop3A_997 = vector.shape_cast %parallel_loop3A_996 : vector<1x16xf32> to vector<16xf32>
        %parallel_loop3A_998 = vector.shape_cast %parallel_loop3A_988 : vector<16xf32> to vector<1x16xf32>
        tpu.vector_store %arg8[%parallel_loop3A_994, %parallel_loop3A_995], %parallel_loop3A_998 {strides = array<i32>} : memref<32x256xf32, #tpu.memory_space<vmem>>, vector<1x16xf32>,
        %parallel_loop3A_999 = arith.constant 0 : i32
        %parallel_loop3A_1000 = arith.addi %parallel_loop3A_158, %parallel_loop3A_999 : i32
        %parallel_loop3A_1001 = arith.index_cast %parallel_loop3A_1000 : i32 to index
        %parallel_loop3A_1002 = arith.constant 112 : index
        %parallel_loop3A_1003 = tpu.vector_load %arg6[%parallel_loop3A_1001, %parallel_loop3A_1002] {strides = array<i32>} : memref<256x128xi32, #tpu.memory_space<vmem>>, vector<1x16xi32>,
        %parallel_loop3A_1004 = vector.shape_cast %parallel_loop3A_1003 : vector<1x16xi32> to vector<16xi32>
        %parallel_loop3A_1005 = arith.constant 1 : i32
        %parallel_loop3A_1006 = arith.addi %parallel_loop3A_158, %parallel_loop3A_1005 : i32
        %parallel_loop3A_1007 = arith.index_cast %parallel_loop3A_1006 : i32 to index
        %parallel_loop3A_1008 = arith.constant 112 : index
        %parallel_loop3A_1009 = tpu.vector_load %arg6[%parallel_loop3A_1007, %parallel_loop3A_1008] {strides = array<i32>} : memref<256x128xi32, #tpu.memory_space<vmem>>, vector<1x16xi32>,
        %parallel_loop3A_1010 = vector.shape_cast %parallel_loop3A_1009 : vector<1x16xi32> to vector<16xi32>
        %parallel_loop3A_1011 = arith.constant 2 : i32
        %parallel_loop3A_1012 = arith.addi %parallel_loop3A_158, %parallel_loop3A_1011 : i32
        %parallel_loop3A_1013 = arith.index_cast %parallel_loop3A_1012 : i32 to index
        %parallel_loop3A_1014 = arith.constant 112 : index
        %parallel_loop3A_1015 = tpu.vector_load %arg6[%parallel_loop3A_1013, %parallel_loop3A_1014] {strides = array<i32>} : memref<256x128xi32, #tpu.memory_space<vmem>>, vector<1x16xi32>,
        %parallel_loop3A_1016 = vector.shape_cast %parallel_loop3A_1015 : vector<1x16xi32> to vector<16xi32>
        %parallel_loop3A_1017 = arith.constant 3 : i32
        %parallel_loop3A_1018 = arith.addi %parallel_loop3A_158, %parallel_loop3A_1017 : i32
        %parallel_loop3A_1019 = arith.index_cast %parallel_loop3A_1018 : i32 to index
        %parallel_loop3A_1020 = arith.constant 112 : index
        %parallel_loop3A_1021 = tpu.vector_load %arg6[%parallel_loop3A_1019, %parallel_loop3A_1020] {strides = array<i32>} : memref<256x128xi32, #tpu.memory_space<vmem>>, vector<1x16xi32>,
        %parallel_loop3A_1022 = vector.shape_cast %parallel_loop3A_1021 : vector<1x16xi32> to vector<16xi32>
        %parallel_loop3A_1023 = arith.constant 4 : i32
        %parallel_loop3A_1024 = arith.addi %parallel_loop3A_158, %parallel_loop3A_1023 : i32
        %parallel_loop3A_1025 = arith.index_cast %parallel_loop3A_1024 : i32 to index
        %parallel_loop3A_1026 = arith.constant 112 : index
        %parallel_loop3A_1027 = tpu.vector_load %arg6[%parallel_loop3A_1025, %parallel_loop3A_1026] {strides = array<i32>} : memref<256x128xi32, #tpu.memory_space<vmem>>, vector<1x16xi32>,
        %parallel_loop3A_1028 = vector.shape_cast %parallel_loop3A_1027 : vector<1x16xi32> to vector<16xi32>
        %parallel_loop3A_1029 = arith.constant 5 : i32
        %parallel_loop3A_1030 = arith.addi %parallel_loop3A_158, %parallel_loop3A_1029 : i32
        %parallel_loop3A_1031 = arith.index_cast %parallel_loop3A_1030 : i32 to index
        %parallel_loop3A_1032 = arith.constant 112 : index
        %parallel_loop3A_1033 = tpu.vector_load %arg6[%parallel_loop3A_1031, %parallel_loop3A_1032] {strides = array<i32>} : memref<256x128xi32, #tpu.memory_space<vmem>>, vector<1x16xi32>,
        %parallel_loop3A_1034 = vector.shape_cast %parallel_loop3A_1033 : vector<1x16xi32> to vector<16xi32>
        %parallel_loop3A_1035 = arith.constant 6 : i32
        %parallel_loop3A_1036 = arith.addi %parallel_loop3A_158, %parallel_loop3A_1035 : i32
        %parallel_loop3A_1037 = arith.index_cast %parallel_loop3A_1036 : i32 to index
        %parallel_loop3A_1038 = arith.constant 112 : index
        %parallel_loop3A_1039 = tpu.vector_load %arg6[%parallel_loop3A_1037, %parallel_loop3A_1038] {strides = array<i32>} : memref<256x128xi32, #tpu.memory_space<vmem>>, vector<1x16xi32>,
        %parallel_loop3A_1040 = vector.shape_cast %parallel_loop3A_1039 : vector<1x16xi32> to vector<16xi32>
        %parallel_loop3A_1041 = arith.constant 7 : i32
        %parallel_loop3A_1042 = arith.addi %parallel_loop3A_158, %parallel_loop3A_1041 : i32
        %parallel_loop3A_1043 = arith.index_cast %parallel_loop3A_1042 : i32 to index
        %parallel_loop3A_1044 = arith.constant 112 : index
        %parallel_loop3A_1045 = tpu.vector_load %arg6[%parallel_loop3A_1043, %parallel_loop3A_1044] {strides = array<i32>} : memref<256x128xi32, #tpu.memory_space<vmem>>, vector<1x16xi32>,
        %parallel_loop3A_1046 = vector.shape_cast %parallel_loop3A_1045 : vector<1x16xi32> to vector<16xi32>
        %parallel_loop3A_1047 = arith.constant 16 : i32
        %parallel_loop3A_1048 = vector.broadcast %parallel_loop3A_1047 : i32 to vector<16xi32>
        %parallel_loop3A_1049 = arith.shli %parallel_loop3A_1004, %parallel_loop3A_1048 : vector<16xi32>
        %parallel_loop3A_1050 = tpu.bitcast %parallel_loop3A_1049 : vector<16xi32> -> vector<16xf32>
        %parallel_loop3A_1051 = arith.constant 16 : i32
        %parallel_loop3A_1052 = vector.broadcast %parallel_loop3A_1051 : i32 to vector<16xi32>
        %parallel_loop3A_1053 = arith.shli %parallel_loop3A_1010, %parallel_loop3A_1052 : vector<16xi32>
        %parallel_loop3A_1054 = tpu.bitcast %parallel_loop3A_1053 : vector<16xi32> -> vector<16xf32>
        %parallel_loop3A_1055 = arith.constant 16 : i32
        %parallel_loop3A_1056 = vector.broadcast %parallel_loop3A_1055 : i32 to vector<16xi32>
        %parallel_loop3A_1057 = arith.shli %parallel_loop3A_1016, %parallel_loop3A_1056 : vector<16xi32>
        %parallel_loop3A_1058 = tpu.bitcast %parallel_loop3A_1057 : vector<16xi32> -> vector<16xf32>
        %parallel_loop3A_1059 = arith.constant 16 : i32
        %parallel_loop3A_1060 = vector.broadcast %parallel_loop3A_1059 : i32 to vector<16xi32>
        %parallel_loop3A_1061 = arith.shli %parallel_loop3A_1022, %parallel_loop3A_1060 : vector<16xi32>
        %parallel_loop3A_1062 = tpu.bitcast %parallel_loop3A_1061 : vector<16xi32> -> vector<16xf32>
        %parallel_loop3A_1063 = arith.constant 16 : i32
        %parallel_loop3A_1064 = vector.broadcast %parallel_loop3A_1063 : i32 to vector<16xi32>
        %parallel_loop3A_1065 = arith.shli %parallel_loop3A_1028, %parallel_loop3A_1064 : vector<16xi32>
        %parallel_loop3A_1066 = tpu.bitcast %parallel_loop3A_1065 : vector<16xi32> -> vector<16xf32>
        %parallel_loop3A_1067 = arith.constant 16 : i32
        %parallel_loop3A_1068 = vector.broadcast %parallel_loop3A_1067 : i32 to vector<16xi32>
        %parallel_loop3A_1069 = arith.shli %parallel_loop3A_1034, %parallel_loop3A_1068 : vector<16xi32>
        %parallel_loop3A_1070 = tpu.bitcast %parallel_loop3A_1069 : vector<16xi32> -> vector<16xf32>
        %parallel_loop3A_1071 = arith.constant 16 : i32
        %parallel_loop3A_1072 = vector.broadcast %parallel_loop3A_1071 : i32 to vector<16xi32>
        %parallel_loop3A_1073 = arith.shli %parallel_loop3A_1040, %parallel_loop3A_1072 : vector<16xi32>
        %parallel_loop3A_1074 = tpu.bitcast %parallel_loop3A_1073 : vector<16xi32> -> vector<16xf32>
        %parallel_loop3A_1075 = arith.constant 16 : i32
        %parallel_loop3A_1076 = vector.broadcast %parallel_loop3A_1075 : i32 to vector<16xi32>
        %parallel_loop3A_1077 = arith.shli %parallel_loop3A_1046, %parallel_loop3A_1076 : vector<16xi32>
        %parallel_loop3A_1078 = tpu.bitcast %parallel_loop3A_1077 : vector<16xi32> -> vector<16xf32>
        %parallel_loop3A_1079 = arith.andi %parallel_loop3A_1004, %broadcast_in_dim3A_15 : vector<16xi32>
        %parallel_loop3A_1080 = tpu.bitcast %parallel_loop3A_1079 : vector<16xi32> -> vector<16xf32>
        %parallel_loop3A_1081 = arith.andi %parallel_loop3A_1010, %broadcast_in_dim3A_15 : vector<16xi32>
        %parallel_loop3A_1082 = tpu.bitcast %parallel_loop3A_1081 : vector<16xi32> -> vector<16xf32>
        %parallel_loop3A_1083 = arith.andi %parallel_loop3A_1016, %broadcast_in_dim3A_15 : vector<16xi32>
        %parallel_loop3A_1084 = tpu.bitcast %parallel_loop3A_1083 : vector<16xi32> -> vector<16xf32>
        %parallel_loop3A_1085 = arith.andi %parallel_loop3A_1022, %broadcast_in_dim3A_15 : vector<16xi32>
        %parallel_loop3A_1086 = tpu.bitcast %parallel_loop3A_1085 : vector<16xi32> -> vector<16xf32>
        %parallel_loop3A_1087 = arith.andi %parallel_loop3A_1028, %broadcast_in_dim3A_15 : vector<16xi32>
        %parallel_loop3A_1088 = tpu.bitcast %parallel_loop3A_1087 : vector<16xi32> -> vector<16xf32>
        %parallel_loop3A_1089 = arith.andi %parallel_loop3A_1034, %broadcast_in_dim3A_15 : vector<16xi32>
        %parallel_loop3A_1090 = tpu.bitcast %parallel_loop3A_1089 : vector<16xi32> -> vector<16xf32>
        %parallel_loop3A_1091 = arith.andi %parallel_loop3A_1040, %broadcast_in_dim3A_15 : vector<16xi32>
        %parallel_loop3A_1092 = tpu.bitcast %parallel_loop3A_1091 : vector<16xi32> -> vector<16xf32>
        %parallel_loop3A_1093 = arith.andi %parallel_loop3A_1046, %broadcast_in_dim3A_15 : vector<16xi32>
        %parallel_loop3A_1094 = tpu.bitcast %parallel_loop3A_1093 : vector<16xi32> -> vector<16xf32>
        %parallel_loop3A_1095 = arith.addf %parallel_loop3A_1050, %parallel_loop3A_1054 : vector<16xf32>
        %parallel_loop3A_1096 = arith.addf %parallel_loop3A_1058, %parallel_loop3A_1062 : vector<16xf32>
        %parallel_loop3A_1097 = arith.addf %parallel_loop3A_1066, %parallel_loop3A_1070 : vector<16xf32>
        %parallel_loop3A_1098 = arith.addf %parallel_loop3A_1074, %parallel_loop3A_1078 : vector<16xf32>
        %parallel_loop3A_1099 = arith.addf %parallel_loop3A_1080, %parallel_loop3A_1082 : vector<16xf32>
        %parallel_loop3A_1100 = arith.addf %parallel_loop3A_1084, %parallel_loop3A_1086 : vector<16xf32>
        %parallel_loop3A_1101 = arith.addf %parallel_loop3A_1088, %parallel_loop3A_1090 : vector<16xf32>
        %parallel_loop3A_1102 = arith.addf %parallel_loop3A_1092, %parallel_loop3A_1094 : vector<16xf32>
        %parallel_loop3A_1103 = arith.addf %parallel_loop3A_1095, %parallel_loop3A_1096 : vector<16xf32>
        %parallel_loop3A_1104 = arith.addf %parallel_loop3A_1097, %parallel_loop3A_1098 : vector<16xf32>
        %parallel_loop3A_1105 = arith.addf %parallel_loop3A_1099, %parallel_loop3A_1100 : vector<16xf32>
        %parallel_loop3A_1106 = arith.addf %parallel_loop3A_1101, %parallel_loop3A_1102 : vector<16xf32>
        %parallel_loop3A_1107 = arith.addf %parallel_loop3A_1103, %parallel_loop3A_1104 : vector<16xf32>
        %parallel_loop3A_1108 = arith.addf %parallel_loop3A_1105, %parallel_loop3A_1106 : vector<16xf32>
        %parallel_loop3A_1109 = arith.index_cast %parallel_loop3A_156 : i32 to index
        %parallel_loop3A_1110 = arith.constant 224 : index
        %parallel_loop3A_1111 = tpu.vector_load %arg8[%parallel_loop3A_1109, %parallel_loop3A_1110] {strides = array<i32>} : memref<32x256xf32, #tpu.memory_space<vmem>>, vector<1x16xf32>,
        %parallel_loop3A_1112 = vector.shape_cast %parallel_loop3A_1111 : vector<1x16xf32> to vector<16xf32>
        %parallel_loop3A_1113 = vector.shape_cast %parallel_loop3A_1107 : vector<16xf32> to vector<1x16xf32>
        tpu.vector_store %arg8[%parallel_loop3A_1109, %parallel_loop3A_1110], %parallel_loop3A_1113 {strides = array<i32>} : memref<32x256xf32, #tpu.memory_space<vmem>>, vector<1x16xf32>,
        %parallel_loop3A_1114 = arith.index_cast %parallel_loop3A_156 : i32 to index
        %parallel_loop3A_1115 = arith.constant 240 : index
        %parallel_loop3A_1116 = tpu.vector_load %arg8[%parallel_loop3A_1114, %parallel_loop3A_1115] {strides = array<i32>} : memref<32x256xf32, #tpu.memory_space<vmem>>, vector<1x16xf32>,
        %parallel_loop3A_1117 = vector.shape_cast %parallel_loop3A_1116 : vector<1x16xf32> to vector<16xf32>
        %parallel_loop3A_1118 = vector.shape_cast %parallel_loop3A_1108 : vector<16xf32> to vector<1x16xf32>
        tpu.vector_store %arg8[%parallel_loop3A_1114, %parallel_loop3A_1115], %parallel_loop3A_1118 {strides = array<i32>} : memref<32x256xf32, #tpu.memory_space<vmem>>, vector<1x16xf32>,
      } {sc.loop_unroll_factor = 2 : i64, sc.parallel_access}
      %mul3A_95 = arith.constant 32 : i32
      %mul3A_96 = arith.muli %add3A_68, %mul3A_95 : i32
      %add3A_97 = arith.addi %mul3A_2, %mul3A_96 : i32
      %dma_start3A_98 = arith.constant 0 : i32
      %dma_start3A_99 = tpu.memref_slice %arg4[%add3A_97, %dma_start3A_98] : memref<32768x256xf32, #tpu.memory_space<hbm>> -> memref<32x256xf32, #tpu.memory_space<hbm>>
      %dma_start3A_100 = arith.constant 0 : i32
      %dma_start3A_101 = tpu.memref_slice %arg4[%add3A_97, %dma_start3A_100] : memref<32768x256xf32, #tpu.memory_space<hbm>> -> memref<32x256xf32, #tpu.memory_space<hbm>>
      tpu.enqueue_dma source(%arg8 : memref<32x256xf32, #tpu.memory_space<vmem>>) target(%dma_start3A_101 : memref<32x256xf32, #tpu.memory_space<hbm>>) target_semaphore(%arg12 : memref<!tpu.dma_semaphore, #tpu.memory_space<semaphore_mem>>)
      %add3A_102 = arith.constant 2 : i32
      %add3A_103 = arith.addi %add3A_68, %add3A_102 : i32
      %lt3A = arith.constant 32 : i32
      %lt3A_104 = arith.cmpi slt, %add3A_103, %lt3A : i32
      %convert_element_type3A_105 = arith.extui %lt3A_104 : i1 to i32
      %cond3A_106 = arith.constant 0 : i32
      %cond3A_107 = arith.cmpi ne, %convert_element_type3A_105, %cond3A_106 : i32
      scf.if %cond3A_107 {
        %add3A_156 = arith.constant 2 : i32
        %add3A_157 = arith.addi %add3A_68, %add3A_156 : i32
        %mul3A_158 = arith.constant 256 : i32
        %mul3A_159 = arith.muli %add3A_157, %mul3A_158 : i32
        %add3A_160 = arith.constant 0 : i32
        %add3A_161 = arith.addi %mul3A_159, %add3A_160 : i32
        %dma_start3A_162 = arith.constant 0 : i32
        %dma_start3A_163 = arith.constant 0 : i32
        %dma_start3A_164 = tpu.memref_slice %arg6[%dma_start3A_162, %dma_start3A_163] : memref<256x128xi32, #tpu.memory_space<vmem>> -> memref<128x128xi32, #tpu.memory_space<vmem>>
        %dma_start3A_165 = tpu.memref_slice %arg5[%add3A_161] : memref<8192xi32, #tpu.memory_space<vmem>> -> memref<128xi32, #tpu.memory_space<vmem>>
        %dma_start3A_166 = arith.constant 0 : i32
        %dma_start3A_167 = arith.constant 0 : i32
        %dma_start3A_168 = tpu.memref_slice %arg2[%dma_start3A_166, %dma_start3A_167] : memref<8200x128xi32, #tpu.memory_space<hbm>> -> memref<8200x128xi32, #tpu.memory_space<hbm>>
        tpu.enqueue_indirect_dma source(%dma_start3A_168 : memref<8200x128xi32, #tpu.memory_space<hbm>>) target(%dma_start3A_164 : memref<128x128xi32, #tpu.memory_space<vmem>>) offsets(%dma_start3A_165 : memref<128xi32, #tpu.memory_space<vmem>>) semaphore(%arg10 : memref<!tpu.dma_semaphore, #tpu.memory_space<semaphore_mem>>)
        %mul3A_169 = arith.constant 256 : i32
        %mul3A_170 = arith.muli %add3A_157, %mul3A_169 : i32
        %add3A_171 = arith.constant 128 : i32
        %add3A_172 = arith.addi %mul3A_170, %add3A_171 : i32
        %dma_start3A_173 = arith.constant 128 : i32
        %dma_start3A_174 = arith.constant 0 : i32
        %dma_start3A_175 = tpu.memref_slice %arg6[%dma_start3A_173, %dma_start3A_174] : memref<256x128xi32, #tpu.memory_space<vmem>> -> memref<128x128xi32, #tpu.memory_space<vmem>>
        %dma_start3A_176 = tpu.memref_slice %arg5[%add3A_172] : memref<8192xi32, #tpu.memory_space<vmem>> -> memref<128xi32, #tpu.memory_space<vmem>>
        %dma_start3A_177 = arith.constant 0 : i32
        %dma_start3A_178 = arith.constant 0 : i32
        %dma_start3A_179 = tpu.memref_slice %arg2[%dma_start3A_177, %dma_start3A_178] : memref<8200x128xi32, #tpu.memory_space<hbm>> -> memref<8200x128xi32, #tpu.memory_space<hbm>>
        tpu.enqueue_indirect_dma source(%dma_start3A_179 : memref<8200x128xi32, #tpu.memory_space<hbm>>) target(%dma_start3A_175 : memref<128x128xi32, #tpu.memory_space<vmem>>) offsets(%dma_start3A_176 : memref<128xi32, #tpu.memory_space<vmem>>) semaphore(%arg10 : memref<!tpu.dma_semaphore, #tpu.memory_space<semaphore_mem>>)
      } else {
      }
      %mul3A_108 = arith.constant 2 : i32
      %mul3A_109 = arith.muli %mul3A_108, %scan3A_64 : i32
      %add3A_110 = arith.constant 1 : i32
      %add3A_111 = arith.addi %mul3A_109, %add3A_110 : i32
      %mul3A_112 = arith.constant 256 : i32
      %mul3A_113 = arith.muli %add3A_111, %mul3A_112 : i32
      %add3A_114 = arith.constant 0 : i32
      %add3A_115 = arith.addi %mul3A_113, %add3A_114 : i32
      %dma_wait3A_116 = arith.constant 0 : i32
      %dma_wait3A_117 = arith.constant 0 : i32
      %dma_wait3A_118 = tpu.memref_slice %arg7[%dma_wait3A_116, %dma_wait3A_117] : memref<256x128xi32, #tpu.memory_space<vmem>> -> memref<128x128xi32, #tpu.memory_space<vmem>>
      %dma_wait3A_119 = tpu.memref_slice %arg5[%add3A_115] : memref<8192xi32, #tpu.memory_space<vmem>> -> memref<128xi32, #tpu.memory_space<vmem>>
      %dma_wait3A_120 = arith.constant 0 : i32
      %dma_wait3A_121 = arith.constant 0 : i32
      %dma_wait3A_122 = tpu.memref_slice %arg2[%dma_wait3A_120, %dma_wait3A_121] : memref<8200x128xi32, #tpu.memory_space<hbm>> -> memref<8200x128xi32, #tpu.memory_space<hbm>>
      tpu.wait_indirect_dma semaphore(%arg11 : memref<!tpu.dma_semaphore, #tpu.memory_space<semaphore_mem>>) src(%dma_wait3A_122 : memref<8200x128xi32, #tpu.memory_space<hbm>>) dst(%dma_wait3A_118 : memref<128x128xi32, #tpu.memory_space<vmem>>)
      %mul3A_123 = arith.constant 256 : i32
      %mul3A_124 = arith.muli %add3A_111, %mul3A_123 : i32
      %add3A_125 = arith.constant 128 : i32
      %add3A_126 = arith.addi %mul3A_124, %add3A_125 : i32
      %dma_wait3A_127 = arith.constant 128 : i32
      %dma_wait3A_128 = arith.constant 0 : i32
      %dma_wait3A_129 = tpu.memref_slice %arg7[%dma_wait3A_127, %dma_wait3A_128] : memref<256x128xi32, #tpu.memory_space<vmem>> -> memref<128x128xi32, #tpu.memory_space<vmem>>
      %dma_wait3A_130 = tpu.memref_slice %arg5[%add3A_126] : memref<8192xi32, #tpu.memory_space<vmem>> -> memref<128xi32, #tpu.memory_space<vmem>>
      %dma_wait3A_131 = arith.constant 0 : i32
      %dma_wait3A_132 = arith.constant 0 : i32
      %dma_wait3A_133 = tpu.memref_slice %arg2[%dma_wait3A_131, %dma_wait3A_132] : memref<8200x128xi32, #tpu.memory_space<hbm>> -> memref<8200x128xi32, #tpu.memory_space<hbm>>
      tpu.wait_indirect_dma semaphore(%arg11 : memref<!tpu.dma_semaphore, #tpu.memory_space<semaphore_mem>>) src(%dma_wait3A_133 : memref<8200x128xi32, #tpu.memory_space<hbm>>) dst(%dma_wait3A_129 : memref<128x128xi32, #tpu.memory_space<vmem>>)
      %gt3A_134 = arith.constant 0 : i32
      %gt3A_135 = arith.cmpi sgt, %scan3A_64, %gt3A_134 : i32
      %convert_element_type3A_136 = arith.extui %gt3A_135 : i1 to i32
      %cond3A_137 = arith.constant 0 : i32
      %cond3A_138 = arith.cmpi ne, %convert_element_type3A_136, %cond3A_137 : i32
      scf.if %cond3A_138 {
        %sub3A = arith.constant 2 : i32
        %sub3A_156 = arith.subi %add3A_111, %sub3A : i32
        %mul3A_157 = arith.constant 32 : i32
        %mul3A_158 = arith.muli %sub3A_156, %mul3A_157 : i32
        %add3A_159 = arith.addi %mul3A_2, %mul3A_158 : i32
        %dma_wait3A_160 = arith.constant 0 : i32
        %dma_wait3A_161 = tpu.memref_slice %arg4[%add3A_159, %dma_wait3A_160] : memref<32768x256xf32, #tpu.memory_space<hbm>> -> memref<32x256xf32, #tpu.memory_space<hbm>>
        %dma_wait3A_162 = arith.constant 0 : i32
        %dma_wait3A_163 = tpu.memref_slice %arg4[%add3A_159, %dma_wait3A_162] : memref<32768x256xf32, #tpu.memory_space<hbm>> -> memref<32x256xf32, #tpu.memory_space<hbm>>
        tpu.wait_dma2 semaphore(%arg13 : memref<!tpu.dma_semaphore, #tpu.memory_space<semaphore_mem>>) src(%arg9 : memref<32x256xf32, #tpu.memory_space<vmem>>) dst(%dma_wait3A_163 : memref<32x256xf32, #tpu.memory_space<hbm>>)
      } else {
      }
      %parallel_loop3A_139 = arith.constant 0 : i32
      %parallel_loop3A_140 = arith.constant 32 : i32
      %parallel_loop3A_141 = arith.constant 1 : i32
      scf.for %parallel_loop3A_156 = %parallel_loop3A_139 to %parallel_loop3A_140 step %parallel_loop3A_141  : i32 {
        %parallel_loop3A_157 = arith.constant 8 : i32
        %parallel_loop3A_158 = arith.muli %parallel_loop3A_156, %parallel_loop3A_157 : i32
        %parallel_loop3A_159 = arith.constant 0 : i32
        %parallel_loop3A_160 = arith.addi %parallel_loop3A_158, %parallel_loop3A_159 : i32
        %parallel_loop3A_161 = arith.index_cast %parallel_loop3A_160 : i32 to index
        %parallel_loop3A_162 = arith.constant 0 : index
        %parallel_loop3A_163 = tpu.vector_load %arg7[%parallel_loop3A_161, %parallel_loop3A_162] {strides = array<i32>} : memref<256x128xi32, #tpu.memory_space<vmem>>, vector<1x16xi32>,
        %parallel_loop3A_164 = vector.shape_cast %parallel_loop3A_163 : vector<1x16xi32> to vector<16xi32>
        %parallel_loop3A_165 = arith.constant 1 : i32
        %parallel_loop3A_166 = arith.addi %parallel_loop3A_158, %parallel_loop3A_165 : i32
        %parallel_loop3A_167 = arith.index_cast %parallel_loop3A_166 : i32 to index
        %parallel_loop3A_168 = arith.constant 0 : index
        %parallel_loop3A_169 = tpu.vector_load %arg7[%parallel_loop3A_167, %parallel_loop3A_168] {strides = array<i32>} : memref<256x128xi32, #tpu.memory_space<vmem>>, vector<1x16xi32>,
        %parallel_loop3A_170 = vector.shape_cast %parallel_loop3A_169 : vector<1x16xi32> to vector<16xi32>
        %parallel_loop3A_171 = arith.constant 2 : i32
        %parallel_loop3A_172 = arith.addi %parallel_loop3A_158, %parallel_loop3A_171 : i32
        %parallel_loop3A_173 = arith.index_cast %parallel_loop3A_172 : i32 to index
        %parallel_loop3A_174 = arith.constant 0 : index
        %parallel_loop3A_175 = tpu.vector_load %arg7[%parallel_loop3A_173, %parallel_loop3A_174] {strides = array<i32>} : memref<256x128xi32, #tpu.memory_space<vmem>>, vector<1x16xi32>,
        %parallel_loop3A_176 = vector.shape_cast %parallel_loop3A_175 : vector<1x16xi32> to vector<16xi32>
        %parallel_loop3A_177 = arith.constant 3 : i32
        %parallel_loop3A_178 = arith.addi %parallel_loop3A_158, %parallel_loop3A_177 : i32
        %parallel_loop3A_179 = arith.index_cast %parallel_loop3A_178 : i32 to index
        %parallel_loop3A_180 = arith.constant 0 : index
        %parallel_loop3A_181 = tpu.vector_load %arg7[%parallel_loop3A_179, %parallel_loop3A_180] {strides = array<i32>} : memref<256x128xi32, #tpu.memory_space<vmem>>, vector<1x16xi32>,
        %parallel_loop3A_182 = vector.shape_cast %parallel_loop3A_181 : vector<1x16xi32> to vector<16xi32>
        %parallel_loop3A_183 = arith.constant 4 : i32
        %parallel_loop3A_184 = arith.addi %parallel_loop3A_158, %parallel_loop3A_183 : i32
        %parallel_loop3A_185 = arith.index_cast %parallel_loop3A_184 : i32 to index
        %parallel_loop3A_186 = arith.constant 0 : index
        %parallel_loop3A_187 = tpu.vector_load %arg7[%parallel_loop3A_185, %parallel_loop3A_186] {strides = array<i32>} : memref<256x128xi32, #tpu.memory_space<vmem>>, vector<1x16xi32>,
        %parallel_loop3A_188 = vector.shape_cast %parallel_loop3A_187 : vector<1x16xi32> to vector<16xi32>
        %parallel_loop3A_189 = arith.constant 5 : i32
        %parallel_loop3A_190 = arith.addi %parallel_loop3A_158, %parallel_loop3A_189 : i32
        %parallel_loop3A_191 = arith.index_cast %parallel_loop3A_190 : i32 to index
        %parallel_loop3A_192 = arith.constant 0 : index
        %parallel_loop3A_193 = tpu.vector_load %arg7[%parallel_loop3A_191, %parallel_loop3A_192] {strides = array<i32>} : memref<256x128xi32, #tpu.memory_space<vmem>>, vector<1x16xi32>,
        %parallel_loop3A_194 = vector.shape_cast %parallel_loop3A_193 : vector<1x16xi32> to vector<16xi32>
        %parallel_loop3A_195 = arith.constant 6 : i32
        %parallel_loop3A_196 = arith.addi %parallel_loop3A_158, %parallel_loop3A_195 : i32
        %parallel_loop3A_197 = arith.index_cast %parallel_loop3A_196 : i32 to index
        %parallel_loop3A_198 = arith.constant 0 : index
        %parallel_loop3A_199 = tpu.vector_load %arg7[%parallel_loop3A_197, %parallel_loop3A_198] {strides = array<i32>} : memref<256x128xi32, #tpu.memory_space<vmem>>, vector<1x16xi32>,
        %parallel_loop3A_200 = vector.shape_cast %parallel_loop3A_199 : vector<1x16xi32> to vector<16xi32>
        %parallel_loop3A_201 = arith.constant 7 : i32
        %parallel_loop3A_202 = arith.addi %parallel_loop3A_158, %parallel_loop3A_201 : i32
        %parallel_loop3A_203 = arith.index_cast %parallel_loop3A_202 : i32 to index
        %parallel_loop3A_204 = arith.constant 0 : index
        %parallel_loop3A_205 = tpu.vector_load %arg7[%parallel_loop3A_203, %parallel_loop3A_204] {strides = array<i32>} : memref<256x128xi32, #tpu.memory_space<vmem>>, vector<1x16xi32>,
        %parallel_loop3A_206 = vector.shape_cast %parallel_loop3A_205 : vector<1x16xi32> to vector<16xi32>
        %parallel_loop3A_207 = arith.constant 16 : i32
        %parallel_loop3A_208 = vector.broadcast %parallel_loop3A_207 : i32 to vector<16xi32>
        %parallel_loop3A_209 = arith.shli %parallel_loop3A_164, %parallel_loop3A_208 : vector<16xi32>
        %parallel_loop3A_210 = tpu.bitcast %parallel_loop3A_209 : vector<16xi32> -> vector<16xf32>
        %parallel_loop3A_211 = arith.constant 16 : i32
        %parallel_loop3A_212 = vector.broadcast %parallel_loop3A_211 : i32 to vector<16xi32>
        %parallel_loop3A_213 = arith.shli %parallel_loop3A_170, %parallel_loop3A_212 : vector<16xi32>
        %parallel_loop3A_214 = tpu.bitcast %parallel_loop3A_213 : vector<16xi32> -> vector<16xf32>
        %parallel_loop3A_215 = arith.constant 16 : i32
        %parallel_loop3A_216 = vector.broadcast %parallel_loop3A_215 : i32 to vector<16xi32>
        %parallel_loop3A_217 = arith.shli %parallel_loop3A_176, %parallel_loop3A_216 : vector<16xi32>
        %parallel_loop3A_218 = tpu.bitcast %parallel_loop3A_217 : vector<16xi32> -> vector<16xf32>
        %parallel_loop3A_219 = arith.constant 16 : i32
        %parallel_loop3A_220 = vector.broadcast %parallel_loop3A_219 : i32 to vector<16xi32>
        %parallel_loop3A_221 = arith.shli %parallel_loop3A_182, %parallel_loop3A_220 : vector<16xi32>
        %parallel_loop3A_222 = tpu.bitcast %parallel_loop3A_221 : vector<16xi32> -> vector<16xf32>
        %parallel_loop3A_223 = arith.constant 16 : i32
        %parallel_loop3A_224 = vector.broadcast %parallel_loop3A_223 : i32 to vector<16xi32>
        %parallel_loop3A_225 = arith.shli %parallel_loop3A_188, %parallel_loop3A_224 : vector<16xi32>
        %parallel_loop3A_226 = tpu.bitcast %parallel_loop3A_225 : vector<16xi32> -> vector<16xf32>
        %parallel_loop3A_227 = arith.constant 16 : i32
        %parallel_loop3A_228 = vector.broadcast %parallel_loop3A_227 : i32 to vector<16xi32>
        %parallel_loop3A_229 = arith.shli %parallel_loop3A_194, %parallel_loop3A_228 : vector<16xi32>
        %parallel_loop3A_230 = tpu.bitcast %parallel_loop3A_229 : vector<16xi32> -> vector<16xf32>
        %parallel_loop3A_231 = arith.constant 16 : i32
        %parallel_loop3A_232 = vector.broadcast %parallel_loop3A_231 : i32 to vector<16xi32>
        %parallel_loop3A_233 = arith.shli %parallel_loop3A_200, %parallel_loop3A_232 : vector<16xi32>
        %parallel_loop3A_234 = tpu.bitcast %parallel_loop3A_233 : vector<16xi32> -> vector<16xf32>
        %parallel_loop3A_235 = arith.constant 16 : i32
        %parallel_loop3A_236 = vector.broadcast %parallel_loop3A_235 : i32 to vector<16xi32>
        %parallel_loop3A_237 = arith.shli %parallel_loop3A_206, %parallel_loop3A_236 : vector<16xi32>
        %parallel_loop3A_238 = tpu.bitcast %parallel_loop3A_237 : vector<16xi32> -> vector<16xf32>
        %parallel_loop3A_239 = arith.andi %parallel_loop3A_164, %broadcast_in_dim3A_15 : vector<16xi32>
        %parallel_loop3A_240 = tpu.bitcast %parallel_loop3A_239 : vector<16xi32> -> vector<16xf32>
        %parallel_loop3A_241 = arith.andi %parallel_loop3A_170, %broadcast_in_dim3A_15 : vector<16xi32>
        %parallel_loop3A_242 = tpu.bitcast %parallel_loop3A_241 : vector<16xi32> -> vector<16xf32>
        %parallel_loop3A_243 = arith.andi %parallel_loop3A_176, %broadcast_in_dim3A_15 : vector<16xi32>
        %parallel_loop3A_244 = tpu.bitcast %parallel_loop3A_243 : vector<16xi32> -> vector<16xf32>
        %parallel_loop3A_245 = arith.andi %parallel_loop3A_182, %broadcast_in_dim3A_15 : vector<16xi32>
        %parallel_loop3A_246 = tpu.bitcast %parallel_loop3A_245 : vector<16xi32> -> vector<16xf32>
        %parallel_loop3A_247 = arith.andi %parallel_loop3A_188, %broadcast_in_dim3A_15 : vector<16xi32>
        %parallel_loop3A_248 = tpu.bitcast %parallel_loop3A_247 : vector<16xi32> -> vector<16xf32>
        %parallel_loop3A_249 = arith.andi %parallel_loop3A_194, %broadcast_in_dim3A_15 : vector<16xi32>
        %parallel_loop3A_250 = tpu.bitcast %parallel_loop3A_249 : vector<16xi32> -> vector<16xf32>
        %parallel_loop3A_251 = arith.andi %parallel_loop3A_200, %broadcast_in_dim3A_15 : vector<16xi32>
        %parallel_loop3A_252 = tpu.bitcast %parallel_loop3A_251 : vector<16xi32> -> vector<16xf32>
        %parallel_loop3A_253 = arith.andi %parallel_loop3A_206, %broadcast_in_dim3A_15 : vector<16xi32>
        %parallel_loop3A_254 = tpu.bitcast %parallel_loop3A_253 : vector<16xi32> -> vector<16xf32>
        %parallel_loop3A_255 = arith.addf %parallel_loop3A_210, %parallel_loop3A_214 : vector<16xf32>
        %parallel_loop3A_256 = arith.addf %parallel_loop3A_218, %parallel_loop3A_222 : vector<16xf32>
        %parallel_loop3A_257 = arith.addf %parallel_loop3A_226, %parallel_loop3A_230 : vector<16xf32>
        %parallel_loop3A_258 = arith.addf %parallel_loop3A_234, %parallel_loop3A_238 : vector<16xf32>
        %parallel_loop3A_259 = arith.addf %parallel_loop3A_240, %parallel_loop3A_242 : vector<16xf32>
        %parallel_loop3A_260 = arith.addf %parallel_loop3A_244, %parallel_loop3A_246 : vector<16xf32>
        %parallel_loop3A_261 = arith.addf %parallel_loop3A_248, %parallel_loop3A_250 : vector<16xf32>
        %parallel_loop3A_262 = arith.addf %parallel_loop3A_252, %parallel_loop3A_254 : vector<16xf32>
        %parallel_loop3A_263 = arith.addf %parallel_loop3A_255, %parallel_loop3A_256 : vector<16xf32>
        %parallel_loop3A_264 = arith.addf %parallel_loop3A_257, %parallel_loop3A_258 : vector<16xf32>
        %parallel_loop3A_265 = arith.addf %parallel_loop3A_259, %parallel_loop3A_260 : vector<16xf32>
        %parallel_loop3A_266 = arith.addf %parallel_loop3A_261, %parallel_loop3A_262 : vector<16xf32>
        %parallel_loop3A_267 = arith.addf %parallel_loop3A_263, %parallel_loop3A_264 : vector<16xf32>
        %parallel_loop3A_268 = arith.addf %parallel_loop3A_265, %parallel_loop3A_266 : vector<16xf32>
        %parallel_loop3A_269 = arith.index_cast %parallel_loop3A_156 : i32 to index
        %parallel_loop3A_270 = arith.constant 0 : index
        %parallel_loop3A_271 = tpu.vector_load %arg9[%parallel_loop3A_269, %parallel_loop3A_270] {strides = array<i32>} : memref<32x256xf32, #tpu.memory_space<vmem>>, vector<1x16xf32>,
        %parallel_loop3A_272 = vector.shape_cast %parallel_loop3A_271 : vector<1x16xf32> to vector<16xf32>
        %parallel_loop3A_273 = vector.shape_cast %parallel_loop3A_267 : vector<16xf32> to vector<1x16xf32>
        tpu.vector_store %arg9[%parallel_loop3A_269, %parallel_loop3A_270], %parallel_loop3A_273 {strides = array<i32>} : memref<32x256xf32, #tpu.memory_space<vmem>>, vector<1x16xf32>,
        %parallel_loop3A_274 = arith.index_cast %parallel_loop3A_156 : i32 to index
        %parallel_loop3A_275 = arith.constant 16 : index
        %parallel_loop3A_276 = tpu.vector_load %arg9[%parallel_loop3A_274, %parallel_loop3A_275] {strides = array<i32>} : memref<32x256xf32, #tpu.memory_space<vmem>>, vector<1x16xf32>,
        %parallel_loop3A_277 = vector.shape_cast %parallel_loop3A_276 : vector<1x16xf32> to vector<16xf32>
        %parallel_loop3A_278 = vector.shape_cast %parallel_loop3A_268 : vector<16xf32> to vector<1x16xf32>
        tpu.vector_store %arg9[%parallel_loop3A_274, %parallel_loop3A_275], %parallel_loop3A_278 {strides = array<i32>} : memref<32x256xf32, #tpu.memory_space<vmem>>, vector<1x16xf32>,
        %parallel_loop3A_279 = arith.constant 0 : i32
        %parallel_loop3A_280 = arith.addi %parallel_loop3A_158, %parallel_loop3A_279 : i32
        %parallel_loop3A_281 = arith.index_cast %parallel_loop3A_280 : i32 to index
        %parallel_loop3A_282 = arith.constant 16 : index
        %parallel_loop3A_283 = tpu.vector_load %arg7[%parallel_loop3A_281, %parallel_loop3A_282] {strides = array<i32>} : memref<256x128xi32, #tpu.memory_space<vmem>>, vector<1x16xi32>,
        %parallel_loop3A_284 = vector.shape_cast %parallel_loop3A_283 : vector<1x16xi32> to vector<16xi32>
        %parallel_loop3A_285 = arith.constant 1 : i32
        %parallel_loop3A_286 = arith.addi %parallel_loop3A_158, %parallel_loop3A_285 : i32
        %parallel_loop3A_287 = arith.index_cast %parallel_loop3A_286 : i32 to index
        %parallel_loop3A_288 = arith.constant 16 : index
        %parallel_loop3A_289 = tpu.vector_load %arg7[%parallel_loop3A_287, %parallel_loop3A_288] {strides = array<i32>} : memref<256x128xi32, #tpu.memory_space<vmem>>, vector<1x16xi32>,
        %parallel_loop3A_290 = vector.shape_cast %parallel_loop3A_289 : vector<1x16xi32> to vector<16xi32>
        %parallel_loop3A_291 = arith.constant 2 : i32
        %parallel_loop3A_292 = arith.addi %parallel_loop3A_158, %parallel_loop3A_291 : i32
        %parallel_loop3A_293 = arith.index_cast %parallel_loop3A_292 : i32 to index
        %parallel_loop3A_294 = arith.constant 16 : index
        %parallel_loop3A_295 = tpu.vector_load %arg7[%parallel_loop3A_293, %parallel_loop3A_294] {strides = array<i32>} : memref<256x128xi32, #tpu.memory_space<vmem>>, vector<1x16xi32>,
        %parallel_loop3A_296 = vector.shape_cast %parallel_loop3A_295 : vector<1x16xi32> to vector<16xi32>
        %parallel_loop3A_297 = arith.constant 3 : i32
        %parallel_loop3A_298 = arith.addi %parallel_loop3A_158, %parallel_loop3A_297 : i32
        %parallel_loop3A_299 = arith.index_cast %parallel_loop3A_298 : i32 to index
        %parallel_loop3A_300 = arith.constant 16 : index
        %parallel_loop3A_301 = tpu.vector_load %arg7[%parallel_loop3A_299, %parallel_loop3A_300] {strides = array<i32>} : memref<256x128xi32, #tpu.memory_space<vmem>>, vector<1x16xi32>,
        %parallel_loop3A_302 = vector.shape_cast %parallel_loop3A_301 : vector<1x16xi32> to vector<16xi32>
        %parallel_loop3A_303 = arith.constant 4 : i32
        %parallel_loop3A_304 = arith.addi %parallel_loop3A_158, %parallel_loop3A_303 : i32
        %parallel_loop3A_305 = arith.index_cast %parallel_loop3A_304 : i32 to index
        %parallel_loop3A_306 = arith.constant 16 : index
        %parallel_loop3A_307 = tpu.vector_load %arg7[%parallel_loop3A_305, %parallel_loop3A_306] {strides = array<i32>} : memref<256x128xi32, #tpu.memory_space<vmem>>, vector<1x16xi32>,
        %parallel_loop3A_308 = vector.shape_cast %parallel_loop3A_307 : vector<1x16xi32> to vector<16xi32>
        %parallel_loop3A_309 = arith.constant 5 : i32
        %parallel_loop3A_310 = arith.addi %parallel_loop3A_158, %parallel_loop3A_309 : i32
        %parallel_loop3A_311 = arith.index_cast %parallel_loop3A_310 : i32 to index
        %parallel_loop3A_312 = arith.constant 16 : index
        %parallel_loop3A_313 = tpu.vector_load %arg7[%parallel_loop3A_311, %parallel_loop3A_312] {strides = array<i32>} : memref<256x128xi32, #tpu.memory_space<vmem>>, vector<1x16xi32>,
        %parallel_loop3A_314 = vector.shape_cast %parallel_loop3A_313 : vector<1x16xi32> to vector<16xi32>
        %parallel_loop3A_315 = arith.constant 6 : i32
        %parallel_loop3A_316 = arith.addi %parallel_loop3A_158, %parallel_loop3A_315 : i32
        %parallel_loop3A_317 = arith.index_cast %parallel_loop3A_316 : i32 to index
        %parallel_loop3A_318 = arith.constant 16 : index
        %parallel_loop3A_319 = tpu.vector_load %arg7[%parallel_loop3A_317, %parallel_loop3A_318] {strides = array<i32>} : memref<256x128xi32, #tpu.memory_space<vmem>>, vector<1x16xi32>,
        %parallel_loop3A_320 = vector.shape_cast %parallel_loop3A_319 : vector<1x16xi32> to vector<16xi32>
        %parallel_loop3A_321 = arith.constant 7 : i32
        %parallel_loop3A_322 = arith.addi %parallel_loop3A_158, %parallel_loop3A_321 : i32
        %parallel_loop3A_323 = arith.index_cast %parallel_loop3A_322 : i32 to index
        %parallel_loop3A_324 = arith.constant 16 : index
        %parallel_loop3A_325 = tpu.vector_load %arg7[%parallel_loop3A_323, %parallel_loop3A_324] {strides = array<i32>} : memref<256x128xi32, #tpu.memory_space<vmem>>, vector<1x16xi32>,
        %parallel_loop3A_326 = vector.shape_cast %parallel_loop3A_325 : vector<1x16xi32> to vector<16xi32>
        %parallel_loop3A_327 = arith.constant 16 : i32
        %parallel_loop3A_328 = vector.broadcast %parallel_loop3A_327 : i32 to vector<16xi32>
        %parallel_loop3A_329 = arith.shli %parallel_loop3A_284, %parallel_loop3A_328 : vector<16xi32>
        %parallel_loop3A_330 = tpu.bitcast %parallel_loop3A_329 : vector<16xi32> -> vector<16xf32>
        %parallel_loop3A_331 = arith.constant 16 : i32
        %parallel_loop3A_332 = vector.broadcast %parallel_loop3A_331 : i32 to vector<16xi32>
        %parallel_loop3A_333 = arith.shli %parallel_loop3A_290, %parallel_loop3A_332 : vector<16xi32>
        %parallel_loop3A_334 = tpu.bitcast %parallel_loop3A_333 : vector<16xi32> -> vector<16xf32>
        %parallel_loop3A_335 = arith.constant 16 : i32
        %parallel_loop3A_336 = vector.broadcast %parallel_loop3A_335 : i32 to vector<16xi32>
        %parallel_loop3A_337 = arith.shli %parallel_loop3A_296, %parallel_loop3A_336 : vector<16xi32>
        %parallel_loop3A_338 = tpu.bitcast %parallel_loop3A_337 : vector<16xi32> -> vector<16xf32>
        %parallel_loop3A_339 = arith.constant 16 : i32
        %parallel_loop3A_340 = vector.broadcast %parallel_loop3A_339 : i32 to vector<16xi32>
        %parallel_loop3A_341 = arith.shli %parallel_loop3A_302, %parallel_loop3A_340 : vector<16xi32>
        %parallel_loop3A_342 = tpu.bitcast %parallel_loop3A_341 : vector<16xi32> -> vector<16xf32>
        %parallel_loop3A_343 = arith.constant 16 : i32
        %parallel_loop3A_344 = vector.broadcast %parallel_loop3A_343 : i32 to vector<16xi32>
        %parallel_loop3A_345 = arith.shli %parallel_loop3A_308, %parallel_loop3A_344 : vector<16xi32>
        %parallel_loop3A_346 = tpu.bitcast %parallel_loop3A_345 : vector<16xi32> -> vector<16xf32>
        %parallel_loop3A_347 = arith.constant 16 : i32
        %parallel_loop3A_348 = vector.broadcast %parallel_loop3A_347 : i32 to vector<16xi32>
        %parallel_loop3A_349 = arith.shli %parallel_loop3A_314, %parallel_loop3A_348 : vector<16xi32>
        %parallel_loop3A_350 = tpu.bitcast %parallel_loop3A_349 : vector<16xi32> -> vector<16xf32>
        %parallel_loop3A_351 = arith.constant 16 : i32
        %parallel_loop3A_352 = vector.broadcast %parallel_loop3A_351 : i32 to vector<16xi32>
        %parallel_loop3A_353 = arith.shli %parallel_loop3A_320, %parallel_loop3A_352 : vector<16xi32>
        %parallel_loop3A_354 = tpu.bitcast %parallel_loop3A_353 : vector<16xi32> -> vector<16xf32>
        %parallel_loop3A_355 = arith.constant 16 : i32
        %parallel_loop3A_356 = vector.broadcast %parallel_loop3A_355 : i32 to vector<16xi32>
        %parallel_loop3A_357 = arith.shli %parallel_loop3A_326, %parallel_loop3A_356 : vector<16xi32>
        %parallel_loop3A_358 = tpu.bitcast %parallel_loop3A_357 : vector<16xi32> -> vector<16xf32>
        %parallel_loop3A_359 = arith.andi %parallel_loop3A_284, %broadcast_in_dim3A_15 : vector<16xi32>
        %parallel_loop3A_360 = tpu.bitcast %parallel_loop3A_359 : vector<16xi32> -> vector<16xf32>
        %parallel_loop3A_361 = arith.andi %parallel_loop3A_290, %broadcast_in_dim3A_15 : vector<16xi32>
        %parallel_loop3A_362 = tpu.bitcast %parallel_loop3A_361 : vector<16xi32> -> vector<16xf32>
        %parallel_loop3A_363 = arith.andi %parallel_loop3A_296, %broadcast_in_dim3A_15 : vector<16xi32>
        %parallel_loop3A_364 = tpu.bitcast %parallel_loop3A_363 : vector<16xi32> -> vector<16xf32>
        %parallel_loop3A_365 = arith.andi %parallel_loop3A_302, %broadcast_in_dim3A_15 : vector<16xi32>
        %parallel_loop3A_366 = tpu.bitcast %parallel_loop3A_365 : vector<16xi32> -> vector<16xf32>
        %parallel_loop3A_367 = arith.andi %parallel_loop3A_308, %broadcast_in_dim3A_15 : vector<16xi32>
        %parallel_loop3A_368 = tpu.bitcast %parallel_loop3A_367 : vector<16xi32> -> vector<16xf32>
        %parallel_loop3A_369 = arith.andi %parallel_loop3A_314, %broadcast_in_dim3A_15 : vector<16xi32>
        %parallel_loop3A_370 = tpu.bitcast %parallel_loop3A_369 : vector<16xi32> -> vector<16xf32>
        %parallel_loop3A_371 = arith.andi %parallel_loop3A_320, %broadcast_in_dim3A_15 : vector<16xi32>
        %parallel_loop3A_372 = tpu.bitcast %parallel_loop3A_371 : vector<16xi32> -> vector<16xf32>
        %parallel_loop3A_373 = arith.andi %parallel_loop3A_326, %broadcast_in_dim3A_15 : vector<16xi32>
        %parallel_loop3A_374 = tpu.bitcast %parallel_loop3A_373 : vector<16xi32> -> vector<16xf32>
        %parallel_loop3A_375 = arith.addf %parallel_loop3A_330, %parallel_loop3A_334 : vector<16xf32>
        %parallel_loop3A_376 = arith.addf %parallel_loop3A_338, %parallel_loop3A_342 : vector<16xf32>
        %parallel_loop3A_377 = arith.addf %parallel_loop3A_346, %parallel_loop3A_350 : vector<16xf32>
        %parallel_loop3A_378 = arith.addf %parallel_loop3A_354, %parallel_loop3A_358 : vector<16xf32>
        %parallel_loop3A_379 = arith.addf %parallel_loop3A_360, %parallel_loop3A_362 : vector<16xf32>
        %parallel_loop3A_380 = arith.addf %parallel_loop3A_364, %parallel_loop3A_366 : vector<16xf32>
        %parallel_loop3A_381 = arith.addf %parallel_loop3A_368, %parallel_loop3A_370 : vector<16xf32>
        %parallel_loop3A_382 = arith.addf %parallel_loop3A_372, %parallel_loop3A_374 : vector<16xf32>
        %parallel_loop3A_383 = arith.addf %parallel_loop3A_375, %parallel_loop3A_376 : vector<16xf32>
        %parallel_loop3A_384 = arith.addf %parallel_loop3A_377, %parallel_loop3A_378 : vector<16xf32>
        %parallel_loop3A_385 = arith.addf %parallel_loop3A_379, %parallel_loop3A_380 : vector<16xf32>
        %parallel_loop3A_386 = arith.addf %parallel_loop3A_381, %parallel_loop3A_382 : vector<16xf32>
        %parallel_loop3A_387 = arith.addf %parallel_loop3A_383, %parallel_loop3A_384 : vector<16xf32>
        %parallel_loop3A_388 = arith.addf %parallel_loop3A_385, %parallel_loop3A_386 : vector<16xf32>
        %parallel_loop3A_389 = arith.index_cast %parallel_loop3A_156 : i32 to index
        %parallel_loop3A_390 = arith.constant 32 : index
        %parallel_loop3A_391 = tpu.vector_load %arg9[%parallel_loop3A_389, %parallel_loop3A_390] {strides = array<i32>} : memref<32x256xf32, #tpu.memory_space<vmem>>, vector<1x16xf32>,
        %parallel_loop3A_392 = vector.shape_cast %parallel_loop3A_391 : vector<1x16xf32> to vector<16xf32>
        %parallel_loop3A_393 = vector.shape_cast %parallel_loop3A_387 : vector<16xf32> to vector<1x16xf32>
        tpu.vector_store %arg9[%parallel_loop3A_389, %parallel_loop3A_390], %parallel_loop3A_393 {strides = array<i32>} : memref<32x256xf32, #tpu.memory_space<vmem>>, vector<1x16xf32>,
        %parallel_loop3A_394 = arith.index_cast %parallel_loop3A_156 : i32 to index
        %parallel_loop3A_395 = arith.constant 48 : index
        %parallel_loop3A_396 = tpu.vector_load %arg9[%parallel_loop3A_394, %parallel_loop3A_395] {strides = array<i32>} : memref<32x256xf32, #tpu.memory_space<vmem>>, vector<1x16xf32>,
        %parallel_loop3A_397 = vector.shape_cast %parallel_loop3A_396 : vector<1x16xf32> to vector<16xf32>
        %parallel_loop3A_398 = vector.shape_cast %parallel_loop3A_388 : vector<16xf32> to vector<1x16xf32>
        tpu.vector_store %arg9[%parallel_loop3A_394, %parallel_loop3A_395], %parallel_loop3A_398 {strides = array<i32>} : memref<32x256xf32, #tpu.memory_space<vmem>>, vector<1x16xf32>,
        %parallel_loop3A_399 = arith.constant 0 : i32
        %parallel_loop3A_400 = arith.addi %parallel_loop3A_158, %parallel_loop3A_399 : i32
        %parallel_loop3A_401 = arith.index_cast %parallel_loop3A_400 : i32 to index
        %parallel_loop3A_402 = arith.constant 32 : index
        %parallel_loop3A_403 = tpu.vector_load %arg7[%parallel_loop3A_401, %parallel_loop3A_402] {strides = array<i32>} : memref<256x128xi32, #tpu.memory_space<vmem>>, vector<1x16xi32>,
        %parallel_loop3A_404 = vector.shape_cast %parallel_loop3A_403 : vector<1x16xi32> to vector<16xi32>
        %parallel_loop3A_405 = arith.constant 1 : i32
        %parallel_loop3A_406 = arith.addi %parallel_loop3A_158, %parallel_loop3A_405 : i32
        %parallel_loop3A_407 = arith.index_cast %parallel_loop3A_406 : i32 to index
        %parallel_loop3A_408 = arith.constant 32 : index
        %parallel_loop3A_409 = tpu.vector_load %arg7[%parallel_loop3A_407, %parallel_loop3A_408] {strides = array<i32>} : memref<256x128xi32, #tpu.memory_space<vmem>>, vector<1x16xi32>,
        %parallel_loop3A_410 = vector.shape_cast %parallel_loop3A_409 : vector<1x16xi32> to vector<16xi32>
        %parallel_loop3A_411 = arith.constant 2 : i32
        %parallel_loop3A_412 = arith.addi %parallel_loop3A_158, %parallel_loop3A_411 : i32
        %parallel_loop3A_413 = arith.index_cast %parallel_loop3A_412 : i32 to index
        %parallel_loop3A_414 = arith.constant 32 : index
        %parallel_loop3A_415 = tpu.vector_load %arg7[%parallel_loop3A_413, %parallel_loop3A_414] {strides = array<i32>} : memref<256x128xi32, #tpu.memory_space<vmem>>, vector<1x16xi32>,
        %parallel_loop3A_416 = vector.shape_cast %parallel_loop3A_415 : vector<1x16xi32> to vector<16xi32>
        %parallel_loop3A_417 = arith.constant 3 : i32
        %parallel_loop3A_418 = arith.addi %parallel_loop3A_158, %parallel_loop3A_417 : i32
        %parallel_loop3A_419 = arith.index_cast %parallel_loop3A_418 : i32 to index
        %parallel_loop3A_420 = arith.constant 32 : index
        %parallel_loop3A_421 = tpu.vector_load %arg7[%parallel_loop3A_419, %parallel_loop3A_420] {strides = array<i32>} : memref<256x128xi32, #tpu.memory_space<vmem>>, vector<1x16xi32>,
        %parallel_loop3A_422 = vector.shape_cast %parallel_loop3A_421 : vector<1x16xi32> to vector<16xi32>
        %parallel_loop3A_423 = arith.constant 4 : i32
        %parallel_loop3A_424 = arith.addi %parallel_loop3A_158, %parallel_loop3A_423 : i32
        %parallel_loop3A_425 = arith.index_cast %parallel_loop3A_424 : i32 to index
        %parallel_loop3A_426 = arith.constant 32 : index
        %parallel_loop3A_427 = tpu.vector_load %arg7[%parallel_loop3A_425, %parallel_loop3A_426] {strides = array<i32>} : memref<256x128xi32, #tpu.memory_space<vmem>>, vector<1x16xi32>,
        %parallel_loop3A_428 = vector.shape_cast %parallel_loop3A_427 : vector<1x16xi32> to vector<16xi32>
        %parallel_loop3A_429 = arith.constant 5 : i32
        %parallel_loop3A_430 = arith.addi %parallel_loop3A_158, %parallel_loop3A_429 : i32
        %parallel_loop3A_431 = arith.index_cast %parallel_loop3A_430 : i32 to index
        %parallel_loop3A_432 = arith.constant 32 : index
        %parallel_loop3A_433 = tpu.vector_load %arg7[%parallel_loop3A_431, %parallel_loop3A_432] {strides = array<i32>} : memref<256x128xi32, #tpu.memory_space<vmem>>, vector<1x16xi32>,
        %parallel_loop3A_434 = vector.shape_cast %parallel_loop3A_433 : vector<1x16xi32> to vector<16xi32>
        %parallel_loop3A_435 = arith.constant 6 : i32
        %parallel_loop3A_436 = arith.addi %parallel_loop3A_158, %parallel_loop3A_435 : i32
        %parallel_loop3A_437 = arith.index_cast %parallel_loop3A_436 : i32 to index
        %parallel_loop3A_438 = arith.constant 32 : index
        %parallel_loop3A_439 = tpu.vector_load %arg7[%parallel_loop3A_437, %parallel_loop3A_438] {strides = array<i32>} : memref<256x128xi32, #tpu.memory_space<vmem>>, vector<1x16xi32>,
        %parallel_loop3A_440 = vector.shape_cast %parallel_loop3A_439 : vector<1x16xi32> to vector<16xi32>
        %parallel_loop3A_441 = arith.constant 7 : i32
        %parallel_loop3A_442 = arith.addi %parallel_loop3A_158, %parallel_loop3A_441 : i32
        %parallel_loop3A_443 = arith.index_cast %parallel_loop3A_442 : i32 to index
        %parallel_loop3A_444 = arith.constant 32 : index
        %parallel_loop3A_445 = tpu.vector_load %arg7[%parallel_loop3A_443, %parallel_loop3A_444] {strides = array<i32>} : memref<256x128xi32, #tpu.memory_space<vmem>>, vector<1x16xi32>,
        %parallel_loop3A_446 = vector.shape_cast %parallel_loop3A_445 : vector<1x16xi32> to vector<16xi32>
        %parallel_loop3A_447 = arith.constant 16 : i32
        %parallel_loop3A_448 = vector.broadcast %parallel_loop3A_447 : i32 to vector<16xi32>
        %parallel_loop3A_449 = arith.shli %parallel_loop3A_404, %parallel_loop3A_448 : vector<16xi32>
        %parallel_loop3A_450 = tpu.bitcast %parallel_loop3A_449 : vector<16xi32> -> vector<16xf32>
        %parallel_loop3A_451 = arith.constant 16 : i32
        %parallel_loop3A_452 = vector.broadcast %parallel_loop3A_451 : i32 to vector<16xi32>
        %parallel_loop3A_453 = arith.shli %parallel_loop3A_410, %parallel_loop3A_452 : vector<16xi32>
        %parallel_loop3A_454 = tpu.bitcast %parallel_loop3A_453 : vector<16xi32> -> vector<16xf32>
        %parallel_loop3A_455 = arith.constant 16 : i32
        %parallel_loop3A_456 = vector.broadcast %parallel_loop3A_455 : i32 to vector<16xi32>
        %parallel_loop3A_457 = arith.shli %parallel_loop3A_416, %parallel_loop3A_456 : vector<16xi32>
        %parallel_loop3A_458 = tpu.bitcast %parallel_loop3A_457 : vector<16xi32> -> vector<16xf32>
        %parallel_loop3A_459 = arith.constant 16 : i32
        %parallel_loop3A_460 = vector.broadcast %parallel_loop3A_459 : i32 to vector<16xi32>
        %parallel_loop3A_461 = arith.shli %parallel_loop3A_422, %parallel_loop3A_460 : vector<16xi32>
        %parallel_loop3A_462 = tpu.bitcast %parallel_loop3A_461 : vector<16xi32> -> vector<16xf32>
        %parallel_loop3A_463 = arith.constant 16 : i32
        %parallel_loop3A_464 = vector.broadcast %parallel_loop3A_463 : i32 to vector<16xi32>
        %parallel_loop3A_465 = arith.shli %parallel_loop3A_428, %parallel_loop3A_464 : vector<16xi32>
        %parallel_loop3A_466 = tpu.bitcast %parallel_loop3A_465 : vector<16xi32> -> vector<16xf32>
        %parallel_loop3A_467 = arith.constant 16 : i32
        %parallel_loop3A_468 = vector.broadcast %parallel_loop3A_467 : i32 to vector<16xi32>
        %parallel_loop3A_469 = arith.shli %parallel_loop3A_434, %parallel_loop3A_468 : vector<16xi32>
        %parallel_loop3A_470 = tpu.bitcast %parallel_loop3A_469 : vector<16xi32> -> vector<16xf32>
        %parallel_loop3A_471 = arith.constant 16 : i32
        %parallel_loop3A_472 = vector.broadcast %parallel_loop3A_471 : i32 to vector<16xi32>
        %parallel_loop3A_473 = arith.shli %parallel_loop3A_440, %parallel_loop3A_472 : vector<16xi32>
        %parallel_loop3A_474 = tpu.bitcast %parallel_loop3A_473 : vector<16xi32> -> vector<16xf32>
        %parallel_loop3A_475 = arith.constant 16 : i32
        %parallel_loop3A_476 = vector.broadcast %parallel_loop3A_475 : i32 to vector<16xi32>
        %parallel_loop3A_477 = arith.shli %parallel_loop3A_446, %parallel_loop3A_476 : vector<16xi32>
        %parallel_loop3A_478 = tpu.bitcast %parallel_loop3A_477 : vector<16xi32> -> vector<16xf32>
        %parallel_loop3A_479 = arith.andi %parallel_loop3A_404, %broadcast_in_dim3A_15 : vector<16xi32>
        %parallel_loop3A_480 = tpu.bitcast %parallel_loop3A_479 : vector<16xi32> -> vector<16xf32>
        %parallel_loop3A_481 = arith.andi %parallel_loop3A_410, %broadcast_in_dim3A_15 : vector<16xi32>
        %parallel_loop3A_482 = tpu.bitcast %parallel_loop3A_481 : vector<16xi32> -> vector<16xf32>
        %parallel_loop3A_483 = arith.andi %parallel_loop3A_416, %broadcast_in_dim3A_15 : vector<16xi32>
        %parallel_loop3A_484 = tpu.bitcast %parallel_loop3A_483 : vector<16xi32> -> vector<16xf32>
        %parallel_loop3A_485 = arith.andi %parallel_loop3A_422, %broadcast_in_dim3A_15 : vector<16xi32>
        %parallel_loop3A_486 = tpu.bitcast %parallel_loop3A_485 : vector<16xi32> -> vector<16xf32>
        %parallel_loop3A_487 = arith.andi %parallel_loop3A_428, %broadcast_in_dim3A_15 : vector<16xi32>
        %parallel_loop3A_488 = tpu.bitcast %parallel_loop3A_487 : vector<16xi32> -> vector<16xf32>
        %parallel_loop3A_489 = arith.andi %parallel_loop3A_434, %broadcast_in_dim3A_15 : vector<16xi32>
        %parallel_loop3A_490 = tpu.bitcast %parallel_loop3A_489 : vector<16xi32> -> vector<16xf32>
        %parallel_loop3A_491 = arith.andi %parallel_loop3A_440, %broadcast_in_dim3A_15 : vector<16xi32>
        %parallel_loop3A_492 = tpu.bitcast %parallel_loop3A_491 : vector<16xi32> -> vector<16xf32>
        %parallel_loop3A_493 = arith.andi %parallel_loop3A_446, %broadcast_in_dim3A_15 : vector<16xi32>
        %parallel_loop3A_494 = tpu.bitcast %parallel_loop3A_493 : vector<16xi32> -> vector<16xf32>
        %parallel_loop3A_495 = arith.addf %parallel_loop3A_450, %parallel_loop3A_454 : vector<16xf32>
        %parallel_loop3A_496 = arith.addf %parallel_loop3A_458, %parallel_loop3A_462 : vector<16xf32>
        %parallel_loop3A_497 = arith.addf %parallel_loop3A_466, %parallel_loop3A_470 : vector<16xf32>
        %parallel_loop3A_498 = arith.addf %parallel_loop3A_474, %parallel_loop3A_478 : vector<16xf32>
        %parallel_loop3A_499 = arith.addf %parallel_loop3A_480, %parallel_loop3A_482 : vector<16xf32>
        %parallel_loop3A_500 = arith.addf %parallel_loop3A_484, %parallel_loop3A_486 : vector<16xf32>
        %parallel_loop3A_501 = arith.addf %parallel_loop3A_488, %parallel_loop3A_490 : vector<16xf32>
        %parallel_loop3A_502 = arith.addf %parallel_loop3A_492, %parallel_loop3A_494 : vector<16xf32>
        %parallel_loop3A_503 = arith.addf %parallel_loop3A_495, %parallel_loop3A_496 : vector<16xf32>
        %parallel_loop3A_504 = arith.addf %parallel_loop3A_497, %parallel_loop3A_498 : vector<16xf32>
        %parallel_loop3A_505 = arith.addf %parallel_loop3A_499, %parallel_loop3A_500 : vector<16xf32>
        %parallel_loop3A_506 = arith.addf %parallel_loop3A_501, %parallel_loop3A_502 : vector<16xf32>
        %parallel_loop3A_507 = arith.addf %parallel_loop3A_503, %parallel_loop3A_504 : vector<16xf32>
        %parallel_loop3A_508 = arith.addf %parallel_loop3A_505, %parallel_loop3A_506 : vector<16xf32>
        %parallel_loop3A_509 = arith.index_cast %parallel_loop3A_156 : i32 to index
        %parallel_loop3A_510 = arith.constant 64 : index
        %parallel_loop3A_511 = tpu.vector_load %arg9[%parallel_loop3A_509, %parallel_loop3A_510] {strides = array<i32>} : memref<32x256xf32, #tpu.memory_space<vmem>>, vector<1x16xf32>,
        %parallel_loop3A_512 = vector.shape_cast %parallel_loop3A_511 : vector<1x16xf32> to vector<16xf32>
        %parallel_loop3A_513 = vector.shape_cast %parallel_loop3A_507 : vector<16xf32> to vector<1x16xf32>
        tpu.vector_store %arg9[%parallel_loop3A_509, %parallel_loop3A_510], %parallel_loop3A_513 {strides = array<i32>} : memref<32x256xf32, #tpu.memory_space<vmem>>, vector<1x16xf32>,
        %parallel_loop3A_514 = arith.index_cast %parallel_loop3A_156 : i32 to index
        %parallel_loop3A_515 = arith.constant 80 : index
        %parallel_loop3A_516 = tpu.vector_load %arg9[%parallel_loop3A_514, %parallel_loop3A_515] {strides = array<i32>} : memref<32x256xf32, #tpu.memory_space<vmem>>, vector<1x16xf32>,
        %parallel_loop3A_517 = vector.shape_cast %parallel_loop3A_516 : vector<1x16xf32> to vector<16xf32>
        %parallel_loop3A_518 = vector.shape_cast %parallel_loop3A_508 : vector<16xf32> to vector<1x16xf32>
        tpu.vector_store %arg9[%parallel_loop3A_514, %parallel_loop3A_515], %parallel_loop3A_518 {strides = array<i32>} : memref<32x256xf32, #tpu.memory_space<vmem>>, vector<1x16xf32>,
        %parallel_loop3A_519 = arith.constant 0 : i32
        %parallel_loop3A_520 = arith.addi %parallel_loop3A_158, %parallel_loop3A_519 : i32
        %parallel_loop3A_521 = arith.index_cast %parallel_loop3A_520 : i32 to index
        %parallel_loop3A_522 = arith.constant 48 : index
        %parallel_loop3A_523 = tpu.vector_load %arg7[%parallel_loop3A_521, %parallel_loop3A_522] {strides = array<i32>} : memref<256x128xi32, #tpu.memory_space<vmem>>, vector<1x16xi32>,
        %parallel_loop3A_524 = vector.shape_cast %parallel_loop3A_523 : vector<1x16xi32> to vector<16xi32>
        %parallel_loop3A_525 = arith.constant 1 : i32
        %parallel_loop3A_526 = arith.addi %parallel_loop3A_158, %parallel_loop3A_525 : i32
        %parallel_loop3A_527 = arith.index_cast %parallel_loop3A_526 : i32 to index
        %parallel_loop3A_528 = arith.constant 48 : index
        %parallel_loop3A_529 = tpu.vector_load %arg7[%parallel_loop3A_527, %parallel_loop3A_528] {strides = array<i32>} : memref<256x128xi32, #tpu.memory_space<vmem>>, vector<1x16xi32>,
        %parallel_loop3A_530 = vector.shape_cast %parallel_loop3A_529 : vector<1x16xi32> to vector<16xi32>
        %parallel_loop3A_531 = arith.constant 2 : i32
        %parallel_loop3A_532 = arith.addi %parallel_loop3A_158, %parallel_loop3A_531 : i32
        %parallel_loop3A_533 = arith.index_cast %parallel_loop3A_532 : i32 to index
        %parallel_loop3A_534 = arith.constant 48 : index
        %parallel_loop3A_535 = tpu.vector_load %arg7[%parallel_loop3A_533, %parallel_loop3A_534] {strides = array<i32>} : memref<256x128xi32, #tpu.memory_space<vmem>>, vector<1x16xi32>,
        %parallel_loop3A_536 = vector.shape_cast %parallel_loop3A_535 : vector<1x16xi32> to vector<16xi32>
        %parallel_loop3A_537 = arith.constant 3 : i32
        %parallel_loop3A_538 = arith.addi %parallel_loop3A_158, %parallel_loop3A_537 : i32
        %parallel_loop3A_539 = arith.index_cast %parallel_loop3A_538 : i32 to index
        %parallel_loop3A_540 = arith.constant 48 : index
        %parallel_loop3A_541 = tpu.vector_load %arg7[%parallel_loop3A_539, %parallel_loop3A_540] {strides = array<i32>} : memref<256x128xi32, #tpu.memory_space<vmem>>, vector<1x16xi32>,
        %parallel_loop3A_542 = vector.shape_cast %parallel_loop3A_541 : vector<1x16xi32> to vector<16xi32>
        %parallel_loop3A_543 = arith.constant 4 : i32
        %parallel_loop3A_544 = arith.addi %parallel_loop3A_158, %parallel_loop3A_543 : i32
        %parallel_loop3A_545 = arith.index_cast %parallel_loop3A_544 : i32 to index
        %parallel_loop3A_546 = arith.constant 48 : index
        %parallel_loop3A_547 = tpu.vector_load %arg7[%parallel_loop3A_545, %parallel_loop3A_546] {strides = array<i32>} : memref<256x128xi32, #tpu.memory_space<vmem>>, vector<1x16xi32>,
        %parallel_loop3A_548 = vector.shape_cast %parallel_loop3A_547 : vector<1x16xi32> to vector<16xi32>
        %parallel_loop3A_549 = arith.constant 5 : i32
        %parallel_loop3A_550 = arith.addi %parallel_loop3A_158, %parallel_loop3A_549 : i32
        %parallel_loop3A_551 = arith.index_cast %parallel_loop3A_550 : i32 to index
        %parallel_loop3A_552 = arith.constant 48 : index
        %parallel_loop3A_553 = tpu.vector_load %arg7[%parallel_loop3A_551, %parallel_loop3A_552] {strides = array<i32>} : memref<256x128xi32, #tpu.memory_space<vmem>>, vector<1x16xi32>,
        %parallel_loop3A_554 = vector.shape_cast %parallel_loop3A_553 : vector<1x16xi32> to vector<16xi32>
        %parallel_loop3A_555 = arith.constant 6 : i32
        %parallel_loop3A_556 = arith.addi %parallel_loop3A_158, %parallel_loop3A_555 : i32
        %parallel_loop3A_557 = arith.index_cast %parallel_loop3A_556 : i32 to index
        %parallel_loop3A_558 = arith.constant 48 : index
        %parallel_loop3A_559 = tpu.vector_load %arg7[%parallel_loop3A_557, %parallel_loop3A_558] {strides = array<i32>} : memref<256x128xi32, #tpu.memory_space<vmem>>, vector<1x16xi32>,
        %parallel_loop3A_560 = vector.shape_cast %parallel_loop3A_559 : vector<1x16xi32> to vector<16xi32>
        %parallel_loop3A_561 = arith.constant 7 : i32
        %parallel_loop3A_562 = arith.addi %parallel_loop3A_158, %parallel_loop3A_561 : i32
        %parallel_loop3A_563 = arith.index_cast %parallel_loop3A_562 : i32 to index
        %parallel_loop3A_564 = arith.constant 48 : index
        %parallel_loop3A_565 = tpu.vector_load %arg7[%parallel_loop3A_563, %parallel_loop3A_564] {strides = array<i32>} : memref<256x128xi32, #tpu.memory_space<vmem>>, vector<1x16xi32>,
        %parallel_loop3A_566 = vector.shape_cast %parallel_loop3A_565 : vector<1x16xi32> to vector<16xi32>
        %parallel_loop3A_567 = arith.constant 16 : i32
        %parallel_loop3A_568 = vector.broadcast %parallel_loop3A_567 : i32 to vector<16xi32>
        %parallel_loop3A_569 = arith.shli %parallel_loop3A_524, %parallel_loop3A_568 : vector<16xi32>
        %parallel_loop3A_570 = tpu.bitcast %parallel_loop3A_569 : vector<16xi32> -> vector<16xf32>
        %parallel_loop3A_571 = arith.constant 16 : i32
        %parallel_loop3A_572 = vector.broadcast %parallel_loop3A_571 : i32 to vector<16xi32>
        %parallel_loop3A_573 = arith.shli %parallel_loop3A_530, %parallel_loop3A_572 : vector<16xi32>
        %parallel_loop3A_574 = tpu.bitcast %parallel_loop3A_573 : vector<16xi32> -> vector<16xf32>
        %parallel_loop3A_575 = arith.constant 16 : i32
        %parallel_loop3A_576 = vector.broadcast %parallel_loop3A_575 : i32 to vector<16xi32>
        %parallel_loop3A_577 = arith.shli %parallel_loop3A_536, %parallel_loop3A_576 : vector<16xi32>
        %parallel_loop3A_578 = tpu.bitcast %parallel_loop3A_577 : vector<16xi32> -> vector<16xf32>
        %parallel_loop3A_579 = arith.constant 16 : i32
        %parallel_loop3A_580 = vector.broadcast %parallel_loop3A_579 : i32 to vector<16xi32>
        %parallel_loop3A_581 = arith.shli %parallel_loop3A_542, %parallel_loop3A_580 : vector<16xi32>
        %parallel_loop3A_582 = tpu.bitcast %parallel_loop3A_581 : vector<16xi32> -> vector<16xf32>
        %parallel_loop3A_583 = arith.constant 16 : i32
        %parallel_loop3A_584 = vector.broadcast %parallel_loop3A_583 : i32 to vector<16xi32>
        %parallel_loop3A_585 = arith.shli %parallel_loop3A_548, %parallel_loop3A_584 : vector<16xi32>
        %parallel_loop3A_586 = tpu.bitcast %parallel_loop3A_585 : vector<16xi32> -> vector<16xf32>
        %parallel_loop3A_587 = arith.constant 16 : i32
        %parallel_loop3A_588 = vector.broadcast %parallel_loop3A_587 : i32 to vector<16xi32>
        %parallel_loop3A_589 = arith.shli %parallel_loop3A_554, %parallel_loop3A_588 : vector<16xi32>
        %parallel_loop3A_590 = tpu.bitcast %parallel_loop3A_589 : vector<16xi32> -> vector<16xf32>
        %parallel_loop3A_591 = arith.constant 16 : i32
        %parallel_loop3A_592 = vector.broadcast %parallel_loop3A_591 : i32 to vector<16xi32>
        %parallel_loop3A_593 = arith.shli %parallel_loop3A_560, %parallel_loop3A_592 : vector<16xi32>
        %parallel_loop3A_594 = tpu.bitcast %parallel_loop3A_593 : vector<16xi32> -> vector<16xf32>
        %parallel_loop3A_595 = arith.constant 16 : i32
        %parallel_loop3A_596 = vector.broadcast %parallel_loop3A_595 : i32 to vector<16xi32>
        %parallel_loop3A_597 = arith.shli %parallel_loop3A_566, %parallel_loop3A_596 : vector<16xi32>
        %parallel_loop3A_598 = tpu.bitcast %parallel_loop3A_597 : vector<16xi32> -> vector<16xf32>
        %parallel_loop3A_599 = arith.andi %parallel_loop3A_524, %broadcast_in_dim3A_15 : vector<16xi32>
        %parallel_loop3A_600 = tpu.bitcast %parallel_loop3A_599 : vector<16xi32> -> vector<16xf32>
        %parallel_loop3A_601 = arith.andi %parallel_loop3A_530, %broadcast_in_dim3A_15 : vector<16xi32>
        %parallel_loop3A_602 = tpu.bitcast %parallel_loop3A_601 : vector<16xi32> -> vector<16xf32>
        %parallel_loop3A_603 = arith.andi %parallel_loop3A_536, %broadcast_in_dim3A_15 : vector<16xi32>
        %parallel_loop3A_604 = tpu.bitcast %parallel_loop3A_603 : vector<16xi32> -> vector<16xf32>
        %parallel_loop3A_605 = arith.andi %parallel_loop3A_542, %broadcast_in_dim3A_15 : vector<16xi32>
        %parallel_loop3A_606 = tpu.bitcast %parallel_loop3A_605 : vector<16xi32> -> vector<16xf32>
        %parallel_loop3A_607 = arith.andi %parallel_loop3A_548, %broadcast_in_dim3A_15 : vector<16xi32>
        %parallel_loop3A_608 = tpu.bitcast %parallel_loop3A_607 : vector<16xi32> -> vector<16xf32>
        %parallel_loop3A_609 = arith.andi %parallel_loop3A_554, %broadcast_in_dim3A_15 : vector<16xi32>
        %parallel_loop3A_610 = tpu.bitcast %parallel_loop3A_609 : vector<16xi32> -> vector<16xf32>
        %parallel_loop3A_611 = arith.andi %parallel_loop3A_560, %broadcast_in_dim3A_15 : vector<16xi32>
        %parallel_loop3A_612 = tpu.bitcast %parallel_loop3A_611 : vector<16xi32> -> vector<16xf32>
        %parallel_loop3A_613 = arith.andi %parallel_loop3A_566, %broadcast_in_dim3A_15 : vector<16xi32>
        %parallel_loop3A_614 = tpu.bitcast %parallel_loop3A_613 : vector<16xi32> -> vector<16xf32>
        %parallel_loop3A_615 = arith.addf %parallel_loop3A_570, %parallel_loop3A_574 : vector<16xf32>
        %parallel_loop3A_616 = arith.addf %parallel_loop3A_578, %parallel_loop3A_582 : vector<16xf32>
        %parallel_loop3A_617 = arith.addf %parallel_loop3A_586, %parallel_loop3A_590 : vector<16xf32>
        %parallel_loop3A_618 = arith.addf %parallel_loop3A_594, %parallel_loop3A_598 : vector<16xf32>
        %parallel_loop3A_619 = arith.addf %parallel_loop3A_600, %parallel_loop3A_602 : vector<16xf32>
        %parallel_loop3A_620 = arith.addf %parallel_loop3A_604, %parallel_loop3A_606 : vector<16xf32>
        %parallel_loop3A_621 = arith.addf %parallel_loop3A_608, %parallel_loop3A_610 : vector<16xf32>
        %parallel_loop3A_622 = arith.addf %parallel_loop3A_612, %parallel_loop3A_614 : vector<16xf32>
        %parallel_loop3A_623 = arith.addf %parallel_loop3A_615, %parallel_loop3A_616 : vector<16xf32>
        %parallel_loop3A_624 = arith.addf %parallel_loop3A_617, %parallel_loop3A_618 : vector<16xf32>
        %parallel_loop3A_625 = arith.addf %parallel_loop3A_619, %parallel_loop3A_620 : vector<16xf32>
        %parallel_loop3A_626 = arith.addf %parallel_loop3A_621, %parallel_loop3A_622 : vector<16xf32>
        %parallel_loop3A_627 = arith.addf %parallel_loop3A_623, %parallel_loop3A_624 : vector<16xf32>
        %parallel_loop3A_628 = arith.addf %parallel_loop3A_625, %parallel_loop3A_626 : vector<16xf32>
        %parallel_loop3A_629 = arith.index_cast %parallel_loop3A_156 : i32 to index
        %parallel_loop3A_630 = arith.constant 96 : index
        %parallel_loop3A_631 = tpu.vector_load %arg9[%parallel_loop3A_629, %parallel_loop3A_630] {strides = array<i32>} : memref<32x256xf32, #tpu.memory_space<vmem>>, vector<1x16xf32>,
        %parallel_loop3A_632 = vector.shape_cast %parallel_loop3A_631 : vector<1x16xf32> to vector<16xf32>
        %parallel_loop3A_633 = vector.shape_cast %parallel_loop3A_627 : vector<16xf32> to vector<1x16xf32>
        tpu.vector_store %arg9[%parallel_loop3A_629, %parallel_loop3A_630], %parallel_loop3A_633 {strides = array<i32>} : memref<32x256xf32, #tpu.memory_space<vmem>>, vector<1x16xf32>,
        %parallel_loop3A_634 = arith.index_cast %parallel_loop3A_156 : i32 to index
        %parallel_loop3A_635 = arith.constant 112 : index
        %parallel_loop3A_636 = tpu.vector_load %arg9[%parallel_loop3A_634, %parallel_loop3A_635] {strides = array<i32>} : memref<32x256xf32, #tpu.memory_space<vmem>>, vector<1x16xf32>,
        %parallel_loop3A_637 = vector.shape_cast %parallel_loop3A_636 : vector<1x16xf32> to vector<16xf32>
        %parallel_loop3A_638 = vector.shape_cast %parallel_loop3A_628 : vector<16xf32> to vector<1x16xf32>
        tpu.vector_store %arg9[%parallel_loop3A_634, %parallel_loop3A_635], %parallel_loop3A_638 {strides = array<i32>} : memref<32x256xf32, #tpu.memory_space<vmem>>, vector<1x16xf32>,
        %parallel_loop3A_639 = arith.constant 0 : i32
        %parallel_loop3A_640 = arith.addi %parallel_loop3A_158, %parallel_loop3A_639 : i32
        %parallel_loop3A_641 = arith.index_cast %parallel_loop3A_640 : i32 to index
        %parallel_loop3A_642 = arith.constant 64 : index
        %parallel_loop3A_643 = tpu.vector_load %arg7[%parallel_loop3A_641, %parallel_loop3A_642] {strides = array<i32>} : memref<256x128xi32, #tpu.memory_space<vmem>>, vector<1x16xi32>,
        %parallel_loop3A_644 = vector.shape_cast %parallel_loop3A_643 : vector<1x16xi32> to vector<16xi32>
        %parallel_loop3A_645 = arith.constant 1 : i32
        %parallel_loop3A_646 = arith.addi %parallel_loop3A_158, %parallel_loop3A_645 : i32
        %parallel_loop3A_647 = arith.index_cast %parallel_loop3A_646 : i32 to index
        %parallel_loop3A_648 = arith.constant 64 : index
        %parallel_loop3A_649 = tpu.vector_load %arg7[%parallel_loop3A_647, %parallel_loop3A_648] {strides = array<i32>} : memref<256x128xi32, #tpu.memory_space<vmem>>, vector<1x16xi32>,
        %parallel_loop3A_650 = vector.shape_cast %parallel_loop3A_649 : vector<1x16xi32> to vector<16xi32>
        %parallel_loop3A_651 = arith.constant 2 : i32
        %parallel_loop3A_652 = arith.addi %parallel_loop3A_158, %parallel_loop3A_651 : i32
        %parallel_loop3A_653 = arith.index_cast %parallel_loop3A_652 : i32 to index
        %parallel_loop3A_654 = arith.constant 64 : index
        %parallel_loop3A_655 = tpu.vector_load %arg7[%parallel_loop3A_653, %parallel_loop3A_654] {strides = array<i32>} : memref<256x128xi32, #tpu.memory_space<vmem>>, vector<1x16xi32>,
        %parallel_loop3A_656 = vector.shape_cast %parallel_loop3A_655 : vector<1x16xi32> to vector<16xi32>
        %parallel_loop3A_657 = arith.constant 3 : i32
        %parallel_loop3A_658 = arith.addi %parallel_loop3A_158, %parallel_loop3A_657 : i32
        %parallel_loop3A_659 = arith.index_cast %parallel_loop3A_658 : i32 to index
        %parallel_loop3A_660 = arith.constant 64 : index
        %parallel_loop3A_661 = tpu.vector_load %arg7[%parallel_loop3A_659, %parallel_loop3A_660] {strides = array<i32>} : memref<256x128xi32, #tpu.memory_space<vmem>>, vector<1x16xi32>,
        %parallel_loop3A_662 = vector.shape_cast %parallel_loop3A_661 : vector<1x16xi32> to vector<16xi32>
        %parallel_loop3A_663 = arith.constant 4 : i32
        %parallel_loop3A_664 = arith.addi %parallel_loop3A_158, %parallel_loop3A_663 : i32
        %parallel_loop3A_665 = arith.index_cast %parallel_loop3A_664 : i32 to index
        %parallel_loop3A_666 = arith.constant 64 : index
        %parallel_loop3A_667 = tpu.vector_load %arg7[%parallel_loop3A_665, %parallel_loop3A_666] {strides = array<i32>} : memref<256x128xi32, #tpu.memory_space<vmem>>, vector<1x16xi32>,
        %parallel_loop3A_668 = vector.shape_cast %parallel_loop3A_667 : vector<1x16xi32> to vector<16xi32>
        %parallel_loop3A_669 = arith.constant 5 : i32
        %parallel_loop3A_670 = arith.addi %parallel_loop3A_158, %parallel_loop3A_669 : i32
        %parallel_loop3A_671 = arith.index_cast %parallel_loop3A_670 : i32 to index
        %parallel_loop3A_672 = arith.constant 64 : index
        %parallel_loop3A_673 = tpu.vector_load %arg7[%parallel_loop3A_671, %parallel_loop3A_672] {strides = array<i32>} : memref<256x128xi32, #tpu.memory_space<vmem>>, vector<1x16xi32>,
        %parallel_loop3A_674 = vector.shape_cast %parallel_loop3A_673 : vector<1x16xi32> to vector<16xi32>
        %parallel_loop3A_675 = arith.constant 6 : i32
        %parallel_loop3A_676 = arith.addi %parallel_loop3A_158, %parallel_loop3A_675 : i32
        %parallel_loop3A_677 = arith.index_cast %parallel_loop3A_676 : i32 to index
        %parallel_loop3A_678 = arith.constant 64 : index
        %parallel_loop3A_679 = tpu.vector_load %arg7[%parallel_loop3A_677, %parallel_loop3A_678] {strides = array<i32>} : memref<256x128xi32, #tpu.memory_space<vmem>>, vector<1x16xi32>,
        %parallel_loop3A_680 = vector.shape_cast %parallel_loop3A_679 : vector<1x16xi32> to vector<16xi32>
        %parallel_loop3A_681 = arith.constant 7 : i32
        %parallel_loop3A_682 = arith.addi %parallel_loop3A_158, %parallel_loop3A_681 : i32
        %parallel_loop3A_683 = arith.index_cast %parallel_loop3A_682 : i32 to index
        %parallel_loop3A_684 = arith.constant 64 : index
        %parallel_loop3A_685 = tpu.vector_load %arg7[%parallel_loop3A_683, %parallel_loop3A_684] {strides = array<i32>} : memref<256x128xi32, #tpu.memory_space<vmem>>, vector<1x16xi32>,
        %parallel_loop3A_686 = vector.shape_cast %parallel_loop3A_685 : vector<1x16xi32> to vector<16xi32>
        %parallel_loop3A_687 = arith.constant 16 : i32
        %parallel_loop3A_688 = vector.broadcast %parallel_loop3A_687 : i32 to vector<16xi32>
        %parallel_loop3A_689 = arith.shli %parallel_loop3A_644, %parallel_loop3A_688 : vector<16xi32>
        %parallel_loop3A_690 = tpu.bitcast %parallel_loop3A_689 : vector<16xi32> -> vector<16xf32>
        %parallel_loop3A_691 = arith.constant 16 : i32
        %parallel_loop3A_692 = vector.broadcast %parallel_loop3A_691 : i32 to vector<16xi32>
        %parallel_loop3A_693 = arith.shli %parallel_loop3A_650, %parallel_loop3A_692 : vector<16xi32>
        %parallel_loop3A_694 = tpu.bitcast %parallel_loop3A_693 : vector<16xi32> -> vector<16xf32>
        %parallel_loop3A_695 = arith.constant 16 : i32
        %parallel_loop3A_696 = vector.broadcast %parallel_loop3A_695 : i32 to vector<16xi32>
        %parallel_loop3A_697 = arith.shli %parallel_loop3A_656, %parallel_loop3A_696 : vector<16xi32>
        %parallel_loop3A_698 = tpu.bitcast %parallel_loop3A_697 : vector<16xi32> -> vector<16xf32>
        %parallel_loop3A_699 = arith.constant 16 : i32
        %parallel_loop3A_700 = vector.broadcast %parallel_loop3A_699 : i32 to vector<16xi32>
        %parallel_loop3A_701 = arith.shli %parallel_loop3A_662, %parallel_loop3A_700 : vector<16xi32>
        %parallel_loop3A_702 = tpu.bitcast %parallel_loop3A_701 : vector<16xi32> -> vector<16xf32>
        %parallel_loop3A_703 = arith.constant 16 : i32
        %parallel_loop3A_704 = vector.broadcast %parallel_loop3A_703 : i32 to vector<16xi32>
        %parallel_loop3A_705 = arith.shli %parallel_loop3A_668, %parallel_loop3A_704 : vector<16xi32>
        %parallel_loop3A_706 = tpu.bitcast %parallel_loop3A_705 : vector<16xi32> -> vector<16xf32>
        %parallel_loop3A_707 = arith.constant 16 : i32
        %parallel_loop3A_708 = vector.broadcast %parallel_loop3A_707 : i32 to vector<16xi32>
        %parallel_loop3A_709 = arith.shli %parallel_loop3A_674, %parallel_loop3A_708 : vector<16xi32>
        %parallel_loop3A_710 = tpu.bitcast %parallel_loop3A_709 : vector<16xi32> -> vector<16xf32>
        %parallel_loop3A_711 = arith.constant 16 : i32
        %parallel_loop3A_712 = vector.broadcast %parallel_loop3A_711 : i32 to vector<16xi32>
        %parallel_loop3A_713 = arith.shli %parallel_loop3A_680, %parallel_loop3A_712 : vector<16xi32>
        %parallel_loop3A_714 = tpu.bitcast %parallel_loop3A_713 : vector<16xi32> -> vector<16xf32>
        %parallel_loop3A_715 = arith.constant 16 : i32
        %parallel_loop3A_716 = vector.broadcast %parallel_loop3A_715 : i32 to vector<16xi32>
        %parallel_loop3A_717 = arith.shli %parallel_loop3A_686, %parallel_loop3A_716 : vector<16xi32>
        %parallel_loop3A_718 = tpu.bitcast %parallel_loop3A_717 : vector<16xi32> -> vector<16xf32>
        %parallel_loop3A_719 = arith.andi %parallel_loop3A_644, %broadcast_in_dim3A_15 : vector<16xi32>
        %parallel_loop3A_720 = tpu.bitcast %parallel_loop3A_719 : vector<16xi32> -> vector<16xf32>
        %parallel_loop3A_721 = arith.andi %parallel_loop3A_650, %broadcast_in_dim3A_15 : vector<16xi32>
        %parallel_loop3A_722 = tpu.bitcast %parallel_loop3A_721 : vector<16xi32> -> vector<16xf32>
        %parallel_loop3A_723 = arith.andi %parallel_loop3A_656, %broadcast_in_dim3A_15 : vector<16xi32>
        %parallel_loop3A_724 = tpu.bitcast %parallel_loop3A_723 : vector<16xi32> -> vector<16xf32>
        %parallel_loop3A_725 = arith.andi %parallel_loop3A_662, %broadcast_in_dim3A_15 : vector<16xi32>
        %parallel_loop3A_726 = tpu.bitcast %parallel_loop3A_725 : vector<16xi32> -> vector<16xf32>
        %parallel_loop3A_727 = arith.andi %parallel_loop3A_668, %broadcast_in_dim3A_15 : vector<16xi32>
        %parallel_loop3A_728 = tpu.bitcast %parallel_loop3A_727 : vector<16xi32> -> vector<16xf32>
        %parallel_loop3A_729 = arith.andi %parallel_loop3A_674, %broadcast_in_dim3A_15 : vector<16xi32>
        %parallel_loop3A_730 = tpu.bitcast %parallel_loop3A_729 : vector<16xi32> -> vector<16xf32>
        %parallel_loop3A_731 = arith.andi %parallel_loop3A_680, %broadcast_in_dim3A_15 : vector<16xi32>
        %parallel_loop3A_732 = tpu.bitcast %parallel_loop3A_731 : vector<16xi32> -> vector<16xf32>
        %parallel_loop3A_733 = arith.andi %parallel_loop3A_686, %broadcast_in_dim3A_15 : vector<16xi32>
        %parallel_loop3A_734 = tpu.bitcast %parallel_loop3A_733 : vector<16xi32> -> vector<16xf32>
        %parallel_loop3A_735 = arith.addf %parallel_loop3A_690, %parallel_loop3A_694 : vector<16xf32>
        %parallel_loop3A_736 = arith.addf %parallel_loop3A_698, %parallel_loop3A_702 : vector<16xf32>
        %parallel_loop3A_737 = arith.addf %parallel_loop3A_706, %parallel_loop3A_710 : vector<16xf32>
        %parallel_loop3A_738 = arith.addf %parallel_loop3A_714, %parallel_loop3A_718 : vector<16xf32>
        %parallel_loop3A_739 = arith.addf %parallel_loop3A_720, %parallel_loop3A_722 : vector<16xf32>
        %parallel_loop3A_740 = arith.addf %parallel_loop3A_724, %parallel_loop3A_726 : vector<16xf32>
        %parallel_loop3A_741 = arith.addf %parallel_loop3A_728, %parallel_loop3A_730 : vector<16xf32>
        %parallel_loop3A_742 = arith.addf %parallel_loop3A_732, %parallel_loop3A_734 : vector<16xf32>
        %parallel_loop3A_743 = arith.addf %parallel_loop3A_735, %parallel_loop3A_736 : vector<16xf32>
        %parallel_loop3A_744 = arith.addf %parallel_loop3A_737, %parallel_loop3A_738 : vector<16xf32>
        %parallel_loop3A_745 = arith.addf %parallel_loop3A_739, %parallel_loop3A_740 : vector<16xf32>
        %parallel_loop3A_746 = arith.addf %parallel_loop3A_741, %parallel_loop3A_742 : vector<16xf32>
        %parallel_loop3A_747 = arith.addf %parallel_loop3A_743, %parallel_loop3A_744 : vector<16xf32>
        %parallel_loop3A_748 = arith.addf %parallel_loop3A_745, %parallel_loop3A_746 : vector<16xf32>
        %parallel_loop3A_749 = arith.index_cast %parallel_loop3A_156 : i32 to index
        %parallel_loop3A_750 = arith.constant 128 : index
        %parallel_loop3A_751 = tpu.vector_load %arg9[%parallel_loop3A_749, %parallel_loop3A_750] {strides = array<i32>} : memref<32x256xf32, #tpu.memory_space<vmem>>, vector<1x16xf32>,
        %parallel_loop3A_752 = vector.shape_cast %parallel_loop3A_751 : vector<1x16xf32> to vector<16xf32>
        %parallel_loop3A_753 = vector.shape_cast %parallel_loop3A_747 : vector<16xf32> to vector<1x16xf32>
        tpu.vector_store %arg9[%parallel_loop3A_749, %parallel_loop3A_750], %parallel_loop3A_753 {strides = array<i32>} : memref<32x256xf32, #tpu.memory_space<vmem>>, vector<1x16xf32>,
        %parallel_loop3A_754 = arith.index_cast %parallel_loop3A_156 : i32 to index
        %parallel_loop3A_755 = arith.constant 144 : index
        %parallel_loop3A_756 = tpu.vector_load %arg9[%parallel_loop3A_754, %parallel_loop3A_755] {strides = array<i32>} : memref<32x256xf32, #tpu.memory_space<vmem>>, vector<1x16xf32>,
        %parallel_loop3A_757 = vector.shape_cast %parallel_loop3A_756 : vector<1x16xf32> to vector<16xf32>
        %parallel_loop3A_758 = vector.shape_cast %parallel_loop3A_748 : vector<16xf32> to vector<1x16xf32>
        tpu.vector_store %arg9[%parallel_loop3A_754, %parallel_loop3A_755], %parallel_loop3A_758 {strides = array<i32>} : memref<32x256xf32, #tpu.memory_space<vmem>>, vector<1x16xf32>,
        %parallel_loop3A_759 = arith.constant 0 : i32
        %parallel_loop3A_760 = arith.addi %parallel_loop3A_158, %parallel_loop3A_759 : i32
        %parallel_loop3A_761 = arith.index_cast %parallel_loop3A_760 : i32 to index
        %parallel_loop3A_762 = arith.constant 80 : index
        %parallel_loop3A_763 = tpu.vector_load %arg7[%parallel_loop3A_761, %parallel_loop3A_762] {strides = array<i32>} : memref<256x128xi32, #tpu.memory_space<vmem>>, vector<1x16xi32>,
        %parallel_loop3A_764 = vector.shape_cast %parallel_loop3A_763 : vector<1x16xi32> to vector<16xi32>
        %parallel_loop3A_765 = arith.constant 1 : i32
        %parallel_loop3A_766 = arith.addi %parallel_loop3A_158, %parallel_loop3A_765 : i32
        %parallel_loop3A_767 = arith.index_cast %parallel_loop3A_766 : i32 to index
        %parallel_loop3A_768 = arith.constant 80 : index
        %parallel_loop3A_769 = tpu.vector_load %arg7[%parallel_loop3A_767, %parallel_loop3A_768] {strides = array<i32>} : memref<256x128xi32, #tpu.memory_space<vmem>>, vector<1x16xi32>,
        %parallel_loop3A_770 = vector.shape_cast %parallel_loop3A_769 : vector<1x16xi32> to vector<16xi32>
        %parallel_loop3A_771 = arith.constant 2 : i32
        %parallel_loop3A_772 = arith.addi %parallel_loop3A_158, %parallel_loop3A_771 : i32
        %parallel_loop3A_773 = arith.index_cast %parallel_loop3A_772 : i32 to index
        %parallel_loop3A_774 = arith.constant 80 : index
        %parallel_loop3A_775 = tpu.vector_load %arg7[%parallel_loop3A_773, %parallel_loop3A_774] {strides = array<i32>} : memref<256x128xi32, #tpu.memory_space<vmem>>, vector<1x16xi32>,
        %parallel_loop3A_776 = vector.shape_cast %parallel_loop3A_775 : vector<1x16xi32> to vector<16xi32>
        %parallel_loop3A_777 = arith.constant 3 : i32
        %parallel_loop3A_778 = arith.addi %parallel_loop3A_158, %parallel_loop3A_777 : i32
        %parallel_loop3A_779 = arith.index_cast %parallel_loop3A_778 : i32 to index
        %parallel_loop3A_780 = arith.constant 80 : index
        %parallel_loop3A_781 = tpu.vector_load %arg7[%parallel_loop3A_779, %parallel_loop3A_780] {strides = array<i32>} : memref<256x128xi32, #tpu.memory_space<vmem>>, vector<1x16xi32>,
        %parallel_loop3A_782 = vector.shape_cast %parallel_loop3A_781 : vector<1x16xi32> to vector<16xi32>
        %parallel_loop3A_783 = arith.constant 4 : i32
        %parallel_loop3A_784 = arith.addi %parallel_loop3A_158, %parallel_loop3A_783 : i32
        %parallel_loop3A_785 = arith.index_cast %parallel_loop3A_784 : i32 to index
        %parallel_loop3A_786 = arith.constant 80 : index
        %parallel_loop3A_787 = tpu.vector_load %arg7[%parallel_loop3A_785, %parallel_loop3A_786] {strides = array<i32>} : memref<256x128xi32, #tpu.memory_space<vmem>>, vector<1x16xi32>,
        %parallel_loop3A_788 = vector.shape_cast %parallel_loop3A_787 : vector<1x16xi32> to vector<16xi32>
        %parallel_loop3A_789 = arith.constant 5 : i32
        %parallel_loop3A_790 = arith.addi %parallel_loop3A_158, %parallel_loop3A_789 : i32
        %parallel_loop3A_791 = arith.index_cast %parallel_loop3A_790 : i32 to index
        %parallel_loop3A_792 = arith.constant 80 : index
        %parallel_loop3A_793 = tpu.vector_load %arg7[%parallel_loop3A_791, %parallel_loop3A_792] {strides = array<i32>} : memref<256x128xi32, #tpu.memory_space<vmem>>, vector<1x16xi32>,
        %parallel_loop3A_794 = vector.shape_cast %parallel_loop3A_793 : vector<1x16xi32> to vector<16xi32>
        %parallel_loop3A_795 = arith.constant 6 : i32
        %parallel_loop3A_796 = arith.addi %parallel_loop3A_158, %parallel_loop3A_795 : i32
        %parallel_loop3A_797 = arith.index_cast %parallel_loop3A_796 : i32 to index
        %parallel_loop3A_798 = arith.constant 80 : index
        %parallel_loop3A_799 = tpu.vector_load %arg7[%parallel_loop3A_797, %parallel_loop3A_798] {strides = array<i32>} : memref<256x128xi32, #tpu.memory_space<vmem>>, vector<1x16xi32>,
        %parallel_loop3A_800 = vector.shape_cast %parallel_loop3A_799 : vector<1x16xi32> to vector<16xi32>
        %parallel_loop3A_801 = arith.constant 7 : i32
        %parallel_loop3A_802 = arith.addi %parallel_loop3A_158, %parallel_loop3A_801 : i32
        %parallel_loop3A_803 = arith.index_cast %parallel_loop3A_802 : i32 to index
        %parallel_loop3A_804 = arith.constant 80 : index
        %parallel_loop3A_805 = tpu.vector_load %arg7[%parallel_loop3A_803, %parallel_loop3A_804] {strides = array<i32>} : memref<256x128xi32, #tpu.memory_space<vmem>>, vector<1x16xi32>,
        %parallel_loop3A_806 = vector.shape_cast %parallel_loop3A_805 : vector<1x16xi32> to vector<16xi32>
        %parallel_loop3A_807 = arith.constant 16 : i32
        %parallel_loop3A_808 = vector.broadcast %parallel_loop3A_807 : i32 to vector<16xi32>
        %parallel_loop3A_809 = arith.shli %parallel_loop3A_764, %parallel_loop3A_808 : vector<16xi32>
        %parallel_loop3A_810 = tpu.bitcast %parallel_loop3A_809 : vector<16xi32> -> vector<16xf32>
        %parallel_loop3A_811 = arith.constant 16 : i32
        %parallel_loop3A_812 = vector.broadcast %parallel_loop3A_811 : i32 to vector<16xi32>
        %parallel_loop3A_813 = arith.shli %parallel_loop3A_770, %parallel_loop3A_812 : vector<16xi32>
        %parallel_loop3A_814 = tpu.bitcast %parallel_loop3A_813 : vector<16xi32> -> vector<16xf32>
        %parallel_loop3A_815 = arith.constant 16 : i32
        %parallel_loop3A_816 = vector.broadcast %parallel_loop3A_815 : i32 to vector<16xi32>
        %parallel_loop3A_817 = arith.shli %parallel_loop3A_776, %parallel_loop3A_816 : vector<16xi32>
        %parallel_loop3A_818 = tpu.bitcast %parallel_loop3A_817 : vector<16xi32> -> vector<16xf32>
        %parallel_loop3A_819 = arith.constant 16 : i32
        %parallel_loop3A_820 = vector.broadcast %parallel_loop3A_819 : i32 to vector<16xi32>
        %parallel_loop3A_821 = arith.shli %parallel_loop3A_782, %parallel_loop3A_820 : vector<16xi32>
        %parallel_loop3A_822 = tpu.bitcast %parallel_loop3A_821 : vector<16xi32> -> vector<16xf32>
        %parallel_loop3A_823 = arith.constant 16 : i32
        %parallel_loop3A_824 = vector.broadcast %parallel_loop3A_823 : i32 to vector<16xi32>
        %parallel_loop3A_825 = arith.shli %parallel_loop3A_788, %parallel_loop3A_824 : vector<16xi32>
        %parallel_loop3A_826 = tpu.bitcast %parallel_loop3A_825 : vector<16xi32> -> vector<16xf32>
        %parallel_loop3A_827 = arith.constant 16 : i32
        %parallel_loop3A_828 = vector.broadcast %parallel_loop3A_827 : i32 to vector<16xi32>
        %parallel_loop3A_829 = arith.shli %parallel_loop3A_794, %parallel_loop3A_828 : vector<16xi32>
        %parallel_loop3A_830 = tpu.bitcast %parallel_loop3A_829 : vector<16xi32> -> vector<16xf32>
        %parallel_loop3A_831 = arith.constant 16 : i32
        %parallel_loop3A_832 = vector.broadcast %parallel_loop3A_831 : i32 to vector<16xi32>
        %parallel_loop3A_833 = arith.shli %parallel_loop3A_800, %parallel_loop3A_832 : vector<16xi32>
        %parallel_loop3A_834 = tpu.bitcast %parallel_loop3A_833 : vector<16xi32> -> vector<16xf32>
        %parallel_loop3A_835 = arith.constant 16 : i32
        %parallel_loop3A_836 = vector.broadcast %parallel_loop3A_835 : i32 to vector<16xi32>
        %parallel_loop3A_837 = arith.shli %parallel_loop3A_806, %parallel_loop3A_836 : vector<16xi32>
        %parallel_loop3A_838 = tpu.bitcast %parallel_loop3A_837 : vector<16xi32> -> vector<16xf32>
        %parallel_loop3A_839 = arith.andi %parallel_loop3A_764, %broadcast_in_dim3A_15 : vector<16xi32>
        %parallel_loop3A_840 = tpu.bitcast %parallel_loop3A_839 : vector<16xi32> -> vector<16xf32>
        %parallel_loop3A_841 = arith.andi %parallel_loop3A_770, %broadcast_in_dim3A_15 : vector<16xi32>
        %parallel_loop3A_842 = tpu.bitcast %parallel_loop3A_841 : vector<16xi32> -> vector<16xf32>
        %parallel_loop3A_843 = arith.andi %parallel_loop3A_776, %broadcast_in_dim3A_15 : vector<16xi32>
        %parallel_loop3A_844 = tpu.bitcast %parallel_loop3A_843 : vector<16xi32> -> vector<16xf32>
        %parallel_loop3A_845 = arith.andi %parallel_loop3A_782, %broadcast_in_dim3A_15 : vector<16xi32>
        %parallel_loop3A_846 = tpu.bitcast %parallel_loop3A_845 : vector<16xi32> -> vector<16xf32>
        %parallel_loop3A_847 = arith.andi %parallel_loop3A_788, %broadcast_in_dim3A_15 : vector<16xi32>
        %parallel_loop3A_848 = tpu.bitcast %parallel_loop3A_847 : vector<16xi32> -> vector<16xf32>
        %parallel_loop3A_849 = arith.andi %parallel_loop3A_794, %broadcast_in_dim3A_15 : vector<16xi32>
        %parallel_loop3A_850 = tpu.bitcast %parallel_loop3A_849 : vector<16xi32> -> vector<16xf32>
        %parallel_loop3A_851 = arith.andi %parallel_loop3A_800, %broadcast_in_dim3A_15 : vector<16xi32>
        %parallel_loop3A_852 = tpu.bitcast %parallel_loop3A_851 : vector<16xi32> -> vector<16xf32>
        %parallel_loop3A_853 = arith.andi %parallel_loop3A_806, %broadcast_in_dim3A_15 : vector<16xi32>
        %parallel_loop3A_854 = tpu.bitcast %parallel_loop3A_853 : vector<16xi32> -> vector<16xf32>
        %parallel_loop3A_855 = arith.addf %parallel_loop3A_810, %parallel_loop3A_814 : vector<16xf32>
        %parallel_loop3A_856 = arith.addf %parallel_loop3A_818, %parallel_loop3A_822 : vector<16xf32>
        %parallel_loop3A_857 = arith.addf %parallel_loop3A_826, %parallel_loop3A_830 : vector<16xf32>
        %parallel_loop3A_858 = arith.addf %parallel_loop3A_834, %parallel_loop3A_838 : vector<16xf32>
        %parallel_loop3A_859 = arith.addf %parallel_loop3A_840, %parallel_loop3A_842 : vector<16xf32>
        %parallel_loop3A_860 = arith.addf %parallel_loop3A_844, %parallel_loop3A_846 : vector<16xf32>
        %parallel_loop3A_861 = arith.addf %parallel_loop3A_848, %parallel_loop3A_850 : vector<16xf32>
        %parallel_loop3A_862 = arith.addf %parallel_loop3A_852, %parallel_loop3A_854 : vector<16xf32>
        %parallel_loop3A_863 = arith.addf %parallel_loop3A_855, %parallel_loop3A_856 : vector<16xf32>
        %parallel_loop3A_864 = arith.addf %parallel_loop3A_857, %parallel_loop3A_858 : vector<16xf32>
        %parallel_loop3A_865 = arith.addf %parallel_loop3A_859, %parallel_loop3A_860 : vector<16xf32>
        %parallel_loop3A_866 = arith.addf %parallel_loop3A_861, %parallel_loop3A_862 : vector<16xf32>
        %parallel_loop3A_867 = arith.addf %parallel_loop3A_863, %parallel_loop3A_864 : vector<16xf32>
        %parallel_loop3A_868 = arith.addf %parallel_loop3A_865, %parallel_loop3A_866 : vector<16xf32>
        %parallel_loop3A_869 = arith.index_cast %parallel_loop3A_156 : i32 to index
        %parallel_loop3A_870 = arith.constant 160 : index
        %parallel_loop3A_871 = tpu.vector_load %arg9[%parallel_loop3A_869, %parallel_loop3A_870] {strides = array<i32>} : memref<32x256xf32, #tpu.memory_space<vmem>>, vector<1x16xf32>,
        %parallel_loop3A_872 = vector.shape_cast %parallel_loop3A_871 : vector<1x16xf32> to vector<16xf32>
        %parallel_loop3A_873 = vector.shape_cast %parallel_loop3A_867 : vector<16xf32> to vector<1x16xf32>
        tpu.vector_store %arg9[%parallel_loop3A_869, %parallel_loop3A_870], %parallel_loop3A_873 {strides = array<i32>} : memref<32x256xf32, #tpu.memory_space<vmem>>, vector<1x16xf32>,
        %parallel_loop3A_874 = arith.index_cast %parallel_loop3A_156 : i32 to index
        %parallel_loop3A_875 = arith.constant 176 : index
        %parallel_loop3A_876 = tpu.vector_load %arg9[%parallel_loop3A_874, %parallel_loop3A_875] {strides = array<i32>} : memref<32x256xf32, #tpu.memory_space<vmem>>, vector<1x16xf32>,
        %parallel_loop3A_877 = vector.shape_cast %parallel_loop3A_876 : vector<1x16xf32> to vector<16xf32>
        %parallel_loop3A_878 = vector.shape_cast %parallel_loop3A_868 : vector<16xf32> to vector<1x16xf32>
        tpu.vector_store %arg9[%parallel_loop3A_874, %parallel_loop3A_875], %parallel_loop3A_878 {strides = array<i32>} : memref<32x256xf32, #tpu.memory_space<vmem>>, vector<1x16xf32>,
        %parallel_loop3A_879 = arith.constant 0 : i32
        %parallel_loop3A_880 = arith.addi %parallel_loop3A_158, %parallel_loop3A_879 : i32
        %parallel_loop3A_881 = arith.index_cast %parallel_loop3A_880 : i32 to index
        %parallel_loop3A_882 = arith.constant 96 : index
        %parallel_loop3A_883 = tpu.vector_load %arg7[%parallel_loop3A_881, %parallel_loop3A_882] {strides = array<i32>} : memref<256x128xi32, #tpu.memory_space<vmem>>, vector<1x16xi32>,
        %parallel_loop3A_884 = vector.shape_cast %parallel_loop3A_883 : vector<1x16xi32> to vector<16xi32>
        %parallel_loop3A_885 = arith.constant 1 : i32
        %parallel_loop3A_886 = arith.addi %parallel_loop3A_158, %parallel_loop3A_885 : i32
        %parallel_loop3A_887 = arith.index_cast %parallel_loop3A_886 : i32 to index
        %parallel_loop3A_888 = arith.constant 96 : index
        %parallel_loop3A_889 = tpu.vector_load %arg7[%parallel_loop3A_887, %parallel_loop3A_888] {strides = array<i32>} : memref<256x128xi32, #tpu.memory_space<vmem>>, vector<1x16xi32>,
        %parallel_loop3A_890 = vector.shape_cast %parallel_loop3A_889 : vector<1x16xi32> to vector<16xi32>
        %parallel_loop3A_891 = arith.constant 2 : i32
        %parallel_loop3A_892 = arith.addi %parallel_loop3A_158, %parallel_loop3A_891 : i32
        %parallel_loop3A_893 = arith.index_cast %parallel_loop3A_892 : i32 to index
        %parallel_loop3A_894 = arith.constant 96 : index
        %parallel_loop3A_895 = tpu.vector_load %arg7[%parallel_loop3A_893, %parallel_loop3A_894] {strides = array<i32>} : memref<256x128xi32, #tpu.memory_space<vmem>>, vector<1x16xi32>,
        %parallel_loop3A_896 = vector.shape_cast %parallel_loop3A_895 : vector<1x16xi32> to vector<16xi32>
        %parallel_loop3A_897 = arith.constant 3 : i32
        %parallel_loop3A_898 = arith.addi %parallel_loop3A_158, %parallel_loop3A_897 : i32
        %parallel_loop3A_899 = arith.index_cast %parallel_loop3A_898 : i32 to index
        %parallel_loop3A_900 = arith.constant 96 : index
        %parallel_loop3A_901 = tpu.vector_load %arg7[%parallel_loop3A_899, %parallel_loop3A_900] {strides = array<i32>} : memref<256x128xi32, #tpu.memory_space<vmem>>, vector<1x16xi32>,
        %parallel_loop3A_902 = vector.shape_cast %parallel_loop3A_901 : vector<1x16xi32> to vector<16xi32>
        %parallel_loop3A_903 = arith.constant 4 : i32
        %parallel_loop3A_904 = arith.addi %parallel_loop3A_158, %parallel_loop3A_903 : i32
        %parallel_loop3A_905 = arith.index_cast %parallel_loop3A_904 : i32 to index
        %parallel_loop3A_906 = arith.constant 96 : index
        %parallel_loop3A_907 = tpu.vector_load %arg7[%parallel_loop3A_905, %parallel_loop3A_906] {strides = array<i32>} : memref<256x128xi32, #tpu.memory_space<vmem>>, vector<1x16xi32>,
        %parallel_loop3A_908 = vector.shape_cast %parallel_loop3A_907 : vector<1x16xi32> to vector<16xi32>
        %parallel_loop3A_909 = arith.constant 5 : i32
        %parallel_loop3A_910 = arith.addi %parallel_loop3A_158, %parallel_loop3A_909 : i32
        %parallel_loop3A_911 = arith.index_cast %parallel_loop3A_910 : i32 to index
        %parallel_loop3A_912 = arith.constant 96 : index
        %parallel_loop3A_913 = tpu.vector_load %arg7[%parallel_loop3A_911, %parallel_loop3A_912] {strides = array<i32>} : memref<256x128xi32, #tpu.memory_space<vmem>>, vector<1x16xi32>,
        %parallel_loop3A_914 = vector.shape_cast %parallel_loop3A_913 : vector<1x16xi32> to vector<16xi32>
        %parallel_loop3A_915 = arith.constant 6 : i32
        %parallel_loop3A_916 = arith.addi %parallel_loop3A_158, %parallel_loop3A_915 : i32
        %parallel_loop3A_917 = arith.index_cast %parallel_loop3A_916 : i32 to index
        %parallel_loop3A_918 = arith.constant 96 : index
        %parallel_loop3A_919 = tpu.vector_load %arg7[%parallel_loop3A_917, %parallel_loop3A_918] {strides = array<i32>} : memref<256x128xi32, #tpu.memory_space<vmem>>, vector<1x16xi32>,
        %parallel_loop3A_920 = vector.shape_cast %parallel_loop3A_919 : vector<1x16xi32> to vector<16xi32>
        %parallel_loop3A_921 = arith.constant 7 : i32
        %parallel_loop3A_922 = arith.addi %parallel_loop3A_158, %parallel_loop3A_921 : i32
        %parallel_loop3A_923 = arith.index_cast %parallel_loop3A_922 : i32 to index
        %parallel_loop3A_924 = arith.constant 96 : index
        %parallel_loop3A_925 = tpu.vector_load %arg7[%parallel_loop3A_923, %parallel_loop3A_924] {strides = array<i32>} : memref<256x128xi32, #tpu.memory_space<vmem>>, vector<1x16xi32>,
        %parallel_loop3A_926 = vector.shape_cast %parallel_loop3A_925 : vector<1x16xi32> to vector<16xi32>
        %parallel_loop3A_927 = arith.constant 16 : i32
        %parallel_loop3A_928 = vector.broadcast %parallel_loop3A_927 : i32 to vector<16xi32>
        %parallel_loop3A_929 = arith.shli %parallel_loop3A_884, %parallel_loop3A_928 : vector<16xi32>
        %parallel_loop3A_930 = tpu.bitcast %parallel_loop3A_929 : vector<16xi32> -> vector<16xf32>
        %parallel_loop3A_931 = arith.constant 16 : i32
        %parallel_loop3A_932 = vector.broadcast %parallel_loop3A_931 : i32 to vector<16xi32>
        %parallel_loop3A_933 = arith.shli %parallel_loop3A_890, %parallel_loop3A_932 : vector<16xi32>
        %parallel_loop3A_934 = tpu.bitcast %parallel_loop3A_933 : vector<16xi32> -> vector<16xf32>
        %parallel_loop3A_935 = arith.constant 16 : i32
        %parallel_loop3A_936 = vector.broadcast %parallel_loop3A_935 : i32 to vector<16xi32>
        %parallel_loop3A_937 = arith.shli %parallel_loop3A_896, %parallel_loop3A_936 : vector<16xi32>
        %parallel_loop3A_938 = tpu.bitcast %parallel_loop3A_937 : vector<16xi32> -> vector<16xf32>
        %parallel_loop3A_939 = arith.constant 16 : i32
        %parallel_loop3A_940 = vector.broadcast %parallel_loop3A_939 : i32 to vector<16xi32>
        %parallel_loop3A_941 = arith.shli %parallel_loop3A_902, %parallel_loop3A_940 : vector<16xi32>
        %parallel_loop3A_942 = tpu.bitcast %parallel_loop3A_941 : vector<16xi32> -> vector<16xf32>
        %parallel_loop3A_943 = arith.constant 16 : i32
        %parallel_loop3A_944 = vector.broadcast %parallel_loop3A_943 : i32 to vector<16xi32>
        %parallel_loop3A_945 = arith.shli %parallel_loop3A_908, %parallel_loop3A_944 : vector<16xi32>
        %parallel_loop3A_946 = tpu.bitcast %parallel_loop3A_945 : vector<16xi32> -> vector<16xf32>
        %parallel_loop3A_947 = arith.constant 16 : i32
        %parallel_loop3A_948 = vector.broadcast %parallel_loop3A_947 : i32 to vector<16xi32>
        %parallel_loop3A_949 = arith.shli %parallel_loop3A_914, %parallel_loop3A_948 : vector<16xi32>
        %parallel_loop3A_950 = tpu.bitcast %parallel_loop3A_949 : vector<16xi32> -> vector<16xf32>
        %parallel_loop3A_951 = arith.constant 16 : i32
        %parallel_loop3A_952 = vector.broadcast %parallel_loop3A_951 : i32 to vector<16xi32>
        %parallel_loop3A_953 = arith.shli %parallel_loop3A_920, %parallel_loop3A_952 : vector<16xi32>
        %parallel_loop3A_954 = tpu.bitcast %parallel_loop3A_953 : vector<16xi32> -> vector<16xf32>
        %parallel_loop3A_955 = arith.constant 16 : i32
        %parallel_loop3A_956 = vector.broadcast %parallel_loop3A_955 : i32 to vector<16xi32>
        %parallel_loop3A_957 = arith.shli %parallel_loop3A_926, %parallel_loop3A_956 : vector<16xi32>
        %parallel_loop3A_958 = tpu.bitcast %parallel_loop3A_957 : vector<16xi32> -> vector<16xf32>
        %parallel_loop3A_959 = arith.andi %parallel_loop3A_884, %broadcast_in_dim3A_15 : vector<16xi32>
        %parallel_loop3A_960 = tpu.bitcast %parallel_loop3A_959 : vector<16xi32> -> vector<16xf32>
        %parallel_loop3A_961 = arith.andi %parallel_loop3A_890, %broadcast_in_dim3A_15 : vector<16xi32>
        %parallel_loop3A_962 = tpu.bitcast %parallel_loop3A_961 : vector<16xi32> -> vector<16xf32>
        %parallel_loop3A_963 = arith.andi %parallel_loop3A_896, %broadcast_in_dim3A_15 : vector<16xi32>
        %parallel_loop3A_964 = tpu.bitcast %parallel_loop3A_963 : vector<16xi32> -> vector<16xf32>
        %parallel_loop3A_965 = arith.andi %parallel_loop3A_902, %broadcast_in_dim3A_15 : vector<16xi32>
        %parallel_loop3A_966 = tpu.bitcast %parallel_loop3A_965 : vector<16xi32> -> vector<16xf32>
        %parallel_loop3A_967 = arith.andi %parallel_loop3A_908, %broadcast_in_dim3A_15 : vector<16xi32>
        %parallel_loop3A_968 = tpu.bitcast %parallel_loop3A_967 : vector<16xi32> -> vector<16xf32>
        %parallel_loop3A_969 = arith.andi %parallel_loop3A_914, %broadcast_in_dim3A_15 : vector<16xi32>
        %parallel_loop3A_970 = tpu.bitcast %parallel_loop3A_969 : vector<16xi32> -> vector<16xf32>
        %parallel_loop3A_971 = arith.andi %parallel_loop3A_920, %broadcast_in_dim3A_15 : vector<16xi32>
        %parallel_loop3A_972 = tpu.bitcast %parallel_loop3A_971 : vector<16xi32> -> vector<16xf32>
        %parallel_loop3A_973 = arith.andi %parallel_loop3A_926, %broadcast_in_dim3A_15 : vector<16xi32>
        %parallel_loop3A_974 = tpu.bitcast %parallel_loop3A_973 : vector<16xi32> -> vector<16xf32>
        %parallel_loop3A_975 = arith.addf %parallel_loop3A_930, %parallel_loop3A_934 : vector<16xf32>
        %parallel_loop3A_976 = arith.addf %parallel_loop3A_938, %parallel_loop3A_942 : vector<16xf32>
        %parallel_loop3A_977 = arith.addf %parallel_loop3A_946, %parallel_loop3A_950 : vector<16xf32>
        %parallel_loop3A_978 = arith.addf %parallel_loop3A_954, %parallel_loop3A_958 : vector<16xf32>
        %parallel_loop3A_979 = arith.addf %parallel_loop3A_960, %parallel_loop3A_962 : vector<16xf32>
        %parallel_loop3A_980 = arith.addf %parallel_loop3A_964, %parallel_loop3A_966 : vector<16xf32>
        %parallel_loop3A_981 = arith.addf %parallel_loop3A_968, %parallel_loop3A_970 : vector<16xf32>
        %parallel_loop3A_982 = arith.addf %parallel_loop3A_972, %parallel_loop3A_974 : vector<16xf32>
        %parallel_loop3A_983 = arith.addf %parallel_loop3A_975, %parallel_loop3A_976 : vector<16xf32>
        %parallel_loop3A_984 = arith.addf %parallel_loop3A_977, %parallel_loop3A_978 : vector<16xf32>
        %parallel_loop3A_985 = arith.addf %parallel_loop3A_979, %parallel_loop3A_980 : vector<16xf32>
        %parallel_loop3A_986 = arith.addf %parallel_loop3A_981, %parallel_loop3A_982 : vector<16xf32>
        %parallel_loop3A_987 = arith.addf %parallel_loop3A_983, %parallel_loop3A_984 : vector<16xf32>
        %parallel_loop3A_988 = arith.addf %parallel_loop3A_985, %parallel_loop3A_986 : vector<16xf32>
        %parallel_loop3A_989 = arith.index_cast %parallel_loop3A_156 : i32 to index
        %parallel_loop3A_990 = arith.constant 192 : index
        %parallel_loop3A_991 = tpu.vector_load %arg9[%parallel_loop3A_989, %parallel_loop3A_990] {strides = array<i32>} : memref<32x256xf32, #tpu.memory_space<vmem>>, vector<1x16xf32>,
        %parallel_loop3A_992 = vector.shape_cast %parallel_loop3A_991 : vector<1x16xf32> to vector<16xf32>
        %parallel_loop3A_993 = vector.shape_cast %parallel_loop3A_987 : vector<16xf32> to vector<1x16xf32>
        tpu.vector_store %arg9[%parallel_loop3A_989, %parallel_loop3A_990], %parallel_loop3A_993 {strides = array<i32>} : memref<32x256xf32, #tpu.memory_space<vmem>>, vector<1x16xf32>,
        %parallel_loop3A_994 = arith.index_cast %parallel_loop3A_156 : i32 to index
        %parallel_loop3A_995 = arith.constant 208 : index
        %parallel_loop3A_996 = tpu.vector_load %arg9[%parallel_loop3A_994, %parallel_loop3A_995] {strides = array<i32>} : memref<32x256xf32, #tpu.memory_space<vmem>>, vector<1x16xf32>,
        %parallel_loop3A_997 = vector.shape_cast %parallel_loop3A_996 : vector<1x16xf32> to vector<16xf32>
        %parallel_loop3A_998 = vector.shape_cast %parallel_loop3A_988 : vector<16xf32> to vector<1x16xf32>
        tpu.vector_store %arg9[%parallel_loop3A_994, %parallel_loop3A_995], %parallel_loop3A_998 {strides = array<i32>} : memref<32x256xf32, #tpu.memory_space<vmem>>, vector<1x16xf32>,
        %parallel_loop3A_999 = arith.constant 0 : i32
        %parallel_loop3A_1000 = arith.addi %parallel_loop3A_158, %parallel_loop3A_999 : i32
        %parallel_loop3A_1001 = arith.index_cast %parallel_loop3A_1000 : i32 to index
        %parallel_loop3A_1002 = arith.constant 112 : index
        %parallel_loop3A_1003 = tpu.vector_load %arg7[%parallel_loop3A_1001, %parallel_loop3A_1002] {strides = array<i32>} : memref<256x128xi32, #tpu.memory_space<vmem>>, vector<1x16xi32>,
        %parallel_loop3A_1004 = vector.shape_cast %parallel_loop3A_1003 : vector<1x16xi32> to vector<16xi32>
        %parallel_loop3A_1005 = arith.constant 1 : i32
        %parallel_loop3A_1006 = arith.addi %parallel_loop3A_158, %parallel_loop3A_1005 : i32
        %parallel_loop3A_1007 = arith.index_cast %parallel_loop3A_1006 : i32 to index
        %parallel_loop3A_1008 = arith.constant 112 : index
        %parallel_loop3A_1009 = tpu.vector_load %arg7[%parallel_loop3A_1007, %parallel_loop3A_1008] {strides = array<i32>} : memref<256x128xi32, #tpu.memory_space<vmem>>, vector<1x16xi32>,
        %parallel_loop3A_1010 = vector.shape_cast %parallel_loop3A_1009 : vector<1x16xi32> to vector<16xi32>
        %parallel_loop3A_1011 = arith.constant 2 : i32
        %parallel_loop3A_1012 = arith.addi %parallel_loop3A_158, %parallel_loop3A_1011 : i32
        %parallel_loop3A_1013 = arith.index_cast %parallel_loop3A_1012 : i32 to index
        %parallel_loop3A_1014 = arith.constant 112 : index
        %parallel_loop3A_1015 = tpu.vector_load %arg7[%parallel_loop3A_1013, %parallel_loop3A_1014] {strides = array<i32>} : memref<256x128xi32, #tpu.memory_space<vmem>>, vector<1x16xi32>,
        %parallel_loop3A_1016 = vector.shape_cast %parallel_loop3A_1015 : vector<1x16xi32> to vector<16xi32>
        %parallel_loop3A_1017 = arith.constant 3 : i32
        %parallel_loop3A_1018 = arith.addi %parallel_loop3A_158, %parallel_loop3A_1017 : i32
        %parallel_loop3A_1019 = arith.index_cast %parallel_loop3A_1018 : i32 to index
        %parallel_loop3A_1020 = arith.constant 112 : index
        %parallel_loop3A_1021 = tpu.vector_load %arg7[%parallel_loop3A_1019, %parallel_loop3A_1020] {strides = array<i32>} : memref<256x128xi32, #tpu.memory_space<vmem>>, vector<1x16xi32>,
        %parallel_loop3A_1022 = vector.shape_cast %parallel_loop3A_1021 : vector<1x16xi32> to vector<16xi32>
        %parallel_loop3A_1023 = arith.constant 4 : i32
        %parallel_loop3A_1024 = arith.addi %parallel_loop3A_158, %parallel_loop3A_1023 : i32
        %parallel_loop3A_1025 = arith.index_cast %parallel_loop3A_1024 : i32 to index
        %parallel_loop3A_1026 = arith.constant 112 : index
        %parallel_loop3A_1027 = tpu.vector_load %arg7[%parallel_loop3A_1025, %parallel_loop3A_1026] {strides = array<i32>} : memref<256x128xi32, #tpu.memory_space<vmem>>, vector<1x16xi32>,
        %parallel_loop3A_1028 = vector.shape_cast %parallel_loop3A_1027 : vector<1x16xi32> to vector<16xi32>
        %parallel_loop3A_1029 = arith.constant 5 : i32
        %parallel_loop3A_1030 = arith.addi %parallel_loop3A_158, %parallel_loop3A_1029 : i32
        %parallel_loop3A_1031 = arith.index_cast %parallel_loop3A_1030 : i32 to index
        %parallel_loop3A_1032 = arith.constant 112 : index
        %parallel_loop3A_1033 = tpu.vector_load %arg7[%parallel_loop3A_1031, %parallel_loop3A_1032] {strides = array<i32>} : memref<256x128xi32, #tpu.memory_space<vmem>>, vector<1x16xi32>,
        %parallel_loop3A_1034 = vector.shape_cast %parallel_loop3A_1033 : vector<1x16xi32> to vector<16xi32>
        %parallel_loop3A_1035 = arith.constant 6 : i32
        %parallel_loop3A_1036 = arith.addi %parallel_loop3A_158, %parallel_loop3A_1035 : i32
        %parallel_loop3A_1037 = arith.index_cast %parallel_loop3A_1036 : i32 to index
        %parallel_loop3A_1038 = arith.constant 112 : index
        %parallel_loop3A_1039 = tpu.vector_load %arg7[%parallel_loop3A_1037, %parallel_loop3A_1038] {strides = array<i32>} : memref<256x128xi32, #tpu.memory_space<vmem>>, vector<1x16xi32>,
        %parallel_loop3A_1040 = vector.shape_cast %parallel_loop3A_1039 : vector<1x16xi32> to vector<16xi32>
        %parallel_loop3A_1041 = arith.constant 7 : i32
        %parallel_loop3A_1042 = arith.addi %parallel_loop3A_158, %parallel_loop3A_1041 : i32
        %parallel_loop3A_1043 = arith.index_cast %parallel_loop3A_1042 : i32 to index
        %parallel_loop3A_1044 = arith.constant 112 : index
        %parallel_loop3A_1045 = tpu.vector_load %arg7[%parallel_loop3A_1043, %parallel_loop3A_1044] {strides = array<i32>} : memref<256x128xi32, #tpu.memory_space<vmem>>, vector<1x16xi32>,
        %parallel_loop3A_1046 = vector.shape_cast %parallel_loop3A_1045 : vector<1x16xi32> to vector<16xi32>
        %parallel_loop3A_1047 = arith.constant 16 : i32
        %parallel_loop3A_1048 = vector.broadcast %parallel_loop3A_1047 : i32 to vector<16xi32>
        %parallel_loop3A_1049 = arith.shli %parallel_loop3A_1004, %parallel_loop3A_1048 : vector<16xi32>
        %parallel_loop3A_1050 = tpu.bitcast %parallel_loop3A_1049 : vector<16xi32> -> vector<16xf32>
        %parallel_loop3A_1051 = arith.constant 16 : i32
        %parallel_loop3A_1052 = vector.broadcast %parallel_loop3A_1051 : i32 to vector<16xi32>
        %parallel_loop3A_1053 = arith.shli %parallel_loop3A_1010, %parallel_loop3A_1052 : vector<16xi32>
        %parallel_loop3A_1054 = tpu.bitcast %parallel_loop3A_1053 : vector<16xi32> -> vector<16xf32>
        %parallel_loop3A_1055 = arith.constant 16 : i32
        %parallel_loop3A_1056 = vector.broadcast %parallel_loop3A_1055 : i32 to vector<16xi32>
        %parallel_loop3A_1057 = arith.shli %parallel_loop3A_1016, %parallel_loop3A_1056 : vector<16xi32>
        %parallel_loop3A_1058 = tpu.bitcast %parallel_loop3A_1057 : vector<16xi32> -> vector<16xf32>
        %parallel_loop3A_1059 = arith.constant 16 : i32
        %parallel_loop3A_1060 = vector.broadcast %parallel_loop3A_1059 : i32 to vector<16xi32>
        %parallel_loop3A_1061 = arith.shli %parallel_loop3A_1022, %parallel_loop3A_1060 : vector<16xi32>
        %parallel_loop3A_1062 = tpu.bitcast %parallel_loop3A_1061 : vector<16xi32> -> vector<16xf32>
        %parallel_loop3A_1063 = arith.constant 16 : i32
        %parallel_loop3A_1064 = vector.broadcast %parallel_loop3A_1063 : i32 to vector<16xi32>
        %parallel_loop3A_1065 = arith.shli %parallel_loop3A_1028, %parallel_loop3A_1064 : vector<16xi32>
        %parallel_loop3A_1066 = tpu.bitcast %parallel_loop3A_1065 : vector<16xi32> -> vector<16xf32>
        %parallel_loop3A_1067 = arith.constant 16 : i32
        %parallel_loop3A_1068 = vector.broadcast %parallel_loop3A_1067 : i32 to vector<16xi32>
        %parallel_loop3A_1069 = arith.shli %parallel_loop3A_1034, %parallel_loop3A_1068 : vector<16xi32>
        %parallel_loop3A_1070 = tpu.bitcast %parallel_loop3A_1069 : vector<16xi32> -> vector<16xf32>
        %parallel_loop3A_1071 = arith.constant 16 : i32
        %parallel_loop3A_1072 = vector.broadcast %parallel_loop3A_1071 : i32 to vector<16xi32>
        %parallel_loop3A_1073 = arith.shli %parallel_loop3A_1040, %parallel_loop3A_1072 : vector<16xi32>
        %parallel_loop3A_1074 = tpu.bitcast %parallel_loop3A_1073 : vector<16xi32> -> vector<16xf32>
        %parallel_loop3A_1075 = arith.constant 16 : i32
        %parallel_loop3A_1076 = vector.broadcast %parallel_loop3A_1075 : i32 to vector<16xi32>
        %parallel_loop3A_1077 = arith.shli %parallel_loop3A_1046, %parallel_loop3A_1076 : vector<16xi32>
        %parallel_loop3A_1078 = tpu.bitcast %parallel_loop3A_1077 : vector<16xi32> -> vector<16xf32>
        %parallel_loop3A_1079 = arith.andi %parallel_loop3A_1004, %broadcast_in_dim3A_15 : vector<16xi32>
        %parallel_loop3A_1080 = tpu.bitcast %parallel_loop3A_1079 : vector<16xi32> -> vector<16xf32>
        %parallel_loop3A_1081 = arith.andi %parallel_loop3A_1010, %broadcast_in_dim3A_15 : vector<16xi32>
        %parallel_loop3A_1082 = tpu.bitcast %parallel_loop3A_1081 : vector<16xi32> -> vector<16xf32>
        %parallel_loop3A_1083 = arith.andi %parallel_loop3A_1016, %broadcast_in_dim3A_15 : vector<16xi32>
        %parallel_loop3A_1084 = tpu.bitcast %parallel_loop3A_1083 : vector<16xi32> -> vector<16xf32>
        %parallel_loop3A_1085 = arith.andi %parallel_loop3A_1022, %broadcast_in_dim3A_15 : vector<16xi32>
        %parallel_loop3A_1086 = tpu.bitcast %parallel_loop3A_1085 : vector<16xi32> -> vector<16xf32>
        %parallel_loop3A_1087 = arith.andi %parallel_loop3A_1028, %broadcast_in_dim3A_15 : vector<16xi32>
        %parallel_loop3A_1088 = tpu.bitcast %parallel_loop3A_1087 : vector<16xi32> -> vector<16xf32>
        %parallel_loop3A_1089 = arith.andi %parallel_loop3A_1034, %broadcast_in_dim3A_15 : vector<16xi32>
        %parallel_loop3A_1090 = tpu.bitcast %parallel_loop3A_1089 : vector<16xi32> -> vector<16xf32>
        %parallel_loop3A_1091 = arith.andi %parallel_loop3A_1040, %broadcast_in_dim3A_15 : vector<16xi32>
        %parallel_loop3A_1092 = tpu.bitcast %parallel_loop3A_1091 : vector<16xi32> -> vector<16xf32>
        %parallel_loop3A_1093 = arith.andi %parallel_loop3A_1046, %broadcast_in_dim3A_15 : vector<16xi32>
        %parallel_loop3A_1094 = tpu.bitcast %parallel_loop3A_1093 : vector<16xi32> -> vector<16xf32>
        %parallel_loop3A_1095 = arith.addf %parallel_loop3A_1050, %parallel_loop3A_1054 : vector<16xf32>
        %parallel_loop3A_1096 = arith.addf %parallel_loop3A_1058, %parallel_loop3A_1062 : vector<16xf32>
        %parallel_loop3A_1097 = arith.addf %parallel_loop3A_1066, %parallel_loop3A_1070 : vector<16xf32>
        %parallel_loop3A_1098 = arith.addf %parallel_loop3A_1074, %parallel_loop3A_1078 : vector<16xf32>
        %parallel_loop3A_1099 = arith.addf %parallel_loop3A_1080, %parallel_loop3A_1082 : vector<16xf32>
        %parallel_loop3A_1100 = arith.addf %parallel_loop3A_1084, %parallel_loop3A_1086 : vector<16xf32>
        %parallel_loop3A_1101 = arith.addf %parallel_loop3A_1088, %parallel_loop3A_1090 : vector<16xf32>
        %parallel_loop3A_1102 = arith.addf %parallel_loop3A_1092, %parallel_loop3A_1094 : vector<16xf32>
        %parallel_loop3A_1103 = arith.addf %parallel_loop3A_1095, %parallel_loop3A_1096 : vector<16xf32>
        %parallel_loop3A_1104 = arith.addf %parallel_loop3A_1097, %parallel_loop3A_1098 : vector<16xf32>
        %parallel_loop3A_1105 = arith.addf %parallel_loop3A_1099, %parallel_loop3A_1100 : vector<16xf32>
        %parallel_loop3A_1106 = arith.addf %parallel_loop3A_1101, %parallel_loop3A_1102 : vector<16xf32>
        %parallel_loop3A_1107 = arith.addf %parallel_loop3A_1103, %parallel_loop3A_1104 : vector<16xf32>
        %parallel_loop3A_1108 = arith.addf %parallel_loop3A_1105, %parallel_loop3A_1106 : vector<16xf32>
        %parallel_loop3A_1109 = arith.index_cast %parallel_loop3A_156 : i32 to index
        %parallel_loop3A_1110 = arith.constant 224 : index
        %parallel_loop3A_1111 = tpu.vector_load %arg9[%parallel_loop3A_1109, %parallel_loop3A_1110] {strides = array<i32>} : memref<32x256xf32, #tpu.memory_space<vmem>>, vector<1x16xf32>,
        %parallel_loop3A_1112 = vector.shape_cast %parallel_loop3A_1111 : vector<1x16xf32> to vector<16xf32>
        %parallel_loop3A_1113 = vector.shape_cast %parallel_loop3A_1107 : vector<16xf32> to vector<1x16xf32>
        tpu.vector_store %arg9[%parallel_loop3A_1109, %parallel_loop3A_1110], %parallel_loop3A_1113 {strides = array<i32>} : memref<32x256xf32, #tpu.memory_space<vmem>>, vector<1x16xf32>,
        %parallel_loop3A_1114 = arith.index_cast %parallel_loop3A_156 : i32 to index
        %parallel_loop3A_1115 = arith.constant 240 : index
        %parallel_loop3A_1116 = tpu.vector_load %arg9[%parallel_loop3A_1114, %parallel_loop3A_1115] {strides = array<i32>} : memref<32x256xf32, #tpu.memory_space<vmem>>, vector<1x16xf32>,
        %parallel_loop3A_1117 = vector.shape_cast %parallel_loop3A_1116 : vector<1x16xf32> to vector<16xf32>
        %parallel_loop3A_1118 = vector.shape_cast %parallel_loop3A_1108 : vector<16xf32> to vector<1x16xf32>
        tpu.vector_store %arg9[%parallel_loop3A_1114, %parallel_loop3A_1115], %parallel_loop3A_1118 {strides = array<i32>} : memref<32x256xf32, #tpu.memory_space<vmem>>, vector<1x16xf32>,
      } {sc.loop_unroll_factor = 2 : i64, sc.parallel_access}
      %mul3A_142 = arith.constant 32 : i32
      %mul3A_143 = arith.muli %add3A_111, %mul3A_142 : i32
      %add3A_144 = arith.addi %mul3A_2, %mul3A_143 : i32
      %dma_start3A_145 = arith.constant 0 : i32
      %dma_start3A_146 = tpu.memref_slice %arg4[%add3A_144, %dma_start3A_145] : memref<32768x256xf32, #tpu.memory_space<hbm>> -> memref<32x256xf32, #tpu.memory_space<hbm>>
      %dma_start3A_147 = arith.constant 0 : i32
      %dma_start3A_148 = tpu.memref_slice %arg4[%add3A_144, %dma_start3A_147] : memref<32768x256xf32, #tpu.memory_space<hbm>> -> memref<32x256xf32, #tpu.memory_space<hbm>>
      tpu.enqueue_dma source(%arg9 : memref<32x256xf32, #tpu.memory_space<vmem>>) target(%dma_start3A_148 : memref<32x256xf32, #tpu.memory_space<hbm>>) target_semaphore(%arg13 : memref<!tpu.dma_semaphore, #tpu.memory_space<semaphore_mem>>)
      %add3A_149 = arith.constant 2 : i32
      %add3A_150 = arith.addi %add3A_111, %add3A_149 : i32
      %lt3A_151 = arith.constant 32 : i32
      %lt3A_152 = arith.cmpi slt, %add3A_150, %lt3A_151 : i32
      %convert_element_type3A_153 = arith.extui %lt3A_152 : i1 to i32
      %cond3A_154 = arith.constant 0 : i32
      %cond3A_155 = arith.cmpi ne, %convert_element_type3A_153, %cond3A_154 : i32
      scf.if %cond3A_155 {
        %add3A_156 = arith.constant 2 : i32
        %add3A_157 = arith.addi %add3A_111, %add3A_156 : i32
        %mul3A_158 = arith.constant 256 : i32
        %mul3A_159 = arith.muli %add3A_157, %mul3A_158 : i32
        %add3A_160 = arith.constant 0 : i32
        %add3A_161 = arith.addi %mul3A_159, %add3A_160 : i32
        %dma_start3A_162 = arith.constant 0 : i32
        %dma_start3A_163 = arith.constant 0 : i32
        %dma_start3A_164 = tpu.memref_slice %arg7[%dma_start3A_162, %dma_start3A_163] : memref<256x128xi32, #tpu.memory_space<vmem>> -> memref<128x128xi32, #tpu.memory_space<vmem>>
        %dma_start3A_165 = tpu.memref_slice %arg5[%add3A_161] : memref<8192xi32, #tpu.memory_space<vmem>> -> memref<128xi32, #tpu.memory_space<vmem>>
        %dma_start3A_166 = arith.constant 0 : i32
        %dma_start3A_167 = arith.constant 0 : i32
        %dma_start3A_168 = tpu.memref_slice %arg2[%dma_start3A_166, %dma_start3A_167] : memref<8200x128xi32, #tpu.memory_space<hbm>> -> memref<8200x128xi32, #tpu.memory_space<hbm>>
        tpu.enqueue_indirect_dma source(%dma_start3A_168 : memref<8200x128xi32, #tpu.memory_space<hbm>>) target(%dma_start3A_164 : memref<128x128xi32, #tpu.memory_space<vmem>>) offsets(%dma_start3A_165 : memref<128xi32, #tpu.memory_space<vmem>>) semaphore(%arg11 : memref<!tpu.dma_semaphore, #tpu.memory_space<semaphore_mem>>)
        %mul3A_169 = arith.constant 256 : i32
        %mul3A_170 = arith.muli %add3A_157, %mul3A_169 : i32
        %add3A_171 = arith.constant 128 : i32
        %add3A_172 = arith.addi %mul3A_170, %add3A_171 : i32
        %dma_start3A_173 = arith.constant 128 : i32
        %dma_start3A_174 = arith.constant 0 : i32
        %dma_start3A_175 = tpu.memref_slice %arg7[%dma_start3A_173, %dma_start3A_174] : memref<256x128xi32, #tpu.memory_space<vmem>> -> memref<128x128xi32, #tpu.memory_space<vmem>>
        %dma_start3A_176 = tpu.memref_slice %arg5[%add3A_172] : memref<8192xi32, #tpu.memory_space<vmem>> -> memref<128xi32, #tpu.memory_space<vmem>>
        %dma_start3A_177 = arith.constant 0 : i32
        %dma_start3A_178 = arith.constant 0 : i32
        %dma_start3A_179 = tpu.memref_slice %arg2[%dma_start3A_177, %dma_start3A_178] : memref<8200x128xi32, #tpu.memory_space<hbm>> -> memref<8200x128xi32, #tpu.memory_space<hbm>>
        tpu.enqueue_indirect_dma source(%dma_start3A_179 : memref<8200x128xi32, #tpu.memory_space<hbm>>) target(%dma_start3A_175 : memref<128x128xi32, #tpu.memory_space<vmem>>) offsets(%dma_start3A_176 : memref<128xi32, #tpu.memory_space<vmem>>) semaphore(%arg11 : memref<!tpu.dma_semaphore, #tpu.memory_space<semaphore_mem>>)
      } else {
      }
    }
    %scan3A_52 = arith.constant 16 : i32
    %add3A_53 = arith.constant 960 : i32
    %add3A_54 = arith.addi %mul3A_2, %add3A_53 : i32
    %dma_wait3A = arith.constant 0 : i32
    %dma_wait3A_55 = tpu.memref_slice %arg4[%add3A_54, %dma_wait3A] : memref<32768x256xf32, #tpu.memory_space<hbm>> -> memref<32x256xf32, #tpu.memory_space<hbm>>
    %dma_wait3A_56 = arith.constant 0 : i32
    %dma_wait3A_57 = tpu.memref_slice %arg4[%add3A_54, %dma_wait3A_56] : memref<32768x256xf32, #tpu.memory_space<hbm>> -> memref<32x256xf32, #tpu.memory_space<hbm>>
    tpu.wait_dma2 semaphore(%arg12 : memref<!tpu.dma_semaphore, #tpu.memory_space<semaphore_mem>>) src(%arg8 : memref<32x256xf32, #tpu.memory_space<vmem>>) dst(%dma_wait3A_57 : memref<32x256xf32, #tpu.memory_space<hbm>>)
    %add3A_58 = arith.constant 992 : i32
    %add3A_59 = arith.addi %mul3A_2, %add3A_58 : i32
    %dma_wait3A_60 = arith.constant 0 : i32
    %dma_wait3A_61 = tpu.memref_slice %arg4[%add3A_59, %dma_wait3A_60] : memref<32768x256xf32, #tpu.memory_space<hbm>> -> memref<32x256xf32, #tpu.memory_space<hbm>>
    %dma_wait3A_62 = arith.constant 0 : i32
    %dma_wait3A_63 = tpu.memref_slice %arg4[%add3A_59, %dma_wait3A_62] : memref<32768x256xf32, #tpu.memory_space<hbm>> -> memref<32x256xf32, #tpu.memory_space<hbm>>
    tpu.wait_dma2 semaphore(%arg13 : memref<!tpu.dma_semaphore, #tpu.memory_space<semaphore_mem>>) src(%arg9 : memref<32x256xf32, #tpu.memory_space<vmem>>) dst(%dma_wait3A_63 : memref<32x256xf32, #tpu.memory_space<hbm>>)
    return
  }
}

</mosaic_0001>

<sc_bundles>
// kernel: kernel.3.cloned.1.call-start
scs
__scs_entry_jumppad:
0x0: {  	(pc) =	sbr.rel $0x88, $3  }
0x1: {  	(tag) =	ssettag $0x0;
	lr =	simm.s32 $0x1  }
0x2: {  	[smem:$0x3F9E] =	sst lr;
	_ =	strace $0xD0000000  }
0x3: {  	_ = 	snop  }
0x4: {  	_ = 	snop  }
0x5: {  	_ = 	snop  }
0x6: {  	_ = 	snop  }
0x7: {  	_ = 	snop  }
__scs_overlays_trampoline_lowered:
0x8: {  	[smem:$0x3FAD] =	sst s0  }
0x9: {  	[smem:$0x3FAE] =	sst s1  }
0xa: {  	[smem:$0x3FAF] =	sst s2  }
0xb: {  	[smem:$0x3FB0] =	sst s3  }
0xc: {  	[smem:$0x3FB1] =	sst s4  }
0xd: {  	[smem:$0x3FB2] =	sst s5  }
0xe: {  	[smem:$0x3FB3] =	sst s6  }
0xf: {  	[smem:$0x3FB4] =	sst s7  }
0x10: {  	[smem:$0x3FB5] =	sst s8  }
0x11: {  	[smem:$0x3FB6] =	sst s9;
	s0 =	simm.s32 @!p0 $0x0  }
0x12: {  	s1 =	sld [smem:$0x3F9C];
	s0 =	simm.s32 @p0 $0x1  }
0x13: {  	[smem:$0x3FB7] =	sst s0;
	s0 =	simm.s32 @!p1 $0x0  }
0x14: {  	s2 =	sld [smem:$0x3F9B];
	s0 =	simm.s32 @p1 $0x1  }
0x15: {  	[smem:$0x3FB8] =	sst s0;
	s0 =	simm.s32 @!p2 $0x0  }
0x16: {  	s3 =	sld [smem:$0x3FDB];
	s0 =	simm.s32 @p2 $0x1  }
0x17: {  	s4 =	simm.s32 $0x1BF5;
	[smem:$0x3FBA] =	sst s0  }
0x18: {  	s0 =	sld [smem:$0x3F9D];
	_ =	swait.ge [sflag:s4], $0x0  }
0x19: {  	s7 =	sld [smem:$0x3F9E]  }
0x1a: {  	s8 =	sadd.s32 $0xFFFFE003, lr  }
0x1b: {  	s9 =	sadd.s32 $0xFFFFFEF7, lr;
	s5 =	simm.s32 $0xFFFFFFFF;
	p2 =	slt.u32 s8, $0xFFFFF086  }
0x1c: {  	p1 =	slt.u32 s9, $0xF7A;
	s5 =	simm.s32 @!p2 $0x0  }
0x1d: {  	s5 =	simm.s32 @p1 $0x1;
	p0 =	seq.s32 s7, s2  }
0x1e: {  	s7 =	smul.u32 @!p0 $0xF7A, s2;
	p2 =	seq.s32 @!p0 s5, $0x0  }
0x1f: {  	s9 =	smul.u32 $0xF7A, s1;
	s8 =	simm.s32 @!p0 $0x1BF5;
	p2 =	por !p2, p0  }
0x20: {  	[sflag:s8] =	ssyncset.s32 @!p0 $0xFFFFF086;
	s6 =	sadd.s32 @!p0 s3, s7;
	s7 =	simm.s32 @!p0 $0x108  }
0x21: {  	s3 =	sadd.s32 s3, s9;
	s6 =	sadd.s32 @!p0 $0x88, s6;
	s7 =	simm.s32 @p2 $0x1082  }
0x22: {  	[simem:s7], [sflag:s8] =	dma.local @!p0 [hbm:s6], $0xF7A  }
0x23: {  	s9 =	sor.u32 $0xD0000000, s2;
	s6 =	simm.s32 $0x108;
	_ =	swait.ge @!p0 [sflag:s8], $0x0  }
0x24: {  	s3 =	sadd.s32 $0x88, s3;
	s6 =	simm.s32 @!p1 $0x1082;
	[sflag:s4] =	ssyncset.s32 $0xFFFFF086  }
0x25: {  	[simem:s6], [sflag:s4] =	dma.local [hbm:s3], $0xF7A  }
0x26: {  	[smem:$0x3F9E] =	sst s1;
	(tag) =	ssettag s2;
	_ =	strace s9  }
0x27: {  	s1 =	sld [smem:$0x3FAE]  }
0x28: {  	s2 =	sld [smem:$0x3FAF]  }
0x29: {  	s4 =	sld [smem:$0x3FB1]  }
0x2a: {  	p0 =	seq.s32 s5, $0x0;
	s5 =	sld [smem:$0x3FB2]  }
0x2b: {  	s6 =	sld [smem:$0x3FB3]  }
0x2c: {  	s7 =	sld [smem:$0x3FB4]  }
0x2d: {  	s3 =	simm.s32 $0x108;
	s8 =	sld [smem:$0x3FB5]  }
0x2e: {  	s3 =	simm.s32 @!p0 $0x1082;
	s9 =	sld [smem:$0x3FB6]  }
0x2f: {  	lr =	sadd.s32 s0, s3;
	s0 =	sld [smem:$0x3FAD]  }
0x30: {  	s3 =	sld [smem:$0x3FB0]  }
0x31: {  	[smem:$0x3FB9] =	sst s10  }
0x32: {  	s10 =	sld [smem:$0x3FB7];
	_ =	sdelay $0x3  }
0x33: {  	p0 =	seq.s32 s10, $0x1;
	s10 =	sld [smem:$0x3FB9];
	_ =	sdelay $0x3  }
0x34: {  	[smem:$0x3FB9] =	sst s10  }
0x35: {  	s10 =	sld [smem:$0x3FB8];
	_ =	sdelay $0x3  }
0x36: {  	p1 =	seq.s32 s10, $0x1;
	s10 =	sld [smem:$0x3FB9];
	_ =	sdelay $0x3  }
0x37: {  	[smem:$0x3FB9] =	sst s10  }
0x38: {  	s10 =	sld [smem:$0x3FBA]  }
0x39: {  	_ = 	snop;
	(pc) =	sbr.ind lr, $3  }
0x3a: {  	_ = 	snop  }
0x3b: {  	_ = 	snop  }
0x3c: {  	p2 =	seq.s32 s10, $0x1;
	s10 =	sld [smem:$0x3FB9]  }
0x3d: {  	_ =	shalt  }
0x3e: {  	_ =	shalt  }
0x3f: {  	_ =	shalt  }
0x40: {  	_ =	shalt  }
0x41: {  	_ =	shalt  }
0x42: {  	_ =	shalt  }
0x43: {  	_ =	shalt  }
0x44: {  	_ =	shalt  }
0x45: {  	_ =	shalt  }
0x46: {  	_ =	shalt  }
0x47: {  	_ =	shalt  }
0x48: {  	_ =	shalt  }
0x49: {  	_ =	shalt  }
0x4a: {  	_ =	shalt  }
0x4b: {  	_ =	shalt  }
0x4c: {  	_ =	shalt  }
0x4d: {  	_ =	shalt  }
0x4e: {  	_ =	shalt  }
0x4f: {  	_ =	shalt  }
0x50: {  	_ =	shalt  }
0x51: {  	_ =	shalt  }
0x52: {  	_ =	shalt  }
0x53: {  	_ =	shalt  }
0x54: {  	_ =	shalt  }
0x55: {  	_ =	shalt  }
0x56: {  	_ =	shalt  }
0x57: {  	_ =	shalt  }
0x58: {  	_ =	shalt  }
0x59: {  	_ =	shalt  }
0x5a: {  	_ =	shalt  }
0x5b: {  	_ =	shalt  }
0x5c: {  	_ =	shalt  }
0x5d: {  	_ =	shalt  }
0x5e: {  	_ =	shalt  }
0x5f: {  	_ =	shalt  }
0x60: {  	_ =	shalt  }
0x61: {  	_ =	shalt  }
0x62: {  	_ =	shalt  }
0x63: {  	_ =	shalt  }
0x64: {  	_ =	shalt  }
0x65: {  	_ =	shalt  }
0x66: {  	_ =	shalt  }
0x67: {  	_ =	shalt  }
0x68: {  	_ =	shalt  }
0x69: {  	_ =	shalt  }
0x6a: {  	_ =	shalt  }
0x6b: {  	_ =	shalt  }
0x6c: {  	_ =	shalt  }
0x6d: {  	_ =	shalt  }
0x6e: {  	_ =	shalt  }
0x6f: {  	_ =	shalt  }
0x70: {  	_ =	shalt  }
0x71: {  	_ =	shalt  }
0x72: {  	_ =	shalt  }
0x73: {  	_ =	shalt  }
0x74: {  	_ =	shalt  }
0x75: {  	_ =	shalt  }
0x76: {  	_ =	shalt  }
0x77: {  	_ =	shalt  }
0x78: {  	_ =	shalt  }
0x79: {  	_ =	shalt  }
0x7a: {  	_ =	shalt  }
0x7b: {  	_ =	shalt  }
0x7c: {  	_ =	shalt  }
0x7d: {  	_ =	shalt  }
0x7e: {  	_ =	shalt  }
0x7f: {  	_ =	shalt  }
0x80: {  	_ =	shalt  }
0x81: {  	_ =	shalt  }
0x82: {  	_ =	shalt  }
0x83: {  	_ =	shalt  }
0x84: {  	_ =	shalt  }
0x85: {  	_ =	shalt  }
0x86: {  	_ =	shalt  }
0x87: {  	_ =	shalt  }
.Lfunc_end0:
.L_simem_size_0:
called_computation_lowered:
.L_overlay_start_0:
0x88: {  	s2 =	sld [smem:$0x3FD9]  }
0x89: {  	s3 =	sld [smem:$0x3FFE];
	_ =	sdelay $0x1  }
0x8a: {  	s1 =	srdreg.scid  }
0x8b: {  	s0 =	sand.u32 $0x1, s1  }
0x8c: {  	s17 =	sshll.u32 s0, $0xA;
	s2 =	sadd.s32 s3, s2  }
0x8d: {  	s2 =	sadd.s32 s2, s17  }
0x8e: {  	[smem:$0x3FC5] =	sst s2  }
0x8f: {  	_ = 	snop  }
0x90: {  	s2 =	sld [smem:$0x3FD0];
	(tm) =	ssettm $0x1  }
0x91: {  	s18 =	sld [smem:$0x3FFB];
	_ =	sdelay $0x3  }
0x92: {  	_ =	strace s18  }
0x93: {  	s3 =	sld [smem:$0x3FFC];
	_ =	sdelay $0x3  }
0x94: {  	_ =	strace s3  }
0x95: {  	s3 =	sld [smem:$0x3FFD];
	_ =	sdelay $0x3  }
0x96: {  	_ =	strace s3  }
0x97: {  	_ =	strace $0x8FFFFFFF  }
0x98: {  	s19 =	sld [smem:$0x3FDB];
	_ =	sdelay $0x1  }
0x99: {  	s4 =	simm.s32 $_scs_section_size  }
0x9a: {  	s5 =	simm.s32 $_size__tile_overlayer_lowered;
	s6 =	simm.s32 $_tile_overlayer_lowered  }
0x9b: {  	s22 =	simm.s32 $0x1BFF;
	s21 =	sshll.u32 s6, $0x1;
	s3 =	sadd.s32 s4, s19  }
0x9c: {  	s7 =	simm.s32 $0x0;
	s20 =	sshll.u32 s5, $0x1;
	s5 =	sadd.s32 s21, s3  }
0x9d: {  	[timem:s7], [sflag:s22] =	dma.local [hbm:s5], s20  }
0x9e: {  	_ =	swait.ge [sflag:s22], s20  }
0x9f: {  	s4 =	ssub.s32 $0x0, s20;
	[sflag:s22] =	ssyncset.done $0x0  }
0xa0: {  	[sflag:s22] =	ssyncadd.s32 s4;
	_ =	sdelay $0x1  }
0xa1: {  	s23 =	simm.s32 $0x1B8B  }
0xa2: {  	_ =	swait.ge [sflag:s23], $0x1  }
0xa3: {  	[sflag:s23] =	ssyncset.done $0x0  }
0xa4: {  	s25 =	simm.s32 $0x1B8E;
	s24 =	sld [smem:$0x3FFE];
	[sflag:s23] =	ssyncadd.s32 $0xFFFFFFFF  }
0xa5: {  	s26 =	simm.s32 $execute0_lowered;
	[smem:$0x3FD2] =	sst s25  }
0xa6: {  	s5 =	sshll.u32 s26, $0x1;
	_ =	strace $0x80000046;
	[dreg:$0x1] =	wrdreg $0xFFFFFFFF  }
0xa7: {  	s28 =	simm.s32 $_size_execute0_lowered;
	s3 =	sadd.s32 s3, s5;
	[dreg:$0x0] =	wrdreg $0x0  }
0xa8: {  	s5 =	sshll.u32 s28, $0x1;
	[dreg:$0x2] =	wrdreg s3  }
0xa9: {  	[dreg:$0x3] =	wrdreg s5  }
0xaa: {  	[dreg:$0x4] =	wrdreg $0xC0  }
0xab: {  	_ =	task [dreg:s7], $0x5FFFF  }
0xac: {  	[dreg:$0x1] =	wrdreg $0xFFFFFFFF  }
0xad: {  	[dreg:$0x0] =	wrdreg $0x60  }
0xae: {  	[dreg:$0x2] =	wrdreg s24  }
0xaf: {  	[dreg:$0x3] =	wrdreg s2  }
0xb0: {  	[dreg:$0x4] =	wrdreg $0x9  }
0xb1: {  	_ =	task.clear_ibuf [dreg:s7], $0x5FFFF;
	_ =	strace $0x90000046  }
0xb2: {  	s29 =	simm.s32 $0x9;
	_ =	strace $0x80000048  }
0xb3: {  	_ =	swait.ge [sflag:s29], $0x1  }
0xb4: {  	[sflag:s29] =	ssyncadd.s32 $0xFFFFFFFF  }
0xb5: {  	_ =	strace $0x90000048  }
0xb6: {  	_ =	sfence  }
0xb7: {  	s30 =	sld [smem:$0x0];
	_ =	sdelay $0x2  }
0xb8: {  	s31 =	sshll.u32 s1, $0xD;
	s1 =	sshrl.u32 s1, $0x2  }
0xb9: {  	s3 =	sand.u32 $0x4000, s31;
	s1 =	sadd.s32 s1, s30  }
0xba: {  	s0 =	sor.u32 s3, s0;
	s1 =	sshll.u32 s1, $0x11  }
0xbb: {  	s0 =	sor.u32 s1, s0  }
0xbc: {  	s0 =	sadd.s32 $0x8F2B, s0  }
0xbd: {  	[sflag:s0] =	ssyncadd.remote.s32 $0x1  }
0xbe: {  	_ =	sfence.sel $0xFFFF  }
0xbf: {  	[dreg:$0x0] =	wrdreg $0xFFFFFFFF;
	(pc) =	sbr.abs _section_cstart, $3  }
0xc0: {  	[dreg:$0x1] =	wrdreg $0xFFFFFFFF  }
0xc1: {  	_ =	task.clear_ibuf [dreg:s7], $0x2FFFF;
	_ =	strace $0x9FFFFFFF  }
0xc2: {  	(tm) =	ssettm $0x7FFFFFFF  }
0xc3: {  	_ =	shalt  }
tec
execute0_lowered:
.L_overlay_start_1:
0x0: {  	(tag) =	ssettag $0x1  }
0x1: {  	s0 =	rddreg [dreg:$0x0]  }
0x2: {  	s1 =	rddreg [dreg:$0x1];
	s2 =	simm.s32 $0x0  }
0x3: {  	s3 =	srdreg.scid;
	s4 =	stileid.u32;
	s8 =	simm.s32 $0x80  }
0x4: {  	s12 =	simm.s32 $0xA000;
	s14 =	simm.s32 $0xE000;
	s15 =	simm.s32 $0x1  }
0x5: {  	s16 =	simm.s32 $0x12000;
	s17 =	simm.s32 $0x2;
	s18 =	simm.s32 $0x14000  }
0x6: {  	s19 =	simm.s32 $0x3;
	s20 =	simm.s32 $0x4;
	s21 =	simm.s32 $0x0  }
0x7: {  	s22 =	simm.s32 $0x0;
	[smem:$0x7FF] =	sst s2;
	s3 =	sand.u32 $0x1, s3  }
.Ltmp0:
0x8: {  	s4 =	sshll.u32 s4, $0x1;
	_ =	strace $0x80000047;
	(pc) =	sbr.rel .LBB2_1-.Ltmp0, $4  }
0x9: {  	s4 =	sor.u32 s3, s4;
	s5 =	ssub.s32 $0x2, s3;
	s3 =	sadd.s32 $0x800, s0  }
0xa: {  	v0 =	vlaneseq.u32;
	s6 =	sshll.u32 s4, $0xA;
	s7 =	sshrl.u32 s5, $0x1;
	s31 =	sshll.u32 s4, $0xF  }
0xb: {  	v0 =	vand.u32 $0x7, v0;
	s0 =	sadd.s32 s6, s0;
	s30 =	ssub.s32 s5, s7;
	s5 =	sadd.s32 s1, s31  }
0xc: {  	v0 =	vmul.u32 $0x401, v0;
	s7 =	simm.s32 $0x5;
	s4 =	sadd.s32 $0x20A00, s0;
	s6 =	smax.u32 s30, $0x1  }
.LBB2_10:
0xd: {  	s21 =	sadd.s32 $0x1, s21  }
0xe: {  	_ =	swait.ge [sflag:s19], $0x2000;
	p0 =	sne.s32 s21, s6  }
.Ltmp1:
0xf: {  	[sflag:s19] =	ssyncset.done $0x0;
	(pc) =	sbr.rel @!p0 .LBB2_11-.Ltmp1, $4  }
0x10: {  	[sflag:s19] =	ssyncadd.s32 $0xFFFFE000  }
0x11: {  	_ =	swait.ge [sflag:s20], $0x2000  }
0x12: {  	[sflag:s20] =	ssyncset.done $0x0  }
0x13: {  	[sflag:s20] =	ssyncadd.s32 $0xFFFFE000  }
.LBB2_1:
0x14: {  	[tilespmem:s2], [sflag:$0x5] =	stream.linear.gather [hbm4b:s4+s2], $0x2000, $0x38;
	[tilespmem:$0x16000] =	vst v63  }
0x15: {  	_ =	swait.ge [sflag:s7], $0x2000  }
0x16: {  	[sflag:s7] =	ssyncset.done $0x0  }
0x17: {  	s0 =	simm.s32 $0x0;
	s1 =	simm.s32 $0x40;
	[sflag:s7] =	ssyncadd.s32 $0xFFFFE000  }
.LBB2_2:
0x18: {  	p0 =	sne.s32 s1, $0x7FC0;
	v1 =	vld [tilespmem:s0+$0x0];
	_ =	sdelay $0x1  }
.Ltmp2:
0x19: {  	(pc) =	sbr.rel @p0 .LBB2_2-.Ltmp2, $3  }
0x1a: {  	_ =	sdelay $0x1  }
0x1b: {  	v1 =	vadd.s32 v0, v1  }
0x1c: {  	[tilespmem:s0+$0x0] =	vst v1;
	s0 =	sshra.s32 s1, $0x2;
	s1 =	sadd.s32 $0x40, s1  }
0x1d: {  	v1 =	vld [tilespmem:s0+$0x0];
	_ =	sdelay $0x4  }
0x1e: {  	v1 =	vadd.s32 v0, v1  }
0x1f: {  	s28 =	simm.s32 $0x2000;
	[tilespmem:s0+$0x0] =	vst v1  }
0x20: {  	[tilespmem:s28], [sflag:$0x1] =	stream.indirect.gather [hbm4b:s3+s8], $0x80, s22, s8, $0xb8;
	[tilespmem:$0x16000] =	vst v63  }
0x21: {  	s29 =	simm.s32 $0x6000  }
0x22: {  	[tilespmem:s29], [sflag:$0x1] =	stream.indirect.gather [hbm4b:s3+s8], $0x80, s8, s8, $0xb8;
	[tilespmem:$0x16000] =	vst v63  }
0x23: {  	s30 =	simm.s32 $0x100  }
0x24: {  	[tilespmem:s12], [sflag:$0x2] =	stream.indirect.gather [hbm4b:s3+s8], $0x80, s30, s8, $0xb8;
	[tilespmem:$0x16000] =	vst v63  }
0x25: {  	s31 =	simm.s32 $0x180;
	s23 =	simm.s32 $0x0  }
0x26: {  	[tilespmem:s14], [sflag:$0x2] =	stream.indirect.gather [hbm4b:s3+s8], $0x80, s31, s8, $0xb8;
	[tilespmem:$0x16000] =	vst v63  }
.LBB2_4:
0x27: {  	_ =	swait.ge [sflag:s15], $0x4000  }
0x28: {  	[sflag:s15] =	ssyncset.done $0x0  }
0x29: {  	[sflag:s15] =	ssyncadd.s32 $0xFFFFC000  }
0x2a: {  	_ =	swait.ge [sflag:s15], $0x4000  }
0x2b: {  	p0 =	seq.s32 s23, $0x0;
	[sflag:s15] =	ssyncset.done $0x0  }
0x2c: {  	s0 =	simm.s32 @!p0 $0x3;
	[sflag:s15] =	ssyncadd.s32 $0xFFFFC000  }
0x2d: {  	_ =	swait.ge @!p0 [sflag:s0], $0x2000  }
0x2e: {  	[sflag:s0] =	ssyncset.done @!p0 $0x0  }
0x2f: {  	s1 =	simm.s32 $0x2400;
	[sflag:s0] =	ssyncadd.s32 @!p0 $0xFFFFE000  }
0x30: {  	v1 =	vld [tilespmem:s1+$0x0]  }
0x31: {  	v2 =	vld [tilespmem:s1+$0x80]  }
0x32: {  	v3 =	vld [tilespmem:s1+$0x100]  }
0x33: {  	v4 =	vld [tilespmem:s1+$0x180]  }
0x34: {  	v5 =	vld [tilespmem:s1+$0x200]  }
0x35: {  	v6 =	vld [tilespmem:s1+$0x280]  }
0x36: {  	v7 =	vld [tilespmem:s1+$0x300]  }
0x37: {  	v8 =	vld [tilespmem:s1+$0x380];
	_ =	sdelay $0x1  }
0x38: {  	v9 =	vshll.u32 v1, $0x10  }
0x39: {  	v10 =	vshll.u32 v2, $0x10;
	v11 =	vshll.u32 v3, $0x10;
	v12 =	vshll.u32 v4, $0x10  }
0x3a: {  	v13 =	vshll.u32 v5, $0x10;
	v14 =	vshll.u32 v6, $0x10;
	v15 =	vshll.u32 v7, $0x10  }
0x3b: {  	v17 =	vshll.u32 v8, $0x10;
	v1 =	vand.u32 $0xFFFF0000, v1;
	v2 =	vand.u32 $0xFFFF0000, v2  }
0x3c: {  	v16 =	vld [tilespmem:s1+$0xFFFFFC80];
	v3 =	vand.u32 $0xFFFF0000, v3;
	v4 =	vand.u32 $0xFFFF0000, v4;
	v5 =	vand.u32 $0xFFFF0000, v5  }
0x3d: {  	v18 =	vld [tilespmem:s1+$0xFFFFFD00];
	v6 =	vand.u32 $0xFFFF0000, v6;
	v9 =	vadd.f32 v10, v9;
	v11 =	vadd.f32 v12, v11  }
0x3e: {  	v7 =	vand.u32 $0xFFFF0000, v7;
	v10 =	vld [tilespmem:s1+$0xFFFFFD80];
	v12 =	vadd.f32 v14, v13;
	v14 =	vadd.f32 v17, v15  }
0x3f: {  	v15 =	vld [tilespmem:s1+$0xFFFFFE80];
	v1 =	vadd.f32 v2, v1;
	v2 =	vand.u32 $0xFFFF0000, v8;
	v3 =	vadd.f32 v4, v3  }
0x40: {  	v4 =	vld [tilespmem:s1+$0xFFFFFC00];
	v5 =	vadd.f32 v6, v5;
	v2 =	vadd.f32 v2, v7  }
0x41: {  	v6 =	vld [tilespmem:s1+$0xFFFFFF00];
	v7 =	vadd.f32 v11, v9;
	v8 =	vadd.f32 v14, v12  }
0x42: {  	v13 =	vld [tilespmem:s1+$0xFFFFFE00];
	v1 =	vadd.f32 v3, v1;
	v2 =	vadd.f32 v2, v5  }
0x43: {  	s25 =	sand.u32 $0x1800, s22;
	s9 =	simm.s32 $0x80;
	v17 =	vand.u32 $0xFFFF0000, v18;
	v14 =	vand.u32 $0xFFFF0000, v16;
	v5 =	vshll.u32 v16, $0x10  }
0x44: {  	s9 =	sand.u32 $0x380, s9;
	s0 =	sor.u32 $0x12000, s25;
	v9 =	vld [tilespmem:s1+$0xFFFFFF80];
	v3 =	vadd.f32 v8, v7;
	v1 =	vadd.f32 v2, v1;
	v2 =	vshll.u32 v18, $0x10  }
0x45: {  	s25 =	sor.u32 s9, s0;
	v7 =	vshll.u32 v4, $0x10;
	v8 =	vshll.u32 v10, $0x10;
	v11 =	vshll.u32 v15, $0x10  }
0x46: {  	v12 =	vshll.u32 v6, $0x10;
	v4 =	vand.u32 $0xFFFF0000, v4;
	v10 =	vand.u32 $0xFFFF0000, v10;
	[tilespmem:s25+$0x0] =	vst v3  }
0x47: {  	v15 =	vand.u32 $0xFFFF0000, v15;
	v6 =	vand.u32 $0xFFFF0000, v6;
	v3 =	vshll.u32 v13, $0x10;
	[tilespmem:s25+$0x10] =	vst v1  }
0x48: {  	v13 =	vand.u32 $0xFFFF0000, v13;
	v5 =	vadd.f32 v5, v7;
	v2 =	vadd.f32 v8, v2;
	v16 =	vld [tilespmem:s1+$0x10]  }
0x49: {  	v4 =	vadd.f32 v14, v4;
	v10 =	vadd.f32 v10, v17;
	v1 =	vshll.u32 v9, $0x10;
	v18 =	vld [tilespmem:s1+$0x90]  }
0x4a: {  	v3 =	vadd.f32 v11, v3;
	v9 =	vand.u32 $0xFFFF0000, v9;
	v7 =	vld [tilespmem:s1+$0x110];
	v1 =	vadd.f32 v1, v12  }
0x4b: {  	v8 =	vld [tilespmem:s1+$0x190];
	v12 =	vadd.f32 v15, v13;
	v6 =	vadd.f32 v9, v6  }
0x4c: {  	v9 =	vld [tilespmem:s1+$0x290];
	v2 =	vadd.f32 v2, v5;
	v4 =	vadd.f32 v10, v4  }
0x4d: {  	v1 =	vadd.f32 v1, v3;
	v5 =	vadd.f32 v6, v12  }
0x4e: {  	v11 =	vld [tilespmem:s1+$0x210]  }
0x4f: {  	v3 =	vld [tilespmem:s1+$0x310];
	v1 =	vadd.f32 v1, v2;
	v2 =	vadd.f32 v5, v4;
	v4 =	vshll.u32 v16, $0x10  }
0x50: {  	s26 =	sand.u32 $0x300, s22;
	v6 =	vld [tilespmem:s1+$0x390];
	v5 =	vshll.u32 v18, $0x10;
	v10 =	vshll.u32 v7, $0x10;
	v12 =	vshll.u32 v8, $0x10  }
0x51: {  	s26 =	sor.u32 s26, s0;
	v13 =	vshll.u32 v9, $0x10;
	v15 =	vand.u32 $0xFFFF0000, v16;
	v16 =	vand.u32 $0xFFFF0000, v18  }
0x52: {  	v7 =	vand.u32 $0xFFFF0000, v7;
	v8 =	vand.u32 $0xFFFF0000, v8;
	v9 =	vand.u32 $0xFFFF0000, v9;
	[tilespmem:s26+$0x0] =	vst v1  }
0x53: {  	v1 =	vshll.u32 v11, $0x10;
	[tilespmem:s26+$0x10] =	vst v2;
	v11 =	vand.u32 $0xFFFF0000, v11;
	v4 =	vadd.f32 v5, v4  }
0x54: {  	v5 =	vadd.f32 v12, v10;
	v7 =	vadd.f32 v8, v7;
	v14 =	vshll.u32 v3, $0x10;
	v17 =	vld [tilespmem:s1+$0xFFFFFC10]  }
0x55: {  	v2 =	vshll.u32 v6, $0x10;
	v18 =	vld [tilespmem:s1+$0xFFFFFC90];
	v3 =	vand.u32 $0xFFFF0000, v3;
	v1 =	vadd.f32 v13, v1  }
0x56: {  	v10 =	vld [tilespmem:s1+$0xFFFFFD10];
	v6 =	vand.u32 $0xFFFF0000, v6;
	v13 =	vadd.f32 v16, v15;
	v9 =	vadd.f32 v9, v11  }
0x57: {  	v12 =	vld [tilespmem:s1+$0xFFFFFD90];
	v2 =	vadd.f32 v2, v14;
	v3 =	vadd.f32 v6, v3  }
0x58: {  	v4 =	vadd.f32 v5, v4;
	v5 =	vadd.f32 v7, v13  }
0x59: {  	v6 =	vld [tilespmem:s1+$0xFFFFFE90];
	v1 =	vadd.f32 v2, v1;
	v3 =	vadd.f32 v3, v9  }
0x5a: {  	v8 =	vld [tilespmem:s1+$0xFFFFFE10]  }
0x5b: {  	v7 =	vld [tilespmem:s1+$0xFFFFFF90];
	v1 =	vadd.f32 v1, v4;
	v4 =	vshll.u32 v17, $0x10;
	v3 =	vadd.f32 v3, v5  }
0x5c: {  	v2 =	vld [tilespmem:s1+$0xFFFFFF10];
	v5 =	vshll.u32 v18, $0x10;
	v9 =	vshll.u32 v10, $0x10;
	v11 =	vshll.u32 v12, $0x10  }
0x5d: {  	v14 =	vand.u32 $0xFFFF0000, v17;
	v15 =	vand.u32 $0xFFFF0000, v18;
	v10 =	vand.u32 $0xFFFF0000, v10  }
0x5e: {  	v12 =	vand.u32 $0xFFFF0000, v12;
	v13 =	vshll.u32 v6, $0x10;
	v4 =	vadd.f32 v5, v4;
	[tilespmem:s25+$0x20] =	vst v1  }
0x5f: {  	v6 =	vand.u32 $0xFFFF0000, v6;
	v5 =	vadd.f32 v11, v9;
	v10 =	vadd.f32 v12, v10;
	[tilespmem:s25+$0x30] =	vst v3  }
0x60: {  	v1 =	vshll.u32 v8, $0x10;
	v17 =	vshll.u32 v7, $0x10;
	v8 =	vand.u32 $0xFFFF0000, v8;
	v16 =	vld [tilespmem:s1+$0x20]  }
0x61: {  	v7 =	vand.u32 $0xFFFF0000, v7;
	v3 =	vshll.u32 v2, $0x10;
	v18 =	vld [tilespmem:s1+$0xA0];
	v1 =	vadd.f32 v13, v1  }
0x62: {  	v9 =	vld [tilespmem:s1+$0x120];
	v2 =	vand.u32 $0xFFFF0000, v2;
	v13 =	vadd.f32 v15, v14;
	v6 =	vadd.f32 v6, v8  }
0x63: {  	v11 =	vld [tilespmem:s1+$0x1A0];
	v3 =	vadd.f32 v17, v3;
	v2 =	vadd.f32 v7, v2  }
0x64: {  	v4 =	vadd.f32 v5, v4;
	v5 =	vadd.f32 v10, v13  }
0x65: {  	v7 =	vld [tilespmem:s1+$0x2A0];
	v1 =	vadd.f32 v3, v1;
	v2 =	vadd.f32 v2, v6  }
0x66: {  	v12 =	vld [tilespmem:s1+$0x220]  }
0x67: {  	v3 =	vld [tilespmem:s1+$0x320];
	v1 =	vadd.f32 v1, v4;
	v2 =	vadd.f32 v2, v5;
	v4 =	vshll.u32 v16, $0x10  }
0x68: {  	v6 =	vld [tilespmem:s1+$0x3A0];
	v5 =	vshll.u32 v18, $0x10;
	v8 =	vshll.u32 v9, $0x10;
	v10 =	vshll.u32 v11, $0x10  }
0x69: {  	v15 =	vand.u32 $0xFFFF0000, v16;
	v16 =	vand.u32 $0xFFFF0000, v18;
	v9 =	vand.u32 $0xFFFF0000, v9  }
0x6a: {  	v11 =	vand.u32 $0xFFFF0000, v11;
	v13 =	vshll.u32 v7, $0x10;
	v4 =	vadd.f32 v5, v4;
	[tilespmem:s26+$0x20] =	vst v1  }
0x6b: {  	v7 =	vand.u32 $0xFFFF0000, v7;
	v5 =	vadd.f32 v10, v8;
	v9 =	vadd.f32 v11, v9;
	[tilespmem:s26+$0x30] =	vst v2  }
0x6c: {  	v1 =	vshll.u32 v12, $0x10;
	v12 =	vand.u32 $0xFFFF0000, v12;
	v14 =	vshll.u32 v3, $0x10;
	v17 =	vld [tilespmem:s1+$0xFFFFFC20]  }
0x6d: {  	v2 =	vshll.u32 v6, $0x10;
	v18 =	vld [tilespmem:s1+$0xFFFFFCA0];
	v3 =	vand.u32 $0xFFFF0000, v3;
	v1 =	vadd.f32 v13, v1  }
0x6e: {  	v8 =	vld [tilespmem:s1+$0xFFFFFD20];
	v6 =	vand.u32 $0xFFFF0000, v6;
	v13 =	vadd.f32 v16, v15;
	v7 =	vadd.f32 v7, v12  }
0x6f: {  	v10 =	vld [tilespmem:s1+$0xFFFFFDA0];
	v2 =	vadd.f32 v2, v14;
	v3 =	vadd.f32 v6, v3  }
0x70: {  	v4 =	vadd.f32 v5, v4;
	v5 =	vadd.f32 v9, v13  }
0x71: {  	v6 =	vld [tilespmem:s1+$0xFFFFFEA0];
	v1 =	vadd.f32 v2, v1;
	v3 =	vadd.f32 v3, v7  }
0x72: {  	v11 =	vld [tilespmem:s1+$0xFFFFFE20]  }
0x73: {  	v2 =	vld [tilespmem:s1+$0xFFFFFF20];
	v1 =	vadd.f32 v1, v4;
	v4 =	vshll.u32 v17, $0x10;
	v3 =	vadd.f32 v3, v5  }
0x74: {  	v7 =	vld [tilespmem:s1+$0xFFFFFFA0];
	v5 =	vshll.u32 v18, $0x10;
	v9 =	vshll.u32 v8, $0x10;
	v12 =	vshll.u32 v10, $0x10  }
0x75: {  	v14 =	vand.u32 $0xFFFF0000, v17;
	v15 =	vand.u32 $0xFFFF0000, v18;
	v8 =	vand.u32 $0xFFFF0000, v8  }
0x76: {  	v10 =	vand.u32 $0xFFFF0000, v10;
	v13 =	vshll.u32 v6, $0x10;
	v4 =	vadd.f32 v5, v4;
	[tilespmem:s25+$0x40] =	vst v1  }
0x77: {  	v6 =	vand.u32 $0xFFFF0000, v6;
	v5 =	vadd.f32 v12, v9;
	v8 =	vadd.f32 v10, v8;
	[tilespmem:s25+$0x50] =	vst v3  }
0x78: {  	v1 =	vshll.u32 v11, $0x10;
	v11 =	vand.u32 $0xFFFF0000, v11;
	v3 =	vshll.u32 v2, $0x10;
	v16 =	vld [tilespmem:s1+$0x30]  }
0x79: {  	v17 =	vshll.u32 v7, $0x10;
	v18 =	vld [tilespmem:s1+$0xB0];
	v2 =	vand.u32 $0xFFFF0000, v2;
	v1 =	vadd.f32 v13, v1  }
0x7a: {  	v9 =	vld [tilespmem:s1+$0x130];
	v7 =	vand.u32 $0xFFFF0000, v7;
	v13 =	vadd.f32 v15, v14;
	v6 =	vadd.f32 v6, v11  }
0x7b: {  	v12 =	vld [tilespmem:s1+$0x1B0];
	v3 =	vadd.f32 v17, v3;
	v2 =	vadd.f32 v7, v2  }
0x7c: {  	v4 =	vadd.f32 v5, v4;
	v5 =	vadd.f32 v8, v13  }
0x7d: {  	v7 =	vld [tilespmem:s1+$0x2B0];
	v1 =	vadd.f32 v3, v1;
	v2 =	vadd.f32 v2, v6  }
0x7e: {  	v10 =	vld [tilespmem:s1+$0x230]  }
0x7f: {  	v3 =	vld [tilespmem:s1+$0x330];
	v1 =	vadd.f32 v1, v4;
	v2 =	vadd.f32 v2, v5;
	v4 =	vshll.u32 v16, $0x10  }
0x80: {  	v6 =	vld [tilespmem:s1+$0x3B0];
	v5 =	vshll.u32 v18, $0x10;
	v8 =	vshll.u32 v9, $0x10;
	v11 =	vshll.u32 v12, $0x10  }
0x81: {  	v15 =	vand.u32 $0xFFFF0000, v16;
	v16 =	vand.u32 $0xFFFF0000, v18;
	v9 =	vand.u32 $0xFFFF0000, v9  }
0x82: {  	v12 =	vand.u32 $0xFFFF0000, v12;
	v13 =	vshll.u32 v7, $0x10;
	v4 =	vadd.f32 v5, v4;
	[tilespmem:s26+$0x40] =	vst v1  }
0x83: {  	v7 =	vand.u32 $0xFFFF0000, v7;
	v5 =	vadd.f32 v11, v8;
	v9 =	vadd.f32 v12, v9;
	[tilespmem:s26+$0x50] =	vst v2  }
0x84: {  	v1 =	vshll.u32 v10, $0x10;
	v10 =	vand.u32 $0xFFFF0000, v10;
	v14 =	vshll.u32 v3, $0x10;
	v17 =	vld [tilespmem:s1+$0xFFFFFC30]  }
0x85: {  	v2 =	vshll.u32 v6, $0x10;
	v18 =	vld [tilespmem:s1+$0xFFFFFCB0];
	v3 =	vand.u32 $0xFFFF0000, v3;
	v1 =	vadd.f32 v13, v1  }
0x86: {  	v8 =	vld [tilespmem:s1+$0xFFFFFD30];
	v6 =	vand.u32 $0xFFFF0000, v6;
	v13 =	vadd.f32 v16, v15;
	v7 =	vadd.f32 v7, v10  }
0x87: {  	v11 =	vld [tilespmem:s1+$0xFFFFFDB0];
	v2 =	vadd.f32 v2, v14;
	v3 =	vadd.f32 v6, v3  }
0x88: {  	v4 =	vadd.f32 v5, v4;
	v5 =	vadd.f32 v9, v13  }
0x89: {  	v6 =	vld [tilespmem:s1+$0xFFFFFEB0];
	v1 =	vadd.f32 v2, v1;
	v3 =	vadd.f32 v3, v7  }
0x8a: {  	v12 =	vld [tilespmem:s1+$0xFFFFFE30]  }
0x8b: {  	v2 =	vld [tilespmem:s1+$0xFFFFFF30];
	v1 =	vadd.f32 v1, v4;
	v4 =	vshll.u32 v17, $0x10;
	v3 =	vadd.f32 v3, v5  }
0x8c: {  	v7 =	vld [tilespmem:s1+$0xFFFFFFB0];
	v5 =	vshll.u32 v18, $0x10;
	v9 =	vshll.u32 v8, $0x10;
	v10 =	vshll.u32 v11, $0x10  }
0x8d: {  	v14 =	vand.u32 $0xFFFF0000, v17;
	v15 =	vand.u32 $0xFFFF0000, v18;
	v8 =	vand.u32 $0xFFFF0000, v8  }
0x8e: {  	v11 =	vand.u32 $0xFFFF0000, v11;
	v13 =	vshll.u32 v6, $0x10;
	v4 =	vadd.f32 v5, v4;
	[tilespmem:s25+$0x60] =	vst v1  }
0x8f: {  	v6 =	vand.u32 $0xFFFF0000, v6;
	v5 =	vadd.f32 v10, v9;
	v8 =	vadd.f32 v11, v8;
	[tilespmem:s25+$0x70] =	vst v3  }
0x90: {  	v1 =	vshll.u32 v12, $0x10;
	v12 =	vand.u32 $0xFFFF0000, v12;
	v3 =	vshll.u32 v2, $0x10;
	v16 =	vld [tilespmem:s1+$0x40]  }
0x91: {  	v17 =	vshll.u32 v7, $0x10;
	v18 =	vld [tilespmem:s1+$0xC0];
	v2 =	vand.u32 $0xFFFF0000, v2;
	v1 =	vadd.f32 v13, v1  }
0x92: {  	v9 =	vld [tilespmem:s1+$0x140];
	v7 =	vand.u32 $0xFFFF0000, v7;
	v13 =	vadd.f32 v15, v14;
	v6 =	vadd.f32 v6, v12  }
0x93: {  	v10 =	vld [tilespmem:s1+$0x1C0];
	v3 =	vadd.f32 v17, v3;
	v2 =	vadd.f32 v7, v2  }
0x94: {  	v4 =	vadd.f32 v5, v4;
	v5 =	vadd.f32 v8, v13  }
0x95: {  	v7 =	vld [tilespmem:s1+$0x2C0];
	v1 =	vadd.f32 v3, v1;
	v2 =	vadd.f32 v2, v6  }
0x96: {  	v11 =	vld [tilespmem:s1+$0x240]  }
0x97: {  	v3 =	vld [tilespmem:s1+$0x340];
	v1 =	vadd.f32 v1, v4;
	v2 =	vadd.f32 v2, v5;
	v4 =	vshll.u32 v16, $0x10  }
0x98: {  	v6 =	vld [tilespmem:s1+$0x3C0];
	v5 =	vshll.u32 v18, $0x10;
	v8 =	vshll.u32 v9, $0x10;
	v12 =	vshll.u32 v10, $0x10  }
0x99: {  	v15 =	vand.u32 $0xFFFF0000, v16;
	v16 =	vand.u32 $0xFFFF0000, v18;
	v9 =	vand.u32 $0xFFFF0000, v9  }
0x9a: {  	v10 =	vand.u32 $0xFFFF0000, v10;
	v13 =	vshll.u32 v7, $0x10;
	v4 =	vadd.f32 v5, v4;
	[tilespmem:s26+$0x60] =	vst v1  }
0x9b: {  	v7 =	vand.u32 $0xFFFF0000, v7;
	v5 =	vadd.f32 v12, v8;
	v9 =	vadd.f32 v10, v9;
	[tilespmem:s26+$0x70] =	vst v2  }
0x9c: {  	v1 =	vshll.u32 v11, $0x10;
	v11 =	vand.u32 $0xFFFF0000, v11;
	v14 =	vshll.u32 v3, $0x10;
	v17 =	vld [tilespmem:s1+$0xFFFFFC40]  }
0x9d: {  	v2 =	vshll.u32 v6, $0x10;
	v18 =	vld [tilespmem:s1+$0xFFFFFCC0];
	v3 =	vand.u32 $0xFFFF0000, v3;
	v1 =	vadd.f32 v13, v1  }
0x9e: {  	v8 =	vld [tilespmem:s1+$0xFFFFFD40];
	v6 =	vand.u32 $0xFFFF0000, v6;
	v13 =	vadd.f32 v16, v15;
	v7 =	vadd.f32 v7, v11  }
0x9f: {  	v12 =	vld [tilespmem:s1+$0xFFFFFDC0];
	v2 =	vadd.f32 v2, v14;
	v3 =	vadd.f32 v6, v3  }
0xa0: {  	v4 =	vadd.f32 v5, v4;
	v5 =	vadd.f32 v9, v13  }
0xa1: {  	v6 =	vld [tilespmem:s1+$0xFFFFFEC0];
	v1 =	vadd.f32 v2, v1;
	v3 =	vadd.f32 v3, v7  }
0xa2: {  	v10 =	vld [tilespmem:s1+$0xFFFFFE40]  }
0xa3: {  	v2 =	vld [tilespmem:s1+$0xFFFFFF40];
	v1 =	vadd.f32 v1, v4;
	v4 =	vshll.u32 v17, $0x10;
	v3 =	vadd.f32 v3, v5  }
0xa4: {  	v7 =	vld [tilespmem:s1+$0xFFFFFFC0];
	v5 =	vshll.u32 v18, $0x10;
	v9 =	vshll.u32 v8, $0x10;
	v11 =	vshll.u32 v12, $0x10  }
0xa5: {  	v14 =	vand.u32 $0xFFFF0000, v17;
	v15 =	vand.u32 $0xFFFF0000, v18;
	v8 =	vand.u32 $0xFFFF0000, v8  }
0xa6: {  	v12 =	vand.u32 $0xFFFF0000, v12;
	v13 =	vshll.u32 v6, $0x10;
	v4 =	vadd.f32 v5, v4;
	[tilespmem:s25+$0x400] =	vst v1  }
0xa7: {  	v6 =	vand.u32 $0xFFFF0000, v6;
	v5 =	vadd.f32 v11, v9;
	v8 =	vadd.f32 v12, v8;
	[tilespmem:s25+$0x410] =	vst v3  }
0xa8: {  	v1 =	vshll.u32 v10, $0x10;
	v10 =	vand.u32 $0xFFFF0000, v10;
	v3 =	vshll.u32 v2, $0x10;
	v16 =	vld [tilespmem:s1+$0x50]  }
0xa9: {  	v17 =	vshll.u32 v7, $0x10;
	v18 =	vld [tilespmem:s1+$0xD0];
	v2 =	vand.u32 $0xFFFF0000, v2;
	v1 =	vadd.f32 v13, v1  }
0xaa: {  	v9 =	vld [tilespmem:s1+$0x150];
	v7 =	vand.u32 $0xFFFF0000, v7;
	v13 =	vadd.f32 v15, v14;
	v6 =	vadd.f32 v6, v10  }
0xab: {  	v11 =	vld [tilespmem:s1+$0x1D0];
	v3 =	vadd.f32 v17, v3;
	v2 =	vadd.f32 v7, v2  }
0xac: {  	v4 =	vadd.f32 v5, v4;
	v5 =	vadd.f32 v8, v13  }
0xad: {  	v7 =	vld [tilespmem:s1+$0x2D0];
	v1 =	vadd.f32 v3, v1;
	v2 =	vadd.f32 v2, v6  }
0xae: {  	v12 =	vld [tilespmem:s1+$0x250]  }
0xaf: {  	v3 =	vld [tilespmem:s1+$0x350];
	v1 =	vadd.f32 v1, v4;
	v2 =	vadd.f32 v2, v5;
	v4 =	vshll.u32 v16, $0x10  }
0xb0: {  	v6 =	vld [tilespmem:s1+$0x3D0];
	v5 =	vshll.u32 v18, $0x10;
	v8 =	vshll.u32 v9, $0x10;
	v10 =	vshll.u32 v11, $0x10  }
0xb1: {  	v15 =	vand.u32 $0xFFFF0000, v16;
	v16 =	vand.u32 $0xFFFF0000, v18;
	v9 =	vand.u32 $0xFFFF0000, v9  }
0xb2: {  	v11 =	vand.u32 $0xFFFF0000, v11;
	v13 =	vshll.u32 v7, $0x10;
	v4 =	vadd.f32 v5, v4;
	[tilespmem:s26+$0x400] =	vst v1  }
0xb3: {  	v7 =	vand.u32 $0xFFFF0000, v7;
	v5 =	vadd.f32 v10, v8;
	v9 =	vadd.f32 v11, v9;
	[tilespmem:s26+$0x410] =	vst v2  }
0xb4: {  	v1 =	vshll.u32 v12, $0x10;
	v12 =	vand.u32 $0xFFFF0000, v12;
	v14 =	vshll.u32 v3, $0x10;
	v17 =	vld [tilespmem:s1+$0xFFFFFC50]  }
0xb5: {  	v2 =	vshll.u32 v6, $0x10;
	v18 =	vld [tilespmem:s1+$0xFFFFFCD0];
	v3 =	vand.u32 $0xFFFF0000, v3;
	v1 =	vadd.f32 v13, v1  }
0xb6: {  	v8 =	vld [tilespmem:s1+$0xFFFFFD50];
	v6 =	vand.u32 $0xFFFF0000, v6;
	v13 =	vadd.f32 v16, v15;
	v7 =	vadd.f32 v7, v12  }
0xb7: {  	v10 =	vld [tilespmem:s1+$0xFFFFFDD0];
	v2 =	vadd.f32 v2, v14;
	v3 =	vadd.f32 v6, v3  }
0xb8: {  	v4 =	vadd.f32 v5, v4;
	v5 =	vadd.f32 v9, v13  }
0xb9: {  	v6 =	vld [tilespmem:s1+$0xFFFFFED0];
	v1 =	vadd.f32 v2, v1;
	v3 =	vadd.f32 v3, v7  }
0xba: {  	v11 =	vld [tilespmem:s1+$0xFFFFFE50]  }
0xbb: {  	v2 =	vld [tilespmem:s1+$0xFFFFFF50];
	v1 =	vadd.f32 v1, v4;
	v4 =	vshll.u32 v17, $0x10;
	v3 =	vadd.f32 v3, v5  }
0xbc: {  	v7 =	vld [tilespmem:s1+$0xFFFFFFD0];
	v5 =	vshll.u32 v18, $0x10;
	v9 =	vshll.u32 v8, $0x10;
	v12 =	vshll.u32 v10, $0x10  }
0xbd: {  	s28 =	simm.s32 $0x2C00;
	v14 =	vand.u32 $0xFFFF0000, v17;
	v15 =	vand.u32 $0xFFFF0000, v18;
	v8 =	vand.u32 $0xFFFF0000, v8  }
0xbe: {  	v20 =	vld [tilespmem:s28+$0x280];
	v10 =	vand.u32 $0xFFFF0000, v10;
	v13 =	vshll.u32 v6, $0x10;
	v4 =	vadd.f32 v5, v4;
	[tilespmem:s25+$0x420] =	vst v1  }
0xbf: {  	v21 =	vld [tilespmem:s28+$0x300];
	v6 =	vand.u32 $0xFFFF0000, v6;
	v5 =	vadd.f32 v12, v9;
	v8 =	vadd.f32 v10, v8;
	[tilespmem:s25+$0x430] =	vst v3  }
0xc0: {  	v1 =	vshll.u32 v11, $0x10;
	v11 =	vand.u32 $0xFFFF0000, v11;
	v3 =	vshll.u32 v2, $0x10;
	v16 =	vld [tilespmem:s1+$0x60]  }
0xc1: {  	v17 =	vshll.u32 v7, $0x10;
	v18 =	vld [tilespmem:s1+$0xE0];
	v2 =	vand.u32 $0xFFFF0000, v2;
	v1 =	vadd.f32 v13, v1  }
0xc2: {  	v9 =	vld [tilespmem:s1+$0x160];
	v7 =	vand.u32 $0xFFFF0000, v7;
	v13 =	vadd.f32 v15, v14;
	v6 =	vadd.f32 v6, v11  }
0xc3: {  	v12 =	vld [tilespmem:s1+$0x1E0];
	v3 =	vadd.f32 v17, v3;
	v2 =	vadd.f32 v7, v2  }
0xc4: {  	v10 =	vld [tilespmem:s1+$0x260];
	v4 =	vadd.f32 v5, v4;
	v5 =	vadd.f32 v8, v13  }
0xc5: {  	v7 =	vld [tilespmem:s1+$0x2E0];
	v1 =	vadd.f32 v3, v1;
	v2 =	vadd.f32 v2, v6  }
0xc6: {  	v24 =	vshll.u32 v20, $0x10;
	v25 =	vshll.u32 v21, $0x10;
	v3 =	vld [tilespmem:s1+$0x360]  }
0xc7: {  	v6 =	vld [tilespmem:s1+$0x3E0];
	v1 =	vadd.f32 v1, v4;
	v2 =	vadd.f32 v2, v5;
	v4 =	vshll.u32 v16, $0x10  }
0xc8: {  	v5 =	vshll.u32 v9, $0x10;
	v8 =	vshll.u32 v12, $0x10;
	v16 =	vand.u32 $0xFFFF0000, v16  }
0xc9: {  	v22 =	vld [tilespmem:s28+$0x380];
	v17 =	vand.u32 $0xFFFF0000, v18;
	v9 =	vand.u32 $0xFFFF0000, v9;
	v12 =	vand.u32 $0xFFFF0000, v12  }
0xca: {  	v35 =	vld [tilespmem:s28+$0xFFFFFD00];
	v11 =	vshll.u32 v7, $0x10;
	v7 =	vand.u32 $0xFFFF0000, v7;
	v9 =	vadd.f32 v12, v9;
	[tilespmem:s26+$0x420] =	vst v1  }
0xcb: {  	v12 =	vld [tilespmem:s28+$0x80];
	v1 =	vshll.u32 v18, $0x10;
	[tilespmem:s26+$0x430] =	vst v2;
	v2 =	vshll.u32 v10, $0x10;
	v10 =	vand.u32 $0xFFFF0000, v10  }
0xcc: {  	v13 =	vshll.u32 v3, $0x10;
	v14 =	vld [tilespmem:s1+$0xFFFFFC60];
	v15 =	vshll.u32 v6, $0x10;
	v1 =	vadd.f32 v1, v4  }
0xcd: {  	v18 =	vld [tilespmem:s1+$0xFFFFFCE0];
	v4 =	vadd.f32 v8, v5;
	v3 =	vand.u32 $0xFFFF0000, v3;
	v2 =	vadd.f32 v11, v2  }
0xce: {  	v19 =	vld [tilespmem:s1+$0xFFFFFD60];
	v6 =	vand.u32 $0xFFFF0000, v6;
	v11 =	vadd.f32 v17, v16;
	v8 =	vadd.f32 v15, v13  }
0xcf: {  	v26 =	vshll.u32 v22, $0x10;
	v5 =	vld [tilespmem:s1+$0xFFFFFDE0];
	v7 =	vadd.f32 v7, v10;
	v3 =	vadd.f32 v6, v3  }
0xd0: {  	v20 =	vand.u32 $0xFFFF0000, v20;
	v16 =	vld [tilespmem:s28+$0x180];
	v1 =	vadd.f32 v4, v1;
	v2 =	vadd.f32 v8, v2  }
0xd1: {  	v21 =	vand.u32 $0xFFFF0000, v21;
	v17 =	vld [tilespmem:s28+$0x200];
	v4 =	vadd.f32 v9, v11;
	v3 =	vadd.f32 v3, v7  }
0xd2: {  	v22 =	vand.u32 $0xFFFF0000, v22;
	v37 =	vand.u32 $0xFFFF0000, v35;
	v1 =	vadd.f32 v2, v1  }
0xd3: {  	v25 =	vadd.f32 v26, v25;
	v27 =	vld [tilespmem:s1+$0xFFFFFE60];
	v2 =	vadd.f32 v3, v4;
	v3 =	vshll.u32 v14, $0x10  }
0xd4: {  	v13 =	vld [tilespmem:s28+$0x0];
	v4 =	vshll.u32 v19, $0x10;
	v6 =	vshll.u32 v5, $0x10;
	v7 =	vand.u32 $0xFFFF0000, v14;
	[tilespmem:s25+$0x440] =	vst v1  }
0xd5: {  	v15 =	vld [tilespmem:s28+$0x100];
	v8 =	vand.u32 $0xFFFF0000, v18;
	v11 =	vand.u32 $0xFFFF0000, v19;
	v5 =	vand.u32 $0xFFFF0000, v5;
	[tilespmem:s25+$0x450] =	vst v2  }
0xd6: {  	v14 =	vshll.u32 v12, $0x10;
	v19 =	vshll.u32 v16, $0x10;
	v23 =	vshll.u32 v17, $0x10;
	v1 =	vld [tilespmem:s1+$0x70]  }
0xd7: {  	v12 =	vand.u32 $0xFFFF0000, v12;
	v16 =	vand.u32 $0xFFFF0000, v16;
	v4 =	vadd.f32 v6, v4;
	v10 =	vld [tilespmem:s1+$0xF0]  }
0xd8: {  	v17 =	vand.u32 $0xFFFF0000, v17;
	v6 =	vadd.f32 v8, v7;
	v5 =	vadd.f32 v5, v11;
	v9 =	vld [tilespmem:s1+$0x170]  }
0xd9: {  	v17 =	vadd.f32 v20, v17;
	v20 =	vadd.f32 v22, v21;
	v2 =	vshll.u32 v18, $0x10;
	v8 =	vld [tilespmem:s1+$0x1F0]  }
0xda: {  	v21 =	vand.u32 $0xFFFF0000, v27;
	v18 =	vshll.u32 v15, $0x10;
	v2 =	vadd.f32 v2, v3;
	v3 =	vld [tilespmem:s1+$0x270]  }
0xdb: {  	v15 =	vand.u32 $0xFFFF0000, v15;
	v7 =	vld [tilespmem:s1+$0x3F0];
	v18 =	vadd.f32 v19, v18;
	v19 =	vadd.f32 v24, v23  }
0xdc: {  	v31 =	vld [tilespmem:s28+$0xFFFFFC80];
	v15 =	vadd.f32 v16, v15;
	v16 =	vshll.u32 v27, $0x10;
	v11 =	vadd.f32 v4, v2  }
0xdd: {  	v63 =	vld [tilespmem:s28+$0xFFFFFE00];
	v2 =	vadd.f32 v5, v6;
	v5 =	vshll.u32 v13, $0x10;
	v13 =	vand.u32 $0xFFFF0000, v13  }
0xde: {  	v23 =	vld [tilespmem:s28+$0xFFFFFE80];
	v14 =	vadd.f32 v14, v5;
	v12 =	vadd.f32 v12, v13;
	v5 =	vand.u32 $0xFFFF0000, v1  }
0xdf: {  	v4 =	vld [tilespmem:s1+$0x2F0];
	v28 =	vand.u32 $0xFFFF0000, v10;
	v29 =	vand.u32 $0xFFFF0000, v9;
	v30 =	vand.u32 $0xFFFF0000, v8  }
0xe0: {  	v6 =	vld [tilespmem:s1+$0x370];
	v32 =	vand.u32 $0xFFFF0000, v3;
	v36 =	vand.u32 $0xFFFF0000, v7;
	v14 =	vadd.f32 v18, v14  }
0xe1: {  	v18 =	vadd.f32 v25, v19;
	v19 =	vshll.u32 v31, $0x10;
	v12 =	vadd.f32 v15, v12  }
0xe2: {  	v15 =	vadd.f32 v20, v17;
	v17 =	vshll.u32 v35, $0x10;
	v25 =	vshll.u32 v63, $0x10  }
0xe3: {  	s30 =	simm.s32 $0x200;
	v26 =	vshll.u32 v23, $0x10;
	v31 =	vand.u32 $0xFFFF0000, v31;
	v23 =	vand.u32 $0xFFFF0000, v23  }
0xe4: {  	s11 =	simm.s32 $0x180;
	s10 =	sand.u32 $0x1800, s30;
	v13 =	vld [tilespmem:s28+$0xFFFFFF00];
	v5 =	vadd.f32 v28, v5;
	v28 =	vadd.f32 v30, v29;
	v33 =	vand.u32 $0xFFFF0000, v4  }
0xe5: {  	s13 =	sand.u32 $0x380, s11;
	s10 =	sor.u32 $0x12000, s10;
	v29 =	vld [tilespmem:s28+$0xFFFFFD80];
	v34 =	vand.u32 $0xFFFF0000, v6;
	v14 =	vadd.f32 v18, v14;
	v12 =	vadd.f32 v15, v12  }
0xe6: {  	s29 =	sor.u32 s13, s10;
	v1 =	vshll.u32 v1, $0x10;
	v15 =	vld [tilespmem:s1+$0xFFFFFF60];
	v61 =	vadd.f32 v33, v32;
	v62 =	vadd.f32 v36, v34  }
0xe7: {  	v10 =	vshll.u32 v10, $0x10;
	v3 =	vshll.u32 v3, $0x10;
	v5 =	vadd.f32 v28, v5;
	v28 =	vld [tilespmem:s28+$0xFFFFFC00];
	[tilespmem:s29+$0x0] =	vst v14  }
0xe8: {  	v1 =	vadd.f32 v10, v1;
	v4 =	vshll.u32 v4, $0x10;
	v14 =	vld [tilespmem:s1+$0xFFFFFFE0];
	[tilespmem:s29+$0x10] =	vst v12;
	v24 =	vadd.f32 v62, v61  }
0xe9: {  	v27 =	vshll.u32 v13, $0x10;
	v13 =	vand.u32 $0xFFFF0000, v13;
	v3 =	vadd.f32 v4, v3;
	v38 =	vld [tilespmem:s28+$0x10]  }
0xea: {  	v22 =	vshll.u32 v29, $0x10;
	v12 =	vand.u32 $0xFFFF0000, v29;
	v5 =	vadd.f32 v24, v5;
	v24 =	vld [tilespmem:s28+$0xFFFFFF80]  }
0xeb: {  	v29 =	vand.u32 $0xFFFF0000, v63;
	v17 =	vadd.f32 v22, v17;
	v12 =	vadd.f32 v12, v37  }
0xec: {  	v39 =	vld [tilespmem:s28+$0x190];
	v40 =	vshll.u32 v15, $0x10;
	v23 =	vadd.f32 v23, v29;
	v20 =	vshll.u32 v28, $0x10  }
0xed: {  	v18 =	vld [tilespmem:s1+$0xFFFFFEE0];
	v15 =	vand.u32 $0xFFFF0000, v15;
	v28 =	vand.u32 $0xFFFF0000, v28;
	v19 =	vadd.f32 v19, v20  }
0xee: {  	v28 =	vadd.f32 v31, v28;
	v29 =	vshll.u32 v14, $0x10;
	v14 =	vand.u32 $0xFFFF0000, v14  }
0xef: {  	v20 =	vld [tilespmem:s28+$0x90];
	v14 =	vadd.f32 v14, v15;
	v42 =	vand.u32 $0xFFFF0000, v38;
	v36 =	vshll.u32 v24, $0x10  }
0xf0: {  	v22 =	vand.u32 $0xFFFF0000, v24;
	v24 =	vadd.f32 v26, v25;
	v25 =	vadd.f32 v36, v27  }
0xf1: {  	v30 =	vand.u32 $0xFFFF0000, v39;
	v17 =	vadd.f32 v17, v19;
	v26 =	vld [tilespmem:s28+$0x110];
	v13 =	vadd.f32 v22, v13  }
0xf2: {  	v12 =	vadd.f32 v12, v28;
	v27 =	vshll.u32 v18, $0x10;
	v22 =	vld [tilespmem:s28+$0x210];
	v19 =	vadd.f32 v25, v24  }
0xf3: {  	s0 =	simm.s32 $0x100;
	v18 =	vand.u32 $0xFFFF0000, v18;
	v16 =	vadd.f32 v27, v16;
	v24 =	vld [tilespmem:s28+$0x290];
	v13 =	vadd.f32 v13, v23  }
0xf4: {  	s24 =	sand.u32 $0x300, s0;
	v18 =	vadd.f32 v18, v21;
	v15 =	vshll.u32 v20, $0x10;
	v23 =	vld [tilespmem:s28+$0x310];
	v17 =	vadd.f32 v19, v17  }
0xf5: {  	s31 =	sor.u32 s24, s10;
	v20 =	vand.u32 $0xFFFF0000, v20;
	v25 =	vshll.u32 v38, $0x10;
	v12 =	vadd.f32 v13, v12  }
0xf6: {  	v21 =	vshll.u32 v39, $0x10;
	v20 =	vadd.f32 v20, v42;
	v15 =	vadd.f32 v15, v25;
	v19 =	vld [tilespmem:s28+$0x390];
	[tilespmem:s31+$0x0] =	vst v17  }
0xf7: {  	v13 =	vadd.f32 v29, v40;
	v17 =	vshll.u32 v26, $0x10;
	[tilespmem:s31+$0x10] =	vst v12;
	v12 =	vshll.u32 v22, $0x10  }
0xf8: {  	v26 =	vand.u32 $0xFFFF0000, v26;
	v22 =	vand.u32 $0xFFFF0000, v22;
	v27 =	vshll.u32 v24, $0x10;
	v29 =	vld [tilespmem:s28+$0xFFFFFC10]  }
0xf9: {  	v28 =	vshll.u32 v23, $0x10;
	v43 =	vld [tilespmem:s28+$0xFFFFFC90];
	v24 =	vand.u32 $0xFFFF0000, v24;
	v17 =	vadd.f32 v21, v17  }
0xfa: {  	v21 =	vld [tilespmem:s28+$0xFFFFFD90];
	v23 =	vand.u32 $0xFFFF0000, v23;
	v26 =	vadd.f32 v30, v26;
	v12 =	vadd.f32 v27, v12  }
0xfb: {  	v44 =	vld [tilespmem:s28+$0xFFFFFD10];
	v22 =	vadd.f32 v24, v22;
	v41 =	vshll.u32 v19, $0x10;
	v19 =	vand.u32 $0xFFFF0000, v19  }
0xfc: {  	v25 =	vadd.f32 v41, v28;
	v19 =	vadd.f32 v19, v23  }
0xfd: {  	v27 =	vld [tilespmem:s28+$0xFFFFFE10];
	v15 =	vadd.f32 v17, v15;
	v20 =	vadd.f32 v26, v20  }
0xfe: {  	v28 =	vld [tilespmem:s28+$0xFFFFFE90];
	v12 =	vadd.f32 v25, v12;
	v19 =	vadd.f32 v19, v22;
	v22 =	vshll.u32 v29, $0x10  }
0xff: {  	v23 =	vld [tilespmem:s28+$0xFFFFFF10];
	v24 =	vshll.u32 v43, $0x10;
	v25 =	vshll.u32 v21, $0x10;
	v29 =	vand.u32 $0xFFFF0000, v29  }
0x100: {  	v17 =	vld [tilespmem:s28+$0xFFFFFF90];
	v45 =	vand.u32 $0xFFFF0000, v43;
	v46 =	vand.u32 $0xFFFF0000, v44;
	v12 =	vadd.f32 v12, v15  }
0x101: {  	v21 =	vand.u32 $0xFFFF0000, v21;
	v22 =	vadd.f32 v24, v22;
	v19 =	vadd.f32 v19, v20  }
0x102: {  	v21 =	vadd.f32 v21, v46;
	v15 =	vshll.u32 v44, $0x10;
	v20 =	vshll.u32 v27, $0x10;
	[tilespmem:s29+$0x20] =	vst v12  }
0x103: {  	v27 =	vand.u32 $0xFFFF0000, v27;
	v26 =	vshll.u32 v28, $0x10;
	v28 =	vand.u32 $0xFFFF0000, v28;
	[tilespmem:s29+$0x30] =	vst v19  }
0x104: {  	v15 =	vadd.f32 v25, v15;
	v25 =	vadd.f32 v45, v29;
	v12 =	vshll.u32 v23, $0x10;
	v47 =	vld [tilespmem:s28+$0x20]  }
0x105: {  	v19 =	vshll.u32 v17, $0x10;
	v23 =	vand.u32 $0xFFFF0000, v23;
	v20 =	vadd.f32 v26, v20;
	v24 =	vld [tilespmem:s28+$0xA0]  }
0x106: {  	v17 =	vand.u32 $0xFFFF0000, v17;
	v27 =	vadd.f32 v28, v27;
	v12 =	vadd.f32 v19, v12;
	v26 =	vld [tilespmem:s28+$0x1A0]  }
0x107: {  	v17 =	vadd.f32 v17, v23;
	v15 =	vadd.f32 v15, v22;
	v22 =	vld [tilespmem:s28+$0x320]  }
0x108: {  	v13 =	vadd.f32 v13, v16;
	v19 =	vld [tilespmem:s28+$0x120];
	v12 =	vadd.f32 v12, v20  }
0x109: {  	v23 =	vld [tilespmem:s28+$0x220];
	v21 =	vadd.f32 v21, v25;
	v17 =	vadd.f32 v17, v27  }
0x10a: {  	v14 =	vadd.f32 v14, v18;
	v12 =	vadd.f32 v12, v15  }
0x10b: {  	v11 =	vadd.f32 v13, v11;
	v20 =	vld [tilespmem:s28+$0x2A0];
	v16 =	vadd.f32 v17, v21;
	v17 =	vshll.u32 v47, $0x10  }
0x10c: {  	v15 =	vld [tilespmem:s28+$0x3A0];
	v10 =	vshll.u32 v24, $0x10;
	v13 =	vshll.u32 v26, $0x10;
	v21 =	vshll.u32 v22, $0x10;
	[tilespmem:s31+$0x20] =	vst v12  }
0x10d: {  	v28 =	vand.u32 $0xFFFF0000, v47;
	v24 =	vand.u32 $0xFFFF0000, v24;
	v26 =	vand.u32 $0xFFFF0000, v26;
	[tilespmem:s31+$0x30] =	vst v16  }
0x10e: {  	v12 =	vshll.u32 v19, $0x10;
	v16 =	vshll.u32 v23, $0x10;
	v19 =	vand.u32 $0xFFFF0000, v19;
	v25 =	vld [tilespmem:s28+$0xFFFFFC20]  }
0x10f: {  	v23 =	vand.u32 $0xFFFF0000, v23;
	v10 =	vadd.f32 v10, v17;
	v17 =	vand.u32 $0xFFFF0000, v22;
	v29 =	vld [tilespmem:s28+$0xFFFFFCA0]  }
0x110: {  	v22 =	vadd.f32 v24, v28;
	v18 =	vshll.u32 v20, $0x10;
	v12 =	vadd.f32 v13, v12;
	v13 =	vld [tilespmem:s28+$0xFFFFFDA0]  }
0x111: {  	v20 =	vand.u32 $0xFFFF0000, v20;
	v19 =	vadd.f32 v26, v19;
	v24 =	vld [tilespmem:s28+$0xFFFFFEA0];
	v27 =	vshll.u32 v15, $0x10  }
0x112: {  	v16 =	vadd.f32 v18, v16;
	v15 =	vand.u32 $0xFFFF0000, v15;
	v18 =	vadd.f32 v27, v21  }
0x113: {  	v48 =	vld [tilespmem:s28+$0xFFFFFD20];
	v20 =	vadd.f32 v20, v23;
	v15 =	vadd.f32 v15, v17  }
0x114: {  	v7 =	vshll.u32 v7, $0x10;
	v10 =	vadd.f32 v12, v10;
	v12 =	vadd.f32 v18, v16  }
0x115: {  	v21 =	vld [tilespmem:s28+$0xFFFFFE20];
	v18 =	vadd.f32 v19, v22;
	v15 =	vadd.f32 v15, v20;
	v19 =	vshll.u32 v25, $0x10  }
0x116: {  	v17 =	vld [tilespmem:s28+$0xFFFFFF20];
	v20 =	vshll.u32 v29, $0x10;
	v22 =	vshll.u32 v13, $0x10;
	v23 =	vshll.u32 v24, $0x10  }
0x117: {  	v16 =	vld [tilespmem:s28+$0xFFFFFFA0];
	v25 =	vand.u32 $0xFFFF0000, v25;
	v26 =	vand.u32 $0xFFFF0000, v29;
	v10 =	vadd.f32 v12, v10  }
0x118: {  	v27 =	vand.u32 $0xFFFF0000, v48;
	v13 =	vand.u32 $0xFFFF0000, v13;
	v15 =	vadd.f32 v15, v18  }
0x119: {  	v24 =	vand.u32 $0xFFFF0000, v24;
	v19 =	vadd.f32 v20, v19;
	v13 =	vadd.f32 v13, v27;
	[tilespmem:s29+$0x40] =	vst v10  }
0x11a: {  	v12 =	vshll.u32 v48, $0x10;
	v18 =	vshll.u32 v21, $0x10;
	v21 =	vand.u32 $0xFFFF0000, v21;
	[tilespmem:s29+$0x50] =	vst v15  }
0x11b: {  	v12 =	vadd.f32 v22, v12;
	v22 =	vadd.f32 v26, v25;
	v10 =	vshll.u32 v17, $0x10;
	v28 =	vld [tilespmem:s28+$0x30]  }
0x11c: {  	v17 =	vand.u32 $0xFFFF0000, v17;
	v18 =	vadd.f32 v23, v18;
	v15 =	vshll.u32 v16, $0x10;
	v20 =	vld [tilespmem:s28+$0xB0]  }
0x11d: {  	v21 =	vadd.f32 v24, v21;
	v16 =	vand.u32 $0xFFFF0000, v16;
	v23 =	vld [tilespmem:s28+$0x1B0];
	v10 =	vadd.f32 v15, v10  }
0x11e: {  	v6 =	vshll.u32 v6, $0x10;
	v12 =	vadd.f32 v12, v19;
	v19 =	vld [tilespmem:s28+$0x330];
	v16 =	vadd.f32 v16, v17  }
0x11f: {  	v4 =	vadd.f32 v7, v6;
	v10 =	vadd.f32 v10, v18  }
0x120: {  	v9 =	vshll.u32 v9, $0x10;
	v13 =	vadd.f32 v13, v22;
	v15 =	vld [tilespmem:s28+$0x130];
	v16 =	vadd.f32 v16, v21  }
0x121: {  	v8 =	vshll.u32 v8, $0x10;
	v14 =	vadd.f32 v14, v2;
	v17 =	vld [tilespmem:s28+$0x230];
	v10 =	vadd.f32 v10, v12  }
0x122: {  	v2 =	vadd.f32 v8, v9;
	v18 =	vld [tilespmem:s28+$0x2B0];
	v13 =	vadd.f32 v16, v13;
	v8 =	vshll.u32 v28, $0x10  }
0x123: {  	v6 =	vshll.u32 v20, $0x10;
	v9 =	vshll.u32 v23, $0x10;
	v16 =	vshll.u32 v19, $0x10;
	[tilespmem:s31+$0x40] =	vst v10  }
0x124: {  	v12 =	vld [tilespmem:s28+$0x3B0];
	v24 =	vand.u32 $0xFFFF0000, v28;
	v20 =	vand.u32 $0xFFFF0000, v20;
	v23 =	vand.u32 $0xFFFF0000, v23;
	[tilespmem:s31+$0x50] =	vst v13  }
0x125: {  	v7 =	vshll.u32 v15, $0x10;
	v15 =	vand.u32 $0xFFFF0000, v15;
	v6 =	vadd.f32 v6, v8;
	v21 =	vld [tilespmem:s28+$0xFFFFFC30]  }
0x126: {  	v10 =	vshll.u32 v17, $0x10;
	v17 =	vand.u32 $0xFFFF0000, v17;
	v7 =	vadd.f32 v9, v7;
	v25 =	vld [tilespmem:s28+$0xFFFFFCB0]  }
0x127: {  	v9 =	vand.u32 $0xFFFF0000, v19;
	v19 =	vadd.f32 v20, v24;
	v13 =	vshll.u32 v18, $0x10;
	v8 =	vld [tilespmem:s28+$0xFFFFFDB0]  }
0x128: {  	v15 =	vadd.f32 v23, v15;
	v18 =	vand.u32 $0xFFFF0000, v18;
	v20 =	vld [tilespmem:s28+$0xFFFFFEB0];
	v10 =	vadd.f32 v13, v10  }
0x129: {  	v17 =	vadd.f32 v18, v17;
	v22 =	vshll.u32 v12, $0x10;
	v12 =	vand.u32 $0xFFFF0000, v12  }
0x12a: {  	v26 =	vld [tilespmem:s28+$0xFFFFFD30];
	v13 =	vadd.f32 v22, v16;
	v9 =	vadd.f32 v12, v9  }
0x12b: {  	[tilespmem:s26+$0x440] =	vst v11;
	v11 =	vld [tilespmem:s28+$0xFFFFFF30];
	v6 =	vadd.f32 v7, v6;
	v12 =	vadd.f32 v15, v19  }
0x12c: {  	[tilespmem:s26+$0x450] =	vst v14;
	v16 =	vld [tilespmem:s28+$0xFFFFFE30];
	v7 =	vadd.f32 v13, v10;
	v9 =	vadd.f32 v9, v17;
	v13 =	vshll.u32 v21, $0x10  }
0x12d: {  	v18 =	vld [tilespmem:s1+$0xFFFFFCF0];
	v14 =	vshll.u32 v25, $0x10;
	v17 =	vshll.u32 v8, $0x10;
	v19 =	vshll.u32 v20, $0x10  }
0x12e: {  	v10 =	vld [tilespmem:s28+$0xFFFFFFB0];
	v21 =	vand.u32 $0xFFFF0000, v21;
	v23 =	vand.u32 $0xFFFF0000, v25;
	v6 =	vadd.f32 v7, v6  }
0x12f: {  	v15 =	vld [tilespmem:s1+$0xFFFFFC70];
	v24 =	vand.u32 $0xFFFF0000, v26;
	v8 =	vand.u32 $0xFFFF0000, v8;
	v9 =	vadd.f32 v9, v12  }
0x130: {  	v22 =	vld [tilespmem:s1+$0xFFFFFD70];
	v20 =	vand.u32 $0xFFFF0000, v20;
	v13 =	vadd.f32 v14, v13;
	v8 =	vadd.f32 v8, v24;
	[tilespmem:s29+$0x60] =	vst v6  }
0x131: {  	v25 =	vld [tilespmem:s1+$0xFFFFFDF0];
	v7 =	vshll.u32 v26, $0x10;
	v12 =	vshll.u32 v16, $0x10;
	v16 =	vand.u32 $0xFFFF0000, v16;
	[tilespmem:s29+$0x70] =	vst v9  }
0x132: {  	v7 =	vadd.f32 v17, v7;
	v6 =	vshll.u32 v11, $0x10;
	v11 =	vand.u32 $0xFFFF0000, v11;
	v26 =	vld [tilespmem:s28+$0x40]  }
0x133: {  	v12 =	vadd.f32 v19, v12;
	v16 =	vadd.f32 v20, v16;
	v9 =	vshll.u32 v10, $0x10;
	v17 =	vld [tilespmem:s28+$0x140]  }
0x134: {  	v7 =	vadd.f32 v7, v13;
	v13 =	vld [tilespmem:s28+$0x340];
	v6 =	vadd.f32 v9, v6;
	v9 =	vand.u32 $0xFFFF0000, v10  }
0x135: {  	v19 =	vld [tilespmem:s28+$0x1C0];
	v10 =	vadd.f32 v23, v21;
	v9 =	vadd.f32 v9, v11  }
0x136: {  	v20 =	vshll.u32 v22, $0x10;
	v21 =	vld [tilespmem:s28+$0x3C0];
	v23 =	vshll.u32 v25, $0x10;
	v6 =	vadd.f32 v6, v12  }
0x137: {  	v14 =	vld [tilespmem:s28+$0xC0];
	v8 =	vadd.f32 v8, v10;
	v10 =	vshll.u32 v15, $0x10;
	v9 =	vadd.f32 v9, v16  }
0x138: {  	v11 =	vld [tilespmem:s28+$0x240];
	v16 =	vshll.u32 v18, $0x10;
	v6 =	vadd.f32 v6, v7;
	v24 =	vshll.u32 v26, $0x10  }
0x139: {  	v12 =	vld [tilespmem:s28+$0x2C0];
	v27 =	vshll.u32 v13, $0x10;
	v26 =	vand.u32 $0xFFFF0000, v26;
	v7 =	vadd.f32 v9, v8  }
0x13a: {  	v13 =	vand.u32 $0xFFFF0000, v13;
	v8 =	vadd.f32 v16, v10;
	v9 =	vadd.f32 v23, v20  }
0x13b: {  	v16 =	vshll.u32 v17, $0x10;
	v20 =	vshll.u32 v19, $0x10;
	v29 =	vshll.u32 v21, $0x10;
	[tilespmem:s31+$0x60] =	vst v6  }
0x13c: {  	v10 =	vld [tilespmem:s1+$0xFFFFFE70];
	v17 =	vand.u32 $0xFFFF0000, v17;
	v19 =	vand.u32 $0xFFFF0000, v19;
	v21 =	vand.u32 $0xFFFF0000, v21;
	[tilespmem:s31+$0x70] =	vst v7  }
0x13d: {  	v6 =	vshll.u32 v14, $0x10;
	v14 =	vand.u32 $0xFFFF0000, v14;
	v16 =	vadd.f32 v20, v16;
	v28 =	vld [tilespmem:s28+$0xFFFFFC40]  }
0x13e: {  	v17 =	vadd.f32 v19, v17;
	v7 =	vshll.u32 v11, $0x10;
	v23 =	vshll.u32 v12, $0x10;
	v49 =	vld [tilespmem:s28+$0xFFFFFCC0]  }
0x13f: {  	v11 =	vand.u32 $0xFFFF0000, v11;
	v6 =	vadd.f32 v6, v24;
	v14 =	vadd.f32 v14, v26;
	v50 =	vld [tilespmem:s28+$0xFFFFFD40]  }
0x140: {  	v12 =	vand.u32 $0xFFFF0000, v12;
	v20 =	vld [tilespmem:s28+$0xFFFFFDC0];
	v7 =	vadd.f32 v23, v7;
	v23 =	vadd.f32 v29, v27  }
0x141: {  	v24 =	vld [tilespmem:s28+$0xFFFFFE40];
	v11 =	vadd.f32 v12, v11;
	v12 =	vadd.f32 v21, v13  }
0x142: {  	v26 =	vld [tilespmem:s28+$0xFFFFFEC0];
	v6 =	vadd.f32 v16, v6;
	v14 =	vadd.f32 v17, v14  }
0x143: {  	v7 =	vadd.f32 v23, v7;
	v11 =	vadd.f32 v12, v11  }
0x144: {  	v9 =	vadd.f32 v9, v8;
	v13 =	vand.u32 $0xFFFF0000, v15;
	v15 =	vld [tilespmem:s28+$0xFFFFFF40];
	v16 =	vand.u32 $0xFFFF0000, v18  }
0x145: {  	v18 =	vld [tilespmem:s28+$0xFFFFFFC0];
	v19 =	vshll.u32 v10, $0x10;
	v6 =	vadd.f32 v7, v6;
	v11 =	vadd.f32 v11, v14  }
0x146: {  	v12 =	vshll.u32 v28, $0x10;
	v17 =	vshll.u32 v49, $0x10;
	v7 =	vshll.u32 v50, $0x10  }
0x147: {  	v23 =	vshll.u32 v20, $0x10;
	v27 =	vshll.u32 v24, $0x10;
	v29 =	vshll.u32 v26, $0x10  }
0x148: {  	v21 =	vld [tilespmem:s1+$0xFFFFFEF0];
	v28 =	vand.u32 $0xFFFF0000, v28;
	v30 =	vand.u32 $0xFFFF0000, v49;
	v31 =	vand.u32 $0xFFFF0000, v50  }
0x149: {  	v20 =	vand.u32 $0xFFFF0000, v20;
	v24 =	vand.u32 $0xFFFF0000, v24;
	v26 =	vand.u32 $0xFFFF0000, v26;
	[tilespmem:s29+$0x400] =	vst v6  }
0x14a: {  	v51 =	vld [tilespmem:s1+$0xFFFFFFF0];
	v6 =	vshll.u32 v15, $0x10;
	[tilespmem:s29+$0x410] =	vst v11;
	v11 =	vshll.u32 v18, $0x10;
	v12 =	vadd.f32 v17, v12  }
0x14b: {  	v14 =	vld [tilespmem:s1+$0xFFFFFF70];
	v7 =	vadd.f32 v23, v7;
	v15 =	vand.u32 $0xFFFF0000, v15;
	v23 =	vadd.f32 v29, v27  }
0x14c: {  	v18 =	vand.u32 $0xFFFF0000, v18;
	v27 =	vadd.f32 v30, v28;
	v20 =	vadd.f32 v20, v31;
	v52 =	vld [tilespmem:s28+$0x50]  }
0x14d: {  	v24 =	vadd.f32 v26, v24;
	v26 =	vshll.u32 v21, $0x10;
	v17 =	vld [tilespmem:s28+$0xD0];
	v6 =	vadd.f32 v11, v6  }
0x14e: {  	v11 =	vld [tilespmem:s28+$0x150];
	v15 =	vadd.f32 v18, v15;
	v19 =	vadd.f32 v26, v19  }
0x14f: {  	v28 =	vld [tilespmem:s28+$0x1D0];
	v7 =	vadd.f32 v7, v12;
	v6 =	vadd.f32 v6, v23  }
0x150: {  	v22 =	vand.u32 $0xFFFF0000, v22;
	v18 =	vld [tilespmem:s28+$0x250];
	v20 =	vadd.f32 v20, v27;
	v15 =	vadd.f32 v15, v24  }
0x151: {  	v12 =	vld [tilespmem:s28+$0x2D0];
	v27 =	vshll.u32 v51, $0x10;
	v23 =	vshll.u32 v14, $0x10;
	v29 =	vadd.f32 v6, v7  }
0x152: {  	v53 =	vld [tilespmem:s28+$0x3D0];
	v7 =	vand.u32 $0xFFFF0000, v25;
	v15 =	vadd.f32 v15, v20;
	v20 =	vadd.f32 v27, v23  }
0x153: {  	v6 =	vadd.f32 v16, v13;
	v23 =	vshll.u32 v52, $0x10;
	v7 =	vadd.f32 v7, v22  }
0x154: {  	v24 =	vld [tilespmem:s28+$0x350];
	v13 =	vshll.u32 v17, $0x10;
	v16 =	vshll.u32 v11, $0x10;
	v22 =	vshll.u32 v28, $0x10;
	[tilespmem:s31+$0x400] =	vst v29  }
0x155: {  	v54 =	vand.u32 $0xFFFF0000, v52;
	v17 =	vand.u32 $0xFFFF0000, v17;
	v11 =	vand.u32 $0xFFFF0000, v11;
	[tilespmem:s31+$0x410] =	vst v15  }
0x156: {  	v28 =	vand.u32 $0xFFFF0000, v28;
	v15 =	vshll.u32 v18, $0x10;
	v25 =	vshll.u32 v12, $0x10;
	v27 =	vld [tilespmem:s28+$0xFFFFFC50]  }
0x157: {  	v29 =	vshll.u32 v53, $0x10;
	v18 =	vand.u32 $0xFFFF0000, v18;
	v13 =	vadd.f32 v13, v23;
	v55 =	vld [tilespmem:s28+$0xFFFFFCD0]  }
0x158: {  	v12 =	vand.u32 $0xFFFF0000, v12;
	v16 =	vadd.f32 v22, v16;
	v17 =	vadd.f32 v17, v54;
	v56 =	vld [tilespmem:s28+$0xFFFFFD50]  }
0x159: {  	v11 =	vadd.f32 v28, v11;
	v26 =	vshll.u32 v24, $0x10;
	v22 =	vld [tilespmem:s28+$0xFFFFFDD0];
	v23 =	vand.u32 $0xFFFF0000, v24  }
0x15a: {  	v15 =	vadd.f32 v25, v15;
	v28 =	vld [tilespmem:s28+$0xFFFFFED0];
	v24 =	vadd.f32 v29, v26;
	v26 =	vand.u32 $0xFFFF0000, v53  }
0x15b: {  	v12 =	vadd.f32 v12, v18;
	v18 =	vadd.f32 v26, v23  }
0x15c: {  	v13 =	vadd.f32 v16, v13;
	v15 =	vadd.f32 v24, v15  }
0x15d: {  	v25 =	vld [tilespmem:s28+$0xFFFFFE50];
	v11 =	vadd.f32 v11, v17;
	v12 =	vadd.f32 v18, v12  }
0x15e: {  	v23 =	vld [tilespmem:s28+$0xFFFFFF50];
	v17 =	vshll.u32 v27, $0x10;
	v18 =	vshll.u32 v55, $0x10;
	v13 =	vadd.f32 v15, v13  }
0x15f: {  	v16 =	vld [tilespmem:s28+$0xFFFFFFD0];
	v15 =	vshll.u32 v56, $0x10;
	v24 =	vshll.u32 v22, $0x10;
	v26 =	vshll.u32 v28, $0x10  }
0x160: {  	v27 =	vand.u32 $0xFFFF0000, v27;
	v29 =	vand.u32 $0xFFFF0000, v55;
	v11 =	vadd.f32 v12, v11  }
0x161: {  	v57 =	vand.u32 $0xFFFF0000, v56;
	v22 =	vand.u32 $0xFFFF0000, v22;
	v28 =	vand.u32 $0xFFFF0000, v28;
	[tilespmem:s29+$0x420] =	vst v13  }
0x162: {  	v12 =	vshll.u32 v25, $0x10;
	v25 =	vand.u32 $0xFFFF0000, v25;
	v17 =	vadd.f32 v18, v17;
	[tilespmem:s29+$0x430] =	vst v11  }
0x163: {  	v15 =	vadd.f32 v24, v15;
	v22 =	vadd.f32 v22, v57;
	v13 =	vshll.u32 v23, $0x10;
	v58 =	vld [tilespmem:s28+$0x60]  }
0x164: {  	v23 =	vand.u32 $0xFFFF0000, v23;
	v12 =	vadd.f32 v26, v12;
	v11 =	vshll.u32 v16, $0x10;
	v18 =	vld [tilespmem:s28+$0xE0]  }
0x165: {  	v25 =	vadd.f32 v28, v25;
	v11 =	vadd.f32 v11, v13;
	v24 =	vld [tilespmem:s28+$0x160];
	v13 =	vand.u32 $0xFFFF0000, v16  }
0x166: {  	v16 =	vadd.f32 v29, v27;
	v26 =	vld [tilespmem:s28+$0x1E0];
	v13 =	vadd.f32 v13, v23  }
0x167: {  	v15 =	vadd.f32 v15, v17;
	v27 =	vld [tilespmem:s28+$0x260];
	v11 =	vadd.f32 v11, v12  }
0x168: {  	v28 =	vld [tilespmem:s28+$0x2E0];
	v12 =	vand.u32 $0xFFFF0000, v14;
	v14 =	vadd.f32 v22, v16;
	v16 =	vadd.f32 v13, v25  }
0x169: {  	v10 =	vand.u32 $0xFFFF0000, v10;
	v21 =	vand.u32 $0xFFFF0000, v21;
	v15 =	vadd.f32 v11, v15  }
0x16a: {  	v17 =	vand.u32 $0xFFFF0000, v51;
	v25 =	vld [tilespmem:s28+$0x360];
	v13 =	vadd.f32 v21, v10;
	v16 =	vadd.f32 v16, v14  }
0x16b: {  	v10 =	vadd.f32 v20, v19;
	v11 =	vld [tilespmem:s28+$0x3E0];
	v14 =	vadd.f32 v17, v12;
	v22 =	vshll.u32 v58, $0x10;
	[tilespmem:s31+$0x420] =	vst v15  }
0x16c: {  	v20 =	vshll.u32 v18, $0x10;
	v29 =	vshll.u32 v24, $0x10;
	v59 =	vshll.u32 v26, $0x10;
	[tilespmem:s31+$0x430] =	vst v16  }
0x16d: {  	v60 =	vshll.u32 v27, $0x10;
	v61 =	vshll.u32 v28, $0x10;
	v17 =	vand.u32 $0xFFFF0000, v58;
	v8 =	vld [tilespmem:s28+$0xFFFFFC60]  }
0x16e: {  	v18 =	vand.u32 $0xFFFF0000, v18;
	v21 =	vand.u32 $0xFFFF0000, v24;
	v23 =	vand.u32 $0xFFFF0000, v26;
	v12 =	vld [tilespmem:s28+$0xFFFFFCE0]  }
0x16f: {  	v19 =	vand.u32 $0xFFFF0000, v27;
	v24 =	vand.u32 $0xFFFF0000, v28;
	v20 =	vadd.f32 v20, v22;
	v15 =	vld [tilespmem:s28+$0xFFFFFD60]  }
0x170: {  	v22 =	vadd.f32 v59, v29;
	v62 =	vshll.u32 v25, $0x10;
	v16 =	vld [tilespmem:s28+$0xFFFFFDE0];
	v63 =	vshll.u32 v11, $0x10  }
0x171: {  	s9 =	simm.s32 $0x3400;
	s24 =	sshll.u32 s23, $0x9;
	[tilespmem:s25+$0x470] =	vst v5;
	s1 =	simm.s32 $0x2;
	v5 =	vld [tilespmem:s28+$0xFFFFFE60];
	v27 =	vand.u32 $0xFFFF0000, v25;
	v25 =	vadd.f32 v61, v60;
	v26 =	vadd.f32 v63, v62  }
.LBB2_5:
0x172: {  	v28 =	vld [tilespmem:s9+$0x0];
	v11 =	vand.u32 $0xFFFF0000, v11;
	v17 =	vadd.f32 v18, v17;
	v18 =	vadd.f32 v23, v21  }
0x173: {  	v23 =	vshll.u32 v8, $0x10;
	v19 =	vadd.f32 v24, v19;
	v21 =	vld [tilespmem:s9+$0x80];
	v11 =	vadd.f32 v11, v27  }
0x174: {  	v20 =	vadd.f32 v22, v20;
	v27 =	vshll.u32 v12, $0x10;
	v22 =	vadd.f32 v26, v25;
	v24 =	vld [tilespmem:s9+$0x100]  }
0x175: {  	v26 =	vshll.u32 v15, $0x10;
	v17 =	vadd.f32 v18, v17;
	v25 =	vld [tilespmem:s9+$0x180];
	v18 =	vadd.f32 v11, v19  }
0x176: {  	v29 =	vshll.u32 v16, $0x10;
	v20 =	vadd.f32 v22, v20;
	v19 =	vld [tilespmem:s9+$0x200];
	v11 =	vshll.u32 v5, $0x10  }
0x177: {  	v8 =	vand.u32 $0xFFFF0000, v8;
	v30 =	vand.u32 $0xFFFF0000, v12;
	v22 =	vld [tilespmem:s9+$0x280];
	v17 =	vadd.f32 v18, v17  }
0x178: {  	v15 =	vand.u32 $0xFFFF0000, v15;
	v16 =	vand.u32 $0xFFFF0000, v16;
	v12 =	vand.u32 $0xFFFF0000, v5;
	v18 =	vld [tilespmem:s9+$0x300];
	[tilespmem:s29+$0x440] =	vst v20  }
0x179: {  	v5 =	vadd.f32 v27, v23;
	v23 =	vadd.f32 v29, v26;
	v20 =	vld [tilespmem:s9+$0x380];
	[tilespmem:s29+$0x450] =	vst v17  }
0x17a: {  	v16 =	vadd.f32 v16, v15;
	v17 =	vadd.f32 v30, v8;
	v26 =	vld [tilespmem:s28+$0x70]  }
0x17b: {  	v7 =	vadd.f32 v7, v6;
	v8 =	vadd.f32 v23, v5;
	v15 =	vld [tilespmem:s28+$0xF0]  }
0x17c: {  	v13 =	vadd.f32 v14, v13;
	v5 =	vadd.f32 v16, v17;
	v16 =	vld [tilespmem:s28+$0x170]  }
0x17d: {  	v14 =	vadd.f32 v2, v1;
	v4 =	vadd.f32 v4, v3;
	v6 =	vld [tilespmem:s28+$0x1F0]  }
0x17e: {  	v9 =	vadd.f32 v10, v9;
	v10 =	vadd.f32 v13, v7;
	v2 =	vld [tilespmem:s28+$0x270]  }
0x17f: {  	v14 =	vadd.f32 v4, v14;
	v13 =	vshll.u32 v28, $0x10;
	v3 =	vld [tilespmem:s28+$0x2F0];
	v1 =	vshll.u32 v26, $0x10  }
0x180: {  	v23 =	vshll.u32 v24, $0x10;
	v27 =	vshll.u32 v25, $0x10;
	v17 =	vshll.u32 v21, $0x10;
	v4 =	vld [tilespmem:s28+$0x370];
	[tilespmem:s26+$0x460] =	vst v9  }
0x181: {  	v29 =	vshll.u32 v22, $0x10;
	v30 =	vshll.u32 v18, $0x10;
	v9 =	vshll.u32 v19, $0x10;
	v7 =	vld [tilespmem:s28+$0x3F0];
	[tilespmem:s26+$0x470] =	vst v10;
	s26 =	smov.u32 s31  }
0x182: {  	v28 =	vand.u32 $0xFFFF0000, v28;
	v21 =	vand.u32 $0xFFFF0000, v21;
	v31 =	vshll.u32 v20, $0x10;
	v10 =	vld [tilespmem:s9+$0xFFFFFC80];
	[tilespmem:s25+$0x460] =	vst v14;
	s25 =	smov.u32 s29  }
0x183: {  	v24 =	vand.u32 $0xFFFF0000, v24;
	v13 =	vadd.f32 v17, v13;
	v17 =	vand.u32 $0xFFFF0000, v26;
	v14 =	vld [tilespmem:s9+$0xFFFFFD00]  }
0x184: {  	v32 =	vand.u32 $0xFFFF0000, v15;
	v33 =	vand.u32 $0xFFFF0000, v16;
	v34 =	vand.u32 $0xFFFF0000, v6;
	v26 =	vld [tilespmem:s9+$0xFFFFFD80]  }
0x185: {  	v36 =	vand.u32 $0xFFFF0000, v2;
	v37 =	vand.u32 $0xFFFF0000, v3;
	v35 =	vld [tilespmem:s9+$0xFFFFFE00];
	v38 =	vand.u32 $0xFFFF0000, v4  }
0x186: {  	v17 =	vadd.f32 v32, v17;
	v32 =	vadd.f32 v34, v33;
	v39 =	vld [tilespmem:s9+$0xFFFFFE80];
	v40 =	vand.u32 $0xFFFF0000, v7  }
0x187: {  	v25 =	vand.u32 $0xFFFF0000, v25;
	v34 =	vadd.f32 v37, v36;
	v33 =	vld [tilespmem:s9+$0xFFFFFF00];
	v36 =	vadd.f32 v40, v38  }
0x188: {  	v23 =	vadd.f32 v27, v23;
	v19 =	vand.u32 $0xFFFF0000, v19;
	v9 =	vadd.f32 v29, v9;
	v37 =	vld [tilespmem:s9+$0xFFFFFF80]  }
0x189: {  	v22 =	vand.u32 $0xFFFF0000, v22;
	v17 =	vadd.f32 v32, v17;
	v27 =	vld [tilespmem:s9+$0xFFFFFC00];
	v29 =	vadd.f32 v36, v34  }
0x18a: {  	v21 =	vadd.f32 v21, v28;
	v18 =	vand.u32 $0xFFFF0000, v18;
	v30 =	vadd.f32 v31, v30;
	v28 =	vld [tilespmem:s28+$0xFFFFFEE0]  }
0x18b: {  	v24 =	vadd.f32 v25, v24;
	v20 =	vand.u32 $0xFFFF0000, v20;
	v25 =	vld [tilespmem:s28+$0xFFFFFF60];
	v17 =	vadd.f32 v29, v17  }
0x18c: {  	v18 =	vadd.f32 v20, v18;
	v19 =	vadd.f32 v22, v19;
	v29 =	vshll.u32 v10, $0x10;
	v20 =	vld [tilespmem:s28+$0xFFFFFFE0]  }
0x18d: {  	s30 =	sadd.s32 $0x200, s30;
	s0 =	sadd.s32 $0x100, s0;
	v13 =	vadd.f32 v23, v13;
	v9 =	vadd.f32 v30, v9;
	v22 =	vshll.u32 v14, $0x10;
	[tilespmem:s25+$0x470] =	vst v17  }
0x18e: {  	s10 =	sand.u32 $0x1800, s30;
	v21 =	vadd.f32 v24, v21;
	s31 =	sadd.s32 $0x80, s0;
	s29 =	sand.u32 $0x300, s0;
	v18 =	vadd.f32 v18, v19;
	v17 =	vshll.u32 v27, $0x10  }
0x18f: {  	s10 =	sor.u32 $0x12000, s10;
	s11 =	sand.u32 $0x380, s31;
	v9 =	vadd.f32 v9, v13;
	v19 =	vshll.u32 v26, $0x10;
	v23 =	vshll.u32 v35, $0x10  }
0x190: {  	s31 =	sor.u32 s29, s10;
	s29 =	sor.u32 s11, s10;
	v18 =	vadd.f32 v18, v21;
	v13 =	vshll.u32 v39, $0x10;
	v24 =	vshll.u32 v33, $0x10  }
0x191: {  	v10 =	vand.u32 $0xFFFF0000, v10;
	v21 =	vshll.u32 v37, $0x10;
	v27 =	vand.u32 $0xFFFF0000, v27;
	[tilespmem:s29+$0x0] =	vst v9  }
0x192: {  	v9 =	vand.u32 $0xFFFF0000, v14;
	v14 =	vand.u32 $0xFFFF0000, v26;
	v26 =	vand.u32 $0xFFFF0000, v35;
	[tilespmem:s29+$0x10] =	vst v18  }
0x193: {  	v30 =	vand.u32 $0xFFFF0000, v33;
	v31 =	vand.u32 $0xFFFF0000, v37;
	v18 =	vand.u32 $0xFFFF0000, v39;
	v32 =	vld [tilespmem:s9+$0x10]  }
0x194: {  	v19 =	vadd.f32 v19, v22;
	v17 =	vadd.f32 v29, v17;
	v29 =	vshll.u32 v28, $0x10;
	v22 =	vld [tilespmem:s9+$0x90]  }
0x195: {  	v13 =	vadd.f32 v13, v23;
	v21 =	vadd.f32 v21, v24;
	v24 =	vshll.u32 v25, $0x10;
	v23 =	vld [tilespmem:s9+$0x110]  }
0x196: {  	v10 =	vadd.f32 v10, v27;
	v27 =	vshll.u32 v20, $0x10;
	v9 =	vadd.f32 v14, v9;
	v14 =	vld [tilespmem:s9+$0x190]  }
0x197: {  	v28 =	vand.u32 $0xFFFF0000, v28;
	v18 =	vadd.f32 v18, v26;
	v26 =	vadd.f32 v31, v30;
	v30 =	vld [tilespmem:s9+$0x210]  }
0x198: {  	v13 =	vadd.f32 v21, v13;
	v21 =	vand.u32 $0xFFFF0000, v25;
	v17 =	vadd.f32 v19, v17;
	v19 =	vld [tilespmem:s9+$0x290]  }
0x199: {  	v20 =	vand.u32 $0xFFFF0000, v20;
	v9 =	vadd.f32 v9, v10;
	v10 =	vadd.f32 v26, v18;
	v18 =	vld [tilespmem:s9+$0x310]  }
0x19a: {  	v15 =	vshll.u32 v15, $0x10;
	v11 =	vadd.f32 v29, v11;
	v13 =	vadd.f32 v13, v17;
	v17 =	vld [tilespmem:s9+$0x390]  }
0x19b: {  	v24 =	vadd.f32 v27, v24;
	v10 =	vadd.f32 v10, v9;
	v9 =	vshll.u32 v16, $0x10  }
0x19c: {  	v12 =	vadd.f32 v28, v12;
	v16 =	vadd.f32 v20, v21;
	[tilespmem:s31+$0x0] =	vst v13;
	v13 =	vshll.u32 v32, $0x10  }
0x19d: {  	v20 =	vshll.u32 v23, $0x10;
	v21 =	vshll.u32 v14, $0x10;
	[tilespmem:s31+$0x10] =	vst v10;
	v10 =	vshll.u32 v22, $0x10  }
0x19e: {  	v26 =	vshll.u32 v30, $0x10;
	v27 =	vshll.u32 v19, $0x10;
	v25 =	vld [tilespmem:s9+$0xFFFFFC10];
	v28 =	vshll.u32 v18, $0x10  }
0x19f: {  	v32 =	vand.u32 $0xFFFF0000, v32;
	v22 =	vand.u32 $0xFFFF0000, v22;
	v29 =	vld [tilespmem:s9+$0xFFFFFC90];
	v31 =	vshll.u32 v17, $0x10  }
0x1a0: {  	v23 =	vand.u32 $0xFFFF0000, v23;
	v14 =	vand.u32 $0xFFFF0000, v14;
	v30 =	vand.u32 $0xFFFF0000, v30;
	v33 =	vld [tilespmem:s9+$0xFFFFFD10]  }
0x1a1: {  	v19 =	vand.u32 $0xFFFF0000, v19;
	v10 =	vadd.f32 v10, v13;
	v13 =	vadd.f32 v21, v20;
	v34 =	vld [tilespmem:s9+$0xFFFFFD90]  }
0x1a2: {  	v18 =	vand.u32 $0xFFFF0000, v18;
	v21 =	vadd.f32 v27, v26;
	v26 =	vadd.f32 v31, v28;
	v20 =	vld [tilespmem:s9+$0xFFFFFE10]  }
0x1a3: {  	v14 =	vadd.f32 v14, v23;
	v22 =	vadd.f32 v22, v32;
	v17 =	vand.u32 $0xFFFF0000, v17;
	v27 =	vld [tilespmem:s9+$0xFFFFFE90]  }
0x1a4: {  	v19 =	vadd.f32 v19, v30;
	v17 =	vadd.f32 v17, v18;
	v28 =	vshll.u32 v25, $0x10;
	v23 =	vld [tilespmem:s9+$0xFFFFFF10]  }
0x1a5: {  	v10 =	vadd.f32 v13, v10;
	v13 =	vadd.f32 v26, v21;
	v30 =	vshll.u32 v29, $0x10;
	v18 =	vld [tilespmem:s9+$0xFFFFFF90]  }
0x1a6: {  	v14 =	vadd.f32 v14, v22;
	v17 =	vadd.f32 v17, v19;
	v21 =	vshll.u32 v33, $0x10  }
0x1a7: {  	v10 =	vadd.f32 v13, v10;
	v19 =	vshll.u32 v34, $0x10;
	v22 =	vshll.u32 v20, $0x10  }
0x1a8: {  	v25 =	vand.u32 $0xFFFF0000, v25;
	v14 =	vadd.f32 v17, v14;
	v13 =	vshll.u32 v27, $0x10  }
0x1a9: {  	v26 =	vand.u32 $0xFFFF0000, v29;
	v29 =	vand.u32 $0xFFFF0000, v33;
	v17 =	vshll.u32 v23, $0x10;
	[tilespmem:s29+$0x20] =	vst v10  }
0x1aa: {  	v31 =	vand.u32 $0xFFFF0000, v34;
	v20 =	vand.u32 $0xFFFF0000, v20;
	v10 =	vshll.u32 v18, $0x10;
	[tilespmem:s29+$0x30] =	vst v14  }
0x1ab: {  	v23 =	vand.u32 $0xFFFF0000, v23;
	v14 =	vand.u32 $0xFFFF0000, v27;
	v18 =	vand.u32 $0xFFFF0000, v18;
	v27 =	vld [tilespmem:s9+$0x20]  }
0x1ac: {  	v6 =	vshll.u32 v6, $0x10;
	v28 =	vadd.f32 v30, v28;
	v19 =	vadd.f32 v19, v21;
	v21 =	vld [tilespmem:s9+$0xA0]  }
0x1ad: {  	v13 =	vadd.f32 v13, v22;
	v17 =	vadd.f32 v10, v17;
	v10 =	vshll.u32 v2, $0x10;
	v22 =	vld [tilespmem:s9+$0x120]  }
0x1ae: {  	v3 =	vshll.u32 v3, $0x10;
	v2 =	vadd.f32 v26, v25;
	v25 =	vadd.f32 v31, v29;
	v26 =	vld [tilespmem:s9+$0x1A0]  }
0x1af: {  	v4 =	vshll.u32 v4, $0x10;
	v14 =	vadd.f32 v14, v20;
	v18 =	vadd.f32 v18, v23;
	v20 =	vld [tilespmem:s9+$0x220]  }
0x1b0: {  	v7 =	vshll.u32 v7, $0x10;
	v19 =	vadd.f32 v19, v28;
	v13 =	vadd.f32 v17, v13;
	v17 =	vld [tilespmem:s9+$0x2A0]  }
0x1b1: {  	v2 =	vadd.f32 v25, v2;
	v14 =	vadd.f32 v18, v14;
	v18 =	vld [tilespmem:s9+$0x320]  }
0x1b2: {  	v11 =	vadd.f32 v24, v11;
	v13 =	vadd.f32 v13, v19;
	v19 =	vld [tilespmem:s9+$0x3A0]  }
0x1b3: {  	v12 =	vadd.f32 v16, v12;
	v2 =	vadd.f32 v14, v2  }
0x1b4: {  	v1 =	vadd.f32 v15, v1;
	v8 =	vadd.f32 v11, v8;
	[tilespmem:s31+$0x20] =	vst v13;
	v13 =	vshll.u32 v27, $0x10  }
0x1b5: {  	v11 =	vshll.u32 v22, $0x10;
	v14 =	vshll.u32 v26, $0x10;
	[tilespmem:s31+$0x30] =	vst v2;
	v2 =	vshll.u32 v21, $0x10  }
0x1b6: {  	v16 =	vshll.u32 v20, $0x10;
	v23 =	vshll.u32 v17, $0x10;
	v15 =	vld [tilespmem:s9+$0xFFFFFC20];
	v24 =	vshll.u32 v18, $0x10;
	[tilespmem:s26+$0x440] =	vst v8  }
0x1b7: {  	v27 =	vand.u32 $0xFFFF0000, v27;
	v21 =	vand.u32 $0xFFFF0000, v21;
	v8 =	vld [tilespmem:s9+$0xFFFFFCA0];
	v25 =	vshll.u32 v19, $0x10  }
0x1b8: {  	v22 =	vand.u32 $0xFFFF0000, v22;
	v26 =	vand.u32 $0xFFFF0000, v26;
	v20 =	vand.u32 $0xFFFF0000, v20;
	v28 =	vld [tilespmem:s9+$0xFFFFFD20]  }
0x1b9: {  	v11 =	vadd.f32 v14, v11;
	v17 =	vand.u32 $0xFFFF0000, v17;
	v2 =	vadd.f32 v2, v13;
	v29 =	vld [tilespmem:s9+$0xFFFFFDA0]  }
0x1ba: {  	v14 =	vand.u32 $0xFFFF0000, v18;
	v16 =	vadd.f32 v23, v16;
	v18 =	vadd.f32 v25, v24;
	v13 =	vld [tilespmem:s9+$0xFFFFFE20]  }
0x1bb: {  	v22 =	vadd.f32 v26, v22;
	v21 =	vadd.f32 v21, v27;
	v19 =	vand.u32 $0xFFFF0000, v19;
	v23 =	vld [tilespmem:s9+$0xFFFFFEA0]  }
0x1bc: {  	v17 =	vadd.f32 v17, v20;
	v14 =	vadd.f32 v19, v14;
	v25 =	vshll.u32 v15, $0x10;
	v24 =	vld [tilespmem:s9+$0xFFFFFF20]  }
0x1bd: {  	v2 =	vadd.f32 v11, v2;
	v11 =	vadd.f32 v18, v16;
	v20 =	vshll.u32 v8, $0x10;
	v19 =	vld [tilespmem:s9+$0xFFFFFFA0]  }
0x1be: {  	v18 =	vadd.f32 v22, v21;
	v14 =	vadd.f32 v14, v17;
	v16 =	vshll.u32 v28, $0x10  }
0x1bf: {  	v2 =	vadd.f32 v11, v2;
	v17 =	vshll.u32 v29, $0x10;
	v21 =	vshll.u32 v13, $0x10  }
0x1c0: {  	v15 =	vand.u32 $0xFFFF0000, v15;
	v14 =	vadd.f32 v14, v18;
	v11 =	vshll.u32 v23, $0x10  }
0x1c1: {  	v8 =	vand.u32 $0xFFFF0000, v8;
	v22 =	vand.u32 $0xFFFF0000, v28;
	v18 =	vshll.u32 v24, $0x10;
	[tilespmem:s29+$0x40] =	vst v2  }
0x1c2: {  	v26 =	vand.u32 $0xFFFF0000, v29;
	v13 =	vand.u32 $0xFFFF0000, v13;
	v2 =	vshll.u32 v19, $0x10;
	[tilespmem:s29+$0x50] =	vst v14  }
0x1c3: {  	v14 =	vand.u32 $0xFFFF0000, v23;
	v23 =	vand.u32 $0xFFFF0000, v24;
	v19 =	vand.u32 $0xFFFF0000, v19;
	v24 =	vld [tilespmem:s9+$0x30]  }
0x1c4: {  	v20 =	vadd.f32 v20, v25;
	v16 =	vadd.f32 v17, v16;
	v17 =	vld [tilespmem:s9+$0xB0]  }
0x1c5: {  	v11 =	vadd.f32 v11, v21;
	v2 =	vadd.f32 v2, v18;
	v18 =	vld [tilespmem:s9+$0x130]  }
0x1c6: {  	v8 =	vadd.f32 v8, v15;
	v15 =	vadd.f32 v26, v22;
	v21 =	vld [tilespmem:s9+$0x1B0]  }
0x1c7: {  	v13 =	vadd.f32 v14, v13;
	v14 =	vadd.f32 v19, v23;
	v19 =	vld [tilespmem:s9+$0x230]  }
0x1c8: {  	v16 =	vadd.f32 v16, v20;
	v2 =	vadd.f32 v2, v11;
	v11 =	vld [tilespmem:s9+$0x2B0]  }
0x1c9: {  	v8 =	vadd.f32 v15, v8;
	v13 =	vadd.f32 v14, v13;
	v14 =	vld [tilespmem:s9+$0x330]  }
0x1ca: {  	v5 =	vadd.f32 v12, v5;
	v15 =	vadd.f32 v2, v16;
	v16 =	vld [tilespmem:s9+$0x3B0]  }
0x1cb: {  	v8 =	vadd.f32 v13, v8;
	v2 =	vadd.f32 v6, v9  }
0x1cc: {  	v4 =	vadd.f32 v7, v4;
	v3 =	vadd.f32 v3, v10;
	v6 =	vshll.u32 v24, $0x10;
	[tilespmem:s31+$0x40] =	vst v15  }
0x1cd: {  	v7 =	vshll.u32 v17, $0x10;
	v9 =	vshll.u32 v21, $0x10;
	[tilespmem:s31+$0x50] =	vst v8;
	v8 =	vshll.u32 v18, $0x10  }
0x1ce: {  	v12 =	vshll.u32 v19, $0x10;
	v13 =	vshll.u32 v11, $0x10;
	v10 =	vld [tilespmem:s9+$0xFFFFFC30];
	v15 =	vshll.u32 v14, $0x10;
	[tilespmem:s26+$0x450] =	vst v5  }
0x1cf: {  	s1 =	sadd.s32 $0x2, s1;
	v22 =	vand.u32 $0xFFFF0000, v24;
	v17 =	vand.u32 $0xFFFF0000, v17;
	v5 =	vld [tilespmem:s9+$0xFFFFFCB0];
	v20 =	vshll.u32 v16, $0x10  }
0x1d0: {  	p1 =	slt.u32 s1, $0x1E;
	v21 =	vand.u32 $0xFFFF0000, v21;
	v19 =	vand.u32 $0xFFFF0000, v19;
	v18 =	vand.u32 $0xFFFF0000, v18;
	v23 =	vld [tilespmem:s9+$0xFFFFFD30]  }
0x1d1: {  	v6 =	vadd.f32 v7, v6;
	v11 =	vand.u32 $0xFFFF0000, v11;
	v7 =	vadd.f32 v9, v8;
	v24 =	vld [tilespmem:s9+$0xFFFFFDB0]  }
0x1d2: {  	v9 =	vand.u32 $0xFFFF0000, v14;
	v12 =	vadd.f32 v13, v12;
	v13 =	vadd.f32 v20, v15;
	v8 =	vld [tilespmem:s9+$0xFFFFFE30]  }
0x1d3: {  	v15 =	vand.u32 $0xFFFF0000, v16;
	v16 =	vadd.f32 v17, v22;
	v17 =	vadd.f32 v21, v18;
	v14 =	vld [tilespmem:s9+$0xFFFFFEB0]  }
0x1d4: {  	v11 =	vadd.f32 v11, v19;
	v9 =	vadd.f32 v15, v9;
	v20 =	vshll.u32 v10, $0x10;
	v18 =	vld [tilespmem:s9+$0xFFFFFF30]  }
0x1d5: {  	v6 =	vadd.f32 v7, v6;
	v7 =	vadd.f32 v13, v12;
	v19 =	vshll.u32 v5, $0x10;
	v15 =	vld [tilespmem:s9+$0xFFFFFFB0]  }
0x1d6: {  	v13 =	vadd.f32 v17, v16;
	v9 =	vadd.f32 v9, v11;
	v12 =	vshll.u32 v23, $0x10;
	v11 =	vld [tilespmem:s28+$0xFFFFFC70]  }
0x1d7: {  	v6 =	vadd.f32 v7, v6;
	v16 =	vshll.u32 v24, $0x10;
	v17 =	vshll.u32 v8, $0x10;
	v21 =	vld [tilespmem:s28+$0xFFFFFCF0]  }
0x1d8: {  	v10 =	vand.u32 $0xFFFF0000, v10;
	v9 =	vadd.f32 v9, v13;
	v7 =	vshll.u32 v14, $0x10;
	v13 =	vld [tilespmem:s28+$0xFFFFFD70]  }
0x1d9: {  	v5 =	vand.u32 $0xFFFF0000, v5;
	v23 =	vand.u32 $0xFFFF0000, v23;
	v22 =	vshll.u32 v18, $0x10;
	[tilespmem:s29+$0x60] =	vst v6;
	v25 =	vld [tilespmem:s28+$0xFFFFFDF0]  }
0x1da: {  	v24 =	vand.u32 $0xFFFF0000, v24;
	v8 =	vand.u32 $0xFFFF0000, v8;
	v6 =	vshll.u32 v15, $0x10;
	[tilespmem:s29+$0x70] =	vst v9;
	v9 =	vld [tilespmem:s28+$0xFFFFFE70]  }
0x1db: {  	v14 =	vand.u32 $0xFFFF0000, v14;
	v18 =	vand.u32 $0xFFFF0000, v18;
	v15 =	vand.u32 $0xFFFF0000, v15;
	v26 =	vld [tilespmem:s9+$0x40]  }
0x1dc: {  	v19 =	vadd.f32 v19, v20;
	v12 =	vadd.f32 v16, v12;
	v20 =	vshll.u32 v11, $0x10;
	v16 =	vld [tilespmem:s9+$0xC0]  }
0x1dd: {  	v7 =	vadd.f32 v7, v17;
	v6 =	vadd.f32 v6, v22;
	v22 =	vshll.u32 v21, $0x10;
	v17 =	vld [tilespmem:s9+$0x140]  }
0x1de: {  	v5 =	vadd.f32 v5, v10;
	v10 =	vadd.f32 v24, v23;
	v24 =	vshll.u32 v13, $0x10;
	v23 =	vld [tilespmem:s9+$0x1C0]  }
0x1df: {  	v8 =	vadd.f32 v14, v8;
	v14 =	vadd.f32 v15, v18;
	v18 =	vshll.u32 v25, $0x10;
	v15 =	vld [tilespmem:s9+$0x240]  }
0x1e0: {  	v12 =	vadd.f32 v12, v19;
	v19 =	vadd.f32 v6, v7;
	v7 =	vshll.u32 v9, $0x10;
	v27 =	vld [tilespmem:s9+$0x2C0]  }
0x1e1: {  	v5 =	vadd.f32 v10, v5;
	v8 =	vadd.f32 v14, v8;
	v6 =	vand.u32 $0xFFFF0000, v11;
	v10 =	vld [tilespmem:s9+$0x340]  }
0x1e2: {  	v14 =	vand.u32 $0xFFFF0000, v21;
	v13 =	vand.u32 $0xFFFF0000, v13;
	v11 =	vadd.f32 v19, v12;
	v12 =	vld [tilespmem:s9+$0x3C0]  }
0x1e3: {  	v25 =	vand.u32 $0xFFFF0000, v25;
	v19 =	vadd.f32 v8, v5;
	v9 =	vand.u32 $0xFFFF0000, v9;
	v21 =	vld [tilespmem:s28+$0xFFFFFEF0]  }
0x1e4: {  	v5 =	vadd.f32 v22, v20;
	v8 =	vadd.f32 v18, v24;
	[tilespmem:s31+$0x60] =	vst v11;
	v11 =	vshll.u32 v26, $0x10;
	v28 =	vld [tilespmem:s28+$0xFFFFFF70]  }
0x1e5: {  	v18 =	vshll.u32 v16, $0x10;
	v20 =	vshll.u32 v23, $0x10;
	[tilespmem:s31+$0x70] =	vst v19;
	v19 =	vshll.u32 v17, $0x10;
	v22 =	vld [tilespmem:s28+$0xFFFFFFF0];
	s28 =	smov.u32 s9  }
0x1e6: {  	v29 =	vshll.u32 v15, $0x10;
	v30 =	vshll.u32 v27, $0x10;
	v24 =	vld [tilespmem:s9+$0xFFFFFC40];
	v31 =	vshll.u32 v10, $0x10  }
0x1e7: {  	v16 =	vand.u32 $0xFFFF0000, v16;
	v26 =	vand.u32 $0xFFFF0000, v26;
	v32 =	vld [tilespmem:s9+$0xFFFFFCC0];
	v33 =	vshll.u32 v12, $0x10  }
0x1e8: {  	v23 =	vand.u32 $0xFFFF0000, v23;
	v15 =	vand.u32 $0xFFFF0000, v15;
	v17 =	vand.u32 $0xFFFF0000, v17;
	v34 =	vld [tilespmem:s9+$0xFFFFFD40]  }
0x1e9: {  	v27 =	vand.u32 $0xFFFF0000, v27;
	v11 =	vadd.f32 v18, v11;
	v18 =	vadd.f32 v20, v19;
	v35 =	vld [tilespmem:s9+$0xFFFFFDC0]  }
0x1ea: {  	v10 =	vand.u32 $0xFFFF0000, v10;
	v20 =	vadd.f32 v30, v29;
	v29 =	vadd.f32 v33, v31;
	v19 =	vld [tilespmem:s9+$0xFFFFFE40]  }
0x1eb: {  	v16 =	vadd.f32 v16, v26;
	v17 =	vadd.f32 v23, v17;
	v12 =	vand.u32 $0xFFFF0000, v12;
	v30 =	vld [tilespmem:s9+$0xFFFFFEC0]  }
0x1ec: {  	v15 =	vadd.f32 v27, v15;
	v10 =	vadd.f32 v12, v10;
	v26 =	vshll.u32 v24, $0x10;
	v23 =	vld [tilespmem:s9+$0xFFFFFF40]  }
0x1ed: {  	v11 =	vadd.f32 v18, v11;
	v18 =	vadd.f32 v29, v20;
	v27 =	vshll.u32 v32, $0x10;
	v12 =	vld [tilespmem:s9+$0xFFFFFFC0]  }
0x1ee: {  	v16 =	vadd.f32 v17, v16;
	v10 =	vadd.f32 v10, v15;
	v20 =	vshll.u32 v34, $0x10  }
0x1ef: {  	v11 =	vadd.f32 v18, v11;
	v15 =	vshll.u32 v35, $0x10;
	v17 =	vshll.u32 v19, $0x10  }
0x1f0: {  	v24 =	vand.u32 $0xFFFF0000, v24;
	v10 =	vadd.f32 v10, v16;
	v18 =	vshll.u32 v30, $0x10  }
0x1f1: {  	v29 =	vand.u32 $0xFFFF0000, v32;
	v31 =	vand.u32 $0xFFFF0000, v34;
	v16 =	vshll.u32 v23, $0x10;
	[tilespmem:s29+$0x400] =	vst v11  }
0x1f2: {  	v32 =	vand.u32 $0xFFFF0000, v35;
	v19 =	vand.u32 $0xFFFF0000, v19;
	v11 =	vshll.u32 v12, $0x10;
	[tilespmem:s29+$0x410] =	vst v10  }
0x1f3: {  	v23 =	vand.u32 $0xFFFF0000, v23;
	v10 =	vand.u32 $0xFFFF0000, v30;
	v12 =	vand.u32 $0xFFFF0000, v12;
	v30 =	vld [tilespmem:s9+$0x50]  }
0x1f4: {  	v26 =	vadd.f32 v27, v26;
	v27 =	vshll.u32 v21, $0x10;
	v15 =	vadd.f32 v15, v20;
	v20 =	vld [tilespmem:s9+$0xD0]  }
0x1f5: {  	v17 =	vadd.f32 v18, v17;
	v18 =	vshll.u32 v28, $0x10;
	v11 =	vadd.f32 v11, v16;
	v16 =	vld [tilespmem:s9+$0x150]  }
0x1f6: {  	v24 =	vadd.f32 v29, v24;
	v29 =	vadd.f32 v32, v31;
	v32 =	vshll.u32 v22, $0x10;
	v31 =	vld [tilespmem:s9+$0x1D0]  }
0x1f7: {  	v21 =	vand.u32 $0xFFFF0000, v21;
	v10 =	vadd.f32 v10, v19;
	v12 =	vadd.f32 v12, v23;
	v19 =	vld [tilespmem:s9+$0x250]  }
0x1f8: {  	v15 =	vadd.f32 v15, v26;
	v23 =	vand.u32 $0xFFFF0000, v28;
	v11 =	vadd.f32 v11, v17;
	v17 =	vld [tilespmem:s9+$0x2D0]  }
0x1f9: {  	v22 =	vand.u32 $0xFFFF0000, v22;
	v24 =	vadd.f32 v29, v24;
	v10 =	vadd.f32 v12, v10;
	v12 =	vld [tilespmem:s9+$0x350]  }
0x1fa: {  	v26 =	vadd.f32 v27, v7;
	v11 =	vadd.f32 v11, v15;
	v15 =	vld [tilespmem:s9+$0x3D0]  }
0x1fb: {  	v18 =	vadd.f32 v32, v18;
	v10 =	vadd.f32 v10, v24  }
0x1fc: {  	v6 =	vadd.f32 v14, v6;
	v7 =	vadd.f32 v25, v13;
	[tilespmem:s31+$0x400] =	vst v11;
	v11 =	vshll.u32 v30, $0x10  }
0x1fd: {  	v13 =	vshll.u32 v16, $0x10;
	v14 =	vshll.u32 v31, $0x10;
	[tilespmem:s31+$0x410] =	vst v10;
	v10 =	vshll.u32 v20, $0x10  }
0x1fe: {  	v25 =	vshll.u32 v19, $0x10;
	v27 =	vshll.u32 v17, $0x10;
	v24 =	vld [tilespmem:s9+$0xFFFFFC50];
	v28 =	vshll.u32 v12, $0x10  }
0x1ff: {  	v30 =	vand.u32 $0xFFFF0000, v30;
	v20 =	vand.u32 $0xFFFF0000, v20;
	v29 =	vld [tilespmem:s9+$0xFFFFFCD0];
	v32 =	vshll.u32 v15, $0x10  }
0x200: {  	v16 =	vand.u32 $0xFFFF0000, v16;
	v31 =	vand.u32 $0xFFFF0000, v31;
	v19 =	vand.u32 $0xFFFF0000, v19;
	v33 =	vld [tilespmem:s9+$0xFFFFFD50]  }
0x201: {  	v17 =	vand.u32 $0xFFFF0000, v17;
	v10 =	vadd.f32 v10, v11;
	v11 =	vadd.f32 v14, v13;
	v34 =	vld [tilespmem:s9+$0xFFFFFDD0]  }
0x202: {  	v12 =	vand.u32 $0xFFFF0000, v12;
	v14 =	vadd.f32 v27, v25;
	v25 =	vadd.f32 v32, v28;
	v13 =	vld [tilespmem:s9+$0xFFFFFE50]  }
0x203: {  	v16 =	vadd.f32 v31, v16;
	v20 =	vadd.f32 v20, v30;
	v15 =	vand.u32 $0xFFFF0000, v15;
	v27 =	vld [tilespmem:s9+$0xFFFFFED0]  }
0x204: {  	v17 =	vadd.f32 v17, v19;
	v12 =	vadd.f32 v15, v12;
	v30 =	vshll.u32 v24, $0x10;
	v28 =	vld [tilespmem:s9+$0xFFFFFF50]  }
0x205: {  	v10 =	vadd.f32 v11, v10;
	v11 =	vadd.f32 v25, v14;
	v19 =	vshll.u32 v29, $0x10;
	v15 =	vld [tilespmem:s9+$0xFFFFFFD0]  }
0x206: {  	v16 =	vadd.f32 v16, v20;
	v12 =	vadd.f32 v12, v17;
	v14 =	vshll.u32 v33, $0x10  }
0x207: {  	v10 =	vadd.f32 v11, v10;
	v17 =	vshll.u32 v34, $0x10;
	v20 =	vshll.u32 v13, $0x10  }
0x208: {  	v24 =	vand.u32 $0xFFFF0000, v24;
	v12 =	vadd.f32 v12, v16;
	v11 =	vshll.u32 v27, $0x10  }
0x209: {  	v25 =	vand.u32 $0xFFFF0000, v29;
	v29 =	vand.u32 $0xFFFF0000, v33;
	v16 =	vshll.u32 v28, $0x10;
	[tilespmem:s29+$0x420] =	vst v10  }
0x20a: {  	v31 =	vand.u32 $0xFFFF0000, v34;
	v13 =	vand.u32 $0xFFFF0000, v13;
	v10 =	vshll.u32 v15, $0x10;
	[tilespmem:s29+$0x430] =	vst v12  }
0x20b: {  	v12 =	vand.u32 $0xFFFF0000, v27;
	v27 =	vand.u32 $0xFFFF0000, v28;
	v15 =	vand.u32 $0xFFFF0000, v15;
	v28 =	vld [tilespmem:s9+$0x60]  }
0x20c: {  	v19 =	vadd.f32 v19, v30;
	v14 =	vadd.f32 v17, v14;
	v30 =	vld [tilespmem:s9+$0xE0]  }
0x20d: {  	v11 =	vadd.f32 v11, v20;
	v10 =	vadd.f32 v10, v16;
	v16 =	vld [tilespmem:s9+$0x160]  }
0x20e: {  	v17 =	vadd.f32 v25, v24;
	v20 =	vadd.f32 v31, v29;
	v24 =	vld [tilespmem:s9+$0x1E0]  }
0x20f: {  	v12 =	vadd.f32 v12, v13;
	v13 =	vadd.f32 v15, v27;
	v25 =	vld [tilespmem:s9+$0x260]  }
0x210: {  	v14 =	vadd.f32 v14, v19;
	v10 =	vadd.f32 v10, v11;
	v27 =	vld [tilespmem:s9+$0x2E0]  }
0x211: {  	v15 =	vadd.f32 v20, v17;
	v12 =	vadd.f32 v13, v12;
	v29 =	vld [tilespmem:s9+$0x360]  }
0x212: {  	v13 =	vadd.f32 v21, v9;
	v10 =	vadd.f32 v10, v14;
	v11 =	vld [tilespmem:s9+$0x3E0]  }
0x213: {  	v12 =	vadd.f32 v12, v15;
	v14 =	vadd.f32 v22, v23  }
0x214: {  	v9 =	vadd.f32 v8, v5;
	v20 =	vshll.u32 v28, $0x10;
	[tilespmem:s31+$0x420] =	vst v10;
	v10 =	vadd.f32 v18, v26  }
0x215: {  	v5 =	vshll.u32 v30, $0x10;
	v22 =	vshll.u32 v16, $0x10;
	v26 =	vshll.u32 v24, $0x10;
	[tilespmem:s31+$0x430] =	vst v12  }
.Ltmp3:
0x216: {  	v31 =	vshll.u32 v25, $0x10;
	v32 =	vshll.u32 v27, $0x10;
	v8 =	vld [tilespmem:s9+$0xFFFFFC60];
	v33 =	vshll.u32 v29, $0x10;
	(pc) =	sbr.rel @p1 .LBB2_5-.Ltmp3, $4  }
0x217: {  	v17 =	vand.u32 $0xFFFF0000, v28;
	v18 =	vand.u32 $0xFFFF0000, v30;
	v12 =	vld [tilespmem:s9+$0xFFFFFCE0];
	v34 =	vshll.u32 v11, $0x10  }
0x218: {  	v21 =	vand.u32 $0xFFFF0000, v16;
	v23 =	vand.u32 $0xFFFF0000, v24;
	v19 =	vand.u32 $0xFFFF0000, v25;
	v15 =	vld [tilespmem:s9+$0xFFFFFD60]  }
0x219: {  	v20 =	vadd.f32 v5, v20;
	v24 =	vand.u32 $0xFFFF0000, v27;
	v22 =	vadd.f32 v26, v22;
	v16 =	vld [tilespmem:s9+$0xFFFFFDE0]  }
0x21a: {  	v27 =	vand.u32 $0xFFFF0000, v29;
	v25 =	vadd.f32 v32, v31;
	v26 =	vadd.f32 v34, v33;
	s9 =	sadd.s32 $0x800, s9;
	v5 =	vld [tilespmem:s28+$0xFFFFFE60]  }
0x21b: {  	v17 =	vadd.f32 v18, v17  }
0x21c: {  	v11 =	vand.u32 $0xFFFF0000, v11;
	v18 =	vadd.f32 v23, v21;
	v19 =	vadd.f32 v24, v19  }
0x21d: {  	v20 =	vadd.f32 v22, v20;
	v11 =	vadd.f32 v11, v27  }
0x21e: {  	v6 =	vadd.f32 v7, v6;
	v21 =	vadd.f32 v26, v25  }
0x21f: {  	v17 =	vadd.f32 v18, v17;
	v11 =	vadd.f32 v11, v19  }
0x220: {  	v13 =	vadd.f32 v14, v13;
	v18 =	vadd.f32 v21, v20  }
0x221: {  	v1 =	vadd.f32 v2, v1;
	v11 =	vadd.f32 v11, v17;
	v17 =	vld [tilespmem:s28+$0xFFFFFEE0]  }
0x222: {  	v2 =	vadd.f32 v4, v3;
	v19 =	vshll.u32 v8, $0x10;
	v20 =	vshll.u32 v12, $0x10;
	[tilespmem:s29+$0x440] =	vst v18;
	v18 =	vld [tilespmem:s28+$0xFFFFFF60]  }
0x223: {  	v21 =	vshll.u32 v15, $0x10;
	v22 =	vshll.u32 v16, $0x10;
	v8 =	vand.u32 $0xFFFF0000, v8;
	[tilespmem:s29+$0x450] =	vst v11;
	v11 =	vld [tilespmem:s28+$0xFFFFFFE0]  }
0x224: {  	v12 =	vand.u32 $0xFFFF0000, v12;
	v19 =	vadd.f32 v20, v19;
	v20 =	vadd.f32 v22, v21;
	v21 =	vld [tilespmem:s28+$0x70]  }
0x225: {  	v15 =	vand.u32 $0xFFFF0000, v15;
	v16 =	vand.u32 $0xFFFF0000, v16;
	v8 =	vadd.f32 v12, v8;
	v12 =	vld [tilespmem:s28+$0xF0]  }
0x226: {  	v23 =	vshll.u32 v5, $0x10;
	v15 =	vadd.f32 v16, v15;
	v16 =	vadd.f32 v20, v19;
	v19 =	vld [tilespmem:s28+$0x170]  }
0x227: {  	v5 =	vand.u32 $0xFFFF0000, v5;
	v7 =	vld [tilespmem:s28+$0x1F0];
	v20 =	vshll.u32 v17, $0x10;
	v22 =	vshll.u32 v18, $0x10  }
0x228: {  	v24 =	vld [tilespmem:s28+$0x270];
	v17 =	vand.u32 $0xFFFF0000, v17;
	v18 =	vand.u32 $0xFFFF0000, v18;
	v25 =	vshll.u32 v11, $0x10  }
0x229: {  	v26 =	vld [tilespmem:s28+$0x2F0];
	v20 =	vadd.f32 v20, v23;
	v11 =	vand.u32 $0xFFFF0000, v11;
	v22 =	vadd.f32 v25, v22  }
0x22a: {  	v23 =	vld [tilespmem:s28+$0x370];
	v5 =	vadd.f32 v17, v5;
	v11 =	vadd.f32 v11, v18  }
0x22b: {  	v8 =	vadd.f32 v15, v8;
	v15 =	vld [tilespmem:s28+$0x3F0];
	v17 =	vadd.f32 v22, v20  }
0x22c: {  	v9 =	vadd.f32 v10, v9;
	v5 =	vadd.f32 v11, v5  }
0x22d: {  	v14 =	vand.u32 $0xFFFF0000, v12;
	v18 =	vand.u32 $0xFFFF0000, v7;
	v16 =	vadd.f32 v17, v16  }
0x22e: {  	v11 =	vand.u32 $0xFFFF0000, v21;
	v20 =	vand.u32 $0xFFFF0000, v26;
	v5 =	vadd.f32 v5, v8  }
0x22f: {  	v22 =	vand.u32 $0xFFFF0000, v23;
	v11 =	vadd.f32 v14, v11;
	v17 =	vand.u32 $0xFFFF0000, v19;
	[tilespmem:s31+$0x440] =	vst v16  }
0x230: {  	v8 =	vand.u32 $0xFFFF0000, v24;
	v14 =	vadd.f32 v18, v17;
	v16 =	vand.u32 $0xFFFF0000, v15;
	[tilespmem:s31+$0x450] =	vst v5  }
0x231: {  	v5 =	vadd.f32 v20, v8;
	v8 =	vadd.f32 v16, v22;
	v16 =	vld [tilespmem:s28+$0xFFFFFC70]  }
0x232: {  	v6 =	vadd.f32 v13, v6;
	v1 =	vadd.f32 v2, v1;
	v10 =	vshll.u32 v21, $0x10;
	v3 =	vld [tilespmem:s28+$0xFFFFFCF0]  }
0x233: {  	v7 =	vshll.u32 v7, $0x10;
	v4 =	vadd.f32 v14, v11;
	v11 =	vld [tilespmem:s28+$0xFFFFFDF0];
	v5 =	vadd.f32 v8, v5  }
0x234: {  	v13 =	vshll.u32 v24, $0x10;
	v17 =	vshll.u32 v23, $0x10;
	v15 =	vshll.u32 v15, $0x10;
	v18 =	vld [tilespmem:s28+$0xFFFFFFF0]  }
0x235: {  	v8 =	vld [tilespmem:s28+$0xFFFFFD70];
	v2 =	vadd.f32 v5, v4;
	v4 =	vshll.u32 v12, $0x10;
	v12 =	vshll.u32 v19, $0x10  }
0x236: {  	v14 =	vshll.u32 v26, $0x10;
	v4 =	vadd.f32 v4, v10;
	v7 =	vadd.f32 v7, v12  }
0x237: {  	v5 =	vld [tilespmem:s28+$0xFFFFFE70];
	v12 =	vadd.f32 v14, v13;
	v14 =	vadd.f32 v15, v17;
	v15 =	vshll.u32 v16, $0x10  }
0x238: {  	v10 =	vld [tilespmem:s28+$0xFFFFFEF0];
	v17 =	vshll.u32 v3, $0x10;
	v20 =	vshll.u32 v11, $0x10;
	v16 =	vand.u32 $0xFFFF0000, v16  }
0x239: {  	v13 =	vld [tilespmem:s28+$0xFFFFFF70];
	v3 =	vand.u32 $0xFFFF0000, v3;
	v11 =	vand.u32 $0xFFFF0000, v11;
	v22 =	vshll.u32 v18, $0x10  }
0x23a: {  	v15 =	vadd.f32 v17, v15;
	v3 =	vadd.f32 v3, v16;
	v19 =	vshll.u32 v8, $0x10  }
0x23b: {  	[tilespmem:s25+$0x460] =	vst v1;
	v8 =	vand.u32 $0xFFFF0000, v8;
	v4 =	vadd.f32 v7, v4;
	v1 =	vadd.f32 v14, v12  }
0x23c: {  	v16 =	vand.u32 $0xFFFF0000, v18;
	v17 =	vadd.f32 v20, v19;
	v8 =	vadd.f32 v11, v8  }
0x23d: {  	v21 =	vshll.u32 v5, $0x10;
	v5 =	vand.u32 $0xFFFF0000, v5;
	v1 =	vadd.f32 v1, v4  }
0x23e: {  	v19 =	vshll.u32 v10, $0x10;
	v20 =	vshll.u32 v13, $0x10;
	v10 =	vand.u32 $0xFFFF0000, v10  }
0x23f: {  	v13 =	vand.u32 $0xFFFF0000, v13;
	v19 =	vadd.f32 v19, v21;
	v20 =	vadd.f32 v22, v20  }
0x240: {  	v5 =	vadd.f32 v10, v5;
	v10 =	vadd.f32 v16, v13  }
0x241: {  	[tilespmem:s26+$0x460] =	vst v9;
	v11 =	vadd.f32 v17, v15;
	v9 =	vadd.f32 v20, v19  }
0x242: {  	[tilespmem:s26+$0x470] =	vst v6;
	v3 =	vadd.f32 v8, v3;
	v5 =	vadd.f32 v10, v5  }
0x243: {  	[tilespmem:s29+$0x470] =	vst v2;
	v6 =	vadd.f32 v9, v11  }
0x244: {  	[tilespmem:s29+$0x460] =	vst v1;
	v2 =	vadd.f32 v5, v3  }
0x245: {  	s0 =	sshll.u32 s23, $0xB;
	[tilespmem:s31+$0x460] =	vst v6  }
0x246: {  	p1 =	seq.s32 s23, $0xF;
	s25 =	sadd.s32 s0, s5;
	[tilespmem:s31+$0x470] =	vst v2  }
0x247: {  	[hbm4b:s25+s2] =	stream.linear.scatter [tilespmem:s16], [sflag:$0x3], $0x2000, $0x38;
	[tilespmem:$0x16000] =	vst v63  }
0x248: {  	s1 =	simm.s32 @!p1 $0x80;
	s9 =	simm.s32 @!p1 $0x2000;
	s0 =	sadd.s32 @!p1 $0x200, s24  }
0x249: {  	[tilespmem:s9], [sflag:$0x1] =	stream.indirect.gather @!p1 [hbm4b:s3+s1], $0x80, s0, s1, $0xb8;
	[tilespmem:$0x16000] =	vst v63  }
0x24a: {  	s0 =	sadd.s32 @!p1 $0x280, s24;
	s9 =	simm.s32 @!p1 $0x6000  }
0x24b: {  	[tilespmem:s9], [sflag:$0x1] =	stream.indirect.gather @!p1 [hbm4b:s3+s1], $0x80, s0, s1, $0xb8;
	[tilespmem:$0x16000] =	vst v63  }
0x24c: {  	_ =	swait.ge [sflag:s17], $0x4000  }
0x24d: {  	[sflag:s17] =	ssyncset.done $0x0  }
0x24e: {  	[sflag:s17] =	ssyncadd.s32 $0xFFFFC000  }
0x24f: {  	_ =	swait.ge [sflag:s17], $0x4000  }
0x250: {  	[sflag:s17] =	ssyncset.done $0x0  }
0x251: {  	s0 =	simm.s32 @!p0 $0x4;
	[sflag:s17] =	ssyncadd.s32 $0xFFFFC000  }
0x252: {  	_ =	swait.ge @!p0 [sflag:s0], $0x2000  }
0x253: {  	[sflag:s0] =	ssyncset.done @!p0 $0x0  }
0x254: {  	s9 =	simm.s32 $0xA400;
	[sflag:s0] =	ssyncadd.s32 @!p0 $0xFFFFE000  }
0x255: {  	v1 =	vld [tilespmem:s9+$0x0]  }
0x256: {  	v2 =	vld [tilespmem:s9+$0x80]  }
0x257: {  	v3 =	vld [tilespmem:s9+$0x100]  }
0x258: {  	v4 =	vld [tilespmem:s9+$0x180]  }
0x259: {  	v5 =	vld [tilespmem:s9+$0x200]  }
0x25a: {  	v6 =	vld [tilespmem:s9+$0x280]  }
0x25b: {  	v7 =	vld [tilespmem:s9+$0x300]  }
0x25c: {  	v8 =	vld [tilespmem:s9+$0x380];
	_ =	sdelay $0x1  }
0x25d: {  	v9 =	vshll.u32 v1, $0x10  }
0x25e: {  	v10 =	vshll.u32 v2, $0x10;
	v11 =	vshll.u32 v3, $0x10;
	v12 =	vshll.u32 v4, $0x10  }
0x25f: {  	v13 =	vshll.u32 v5, $0x10;
	v14 =	vshll.u32 v6, $0x10;
	v15 =	vshll.u32 v7, $0x10  }
0x260: {  	v17 =	vshll.u32 v8, $0x10;
	v1 =	vand.u32 $0xFFFF0000, v1;
	v2 =	vand.u32 $0xFFFF0000, v2  }
0x261: {  	v16 =	vld [tilespmem:s9+$0xFFFFFC80];
	v3 =	vand.u32 $0xFFFF0000, v3;
	v4 =	vand.u32 $0xFFFF0000, v4;
	v5 =	vand.u32 $0xFFFF0000, v5  }
0x262: {  	v18 =	vld [tilespmem:s9+$0xFFFFFD00];
	v6 =	vand.u32 $0xFFFF0000, v6;
	v9 =	vadd.f32 v10, v9;
	v11 =	vadd.f32 v12, v11  }
0x263: {  	v7 =	vand.u32 $0xFFFF0000, v7;
	v10 =	vld [tilespmem:s9+$0xFFFFFD80];
	v12 =	vadd.f32 v14, v13;
	v14 =	vadd.f32 v17, v15  }
0x264: {  	v15 =	vld [tilespmem:s9+$0xFFFFFE80];
	v1 =	vadd.f32 v2, v1;
	v2 =	vand.u32 $0xFFFF0000, v8;
	v3 =	vadd.f32 v4, v3  }
0x265: {  	v4 =	vld [tilespmem:s9+$0xFFFFFC00];
	v5 =	vadd.f32 v6, v5;
	v2 =	vadd.f32 v2, v7  }
0x266: {  	v6 =	vld [tilespmem:s9+$0xFFFFFF00];
	v7 =	vadd.f32 v11, v9;
	v8 =	vadd.f32 v14, v12  }
0x267: {  	s13 =	simm.s32 $0x0;
	v13 =	vld [tilespmem:s9+$0xFFFFFE00];
	v1 =	vadd.f32 v3, v1;
	v2 =	vadd.f32 v2, v5  }
0x268: {  	s10 =	simm.s32 $0x80;
	s26 =	sand.u32 $0x1800, s13;
	v17 =	vand.u32 $0xFFFF0000, v18;
	v14 =	vand.u32 $0xFFFF0000, v16;
	v5 =	vshll.u32 v16, $0x10  }
0x269: {  	s10 =	sand.u32 $0x380, s10;
	s1 =	sor.u32 $0x14000, s26;
	v9 =	vld [tilespmem:s9+$0xFFFFFF80];
	v3 =	vadd.f32 v8, v7;
	v1 =	vadd.f32 v2, v1;
	v2 =	vshll.u32 v18, $0x10  }
0x26a: {  	s26 =	sor.u32 s10, s1;
	v7 =	vshll.u32 v4, $0x10;
	v8 =	vshll.u32 v10, $0x10;
	v11 =	vshll.u32 v15, $0x10  }
0x26b: {  	v12 =	vshll.u32 v6, $0x10;
	v4 =	vand.u32 $0xFFFF0000, v4;
	v10 =	vand.u32 $0xFFFF0000, v10;
	[tilespmem:s26+$0x0] =	vst v3  }
0x26c: {  	v15 =	vand.u32 $0xFFFF0000, v15;
	v6 =	vand.u32 $0xFFFF0000, v6;
	v3 =	vshll.u32 v13, $0x10;
	[tilespmem:s26+$0x10] =	vst v1  }
0x26d: {  	v13 =	vand.u32 $0xFFFF0000, v13;
	v5 =	vadd.f32 v5, v7;
	v2 =	vadd.f32 v8, v2;
	v16 =	vld [tilespmem:s9+$0x10]  }
0x26e: {  	v4 =	vadd.f32 v14, v4;
	v10 =	vadd.f32 v10, v17;
	v1 =	vshll.u32 v9, $0x10;
	v18 =	vld [tilespmem:s9+$0x90]  }
0x26f: {  	v3 =	vadd.f32 v11, v3;
	v9 =	vand.u32 $0xFFFF0000, v9;
	v7 =	vld [tilespmem:s9+$0x110];
	v1 =	vadd.f32 v1, v12  }
0x270: {  	v8 =	vld [tilespmem:s9+$0x190];
	v12 =	vadd.f32 v15, v13;
	v6 =	vadd.f32 v9, v6  }
0x271: {  	v9 =	vld [tilespmem:s9+$0x290];
	v2 =	vadd.f32 v2, v5;
	v4 =	vadd.f32 v10, v4  }
0x272: {  	v1 =	vadd.f32 v1, v3;
	v5 =	vadd.f32 v6, v12  }
0x273: {  	v11 =	vld [tilespmem:s9+$0x210]  }
0x274: {  	v3 =	vld [tilespmem:s9+$0x310];
	v1 =	vadd.f32 v1, v2;
	v2 =	vadd.f32 v5, v4;
	v4 =	vshll.u32 v16, $0x10  }
0x275: {  	s0 =	sand.u32 $0x300, s13;
	v6 =	vld [tilespmem:s9+$0x390];
	v5 =	vshll.u32 v18, $0x10;
	v10 =	vshll.u32 v7, $0x10;
	v12 =	vshll.u32 v8, $0x10  }
0x276: {  	s28 =	sor.u32 s0, s1;
	v13 =	vshll.u32 v9, $0x10;
	v15 =	vand.u32 $0xFFFF0000, v16;
	v16 =	vand.u32 $0xFFFF0000, v18  }
0x277: {  	v7 =	vand.u32 $0xFFFF0000, v7;
	v8 =	vand.u32 $0xFFFF0000, v8;
	v9 =	vand.u32 $0xFFFF0000, v9;
	[tilespmem:s28+$0x0] =	vst v1  }
0x278: {  	v1 =	vshll.u32 v11, $0x10;
	[tilespmem:s28+$0x10] =	vst v2;
	v11 =	vand.u32 $0xFFFF0000, v11;
	v4 =	vadd.f32 v5, v4  }
0x279: {  	v5 =	vadd.f32 v12, v10;
	v7 =	vadd.f32 v8, v7;
	v14 =	vshll.u32 v3, $0x10;
	v17 =	vld [tilespmem:s9+$0xFFFFFC10]  }
0x27a: {  	v2 =	vshll.u32 v6, $0x10;
	v18 =	vld [tilespmem:s9+$0xFFFFFC90];
	v3 =	vand.u32 $0xFFFF0000, v3;
	v1 =	vadd.f32 v13, v1  }
0x27b: {  	v10 =	vld [tilespmem:s9+$0xFFFFFD10];
	v6 =	vand.u32 $0xFFFF0000, v6;
	v13 =	vadd.f32 v16, v15;
	v9 =	vadd.f32 v9, v11  }
0x27c: {  	v12 =	vld [tilespmem:s9+$0xFFFFFD90];
	v2 =	vadd.f32 v2, v14;
	v3 =	vadd.f32 v6, v3  }
0x27d: {  	v4 =	vadd.f32 v5, v4;
	v5 =	vadd.f32 v7, v13  }
0x27e: {  	v6 =	vld [tilespmem:s9+$0xFFFFFE90];
	v1 =	vadd.f32 v2, v1;
	v3 =	vadd.f32 v3, v9  }
0x27f: {  	v8 =	vld [tilespmem:s9+$0xFFFFFE10]  }
0x280: {  	v7 =	vld [tilespmem:s9+$0xFFFFFF90];
	v1 =	vadd.f32 v1, v4;
	v4 =	vshll.u32 v17, $0x10;
	v3 =	vadd.f32 v3, v5  }
0x281: {  	v2 =	vld [tilespmem:s9+$0xFFFFFF10];
	v5 =	vshll.u32 v18, $0x10;
	v9 =	vshll.u32 v10, $0x10;
	v11 =	vshll.u32 v12, $0x10  }
0x282: {  	v14 =	vand.u32 $0xFFFF0000, v17;
	v15 =	vand.u32 $0xFFFF0000, v18;
	v10 =	vand.u32 $0xFFFF0000, v10  }
0x283: {  	v12 =	vand.u32 $0xFFFF0000, v12;
	v13 =	vshll.u32 v6, $0x10;
	v4 =	vadd.f32 v5, v4;
	[tilespmem:s26+$0x20] =	vst v1  }
0x284: {  	v6 =	vand.u32 $0xFFFF0000, v6;
	v5 =	vadd.f32 v11, v9;
	v10 =	vadd.f32 v12, v10;
	[tilespmem:s26+$0x30] =	vst v3  }
0x285: {  	v1 =	vshll.u32 v8, $0x10;
	v17 =	vshll.u32 v7, $0x10;
	v8 =	vand.u32 $0xFFFF0000, v8;
	v16 =	vld [tilespmem:s9+$0x20]  }
0x286: {  	v7 =	vand.u32 $0xFFFF0000, v7;
	v3 =	vshll.u32 v2, $0x10;
	v18 =	vld [tilespmem:s9+$0xA0];
	v1 =	vadd.f32 v13, v1  }
0x287: {  	v9 =	vld [tilespmem:s9+$0x120];
	v2 =	vand.u32 $0xFFFF0000, v2;
	v13 =	vadd.f32 v15, v14;
	v6 =	vadd.f32 v6, v8  }
0x288: {  	v11 =	vld [tilespmem:s9+$0x1A0];
	v3 =	vadd.f32 v17, v3;
	v2 =	vadd.f32 v7, v2  }
0x289: {  	v4 =	vadd.f32 v5, v4;
	v5 =	vadd.f32 v10, v13  }
0x28a: {  	v7 =	vld [tilespmem:s9+$0x2A0];
	v1 =	vadd.f32 v3, v1;
	v2 =	vadd.f32 v2, v6  }
0x28b: {  	v12 =	vld [tilespmem:s9+$0x220]  }
0x28c: {  	v3 =	vld [tilespmem:s9+$0x320];
	v1 =	vadd.f32 v1, v4;
	v2 =	vadd.f32 v2, v5;
	v4 =	vshll.u32 v16, $0x10  }
0x28d: {  	v6 =	vld [tilespmem:s9+$0x3A0];
	v5 =	vshll.u32 v18, $0x10;
	v8 =	vshll.u32 v9, $0x10;
	v10 =	vshll.u32 v11, $0x10  }
0x28e: {  	v15 =	vand.u32 $0xFFFF0000, v16;
	v16 =	vand.u32 $0xFFFF0000, v18;
	v9 =	vand.u32 $0xFFFF0000, v9  }
0x28f: {  	v11 =	vand.u32 $0xFFFF0000, v11;
	v13 =	vshll.u32 v7, $0x10;
	v4 =	vadd.f32 v5, v4;
	[tilespmem:s28+$0x20] =	vst v1  }
0x290: {  	v7 =	vand.u32 $0xFFFF0000, v7;
	v5 =	vadd.f32 v10, v8;
	v9 =	vadd.f32 v11, v9;
	[tilespmem:s28+$0x30] =	vst v2  }
0x291: {  	v1 =	vshll.u32 v12, $0x10;
	v12 =	vand.u32 $0xFFFF0000, v12;
	v14 =	vshll.u32 v3, $0x10;
	v17 =	vld [tilespmem:s9+$0xFFFFFC20]  }
0x292: {  	v2 =	vshll.u32 v6, $0x10;
	v18 =	vld [tilespmem:s9+$0xFFFFFCA0];
	v3 =	vand.u32 $0xFFFF0000, v3;
	v1 =	vadd.f32 v13, v1  }
0x293: {  	v8 =	vld [tilespmem:s9+$0xFFFFFD20];
	v6 =	vand.u32 $0xFFFF0000, v6;
	v13 =	vadd.f32 v16, v15;
	v7 =	vadd.f32 v7, v12  }
0x294: {  	v10 =	vld [tilespmem:s9+$0xFFFFFDA0];
	v2 =	vadd.f32 v2, v14;
	v3 =	vadd.f32 v6, v3  }
0x295: {  	v4 =	vadd.f32 v5, v4;
	v5 =	vadd.f32 v9, v13  }
0x296: {  	v6 =	vld [tilespmem:s9+$0xFFFFFEA0];
	v1 =	vadd.f32 v2, v1;
	v3 =	vadd.f32 v3, v7  }
0x297: {  	v11 =	vld [tilespmem:s9+$0xFFFFFE20]  }
0x298: {  	v2 =	vld [tilespmem:s9+$0xFFFFFF20];
	v1 =	vadd.f32 v1, v4;
	v4 =	vshll.u32 v17, $0x10;
	v3 =	vadd.f32 v3, v5  }
0x299: {  	v7 =	vld [tilespmem:s9+$0xFFFFFFA0];
	v5 =	vshll.u32 v18, $0x10;
	v9 =	vshll.u32 v8, $0x10;
	v12 =	vshll.u32 v10, $0x10  }
0x29a: {  	v14 =	vand.u32 $0xFFFF0000, v17;
	v15 =	vand.u32 $0xFFFF0000, v18;
	v8 =	vand.u32 $0xFFFF0000, v8  }
0x29b: {  	v10 =	vand.u32 $0xFFFF0000, v10;
	v13 =	vshll.u32 v6, $0x10;
	v4 =	vadd.f32 v5, v4;
	[tilespmem:s26+$0x40] =	vst v1  }
0x29c: {  	v6 =	vand.u32 $0xFFFF0000, v6;
	v5 =	vadd.f32 v12, v9;
	v8 =	vadd.f32 v10, v8;
	[tilespmem:s26+$0x50] =	vst v3  }
0x29d: {  	v1 =	vshll.u32 v11, $0x10;
	v11 =	vand.u32 $0xFFFF0000, v11;
	v3 =	vshll.u32 v2, $0x10;
	v16 =	vld [tilespmem:s9+$0x30]  }
0x29e: {  	v17 =	vshll.u32 v7, $0x10;
	v18 =	vld [tilespmem:s9+$0xB0];
	v2 =	vand.u32 $0xFFFF0000, v2;
	v1 =	vadd.f32 v13, v1  }
0x29f: {  	v9 =	vld [tilespmem:s9+$0x130];
	v7 =	vand.u32 $0xFFFF0000, v7;
	v13 =	vadd.f32 v15, v14;
	v6 =	vadd.f32 v6, v11  }
0x2a0: {  	v12 =	vld [tilespmem:s9+$0x1B0];
	v3 =	vadd.f32 v17, v3;
	v2 =	vadd.f32 v7, v2  }
0x2a1: {  	v4 =	vadd.f32 v5, v4;
	v5 =	vadd.f32 v8, v13  }
0x2a2: {  	v7 =	vld [tilespmem:s9+$0x2B0];
	v1 =	vadd.f32 v3, v1;
	v2 =	vadd.f32 v2, v6  }
0x2a3: {  	v10 =	vld [tilespmem:s9+$0x230]  }
0x2a4: {  	v3 =	vld [tilespmem:s9+$0x330];
	v1 =	vadd.f32 v1, v4;
	v2 =	vadd.f32 v2, v5;
	v4 =	vshll.u32 v16, $0x10  }
0x2a5: {  	v6 =	vld [tilespmem:s9+$0x3B0];
	v5 =	vshll.u32 v18, $0x10;
	v8 =	vshll.u32 v9, $0x10;
	v11 =	vshll.u32 v12, $0x10  }
0x2a6: {  	v15 =	vand.u32 $0xFFFF0000, v16;
	v16 =	vand.u32 $0xFFFF0000, v18;
	v9 =	vand.u32 $0xFFFF0000, v9  }
0x2a7: {  	v12 =	vand.u32 $0xFFFF0000, v12;
	v13 =	vshll.u32 v7, $0x10;
	v4 =	vadd.f32 v5, v4;
	[tilespmem:s28+$0x40] =	vst v1  }
0x2a8: {  	v7 =	vand.u32 $0xFFFF0000, v7;
	v5 =	vadd.f32 v11, v8;
	v9 =	vadd.f32 v12, v9;
	[tilespmem:s28+$0x50] =	vst v2  }
0x2a9: {  	v1 =	vshll.u32 v10, $0x10;
	v10 =	vand.u32 $0xFFFF0000, v10;
	v14 =	vshll.u32 v3, $0x10;
	v17 =	vld [tilespmem:s9+$0xFFFFFC30]  }
0x2aa: {  	v2 =	vshll.u32 v6, $0x10;
	v18 =	vld [tilespmem:s9+$0xFFFFFCB0];
	v3 =	vand.u32 $0xFFFF0000, v3;
	v1 =	vadd.f32 v13, v1  }
0x2ab: {  	v8 =	vld [tilespmem:s9+$0xFFFFFD30];
	v6 =	vand.u32 $0xFFFF0000, v6;
	v13 =	vadd.f32 v16, v15;
	v7 =	vadd.f32 v7, v10  }
0x2ac: {  	v11 =	vld [tilespmem:s9+$0xFFFFFDB0];
	v2 =	vadd.f32 v2, v14;
	v3 =	vadd.f32 v6, v3  }
0x2ad: {  	v4 =	vadd.f32 v5, v4;
	v5 =	vadd.f32 v9, v13  }
0x2ae: {  	v6 =	vld [tilespmem:s9+$0xFFFFFEB0];
	v1 =	vadd.f32 v2, v1;
	v3 =	vadd.f32 v3, v7  }
0x2af: {  	v12 =	vld [tilespmem:s9+$0xFFFFFE30]  }
0x2b0: {  	v2 =	vld [tilespmem:s9+$0xFFFFFF30];
	v1 =	vadd.f32 v1, v4;
	v4 =	vshll.u32 v17, $0x10;
	v3 =	vadd.f32 v3, v5  }
0x2b1: {  	v7 =	vld [tilespmem:s9+$0xFFFFFFB0];
	v5 =	vshll.u32 v18, $0x10;
	v9 =	vshll.u32 v8, $0x10;
	v10 =	vshll.u32 v11, $0x10  }
0x2b2: {  	v14 =	vand.u32 $0xFFFF0000, v17;
	v15 =	vand.u32 $0xFFFF0000, v18;
	v8 =	vand.u32 $0xFFFF0000, v8  }
0x2b3: {  	v11 =	vand.u32 $0xFFFF0000, v11;
	v13 =	vshll.u32 v6, $0x10;
	v4 =	vadd.f32 v5, v4;
	[tilespmem:s26+$0x60] =	vst v1  }
0x2b4: {  	v6 =	vand.u32 $0xFFFF0000, v6;
	v5 =	vadd.f32 v10, v9;
	v8 =	vadd.f32 v11, v8;
	[tilespmem:s26+$0x70] =	vst v3  }
0x2b5: {  	v1 =	vshll.u32 v12, $0x10;
	v12 =	vand.u32 $0xFFFF0000, v12;
	v3 =	vshll.u32 v2, $0x10;
	v16 =	vld [tilespmem:s9+$0x40]  }
0x2b6: {  	v17 =	vshll.u32 v7, $0x10;
	v18 =	vld [tilespmem:s9+$0xC0];
	v2 =	vand.u32 $0xFFFF0000, v2;
	v1 =	vadd.f32 v13, v1  }
0x2b7: {  	v9 =	vld [tilespmem:s9+$0x140];
	v7 =	vand.u32 $0xFFFF0000, v7;
	v13 =	vadd.f32 v15, v14;
	v6 =	vadd.f32 v6, v12  }
0x2b8: {  	v10 =	vld [tilespmem:s9+$0x1C0];
	v3 =	vadd.f32 v17, v3;
	v2 =	vadd.f32 v7, v2  }
0x2b9: {  	v4 =	vadd.f32 v5, v4;
	v5 =	vadd.f32 v8, v13  }
0x2ba: {  	v7 =	vld [tilespmem:s9+$0x2C0];
	v1 =	vadd.f32 v3, v1;
	v2 =	vadd.f32 v2, v6  }
0x2bb: {  	v11 =	vld [tilespmem:s9+$0x240]  }
0x2bc: {  	v3 =	vld [tilespmem:s9+$0x340];
	v1 =	vadd.f32 v1, v4;
	v2 =	vadd.f32 v2, v5;
	v4 =	vshll.u32 v16, $0x10  }
0x2bd: {  	v6 =	vld [tilespmem:s9+$0x3C0];
	v5 =	vshll.u32 v18, $0x10;
	v8 =	vshll.u32 v9, $0x10;
	v12 =	vshll.u32 v10, $0x10  }
0x2be: {  	v15 =	vand.u32 $0xFFFF0000, v16;
	v16 =	vand.u32 $0xFFFF0000, v18;
	v9 =	vand.u32 $0xFFFF0000, v9  }
0x2bf: {  	v10 =	vand.u32 $0xFFFF0000, v10;
	v13 =	vshll.u32 v7, $0x10;
	v4 =	vadd.f32 v5, v4;
	[tilespmem:s28+$0x60] =	vst v1  }
0x2c0: {  	v7 =	vand.u32 $0xFFFF0000, v7;
	v5 =	vadd.f32 v12, v8;
	v9 =	vadd.f32 v10, v9;
	[tilespmem:s28+$0x70] =	vst v2  }
0x2c1: {  	v1 =	vshll.u32 v11, $0x10;
	v11 =	vand.u32 $0xFFFF0000, v11;
	v14 =	vshll.u32 v3, $0x10;
	v17 =	vld [tilespmem:s9+$0xFFFFFC40]  }
0x2c2: {  	v2 =	vshll.u32 v6, $0x10;
	v18 =	vld [tilespmem:s9+$0xFFFFFCC0];
	v3 =	vand.u32 $0xFFFF0000, v3;
	v1 =	vadd.f32 v13, v1  }
0x2c3: {  	v8 =	vld [tilespmem:s9+$0xFFFFFD40];
	v6 =	vand.u32 $0xFFFF0000, v6;
	v13 =	vadd.f32 v16, v15;
	v7 =	vadd.f32 v7, v11  }
0x2c4: {  	v12 =	vld [tilespmem:s9+$0xFFFFFDC0];
	v2 =	vadd.f32 v2, v14;
	v3 =	vadd.f32 v6, v3  }
0x2c5: {  	v4 =	vadd.f32 v5, v4;
	v5 =	vadd.f32 v9, v13  }
0x2c6: {  	v6 =	vld [tilespmem:s9+$0xFFFFFEC0];
	v1 =	vadd.f32 v2, v1;
	v3 =	vadd.f32 v3, v7  }
0x2c7: {  	v10 =	vld [tilespmem:s9+$0xFFFFFE40]  }
0x2c8: {  	v2 =	vld [tilespmem:s9+$0xFFFFFF40];
	v1 =	vadd.f32 v1, v4;
	v4 =	vshll.u32 v17, $0x10;
	v3 =	vadd.f32 v3, v5  }
0x2c9: {  	v7 =	vld [tilespmem:s9+$0xFFFFFFC0];
	v5 =	vshll.u32 v18, $0x10;
	v9 =	vshll.u32 v8, $0x10;
	v11 =	vshll.u32 v12, $0x10  }
0x2ca: {  	v14 =	vand.u32 $0xFFFF0000, v17;
	v15 =	vand.u32 $0xFFFF0000, v18;
	v8 =	vand.u32 $0xFFFF0000, v8  }
0x2cb: {  	v12 =	vand.u32 $0xFFFF0000, v12;
	v13 =	vshll.u32 v6, $0x10;
	v4 =	vadd.f32 v5, v4;
	[tilespmem:s26+$0x400] =	vst v1  }
0x2cc: {  	v6 =	vand.u32 $0xFFFF0000, v6;
	v5 =	vadd.f32 v11, v9;
	v8 =	vadd.f32 v12, v8;
	[tilespmem:s26+$0x410] =	vst v3  }
0x2cd: {  	v1 =	vshll.u32 v10, $0x10;
	v10 =	vand.u32 $0xFFFF0000, v10;
	v3 =	vshll.u32 v2, $0x10;
	v16 =	vld [tilespmem:s9+$0x50]  }
0x2ce: {  	v17 =	vshll.u32 v7, $0x10;
	v18 =	vld [tilespmem:s9+$0xD0];
	v2 =	vand.u32 $0xFFFF0000, v2;
	v1 =	vadd.f32 v13, v1  }
0x2cf: {  	v9 =	vld [tilespmem:s9+$0x150];
	v7 =	vand.u32 $0xFFFF0000, v7;
	v13 =	vadd.f32 v15, v14;
	v6 =	vadd.f32 v6, v10  }
0x2d0: {  	v11 =	vld [tilespmem:s9+$0x1D0];
	v3 =	vadd.f32 v17, v3;
	v2 =	vadd.f32 v7, v2  }
0x2d1: {  	v4 =	vadd.f32 v5, v4;
	v5 =	vadd.f32 v8, v13  }
0x2d2: {  	v7 =	vld [tilespmem:s9+$0x2D0];
	v1 =	vadd.f32 v3, v1;
	v2 =	vadd.f32 v2, v6  }
0x2d3: {  	v12 =	vld [tilespmem:s9+$0x250]  }
0x2d4: {  	v3 =	vld [tilespmem:s9+$0x350];
	v1 =	vadd.f32 v1, v4;
	v2 =	vadd.f32 v2, v5;
	v4 =	vshll.u32 v16, $0x10  }
0x2d5: {  	v6 =	vld [tilespmem:s9+$0x3D0];
	v5 =	vshll.u32 v18, $0x10;
	v8 =	vshll.u32 v9, $0x10;
	v10 =	vshll.u32 v11, $0x10  }
0x2d6: {  	v15 =	vand.u32 $0xFFFF0000, v16;
	v16 =	vand.u32 $0xFFFF0000, v18;
	v9 =	vand.u32 $0xFFFF0000, v9  }
0x2d7: {  	v11 =	vand.u32 $0xFFFF0000, v11;
	v13 =	vshll.u32 v7, $0x10;
	v4 =	vadd.f32 v5, v4;
	[tilespmem:s28+$0x400] =	vst v1  }
0x2d8: {  	v7 =	vand.u32 $0xFFFF0000, v7;
	v5 =	vadd.f32 v10, v8;
	v9 =	vadd.f32 v11, v9;
	[tilespmem:s28+$0x410] =	vst v2  }
0x2d9: {  	v1 =	vshll.u32 v12, $0x10;
	v12 =	vand.u32 $0xFFFF0000, v12;
	v14 =	vshll.u32 v3, $0x10;
	v17 =	vld [tilespmem:s9+$0xFFFFFC50]  }
0x2da: {  	v2 =	vshll.u32 v6, $0x10;
	v18 =	vld [tilespmem:s9+$0xFFFFFCD0];
	v3 =	vand.u32 $0xFFFF0000, v3;
	v1 =	vadd.f32 v13, v1  }
0x2db: {  	v8 =	vld [tilespmem:s9+$0xFFFFFD50];
	v6 =	vand.u32 $0xFFFF0000, v6;
	v13 =	vadd.f32 v16, v15;
	v7 =	vadd.f32 v7, v12  }
0x2dc: {  	v10 =	vld [tilespmem:s9+$0xFFFFFDD0];
	v2 =	vadd.f32 v2, v14;
	v3 =	vadd.f32 v6, v3  }
0x2dd: {  	v4 =	vadd.f32 v5, v4;
	v5 =	vadd.f32 v9, v13  }
0x2de: {  	v6 =	vld [tilespmem:s9+$0xFFFFFED0];
	v1 =	vadd.f32 v2, v1;
	v3 =	vadd.f32 v3, v7  }
0x2df: {  	v11 =	vld [tilespmem:s9+$0xFFFFFE50]  }
0x2e0: {  	v2 =	vld [tilespmem:s9+$0xFFFFFF50];
	v1 =	vadd.f32 v1, v4;
	v4 =	vshll.u32 v17, $0x10;
	v3 =	vadd.f32 v3, v5  }
0x2e1: {  	v7 =	vld [tilespmem:s9+$0xFFFFFFD0];
	v5 =	vshll.u32 v18, $0x10;
	v9 =	vshll.u32 v8, $0x10;
	v12 =	vshll.u32 v10, $0x10  }
0x2e2: {  	s29 =	simm.s32 $0xAC00;
	v14 =	vand.u32 $0xFFFF0000, v17;
	v15 =	vand.u32 $0xFFFF0000, v18;
	v8 =	vand.u32 $0xFFFF0000, v8  }
0x2e3: {  	v20 =	vld [tilespmem:s29+$0x280];
	v10 =	vand.u32 $0xFFFF0000, v10;
	v13 =	vshll.u32 v6, $0x10;
	v4 =	vadd.f32 v5, v4;
	[tilespmem:s26+$0x420] =	vst v1  }
0x2e4: {  	v21 =	vld [tilespmem:s29+$0x300];
	v6 =	vand.u32 $0xFFFF0000, v6;
	v5 =	vadd.f32 v12, v9;
	v8 =	vadd.f32 v10, v8;
	[tilespmem:s26+$0x430] =	vst v3  }
0x2e5: {  	v1 =	vshll.u32 v11, $0x10;
	v11 =	vand.u32 $0xFFFF0000, v11;
	v3 =	vshll.u32 v2, $0x10;
	v16 =	vld [tilespmem:s9+$0x60]  }
0x2e6: {  	v17 =	vshll.u32 v7, $0x10;
	v18 =	vld [tilespmem:s9+$0xE0];
	v2 =	vand.u32 $0xFFFF0000, v2;
	v1 =	vadd.f32 v13, v1  }
0x2e7: {  	v9 =	vld [tilespmem:s9+$0x160];
	v7 =	vand.u32 $0xFFFF0000, v7;
	v13 =	vadd.f32 v15, v14;
	v6 =	vadd.f32 v6, v11  }
0x2e8: {  	v12 =	vld [tilespmem:s9+$0x1E0];
	v3 =	vadd.f32 v17, v3;
	v2 =	vadd.f32 v7, v2  }
0x2e9: {  	v10 =	vld [tilespmem:s9+$0x260];
	v4 =	vadd.f32 v5, v4;
	v5 =	vadd.f32 v8, v13  }
0x2ea: {  	v7 =	vld [tilespmem:s9+$0x2E0];
	v1 =	vadd.f32 v3, v1;
	v2 =	vadd.f32 v2, v6  }
0x2eb: {  	v24 =	vshll.u32 v20, $0x10;
	v25 =	vshll.u32 v21, $0x10;
	v3 =	vld [tilespmem:s9+$0x360]  }
0x2ec: {  	v6 =	vld [tilespmem:s9+$0x3E0];
	v1 =	vadd.f32 v1, v4;
	v2 =	vadd.f32 v2, v5;
	v4 =	vshll.u32 v16, $0x10  }
0x2ed: {  	v5 =	vshll.u32 v9, $0x10;
	v8 =	vshll.u32 v12, $0x10;
	v16 =	vand.u32 $0xFFFF0000, v16  }
0x2ee: {  	v22 =	vld [tilespmem:s29+$0x380];
	v17 =	vand.u32 $0xFFFF0000, v18;
	v9 =	vand.u32 $0xFFFF0000, v9;
	v12 =	vand.u32 $0xFFFF0000, v12  }
0x2ef: {  	v35 =	vld [tilespmem:s29+$0xFFFFFD00];
	v11 =	vshll.u32 v7, $0x10;
	v7 =	vand.u32 $0xFFFF0000, v7;
	v9 =	vadd.f32 v12, v9;
	[tilespmem:s28+$0x420] =	vst v1  }
0x2f0: {  	v12 =	vld [tilespmem:s29+$0x80];
	v1 =	vshll.u32 v18, $0x10;
	[tilespmem:s28+$0x430] =	vst v2;
	v2 =	vshll.u32 v10, $0x10;
	v10 =	vand.u32 $0xFFFF0000, v10  }
0x2f1: {  	v13 =	vshll.u32 v3, $0x10;
	v14 =	vld [tilespmem:s9+$0xFFFFFC60];
	v15 =	vshll.u32 v6, $0x10;
	v1 =	vadd.f32 v1, v4  }
0x2f2: {  	v18 =	vld [tilespmem:s9+$0xFFFFFCE0];
	v4 =	vadd.f32 v8, v5;
	v3 =	vand.u32 $0xFFFF0000, v3;
	v2 =	vadd.f32 v11, v2  }
0x2f3: {  	v19 =	vld [tilespmem:s9+$0xFFFFFD60];
	v6 =	vand.u32 $0xFFFF0000, v6;
	v11 =	vadd.f32 v17, v16;
	v8 =	vadd.f32 v15, v13  }
0x2f4: {  	v26 =	vshll.u32 v22, $0x10;
	v5 =	vld [tilespmem:s9+$0xFFFFFDE0];
	v7 =	vadd.f32 v7, v10;
	v3 =	vadd.f32 v6, v3  }
0x2f5: {  	v20 =	vand.u32 $0xFFFF0000, v20;
	v16 =	vld [tilespmem:s29+$0x180];
	v1 =	vadd.f32 v4, v1;
	v2 =	vadd.f32 v8, v2  }
0x2f6: {  	v21 =	vand.u32 $0xFFFF0000, v21;
	v17 =	vld [tilespmem:s29+$0x200];
	v4 =	vadd.f32 v9, v11;
	v3 =	vadd.f32 v3, v7  }
0x2f7: {  	v22 =	vand.u32 $0xFFFF0000, v22;
	v37 =	vand.u32 $0xFFFF0000, v35;
	v1 =	vadd.f32 v2, v1  }
0x2f8: {  	v25 =	vadd.f32 v26, v25;
	v27 =	vld [tilespmem:s9+$0xFFFFFE60];
	v2 =	vadd.f32 v3, v4;
	v3 =	vshll.u32 v14, $0x10  }
0x2f9: {  	v13 =	vld [tilespmem:s29+$0x0];
	v4 =	vshll.u32 v19, $0x10;
	v6 =	vshll.u32 v5, $0x10;
	v7 =	vand.u32 $0xFFFF0000, v14;
	[tilespmem:s26+$0x440] =	vst v1  }
0x2fa: {  	v15 =	vld [tilespmem:s29+$0x100];
	v8 =	vand.u32 $0xFFFF0000, v18;
	v11 =	vand.u32 $0xFFFF0000, v19;
	v5 =	vand.u32 $0xFFFF0000, v5;
	[tilespmem:s26+$0x450] =	vst v2  }
0x2fb: {  	v14 =	vshll.u32 v12, $0x10;
	v19 =	vshll.u32 v16, $0x10;
	v23 =	vshll.u32 v17, $0x10;
	v1 =	vld [tilespmem:s9+$0x70]  }
0x2fc: {  	v12 =	vand.u32 $0xFFFF0000, v12;
	v16 =	vand.u32 $0xFFFF0000, v16;
	v4 =	vadd.f32 v6, v4;
	v10 =	vld [tilespmem:s9+$0xF0]  }
0x2fd: {  	v17 =	vand.u32 $0xFFFF0000, v17;
	v6 =	vadd.f32 v8, v7;
	v5 =	vadd.f32 v5, v11;
	v9 =	vld [tilespmem:s9+$0x170]  }
0x2fe: {  	v17 =	vadd.f32 v20, v17;
	v20 =	vadd.f32 v22, v21;
	v2 =	vshll.u32 v18, $0x10;
	v8 =	vld [tilespmem:s9+$0x1F0]  }
0x2ff: {  	v21 =	vand.u32 $0xFFFF0000, v27;
	v18 =	vshll.u32 v15, $0x10;
	v2 =	vadd.f32 v2, v3;
	v3 =	vld [tilespmem:s9+$0x270]  }
0x300: {  	v15 =	vand.u32 $0xFFFF0000, v15;
	v7 =	vld [tilespmem:s9+$0x3F0];
	v18 =	vadd.f32 v19, v18;
	v19 =	vadd.f32 v24, v23  }
0x301: {  	v31 =	vld [tilespmem:s29+$0xFFFFFC80];
	v15 =	vadd.f32 v16, v15;
	v16 =	vshll.u32 v27, $0x10;
	v11 =	vadd.f32 v4, v2  }
0x302: {  	v63 =	vld [tilespmem:s29+$0xFFFFFE00];
	v2 =	vadd.f32 v5, v6;
	v5 =	vshll.u32 v13, $0x10;
	v13 =	vand.u32 $0xFFFF0000, v13  }
0x303: {  	v23 =	vld [tilespmem:s29+$0xFFFFFE80];
	v14 =	vadd.f32 v14, v5;
	v12 =	vadd.f32 v12, v13;
	v5 =	vand.u32 $0xFFFF0000, v1  }
0x304: {  	v4 =	vld [tilespmem:s9+$0x2F0];
	v28 =	vand.u32 $0xFFFF0000, v10;
	v29 =	vand.u32 $0xFFFF0000, v9;
	v30 =	vand.u32 $0xFFFF0000, v8  }
0x305: {  	v6 =	vld [tilespmem:s9+$0x370];
	v32 =	vand.u32 $0xFFFF0000, v3;
	v36 =	vand.u32 $0xFFFF0000, v7;
	v14 =	vadd.f32 v18, v14  }
0x306: {  	v18 =	vadd.f32 v25, v19;
	v19 =	vshll.u32 v31, $0x10;
	v12 =	vadd.f32 v15, v12  }
0x307: {  	v15 =	vadd.f32 v20, v17;
	v17 =	vshll.u32 v35, $0x10;
	v25 =	vshll.u32 v63, $0x10  }
0x308: {  	s31 =	simm.s32 $0x200;
	v26 =	vshll.u32 v23, $0x10;
	v31 =	vand.u32 $0xFFFF0000, v31;
	v23 =	vand.u32 $0xFFFF0000, v23  }
0x309: {  	s11 =	simm.s32 $0x180;
	s10 =	sand.u32 $0x1800, s31;
	v13 =	vld [tilespmem:s29+$0xFFFFFF00];
	v5 =	vadd.f32 v28, v5;
	v28 =	vadd.f32 v30, v29;
	v33 =	vand.u32 $0xFFFF0000, v4  }
0x30a: {  	s0 =	sor.u32 $0x14000, s10;
	s1 =	sand.u32 $0x380, s11;
	v29 =	vld [tilespmem:s29+$0xFFFFFD80];
	v34 =	vand.u32 $0xFFFF0000, v6;
	v14 =	vadd.f32 v18, v14;
	v12 =	vadd.f32 v15, v12  }
0x30b: {  	s30 =	sor.u32 s1, s0;
	v1 =	vshll.u32 v1, $0x10;
	v15 =	vld [tilespmem:s9+$0xFFFFFF60];
	v61 =	vadd.f32 v33, v32;
	v62 =	vadd.f32 v36, v34  }
0x30c: {  	v10 =	vshll.u32 v10, $0x10;
	v3 =	vshll.u32 v3, $0x10;
	v5 =	vadd.f32 v28, v5;
	v28 =	vld [tilespmem:s29+$0xFFFFFC00];
	[tilespmem:s30+$0x0] =	vst v14  }
0x30d: {  	v1 =	vadd.f32 v10, v1;
	v4 =	vshll.u32 v4, $0x10;
	v14 =	vld [tilespmem:s9+$0xFFFFFFE0];
	[tilespmem:s30+$0x10] =	vst v12;
	v24 =	vadd.f32 v62, v61  }
0x30e: {  	v27 =	vshll.u32 v13, $0x10;
	v13 =	vand.u32 $0xFFFF0000, v13;
	v3 =	vadd.f32 v4, v3;
	v38 =	vld [tilespmem:s29+$0x10]  }
0x30f: {  	v22 =	vshll.u32 v29, $0x10;
	v12 =	vand.u32 $0xFFFF0000, v29;
	v5 =	vadd.f32 v24, v5;
	v24 =	vld [tilespmem:s29+$0xFFFFFF80]  }
0x310: {  	v29 =	vand.u32 $0xFFFF0000, v63;
	v17 =	vadd.f32 v22, v17;
	v12 =	vadd.f32 v12, v37  }
0x311: {  	v39 =	vld [tilespmem:s29+$0x190];
	v40 =	vshll.u32 v15, $0x10;
	v23 =	vadd.f32 v23, v29;
	v20 =	vshll.u32 v28, $0x10  }
0x312: {  	v18 =	vld [tilespmem:s9+$0xFFFFFEE0];
	v15 =	vand.u32 $0xFFFF0000, v15;
	v28 =	vand.u32 $0xFFFF0000, v28;
	v19 =	vadd.f32 v19, v20  }
0x313: {  	v28 =	vadd.f32 v31, v28;
	v29 =	vshll.u32 v14, $0x10;
	v14 =	vand.u32 $0xFFFF0000, v14  }
0x314: {  	v20 =	vld [tilespmem:s29+$0x90];
	v14 =	vadd.f32 v14, v15;
	v42 =	vand.u32 $0xFFFF0000, v38;
	v36 =	vshll.u32 v24, $0x10  }
0x315: {  	v22 =	vand.u32 $0xFFFF0000, v24;
	v24 =	vadd.f32 v26, v25;
	v25 =	vadd.f32 v36, v27  }
0x316: {  	v30 =	vand.u32 $0xFFFF0000, v39;
	v17 =	vadd.f32 v17, v19;
	v26 =	vld [tilespmem:s29+$0x110];
	v13 =	vadd.f32 v22, v13  }
0x317: {  	v12 =	vadd.f32 v12, v28;
	v27 =	vshll.u32 v18, $0x10;
	v22 =	vld [tilespmem:s29+$0x210];
	v19 =	vadd.f32 v25, v24  }
0x318: {  	s1 =	simm.s32 $0x100;
	v18 =	vand.u32 $0xFFFF0000, v18;
	v16 =	vadd.f32 v27, v16;
	v24 =	vld [tilespmem:s29+$0x290];
	v13 =	vadd.f32 v13, v23  }
0x319: {  	s13 =	sand.u32 $0x300, s1;
	v18 =	vadd.f32 v18, v21;
	v15 =	vshll.u32 v20, $0x10;
	v23 =	vld [tilespmem:s29+$0x310];
	v17 =	vadd.f32 v19, v17  }
0x31a: {  	s0 =	sor.u32 s13, s0;
	v20 =	vand.u32 $0xFFFF0000, v20;
	v25 =	vshll.u32 v38, $0x10;
	v12 =	vadd.f32 v13, v12  }
0x31b: {  	v21 =	vshll.u32 v39, $0x10;
	v20 =	vadd.f32 v20, v42;
	v15 =	vadd.f32 v15, v25;
	v19 =	vld [tilespmem:s29+$0x390];
	[tilespmem:s0+$0x0] =	vst v17  }
0x31c: {  	v13 =	vadd.f32 v29, v40;
	v17 =	vshll.u32 v26, $0x10;
	[tilespmem:s0+$0x10] =	vst v12;
	v12 =	vshll.u32 v22, $0x10  }
0x31d: {  	v26 =	vand.u32 $0xFFFF0000, v26;
	v22 =	vand.u32 $0xFFFF0000, v22;
	v27 =	vshll.u32 v24, $0x10;
	v29 =	vld [tilespmem:s29+$0xFFFFFC10]  }
0x31e: {  	v28 =	vshll.u32 v23, $0x10;
	v43 =	vld [tilespmem:s29+$0xFFFFFC90];
	v24 =	vand.u32 $0xFFFF0000, v24;
	v17 =	vadd.f32 v21, v17  }
0x31f: {  	v21 =	vld [tilespmem:s29+$0xFFFFFD90];
	v23 =	vand.u32 $0xFFFF0000, v23;
	v26 =	vadd.f32 v30, v26;
	v12 =	vadd.f32 v27, v12  }
0x320: {  	v44 =	vld [tilespmem:s29+$0xFFFFFD10];
	v22 =	vadd.f32 v24, v22;
	v41 =	vshll.u32 v19, $0x10;
	v19 =	vand.u32 $0xFFFF0000, v19  }
0x321: {  	v25 =	vadd.f32 v41, v28;
	v19 =	vadd.f32 v19, v23  }
0x322: {  	v27 =	vld [tilespmem:s29+$0xFFFFFE10];
	v15 =	vadd.f32 v17, v15;
	v20 =	vadd.f32 v26, v20  }
0x323: {  	v28 =	vld [tilespmem:s29+$0xFFFFFE90];
	v12 =	vadd.f32 v25, v12;
	v19 =	vadd.f32 v19, v22;
	v22 =	vshll.u32 v29, $0x10  }
0x324: {  	v23 =	vld [tilespmem:s29+$0xFFFFFF10];
	v24 =	vshll.u32 v43, $0x10;
	v25 =	vshll.u32 v21, $0x10;
	v29 =	vand.u32 $0xFFFF0000, v29  }
0x325: {  	v17 =	vld [tilespmem:s29+$0xFFFFFF90];
	v45 =	vand.u32 $0xFFFF0000, v43;
	v46 =	vand.u32 $0xFFFF0000, v44;
	v12 =	vadd.f32 v12, v15  }
0x326: {  	v21 =	vand.u32 $0xFFFF0000, v21;
	v22 =	vadd.f32 v24, v22;
	v19 =	vadd.f32 v19, v20  }
0x327: {  	v21 =	vadd.f32 v21, v46;
	v15 =	vshll.u32 v44, $0x10;
	v20 =	vshll.u32 v27, $0x10;
	[tilespmem:s30+$0x20] =	vst v12  }
0x328: {  	v27 =	vand.u32 $0xFFFF0000, v27;
	v26 =	vshll.u32 v28, $0x10;
	v28 =	vand.u32 $0xFFFF0000, v28;
	[tilespmem:s30+$0x30] =	vst v19  }
0x329: {  	v15 =	vadd.f32 v25, v15;
	v25 =	vadd.f32 v45, v29;
	v12 =	vshll.u32 v23, $0x10;
	v47 =	vld [tilespmem:s29+$0x20]  }
0x32a: {  	v19 =	vshll.u32 v17, $0x10;
	v23 =	vand.u32 $0xFFFF0000, v23;
	v20 =	vadd.f32 v26, v20;
	v24 =	vld [tilespmem:s29+$0xA0]  }
0x32b: {  	v17 =	vand.u32 $0xFFFF0000, v17;
	v27 =	vadd.f32 v28, v27;
	v12 =	vadd.f32 v19, v12;
	v26 =	vld [tilespmem:s29+$0x1A0]  }
0x32c: {  	v17 =	vadd.f32 v17, v23;
	v15 =	vadd.f32 v15, v22;
	v22 =	vld [tilespmem:s29+$0x320]  }
0x32d: {  	v13 =	vadd.f32 v13, v16;
	v19 =	vld [tilespmem:s29+$0x120];
	v12 =	vadd.f32 v12, v20  }
0x32e: {  	v23 =	vld [tilespmem:s29+$0x220];
	v21 =	vadd.f32 v21, v25;
	v17 =	vadd.f32 v17, v27  }
0x32f: {  	v14 =	vadd.f32 v14, v18;
	v12 =	vadd.f32 v12, v15  }
0x330: {  	v11 =	vadd.f32 v13, v11;
	v20 =	vld [tilespmem:s29+$0x2A0];
	v16 =	vadd.f32 v17, v21;
	v17 =	vshll.u32 v47, $0x10  }
0x331: {  	v15 =	vld [tilespmem:s29+$0x3A0];
	v10 =	vshll.u32 v24, $0x10;
	v13 =	vshll.u32 v26, $0x10;
	v21 =	vshll.u32 v22, $0x10;
	[tilespmem:s0+$0x20] =	vst v12  }
0x332: {  	v28 =	vand.u32 $0xFFFF0000, v47;
	v24 =	vand.u32 $0xFFFF0000, v24;
	v26 =	vand.u32 $0xFFFF0000, v26;
	[tilespmem:s0+$0x30] =	vst v16  }
0x333: {  	v12 =	vshll.u32 v19, $0x10;
	v16 =	vshll.u32 v23, $0x10;
	v19 =	vand.u32 $0xFFFF0000, v19;
	v25 =	vld [tilespmem:s29+$0xFFFFFC20]  }
0x334: {  	v23 =	vand.u32 $0xFFFF0000, v23;
	v10 =	vadd.f32 v10, v17;
	v17 =	vand.u32 $0xFFFF0000, v22;
	v29 =	vld [tilespmem:s29+$0xFFFFFCA0]  }
0x335: {  	v22 =	vadd.f32 v24, v28;
	v18 =	vshll.u32 v20, $0x10;
	v12 =	vadd.f32 v13, v12;
	v13 =	vld [tilespmem:s29+$0xFFFFFDA0]  }
0x336: {  	v20 =	vand.u32 $0xFFFF0000, v20;
	v19 =	vadd.f32 v26, v19;
	v24 =	vld [tilespmem:s29+$0xFFFFFEA0];
	v27 =	vshll.u32 v15, $0x10  }
0x337: {  	v16 =	vadd.f32 v18, v16;
	v15 =	vand.u32 $0xFFFF0000, v15;
	v18 =	vadd.f32 v27, v21  }
0x338: {  	v48 =	vld [tilespmem:s29+$0xFFFFFD20];
	v20 =	vadd.f32 v20, v23;
	v15 =	vadd.f32 v15, v17  }
0x339: {  	v7 =	vshll.u32 v7, $0x10;
	v10 =	vadd.f32 v12, v10;
	v12 =	vadd.f32 v18, v16  }
0x33a: {  	v21 =	vld [tilespmem:s29+$0xFFFFFE20];
	v18 =	vadd.f32 v19, v22;
	v15 =	vadd.f32 v15, v20;
	v19 =	vshll.u32 v25, $0x10  }
0x33b: {  	v17 =	vld [tilespmem:s29+$0xFFFFFF20];
	v20 =	vshll.u32 v29, $0x10;
	v22 =	vshll.u32 v13, $0x10;
	v23 =	vshll.u32 v24, $0x10  }
0x33c: {  	v16 =	vld [tilespmem:s29+$0xFFFFFFA0];
	v25 =	vand.u32 $0xFFFF0000, v25;
	v26 =	vand.u32 $0xFFFF0000, v29;
	v10 =	vadd.f32 v12, v10  }
0x33d: {  	v27 =	vand.u32 $0xFFFF0000, v48;
	v13 =	vand.u32 $0xFFFF0000, v13;
	v15 =	vadd.f32 v15, v18  }
0x33e: {  	v24 =	vand.u32 $0xFFFF0000, v24;
	v19 =	vadd.f32 v20, v19;
	v13 =	vadd.f32 v13, v27;
	[tilespmem:s30+$0x40] =	vst v10  }
0x33f: {  	v12 =	vshll.u32 v48, $0x10;
	v18 =	vshll.u32 v21, $0x10;
	v21 =	vand.u32 $0xFFFF0000, v21;
	[tilespmem:s30+$0x50] =	vst v15  }
0x340: {  	v12 =	vadd.f32 v22, v12;
	v22 =	vadd.f32 v26, v25;
	v10 =	vshll.u32 v17, $0x10;
	v28 =	vld [tilespmem:s29+$0x30]  }
0x341: {  	v17 =	vand.u32 $0xFFFF0000, v17;
	v18 =	vadd.f32 v23, v18;
	v15 =	vshll.u32 v16, $0x10;
	v20 =	vld [tilespmem:s29+$0xB0]  }
0x342: {  	v21 =	vadd.f32 v24, v21;
	v16 =	vand.u32 $0xFFFF0000, v16;
	v23 =	vld [tilespmem:s29+$0x1B0];
	v10 =	vadd.f32 v15, v10  }
0x343: {  	v6 =	vshll.u32 v6, $0x10;
	v12 =	vadd.f32 v12, v19;
	v19 =	vld [tilespmem:s29+$0x330];
	v16 =	vadd.f32 v16, v17  }
0x344: {  	v4 =	vadd.f32 v7, v6;
	v10 =	vadd.f32 v10, v18  }
0x345: {  	v9 =	vshll.u32 v9, $0x10;
	v13 =	vadd.f32 v13, v22;
	v15 =	vld [tilespmem:s29+$0x130];
	v16 =	vadd.f32 v16, v21  }
0x346: {  	v8 =	vshll.u32 v8, $0x10;
	v14 =	vadd.f32 v14, v2;
	v17 =	vld [tilespmem:s29+$0x230];
	v10 =	vadd.f32 v10, v12  }
0x347: {  	v2 =	vadd.f32 v8, v9;
	v18 =	vld [tilespmem:s29+$0x2B0];
	v13 =	vadd.f32 v16, v13;
	v8 =	vshll.u32 v28, $0x10  }
0x348: {  	v6 =	vshll.u32 v20, $0x10;
	v9 =	vshll.u32 v23, $0x10;
	v16 =	vshll.u32 v19, $0x10;
	[tilespmem:s0+$0x40] =	vst v10  }
0x349: {  	v12 =	vld [tilespmem:s29+$0x3B0];
	v24 =	vand.u32 $0xFFFF0000, v28;
	v20 =	vand.u32 $0xFFFF0000, v20;
	v23 =	vand.u32 $0xFFFF0000, v23;
	[tilespmem:s0+$0x50] =	vst v13  }
0x34a: {  	v7 =	vshll.u32 v15, $0x10;
	v15 =	vand.u32 $0xFFFF0000, v15;
	v6 =	vadd.f32 v6, v8;
	v21 =	vld [tilespmem:s29+$0xFFFFFC30]  }
0x34b: {  	v10 =	vshll.u32 v17, $0x10;
	v17 =	vand.u32 $0xFFFF0000, v17;
	v7 =	vadd.f32 v9, v7;
	v25 =	vld [tilespmem:s29+$0xFFFFFCB0]  }
0x34c: {  	v9 =	vand.u32 $0xFFFF0000, v19;
	v19 =	vadd.f32 v20, v24;
	v13 =	vshll.u32 v18, $0x10;
	v8 =	vld [tilespmem:s29+$0xFFFFFDB0]  }
0x34d: {  	v15 =	vadd.f32 v23, v15;
	v18 =	vand.u32 $0xFFFF0000, v18;
	v20 =	vld [tilespmem:s29+$0xFFFFFEB0];
	v10 =	vadd.f32 v13, v10  }
0x34e: {  	v17 =	vadd.f32 v18, v17;
	v22 =	vshll.u32 v12, $0x10;
	v12 =	vand.u32 $0xFFFF0000, v12  }
0x34f: {  	v26 =	vld [tilespmem:s29+$0xFFFFFD30];
	v13 =	vadd.f32 v22, v16;
	v9 =	vadd.f32 v12, v9  }
0x350: {  	[tilespmem:s28+$0x440] =	vst v11;
	v11 =	vld [tilespmem:s29+$0xFFFFFF30];
	v6 =	vadd.f32 v7, v6;
	v12 =	vadd.f32 v15, v19  }
0x351: {  	[tilespmem:s28+$0x450] =	vst v14;
	v16 =	vld [tilespmem:s29+$0xFFFFFE30];
	v7 =	vadd.f32 v13, v10;
	v9 =	vadd.f32 v9, v17;
	v13 =	vshll.u32 v21, $0x10  }
0x352: {  	v18 =	vld [tilespmem:s9+$0xFFFFFCF0];
	v14 =	vshll.u32 v25, $0x10;
	v17 =	vshll.u32 v8, $0x10;
	v19 =	vshll.u32 v20, $0x10  }
0x353: {  	v10 =	vld [tilespmem:s29+$0xFFFFFFB0];
	v21 =	vand.u32 $0xFFFF0000, v21;
	v23 =	vand.u32 $0xFFFF0000, v25;
	v6 =	vadd.f32 v7, v6  }
0x354: {  	v15 =	vld [tilespmem:s9+$0xFFFFFC70];
	v24 =	vand.u32 $0xFFFF0000, v26;
	v8 =	vand.u32 $0xFFFF0000, v8;
	v9 =	vadd.f32 v9, v12  }
0x355: {  	v22 =	vld [tilespmem:s9+$0xFFFFFD70];
	v20 =	vand.u32 $0xFFFF0000, v20;
	v13 =	vadd.f32 v14, v13;
	v8 =	vadd.f32 v8, v24;
	[tilespmem:s30+$0x60] =	vst v6  }
0x356: {  	v25 =	vld [tilespmem:s9+$0xFFFFFDF0];
	v7 =	vshll.u32 v26, $0x10;
	v12 =	vshll.u32 v16, $0x10;
	v16 =	vand.u32 $0xFFFF0000, v16;
	[tilespmem:s30+$0x70] =	vst v9  }
0x357: {  	v7 =	vadd.f32 v17, v7;
	v6 =	vshll.u32 v11, $0x10;
	v11 =	vand.u32 $0xFFFF0000, v11;
	v26 =	vld [tilespmem:s29+$0x40]  }
0x358: {  	v12 =	vadd.f32 v19, v12;
	v16 =	vadd.f32 v20, v16;
	v9 =	vshll.u32 v10, $0x10;
	v17 =	vld [tilespmem:s29+$0x140]  }
0x359: {  	v7 =	vadd.f32 v7, v13;
	v13 =	vld [tilespmem:s29+$0x340];
	v6 =	vadd.f32 v9, v6;
	v9 =	vand.u32 $0xFFFF0000, v10  }
0x35a: {  	v19 =	vld [tilespmem:s29+$0x1C0];
	v10 =	vadd.f32 v23, v21;
	v9 =	vadd.f32 v9, v11  }
0x35b: {  	v20 =	vshll.u32 v22, $0x10;
	v21 =	vld [tilespmem:s29+$0x3C0];
	v23 =	vshll.u32 v25, $0x10;
	v6 =	vadd.f32 v6, v12  }
0x35c: {  	v14 =	vld [tilespmem:s29+$0xC0];
	v8 =	vadd.f32 v8, v10;
	v10 =	vshll.u32 v15, $0x10;
	v9 =	vadd.f32 v9, v16  }
0x35d: {  	v11 =	vld [tilespmem:s29+$0x240];
	v16 =	vshll.u32 v18, $0x10;
	v6 =	vadd.f32 v6, v7;
	v24 =	vshll.u32 v26, $0x10  }
0x35e: {  	v12 =	vld [tilespmem:s29+$0x2C0];
	v27 =	vshll.u32 v13, $0x10;
	v26 =	vand.u32 $0xFFFF0000, v26;
	v7 =	vadd.f32 v9, v8  }
0x35f: {  	v13 =	vand.u32 $0xFFFF0000, v13;
	v8 =	vadd.f32 v16, v10;
	v9 =	vadd.f32 v23, v20  }
0x360: {  	v16 =	vshll.u32 v17, $0x10;
	v20 =	vshll.u32 v19, $0x10;
	v29 =	vshll.u32 v21, $0x10;
	[tilespmem:s0+$0x60] =	vst v6  }
0x361: {  	v10 =	vld [tilespmem:s9+$0xFFFFFE70];
	v17 =	vand.u32 $0xFFFF0000, v17;
	v19 =	vand.u32 $0xFFFF0000, v19;
	v21 =	vand.u32 $0xFFFF0000, v21;
	[tilespmem:s0+$0x70] =	vst v7  }
0x362: {  	v6 =	vshll.u32 v14, $0x10;
	v14 =	vand.u32 $0xFFFF0000, v14;
	v16 =	vadd.f32 v20, v16;
	v28 =	vld [tilespmem:s29+$0xFFFFFC40]  }
0x363: {  	v17 =	vadd.f32 v19, v17;
	v7 =	vshll.u32 v11, $0x10;
	v23 =	vshll.u32 v12, $0x10;
	v49 =	vld [tilespmem:s29+$0xFFFFFCC0]  }
0x364: {  	v11 =	vand.u32 $0xFFFF0000, v11;
	v6 =	vadd.f32 v6, v24;
	v14 =	vadd.f32 v14, v26;
	v50 =	vld [tilespmem:s29+$0xFFFFFD40]  }
0x365: {  	v12 =	vand.u32 $0xFFFF0000, v12;
	v20 =	vld [tilespmem:s29+$0xFFFFFDC0];
	v7 =	vadd.f32 v23, v7;
	v23 =	vadd.f32 v29, v27  }
0x366: {  	v24 =	vld [tilespmem:s29+$0xFFFFFE40];
	v11 =	vadd.f32 v12, v11;
	v12 =	vadd.f32 v21, v13  }
0x367: {  	v26 =	vld [tilespmem:s29+$0xFFFFFEC0];
	v6 =	vadd.f32 v16, v6;
	v14 =	vadd.f32 v17, v14  }
0x368: {  	v7 =	vadd.f32 v23, v7;
	v11 =	vadd.f32 v12, v11  }
0x369: {  	v9 =	vadd.f32 v9, v8;
	v13 =	vand.u32 $0xFFFF0000, v15;
	v15 =	vld [tilespmem:s29+$0xFFFFFF40];
	v16 =	vand.u32 $0xFFFF0000, v18  }
0x36a: {  	v18 =	vld [tilespmem:s29+$0xFFFFFFC0];
	v19 =	vshll.u32 v10, $0x10;
	v6 =	vadd.f32 v7, v6;
	v11 =	vadd.f32 v11, v14  }
0x36b: {  	v12 =	vshll.u32 v28, $0x10;
	v17 =	vshll.u32 v49, $0x10;
	v7 =	vshll.u32 v50, $0x10  }
0x36c: {  	v23 =	vshll.u32 v20, $0x10;
	v27 =	vshll.u32 v24, $0x10;
	v29 =	vshll.u32 v26, $0x10  }
0x36d: {  	v21 =	vld [tilespmem:s9+$0xFFFFFEF0];
	v28 =	vand.u32 $0xFFFF0000, v28;
	v30 =	vand.u32 $0xFFFF0000, v49;
	v31 =	vand.u32 $0xFFFF0000, v50  }
0x36e: {  	v20 =	vand.u32 $0xFFFF0000, v20;
	v24 =	vand.u32 $0xFFFF0000, v24;
	v26 =	vand.u32 $0xFFFF0000, v26;
	[tilespmem:s30+$0x400] =	vst v6  }
0x36f: {  	v51 =	vld [tilespmem:s9+$0xFFFFFFF0];
	v6 =	vshll.u32 v15, $0x10;
	[tilespmem:s30+$0x410] =	vst v11;
	v11 =	vshll.u32 v18, $0x10;
	v12 =	vadd.f32 v17, v12  }
0x370: {  	v14 =	vld [tilespmem:s9+$0xFFFFFF70];
	v7 =	vadd.f32 v23, v7;
	v15 =	vand.u32 $0xFFFF0000, v15;
	v23 =	vadd.f32 v29, v27  }
0x371: {  	v18 =	vand.u32 $0xFFFF0000, v18;
	v27 =	vadd.f32 v30, v28;
	v20 =	vadd.f32 v20, v31;
	v52 =	vld [tilespmem:s29+$0x50]  }
0x372: {  	v24 =	vadd.f32 v26, v24;
	v26 =	vshll.u32 v21, $0x10;
	v17 =	vld [tilespmem:s29+$0xD0];
	v6 =	vadd.f32 v11, v6  }
0x373: {  	v11 =	vld [tilespmem:s29+$0x150];
	v15 =	vadd.f32 v18, v15;
	v19 =	vadd.f32 v26, v19  }
0x374: {  	v28 =	vld [tilespmem:s29+$0x1D0];
	v7 =	vadd.f32 v7, v12;
	v6 =	vadd.f32 v6, v23  }
0x375: {  	v22 =	vand.u32 $0xFFFF0000, v22;
	v18 =	vld [tilespmem:s29+$0x250];
	v20 =	vadd.f32 v20, v27;
	v15 =	vadd.f32 v15, v24  }
0x376: {  	v12 =	vld [tilespmem:s29+$0x2D0];
	v27 =	vshll.u32 v51, $0x10;
	v23 =	vshll.u32 v14, $0x10;
	v29 =	vadd.f32 v6, v7  }
0x377: {  	v53 =	vld [tilespmem:s29+$0x3D0];
	v7 =	vand.u32 $0xFFFF0000, v25;
	v15 =	vadd.f32 v15, v20;
	v20 =	vadd.f32 v27, v23  }
0x378: {  	v6 =	vadd.f32 v16, v13;
	v23 =	vshll.u32 v52, $0x10;
	v7 =	vadd.f32 v7, v22  }
0x379: {  	v24 =	vld [tilespmem:s29+$0x350];
	v13 =	vshll.u32 v17, $0x10;
	v16 =	vshll.u32 v11, $0x10;
	v22 =	vshll.u32 v28, $0x10;
	[tilespmem:s0+$0x400] =	vst v29  }
0x37a: {  	v54 =	vand.u32 $0xFFFF0000, v52;
	v17 =	vand.u32 $0xFFFF0000, v17;
	v11 =	vand.u32 $0xFFFF0000, v11;
	[tilespmem:s0+$0x410] =	vst v15  }
0x37b: {  	v28 =	vand.u32 $0xFFFF0000, v28;
	v15 =	vshll.u32 v18, $0x10;
	v25 =	vshll.u32 v12, $0x10;
	v27 =	vld [tilespmem:s29+$0xFFFFFC50]  }
0x37c: {  	v29 =	vshll.u32 v53, $0x10;
	v18 =	vand.u32 $0xFFFF0000, v18;
	v13 =	vadd.f32 v13, v23;
	v55 =	vld [tilespmem:s29+$0xFFFFFCD0]  }
0x37d: {  	v12 =	vand.u32 $0xFFFF0000, v12;
	v16 =	vadd.f32 v22, v16;
	v17 =	vadd.f32 v17, v54;
	v56 =	vld [tilespmem:s29+$0xFFFFFD50]  }
0x37e: {  	v11 =	vadd.f32 v28, v11;
	v26 =	vshll.u32 v24, $0x10;
	v22 =	vld [tilespmem:s29+$0xFFFFFDD0];
	v23 =	vand.u32 $0xFFFF0000, v24  }
0x37f: {  	v15 =	vadd.f32 v25, v15;
	v28 =	vld [tilespmem:s29+$0xFFFFFED0];
	v24 =	vadd.f32 v29, v26;
	v26 =	vand.u32 $0xFFFF0000, v53  }
0x380: {  	v12 =	vadd.f32 v12, v18;
	v18 =	vadd.f32 v26, v23  }
0x381: {  	v13 =	vadd.f32 v16, v13;
	v15 =	vadd.f32 v24, v15  }
0x382: {  	v25 =	vld [tilespmem:s29+$0xFFFFFE50];
	v11 =	vadd.f32 v11, v17;
	v12 =	vadd.f32 v18, v12  }
0x383: {  	v23 =	vld [tilespmem:s29+$0xFFFFFF50];
	v17 =	vshll.u32 v27, $0x10;
	v18 =	vshll.u32 v55, $0x10;
	v13 =	vadd.f32 v15, v13  }
0x384: {  	v16 =	vld [tilespmem:s29+$0xFFFFFFD0];
	v15 =	vshll.u32 v56, $0x10;
	v24 =	vshll.u32 v22, $0x10;
	v26 =	vshll.u32 v28, $0x10  }
0x385: {  	v27 =	vand.u32 $0xFFFF0000, v27;
	v29 =	vand.u32 $0xFFFF0000, v55;
	v11 =	vadd.f32 v12, v11  }
0x386: {  	v57 =	vand.u32 $0xFFFF0000, v56;
	v22 =	vand.u32 $0xFFFF0000, v22;
	v28 =	vand.u32 $0xFFFF0000, v28;
	[tilespmem:s30+$0x420] =	vst v13  }
0x387: {  	v12 =	vshll.u32 v25, $0x10;
	v25 =	vand.u32 $0xFFFF0000, v25;
	v17 =	vadd.f32 v18, v17;
	[tilespmem:s30+$0x430] =	vst v11  }
0x388: {  	v15 =	vadd.f32 v24, v15;
	v22 =	vadd.f32 v22, v57;
	v13 =	vshll.u32 v23, $0x10;
	v58 =	vld [tilespmem:s29+$0x60]  }
0x389: {  	v23 =	vand.u32 $0xFFFF0000, v23;
	v12 =	vadd.f32 v26, v12;
	v11 =	vshll.u32 v16, $0x10;
	v18 =	vld [tilespmem:s29+$0xE0]  }
0x38a: {  	v25 =	vadd.f32 v28, v25;
	v11 =	vadd.f32 v11, v13;
	v24 =	vld [tilespmem:s29+$0x160];
	v13 =	vand.u32 $0xFFFF0000, v16  }
0x38b: {  	v16 =	vadd.f32 v29, v27;
	v26 =	vld [tilespmem:s29+$0x1E0];
	v13 =	vadd.f32 v13, v23  }
0x38c: {  	v15 =	vadd.f32 v15, v17;
	v27 =	vld [tilespmem:s29+$0x260];
	v11 =	vadd.f32 v11, v12  }
0x38d: {  	v28 =	vld [tilespmem:s29+$0x2E0];
	v12 =	vand.u32 $0xFFFF0000, v14;
	v14 =	vadd.f32 v22, v16;
	v16 =	vadd.f32 v13, v25  }
0x38e: {  	v10 =	vand.u32 $0xFFFF0000, v10;
	v21 =	vand.u32 $0xFFFF0000, v21;
	v15 =	vadd.f32 v11, v15  }
0x38f: {  	v17 =	vand.u32 $0xFFFF0000, v51;
	v25 =	vld [tilespmem:s29+$0x360];
	v13 =	vadd.f32 v21, v10;
	v16 =	vadd.f32 v16, v14  }
0x390: {  	v10 =	vadd.f32 v20, v19;
	v11 =	vld [tilespmem:s29+$0x3E0];
	v14 =	vadd.f32 v17, v12;
	v22 =	vshll.u32 v58, $0x10;
	[tilespmem:s0+$0x420] =	vst v15  }
0x391: {  	v20 =	vshll.u32 v18, $0x10;
	v29 =	vshll.u32 v24, $0x10;
	v59 =	vshll.u32 v26, $0x10;
	[tilespmem:s0+$0x430] =	vst v16  }
0x392: {  	v60 =	vshll.u32 v27, $0x10;
	v61 =	vshll.u32 v28, $0x10;
	v17 =	vand.u32 $0xFFFF0000, v58;
	v8 =	vld [tilespmem:s29+$0xFFFFFC60]  }
0x393: {  	v18 =	vand.u32 $0xFFFF0000, v18;
	v21 =	vand.u32 $0xFFFF0000, v24;
	v23 =	vand.u32 $0xFFFF0000, v26;
	v12 =	vld [tilespmem:s29+$0xFFFFFCE0]  }
0x394: {  	v19 =	vand.u32 $0xFFFF0000, v27;
	v24 =	vand.u32 $0xFFFF0000, v28;
	v20 =	vadd.f32 v20, v22;
	v15 =	vld [tilespmem:s29+$0xFFFFFD60]  }
0x395: {  	v22 =	vadd.f32 v59, v29;
	v62 =	vshll.u32 v25, $0x10;
	v16 =	vld [tilespmem:s29+$0xFFFFFDE0];
	v63 =	vshll.u32 v11, $0x10  }
0x396: {  	s10 =	simm.s32 $0xB400;
	[tilespmem:s26+$0x470] =	vst v5;
	s9 =	simm.s32 $0x2;
	v5 =	vld [tilespmem:s29+$0xFFFFFE60];
	v27 =	vand.u32 $0xFFFF0000, v25;
	v25 =	vadd.f32 v61, v60;
	v26 =	vadd.f32 v63, v62  }
.LBB2_7:
0x397: {  	v28 =	vld [tilespmem:s10+$0x0];
	v11 =	vand.u32 $0xFFFF0000, v11;
	v17 =	vadd.f32 v18, v17;
	v18 =	vadd.f32 v23, v21  }
0x398: {  	v23 =	vshll.u32 v8, $0x10;
	v19 =	vadd.f32 v24, v19;
	v21 =	vld [tilespmem:s10+$0x80];
	v11 =	vadd.f32 v11, v27  }
0x399: {  	v20 =	vadd.f32 v22, v20;
	v27 =	vshll.u32 v12, $0x10;
	v22 =	vadd.f32 v26, v25;
	v24 =	vld [tilespmem:s10+$0x100]  }
0x39a: {  	v26 =	vshll.u32 v15, $0x10;
	v17 =	vadd.f32 v18, v17;
	v25 =	vld [tilespmem:s10+$0x180];
	v18 =	vadd.f32 v11, v19  }
0x39b: {  	v29 =	vshll.u32 v16, $0x10;
	v20 =	vadd.f32 v22, v20;
	v19 =	vld [tilespmem:s10+$0x200];
	v11 =	vshll.u32 v5, $0x10  }
0x39c: {  	v8 =	vand.u32 $0xFFFF0000, v8;
	v30 =	vand.u32 $0xFFFF0000, v12;
	v22 =	vld [tilespmem:s10+$0x280];
	v17 =	vadd.f32 v18, v17  }
0x39d: {  	v15 =	vand.u32 $0xFFFF0000, v15;
	v16 =	vand.u32 $0xFFFF0000, v16;
	v12 =	vand.u32 $0xFFFF0000, v5;
	v18 =	vld [tilespmem:s10+$0x300];
	[tilespmem:s30+$0x440] =	vst v20  }
0x39e: {  	v5 =	vadd.f32 v27, v23;
	v23 =	vadd.f32 v29, v26;
	v20 =	vld [tilespmem:s10+$0x380];
	[tilespmem:s30+$0x450] =	vst v17  }
0x39f: {  	v16 =	vadd.f32 v16, v15;
	v17 =	vadd.f32 v30, v8;
	v26 =	vld [tilespmem:s29+$0x70]  }
0x3a0: {  	v7 =	vadd.f32 v7, v6;
	v8 =	vadd.f32 v23, v5;
	v15 =	vld [tilespmem:s29+$0xF0]  }
0x3a1: {  	v13 =	vadd.f32 v14, v13;
	v5 =	vadd.f32 v16, v17;
	v16 =	vld [tilespmem:s29+$0x170]  }
0x3a2: {  	v14 =	vadd.f32 v2, v1;
	v4 =	vadd.f32 v4, v3;
	v6 =	vld [tilespmem:s29+$0x1F0]  }
0x3a3: {  	v9 =	vadd.f32 v10, v9;
	v10 =	vadd.f32 v13, v7;
	v2 =	vld [tilespmem:s29+$0x270]  }
0x3a4: {  	v14 =	vadd.f32 v4, v14;
	v13 =	vshll.u32 v28, $0x10;
	v3 =	vld [tilespmem:s29+$0x2F0];
	v1 =	vshll.u32 v26, $0x10  }
0x3a5: {  	v23 =	vshll.u32 v24, $0x10;
	v27 =	vshll.u32 v25, $0x10;
	v17 =	vshll.u32 v21, $0x10;
	v4 =	vld [tilespmem:s29+$0x370];
	[tilespmem:s28+$0x460] =	vst v9  }
0x3a6: {  	v29 =	vshll.u32 v22, $0x10;
	v30 =	vshll.u32 v18, $0x10;
	v9 =	vshll.u32 v19, $0x10;
	v7 =	vld [tilespmem:s29+$0x3F0];
	[tilespmem:s28+$0x470] =	vst v10;
	s28 =	smov.u32 s0  }
0x3a7: {  	v28 =	vand.u32 $0xFFFF0000, v28;
	v21 =	vand.u32 $0xFFFF0000, v21;
	v31 =	vshll.u32 v20, $0x10;
	v10 =	vld [tilespmem:s10+$0xFFFFFC80];
	[tilespmem:s26+$0x460] =	vst v14;
	s26 =	smov.u32 s30  }
0x3a8: {  	v24 =	vand.u32 $0xFFFF0000, v24;
	v13 =	vadd.f32 v17, v13;
	v17 =	vand.u32 $0xFFFF0000, v26;
	v14 =	vld [tilespmem:s10+$0xFFFFFD00]  }
0x3a9: {  	v32 =	vand.u32 $0xFFFF0000, v15;
	v33 =	vand.u32 $0xFFFF0000, v16;
	v34 =	vand.u32 $0xFFFF0000, v6;
	v26 =	vld [tilespmem:s10+$0xFFFFFD80]  }
0x3aa: {  	v36 =	vand.u32 $0xFFFF0000, v2;
	v37 =	vand.u32 $0xFFFF0000, v3;
	v35 =	vld [tilespmem:s10+$0xFFFFFE00];
	v38 =	vand.u32 $0xFFFF0000, v4  }
0x3ab: {  	v17 =	vadd.f32 v32, v17;
	v32 =	vadd.f32 v34, v33;
	v39 =	vld [tilespmem:s10+$0xFFFFFE80];
	v40 =	vand.u32 $0xFFFF0000, v7  }
0x3ac: {  	v25 =	vand.u32 $0xFFFF0000, v25;
	v34 =	vadd.f32 v37, v36;
	v33 =	vld [tilespmem:s10+$0xFFFFFF00];
	v36 =	vadd.f32 v40, v38  }
0x3ad: {  	v23 =	vadd.f32 v27, v23;
	v19 =	vand.u32 $0xFFFF0000, v19;
	v9 =	vadd.f32 v29, v9;
	v37 =	vld [tilespmem:s10+$0xFFFFFF80]  }
0x3ae: {  	v22 =	vand.u32 $0xFFFF0000, v22;
	v17 =	vadd.f32 v32, v17;
	v27 =	vld [tilespmem:s10+$0xFFFFFC00];
	v29 =	vadd.f32 v36, v34  }
0x3af: {  	v21 =	vadd.f32 v21, v28;
	v18 =	vand.u32 $0xFFFF0000, v18;
	v30 =	vadd.f32 v31, v30;
	v28 =	vld [tilespmem:s29+$0xFFFFFEE0]  }
0x3b0: {  	v24 =	vadd.f32 v25, v24;
	v20 =	vand.u32 $0xFFFF0000, v20;
	v25 =	vld [tilespmem:s29+$0xFFFFFF60];
	v17 =	vadd.f32 v29, v17  }
0x3b1: {  	v18 =	vadd.f32 v20, v18;
	v19 =	vadd.f32 v22, v19;
	v29 =	vshll.u32 v10, $0x10;
	v20 =	vld [tilespmem:s29+$0xFFFFFFE0]  }
0x3b2: {  	s31 =	sadd.s32 $0x200, s31;
	s1 =	sadd.s32 $0x100, s1;
	v13 =	vadd.f32 v23, v13;
	v9 =	vadd.f32 v30, v9;
	v22 =	vshll.u32 v14, $0x10;
	[tilespmem:s26+$0x470] =	vst v17  }
0x3b3: {  	s11 =	sand.u32 $0x300, s1;
	v21 =	vadd.f32 v24, v21;
	s0 =	sand.u32 $0x1800, s31;
	s30 =	sadd.s32 $0x80, s1;
	v18 =	vadd.f32 v18, v19;
	v17 =	vshll.u32 v27, $0x10  }
0x3b4: {  	s13 =	sor.u32 $0x14000, s0;
	s30 =	sand.u32 $0x380, s30;
	v9 =	vadd.f32 v9, v13;
	v19 =	vshll.u32 v26, $0x10;
	v23 =	vshll.u32 v35, $0x10  }
0x3b5: {  	s0 =	sor.u32 s11, s13;
	s30 =	sor.u32 s30, s13;
	v18 =	vadd.f32 v18, v21;
	v13 =	vshll.u32 v39, $0x10;
	v24 =	vshll.u32 v33, $0x10  }
0x3b6: {  	v10 =	vand.u32 $0xFFFF0000, v10;
	v21 =	vshll.u32 v37, $0x10;
	v27 =	vand.u32 $0xFFFF0000, v27;
	[tilespmem:s30+$0x0] =	vst v9  }
0x3b7: {  	v9 =	vand.u32 $0xFFFF0000, v14;
	v14 =	vand.u32 $0xFFFF0000, v26;
	v26 =	vand.u32 $0xFFFF0000, v35;
	[tilespmem:s30+$0x10] =	vst v18  }
0x3b8: {  	v30 =	vand.u32 $0xFFFF0000, v33;
	v31 =	vand.u32 $0xFFFF0000, v37;
	v18 =	vand.u32 $0xFFFF0000, v39;
	v32 =	vld [tilespmem:s10+$0x10]  }
0x3b9: {  	v19 =	vadd.f32 v19, v22;
	v17 =	vadd.f32 v29, v17;
	v29 =	vshll.u32 v28, $0x10;
	v22 =	vld [tilespmem:s10+$0x90]  }
0x3ba: {  	v13 =	vadd.f32 v13, v23;
	v21 =	vadd.f32 v21, v24;
	v24 =	vshll.u32 v25, $0x10;
	v23 =	vld [tilespmem:s10+$0x110]  }
0x3bb: {  	v10 =	vadd.f32 v10, v27;
	v27 =	vshll.u32 v20, $0x10;
	v9 =	vadd.f32 v14, v9;
	v14 =	vld [tilespmem:s10+$0x190]  }
0x3bc: {  	v28 =	vand.u32 $0xFFFF0000, v28;
	v18 =	vadd.f32 v18, v26;
	v26 =	vadd.f32 v31, v30;
	v30 =	vld [tilespmem:s10+$0x210]  }
0x3bd: {  	v13 =	vadd.f32 v21, v13;
	v21 =	vand.u32 $0xFFFF0000, v25;
	v17 =	vadd.f32 v19, v17;
	v19 =	vld [tilespmem:s10+$0x290]  }
0x3be: {  	v20 =	vand.u32 $0xFFFF0000, v20;
	v9 =	vadd.f32 v9, v10;
	v10 =	vadd.f32 v26, v18;
	v18 =	vld [tilespmem:s10+$0x310]  }
0x3bf: {  	v15 =	vshll.u32 v15, $0x10;
	v11 =	vadd.f32 v29, v11;
	v13 =	vadd.f32 v13, v17;
	v17 =	vld [tilespmem:s10+$0x390]  }
0x3c0: {  	v24 =	vadd.f32 v27, v24;
	v10 =	vadd.f32 v10, v9;
	v9 =	vshll.u32 v16, $0x10  }
0x3c1: {  	v12 =	vadd.f32 v28, v12;
	v16 =	vadd.f32 v20, v21;
	[tilespmem:s0+$0x0] =	vst v13;
	v13 =	vshll.u32 v32, $0x10  }
0x3c2: {  	v20 =	vshll.u32 v23, $0x10;
	v21 =	vshll.u32 v14, $0x10;
	[tilespmem:s0+$0x10] =	vst v10;
	v10 =	vshll.u32 v22, $0x10  }
0x3c3: {  	v26 =	vshll.u32 v30, $0x10;
	v27 =	vshll.u32 v19, $0x10;
	v25 =	vld [tilespmem:s10+$0xFFFFFC10];
	v28 =	vshll.u32 v18, $0x10  }
0x3c4: {  	v32 =	vand.u32 $0xFFFF0000, v32;
	v22 =	vand.u32 $0xFFFF0000, v22;
	v29 =	vld [tilespmem:s10+$0xFFFFFC90];
	v31 =	vshll.u32 v17, $0x10  }
0x3c5: {  	v23 =	vand.u32 $0xFFFF0000, v23;
	v14 =	vand.u32 $0xFFFF0000, v14;
	v30 =	vand.u32 $0xFFFF0000, v30;
	v33 =	vld [tilespmem:s10+$0xFFFFFD10]  }
0x3c6: {  	v19 =	vand.u32 $0xFFFF0000, v19;
	v10 =	vadd.f32 v10, v13;
	v13 =	vadd.f32 v21, v20;
	v34 =	vld [tilespmem:s10+$0xFFFFFD90]  }
0x3c7: {  	v18 =	vand.u32 $0xFFFF0000, v18;
	v21 =	vadd.f32 v27, v26;
	v26 =	vadd.f32 v31, v28;
	v20 =	vld [tilespmem:s10+$0xFFFFFE10]  }
0x3c8: {  	v14 =	vadd.f32 v14, v23;
	v22 =	vadd.f32 v22, v32;
	v17 =	vand.u32 $0xFFFF0000, v17;
	v27 =	vld [tilespmem:s10+$0xFFFFFE90]  }
0x3c9: {  	v19 =	vadd.f32 v19, v30;
	v17 =	vadd.f32 v17, v18;
	v28 =	vshll.u32 v25, $0x10;
	v23 =	vld [tilespmem:s10+$0xFFFFFF10]  }
0x3ca: {  	v10 =	vadd.f32 v13, v10;
	v13 =	vadd.f32 v26, v21;
	v30 =	vshll.u32 v29, $0x10;
	v18 =	vld [tilespmem:s10+$0xFFFFFF90]  }
0x3cb: {  	v14 =	vadd.f32 v14, v22;
	v17 =	vadd.f32 v17, v19;
	v21 =	vshll.u32 v33, $0x10  }
0x3cc: {  	v10 =	vadd.f32 v13, v10;
	v19 =	vshll.u32 v34, $0x10;
	v22 =	vshll.u32 v20, $0x10  }
0x3cd: {  	v25 =	vand.u32 $0xFFFF0000, v25;
	v14 =	vadd.f32 v17, v14;
	v13 =	vshll.u32 v27, $0x10  }
0x3ce: {  	v26 =	vand.u32 $0xFFFF0000, v29;
	v29 =	vand.u32 $0xFFFF0000, v33;
	v17 =	vshll.u32 v23, $0x10;
	[tilespmem:s30+$0x20] =	vst v10  }
0x3cf: {  	v31 =	vand.u32 $0xFFFF0000, v34;
	v20 =	vand.u32 $0xFFFF0000, v20;
	v10 =	vshll.u32 v18, $0x10;
	[tilespmem:s30+$0x30] =	vst v14  }
0x3d0: {  	v23 =	vand.u32 $0xFFFF0000, v23;
	v14 =	vand.u32 $0xFFFF0000, v27;
	v18 =	vand.u32 $0xFFFF0000, v18;
	v27 =	vld [tilespmem:s10+$0x20]  }
0x3d1: {  	v6 =	vshll.u32 v6, $0x10;
	v28 =	vadd.f32 v30, v28;
	v19 =	vadd.f32 v19, v21;
	v21 =	vld [tilespmem:s10+$0xA0]  }
0x3d2: {  	v13 =	vadd.f32 v13, v22;
	v17 =	vadd.f32 v10, v17;
	v10 =	vshll.u32 v2, $0x10;
	v22 =	vld [tilespmem:s10+$0x120]  }
0x3d3: {  	v3 =	vshll.u32 v3, $0x10;
	v2 =	vadd.f32 v26, v25;
	v25 =	vadd.f32 v31, v29;
	v26 =	vld [tilespmem:s10+$0x1A0]  }
0x3d4: {  	v4 =	vshll.u32 v4, $0x10;
	v14 =	vadd.f32 v14, v20;
	v18 =	vadd.f32 v18, v23;
	v20 =	vld [tilespmem:s10+$0x220]  }
0x3d5: {  	v7 =	vshll.u32 v7, $0x10;
	v19 =	vadd.f32 v19, v28;
	v13 =	vadd.f32 v17, v13;
	v17 =	vld [tilespmem:s10+$0x2A0]  }
0x3d6: {  	v2 =	vadd.f32 v25, v2;
	v14 =	vadd.f32 v18, v14;
	v18 =	vld [tilespmem:s10+$0x320]  }
0x3d7: {  	v11 =	vadd.f32 v24, v11;
	v13 =	vadd.f32 v13, v19;
	v19 =	vld [tilespmem:s10+$0x3A0]  }
0x3d8: {  	v12 =	vadd.f32 v16, v12;
	v2 =	vadd.f32 v14, v2  }
0x3d9: {  	v1 =	vadd.f32 v15, v1;
	v8 =	vadd.f32 v11, v8;
	[tilespmem:s0+$0x20] =	vst v13;
	v13 =	vshll.u32 v27, $0x10  }
0x3da: {  	v11 =	vshll.u32 v22, $0x10;
	v14 =	vshll.u32 v26, $0x10;
	[tilespmem:s0+$0x30] =	vst v2;
	v2 =	vshll.u32 v21, $0x10  }
0x3db: {  	v16 =	vshll.u32 v20, $0x10;
	v23 =	vshll.u32 v17, $0x10;
	v15 =	vld [tilespmem:s10+$0xFFFFFC20];
	v24 =	vshll.u32 v18, $0x10;
	[tilespmem:s28+$0x440] =	vst v8  }
0x3dc: {  	v27 =	vand.u32 $0xFFFF0000, v27;
	v21 =	vand.u32 $0xFFFF0000, v21;
	v8 =	vld [tilespmem:s10+$0xFFFFFCA0];
	v25 =	vshll.u32 v19, $0x10  }
0x3dd: {  	v22 =	vand.u32 $0xFFFF0000, v22;
	v26 =	vand.u32 $0xFFFF0000, v26;
	v20 =	vand.u32 $0xFFFF0000, v20;
	v28 =	vld [tilespmem:s10+$0xFFFFFD20]  }
0x3de: {  	v11 =	vadd.f32 v14, v11;
	v17 =	vand.u32 $0xFFFF0000, v17;
	v2 =	vadd.f32 v2, v13;
	v29 =	vld [tilespmem:s10+$0xFFFFFDA0]  }
0x3df: {  	v14 =	vand.u32 $0xFFFF0000, v18;
	v16 =	vadd.f32 v23, v16;
	v18 =	vadd.f32 v25, v24;
	v13 =	vld [tilespmem:s10+$0xFFFFFE20]  }
0x3e0: {  	v22 =	vadd.f32 v26, v22;
	v21 =	vadd.f32 v21, v27;
	v19 =	vand.u32 $0xFFFF0000, v19;
	v23 =	vld [tilespmem:s10+$0xFFFFFEA0]  }
0x3e1: {  	v17 =	vadd.f32 v17, v20;
	v14 =	vadd.f32 v19, v14;
	v25 =	vshll.u32 v15, $0x10;
	v24 =	vld [tilespmem:s10+$0xFFFFFF20]  }
0x3e2: {  	v2 =	vadd.f32 v11, v2;
	v11 =	vadd.f32 v18, v16;
	v20 =	vshll.u32 v8, $0x10;
	v19 =	vld [tilespmem:s10+$0xFFFFFFA0]  }
0x3e3: {  	v18 =	vadd.f32 v22, v21;
	v14 =	vadd.f32 v14, v17;
	v16 =	vshll.u32 v28, $0x10  }
0x3e4: {  	v2 =	vadd.f32 v11, v2;
	v17 =	vshll.u32 v29, $0x10;
	v21 =	vshll.u32 v13, $0x10  }
0x3e5: {  	v15 =	vand.u32 $0xFFFF0000, v15;
	v14 =	vadd.f32 v14, v18;
	v11 =	vshll.u32 v23, $0x10  }
0x3e6: {  	v8 =	vand.u32 $0xFFFF0000, v8;
	v22 =	vand.u32 $0xFFFF0000, v28;
	v18 =	vshll.u32 v24, $0x10;
	[tilespmem:s30+$0x40] =	vst v2  }
0x3e7: {  	v26 =	vand.u32 $0xFFFF0000, v29;
	v13 =	vand.u32 $0xFFFF0000, v13;
	v2 =	vshll.u32 v19, $0x10;
	[tilespmem:s30+$0x50] =	vst v14  }
0x3e8: {  	v14 =	vand.u32 $0xFFFF0000, v23;
	v23 =	vand.u32 $0xFFFF0000, v24;
	v19 =	vand.u32 $0xFFFF0000, v19;
	v24 =	vld [tilespmem:s10+$0x30]  }
0x3e9: {  	v20 =	vadd.f32 v20, v25;
	v16 =	vadd.f32 v17, v16;
	v17 =	vld [tilespmem:s10+$0xB0]  }
0x3ea: {  	v11 =	vadd.f32 v11, v21;
	v2 =	vadd.f32 v2, v18;
	v18 =	vld [tilespmem:s10+$0x130]  }
0x3eb: {  	v8 =	vadd.f32 v8, v15;
	v15 =	vadd.f32 v26, v22;
	v21 =	vld [tilespmem:s10+$0x1B0]  }
0x3ec: {  	v13 =	vadd.f32 v14, v13;
	v14 =	vadd.f32 v19, v23;
	v19 =	vld [tilespmem:s10+$0x230]  }
0x3ed: {  	v16 =	vadd.f32 v16, v20;
	v2 =	vadd.f32 v2, v11;
	v11 =	vld [tilespmem:s10+$0x2B0]  }
0x3ee: {  	v8 =	vadd.f32 v15, v8;
	v13 =	vadd.f32 v14, v13;
	v14 =	vld [tilespmem:s10+$0x330]  }
0x3ef: {  	v5 =	vadd.f32 v12, v5;
	v15 =	vadd.f32 v2, v16;
	v16 =	vld [tilespmem:s10+$0x3B0]  }
0x3f0: {  	v8 =	vadd.f32 v13, v8;
	v2 =	vadd.f32 v6, v9  }
0x3f1: {  	v4 =	vadd.f32 v7, v4;
	v3 =	vadd.f32 v3, v10;
	v6 =	vshll.u32 v24, $0x10;
	[tilespmem:s0+$0x40] =	vst v15  }
0x3f2: {  	v7 =	vshll.u32 v17, $0x10;
	v9 =	vshll.u32 v21, $0x10;
	[tilespmem:s0+$0x50] =	vst v8;
	v8 =	vshll.u32 v18, $0x10  }
0x3f3: {  	v12 =	vshll.u32 v19, $0x10;
	v13 =	vshll.u32 v11, $0x10;
	v10 =	vld [tilespmem:s10+$0xFFFFFC30];
	v15 =	vshll.u32 v14, $0x10;
	[tilespmem:s28+$0x450] =	vst v5  }
0x3f4: {  	s9 =	sadd.s32 $0x2, s9;
	v22 =	vand.u32 $0xFFFF0000, v24;
	v17 =	vand.u32 $0xFFFF0000, v17;
	v5 =	vld [tilespmem:s10+$0xFFFFFCB0];
	v20 =	vshll.u32 v16, $0x10  }
0x3f5: {  	p0 =	slt.u32 s9, $0x1E;
	v21 =	vand.u32 $0xFFFF0000, v21;
	v19 =	vand.u32 $0xFFFF0000, v19;
	v18 =	vand.u32 $0xFFFF0000, v18;
	v23 =	vld [tilespmem:s10+$0xFFFFFD30]  }
0x3f6: {  	v6 =	vadd.f32 v7, v6;
	v11 =	vand.u32 $0xFFFF0000, v11;
	v7 =	vadd.f32 v9, v8;
	v24 =	vld [tilespmem:s10+$0xFFFFFDB0]  }
0x3f7: {  	v9 =	vand.u32 $0xFFFF0000, v14;
	v12 =	vadd.f32 v13, v12;
	v13 =	vadd.f32 v20, v15;
	v8 =	vld [tilespmem:s10+$0xFFFFFE30]  }
0x3f8: {  	v15 =	vand.u32 $0xFFFF0000, v16;
	v16 =	vadd.f32 v17, v22;
	v17 =	vadd.f32 v21, v18;
	v14 =	vld [tilespmem:s10+$0xFFFFFEB0]  }
0x3f9: {  	v11 =	vadd.f32 v11, v19;
	v9 =	vadd.f32 v15, v9;
	v20 =	vshll.u32 v10, $0x10;
	v18 =	vld [tilespmem:s10+$0xFFFFFF30]  }
0x3fa: {  	v6 =	vadd.f32 v7, v6;
	v7 =	vadd.f32 v13, v12;
	v19 =	vshll.u32 v5, $0x10;
	v15 =	vld [tilespmem:s10+$0xFFFFFFB0]  }
0x3fb: {  	v13 =	vadd.f32 v17, v16;
	v9 =	vadd.f32 v9, v11;
	v12 =	vshll.u32 v23, $0x10;
	v11 =	vld [tilespmem:s29+$0xFFFFFC70]  }
0x3fc: {  	v6 =	vadd.f32 v7, v6;
	v16 =	vshll.u32 v24, $0x10;
	v17 =	vshll.u32 v8, $0x10;
	v21 =	vld [tilespmem:s29+$0xFFFFFCF0]  }
0x3fd: {  	v10 =	vand.u32 $0xFFFF0000, v10;
	v9 =	vadd.f32 v9, v13;
	v7 =	vshll.u32 v14, $0x10;
	v13 =	vld [tilespmem:s29+$0xFFFFFD70]  }
0x3fe: {  	v5 =	vand.u32 $0xFFFF0000, v5;
	v23 =	vand.u32 $0xFFFF0000, v23;
	v22 =	vshll.u32 v18, $0x10;
	[tilespmem:s30+$0x60] =	vst v6;
	v25 =	vld [tilespmem:s29+$0xFFFFFDF0]  }
0x3ff: {  	v24 =	vand.u32 $0xFFFF0000, v24;
	v8 =	vand.u32 $0xFFFF0000, v8;
	v6 =	vshll.u32 v15, $0x10;
	[tilespmem:s30+$0x70] =	vst v9;
	v9 =	vld [tilespmem:s29+$0xFFFFFE70]  }
0x400: {  	v14 =	vand.u32 $0xFFFF0000, v14;
	v18 =	vand.u32 $0xFFFF0000, v18;
	v15 =	vand.u32 $0xFFFF0000, v15;
	v26 =	vld [tilespmem:s10+$0x40]  }
0x401: {  	v19 =	vadd.f32 v19, v20;
	v12 =	vadd.f32 v16, v12;
	v20 =	vshll.u32 v11, $0x10;
	v16 =	vld [tilespmem:s10+$0xC0]  }
0x402: {  	v7 =	vadd.f32 v7, v17;
	v6 =	vadd.f32 v6, v22;
	v22 =	vshll.u32 v21, $0x10;
	v17 =	vld [tilespmem:s10+$0x140]  }
0x403: {  	v5 =	vadd.f32 v5, v10;
	v10 =	vadd.f32 v24, v23;
	v24 =	vshll.u32 v13, $0x10;
	v23 =	vld [tilespmem:s10+$0x1C0]  }
0x404: {  	v8 =	vadd.f32 v14, v8;
	v14 =	vadd.f32 v15, v18;
	v18 =	vshll.u32 v25, $0x10;
	v15 =	vld [tilespmem:s10+$0x240]  }
0x405: {  	v12 =	vadd.f32 v12, v19;
	v19 =	vadd.f32 v6, v7;
	v7 =	vshll.u32 v9, $0x10;
	v27 =	vld [tilespmem:s10+$0x2C0]  }
0x406: {  	v5 =	vadd.f32 v10, v5;
	v8 =	vadd.f32 v14, v8;
	v6 =	vand.u32 $0xFFFF0000, v11;
	v10 =	vld [tilespmem:s10+$0x340]  }
0x407: {  	v14 =	vand.u32 $0xFFFF0000, v21;
	v13 =	vand.u32 $0xFFFF0000, v13;
	v11 =	vadd.f32 v19, v12;
	v12 =	vld [tilespmem:s10+$0x3C0]  }
0x408: {  	v25 =	vand.u32 $0xFFFF0000, v25;
	v19 =	vadd.f32 v8, v5;
	v9 =	vand.u32 $0xFFFF0000, v9;
	v21 =	vld [tilespmem:s29+$0xFFFFFEF0]  }
0x409: {  	v5 =	vadd.f32 v22, v20;
	v8 =	vadd.f32 v18, v24;
	[tilespmem:s0+$0x60] =	vst v11;
	v11 =	vshll.u32 v26, $0x10;
	v28 =	vld [tilespmem:s29+$0xFFFFFF70]  }
0x40a: {  	v18 =	vshll.u32 v16, $0x10;
	v20 =	vshll.u32 v23, $0x10;
	[tilespmem:s0+$0x70] =	vst v19;
	v19 =	vshll.u32 v17, $0x10;
	v22 =	vld [tilespmem:s29+$0xFFFFFFF0];
	s29 =	smov.u32 s10  }
0x40b: {  	v29 =	vshll.u32 v15, $0x10;
	v30 =	vshll.u32 v27, $0x10;
	v24 =	vld [tilespmem:s10+$0xFFFFFC40];
	v31 =	vshll.u32 v10, $0x10  }
0x40c: {  	v16 =	vand.u32 $0xFFFF0000, v16;
	v26 =	vand.u32 $0xFFFF0000, v26;
	v32 =	vld [tilespmem:s10+$0xFFFFFCC0];
	v33 =	vshll.u32 v12, $0x10  }
0x40d: {  	v23 =	vand.u32 $0xFFFF0000, v23;
	v15 =	vand.u32 $0xFFFF0000, v15;
	v17 =	vand.u32 $0xFFFF0000, v17;
	v34 =	vld [tilespmem:s10+$0xFFFFFD40]  }
0x40e: {  	v27 =	vand.u32 $0xFFFF0000, v27;
	v11 =	vadd.f32 v18, v11;
	v18 =	vadd.f32 v20, v19;
	v35 =	vld [tilespmem:s10+$0xFFFFFDC0]  }
0x40f: {  	v10 =	vand.u32 $0xFFFF0000, v10;
	v20 =	vadd.f32 v30, v29;
	v29 =	vadd.f32 v33, v31;
	v19 =	vld [tilespmem:s10+$0xFFFFFE40]  }
0x410: {  	v16 =	vadd.f32 v16, v26;
	v17 =	vadd.f32 v23, v17;
	v12 =	vand.u32 $0xFFFF0000, v12;
	v30 =	vld [tilespmem:s10+$0xFFFFFEC0]  }
0x411: {  	v15 =	vadd.f32 v27, v15;
	v10 =	vadd.f32 v12, v10;
	v26 =	vshll.u32 v24, $0x10;
	v23 =	vld [tilespmem:s10+$0xFFFFFF40]  }
0x412: {  	v11 =	vadd.f32 v18, v11;
	v18 =	vadd.f32 v29, v20;
	v27 =	vshll.u32 v32, $0x10;
	v12 =	vld [tilespmem:s10+$0xFFFFFFC0]  }
0x413: {  	v16 =	vadd.f32 v17, v16;
	v10 =	vadd.f32 v10, v15;
	v20 =	vshll.u32 v34, $0x10  }
0x414: {  	v11 =	vadd.f32 v18, v11;
	v15 =	vshll.u32 v35, $0x10;
	v17 =	vshll.u32 v19, $0x10  }
0x415: {  	v24 =	vand.u32 $0xFFFF0000, v24;
	v10 =	vadd.f32 v10, v16;
	v18 =	vshll.u32 v30, $0x10  }
0x416: {  	v29 =	vand.u32 $0xFFFF0000, v32;
	v31 =	vand.u32 $0xFFFF0000, v34;
	v16 =	vshll.u32 v23, $0x10;
	[tilespmem:s30+$0x400] =	vst v11  }
0x417: {  	v32 =	vand.u32 $0xFFFF0000, v35;
	v19 =	vand.u32 $0xFFFF0000, v19;
	v11 =	vshll.u32 v12, $0x10;
	[tilespmem:s30+$0x410] =	vst v10  }
0x418: {  	v23 =	vand.u32 $0xFFFF0000, v23;
	v10 =	vand.u32 $0xFFFF0000, v30;
	v12 =	vand.u32 $0xFFFF0000, v12;
	v30 =	vld [tilespmem:s10+$0x50]  }
0x419: {  	v26 =	vadd.f32 v27, v26;
	v27 =	vshll.u32 v21, $0x10;
	v15 =	vadd.f32 v15, v20;
	v20 =	vld [tilespmem:s10+$0xD0]  }
0x41a: {  	v17 =	vadd.f32 v18, v17;
	v18 =	vshll.u32 v28, $0x10;
	v11 =	vadd.f32 v11, v16;
	v16 =	vld [tilespmem:s10+$0x150]  }
0x41b: {  	v24 =	vadd.f32 v29, v24;
	v29 =	vadd.f32 v32, v31;
	v32 =	vshll.u32 v22, $0x10;
	v31 =	vld [tilespmem:s10+$0x1D0]  }
0x41c: {  	v21 =	vand.u32 $0xFFFF0000, v21;
	v10 =	vadd.f32 v10, v19;
	v12 =	vadd.f32 v12, v23;
	v19 =	vld [tilespmem:s10+$0x250]  }
0x41d: {  	v15 =	vadd.f32 v15, v26;
	v23 =	vand.u32 $0xFFFF0000, v28;
	v11 =	vadd.f32 v11, v17;
	v17 =	vld [tilespmem:s10+$0x2D0]  }
0x41e: {  	v22 =	vand.u32 $0xFFFF0000, v22;
	v24 =	vadd.f32 v29, v24;
	v10 =	vadd.f32 v12, v10;
	v12 =	vld [tilespmem:s10+$0x350]  }
0x41f: {  	v26 =	vadd.f32 v27, v7;
	v11 =	vadd.f32 v11, v15;
	v15 =	vld [tilespmem:s10+$0x3D0]  }
0x420: {  	v18 =	vadd.f32 v32, v18;
	v10 =	vadd.f32 v10, v24  }
0x421: {  	v6 =	vadd.f32 v14, v6;
	v7 =	vadd.f32 v25, v13;
	[tilespmem:s0+$0x400] =	vst v11;
	v11 =	vshll.u32 v30, $0x10  }
0x422: {  	v13 =	vshll.u32 v16, $0x10;
	v14 =	vshll.u32 v31, $0x10;
	[tilespmem:s0+$0x410] =	vst v10;
	v10 =	vshll.u32 v20, $0x10  }
0x423: {  	v25 =	vshll.u32 v19, $0x10;
	v27 =	vshll.u32 v17, $0x10;
	v24 =	vld [tilespmem:s10+$0xFFFFFC50];
	v28 =	vshll.u32 v12, $0x10  }
0x424: {  	v30 =	vand.u32 $0xFFFF0000, v30;
	v20 =	vand.u32 $0xFFFF0000, v20;
	v29 =	vld [tilespmem:s10+$0xFFFFFCD0];
	v32 =	vshll.u32 v15, $0x10  }
0x425: {  	v16 =	vand.u32 $0xFFFF0000, v16;
	v31 =	vand.u32 $0xFFFF0000, v31;
	v19 =	vand.u32 $0xFFFF0000, v19;
	v33 =	vld [tilespmem:s10+$0xFFFFFD50]  }
0x426: {  	v17 =	vand.u32 $0xFFFF0000, v17;
	v10 =	vadd.f32 v10, v11;
	v11 =	vadd.f32 v14, v13;
	v34 =	vld [tilespmem:s10+$0xFFFFFDD0]  }
0x427: {  	v12 =	vand.u32 $0xFFFF0000, v12;
	v14 =	vadd.f32 v27, v25;
	v25 =	vadd.f32 v32, v28;
	v13 =	vld [tilespmem:s10+$0xFFFFFE50]  }
0x428: {  	v16 =	vadd.f32 v31, v16;
	v20 =	vadd.f32 v20, v30;
	v15 =	vand.u32 $0xFFFF0000, v15;
	v27 =	vld [tilespmem:s10+$0xFFFFFED0]  }
0x429: {  	v17 =	vadd.f32 v17, v19;
	v12 =	vadd.f32 v15, v12;
	v30 =	vshll.u32 v24, $0x10;
	v28 =	vld [tilespmem:s10+$0xFFFFFF50]  }
0x42a: {  	v10 =	vadd.f32 v11, v10;
	v11 =	vadd.f32 v25, v14;
	v19 =	vshll.u32 v29, $0x10;
	v15 =	vld [tilespmem:s10+$0xFFFFFFD0]  }
0x42b: {  	v16 =	vadd.f32 v16, v20;
	v12 =	vadd.f32 v12, v17;
	v14 =	vshll.u32 v33, $0x10  }
0x42c: {  	v10 =	vadd.f32 v11, v10;
	v17 =	vshll.u32 v34, $0x10;
	v20 =	vshll.u32 v13, $0x10  }
0x42d: {  	v24 =	vand.u32 $0xFFFF0000, v24;
	v12 =	vadd.f32 v12, v16;
	v11 =	vshll.u32 v27, $0x10  }
0x42e: {  	v25 =	vand.u32 $0xFFFF0000, v29;
	v29 =	vand.u32 $0xFFFF0000, v33;
	v16 =	vshll.u32 v28, $0x10;
	[tilespmem:s30+$0x420] =	vst v10  }
0x42f: {  	v31 =	vand.u32 $0xFFFF0000, v34;
	v13 =	vand.u32 $0xFFFF0000, v13;
	v10 =	vshll.u32 v15, $0x10;
	[tilespmem:s30+$0x430] =	vst v12  }
0x430: {  	v12 =	vand.u32 $0xFFFF0000, v27;
	v27 =	vand.u32 $0xFFFF0000, v28;
	v15 =	vand.u32 $0xFFFF0000, v15;
	v28 =	vld [tilespmem:s10+$0x60]  }
0x431: {  	v19 =	vadd.f32 v19, v30;
	v14 =	vadd.f32 v17, v14;
	v30 =	vld [tilespmem:s10+$0xE0]  }
0x432: {  	v11 =	vadd.f32 v11, v20;
	v10 =	vadd.f32 v10, v16;
	v16 =	vld [tilespmem:s10+$0x160]  }
0x433: {  	v17 =	vadd.f32 v25, v24;
	v20 =	vadd.f32 v31, v29;
	v24 =	vld [tilespmem:s10+$0x1E0]  }
0x434: {  	v12 =	vadd.f32 v12, v13;
	v13 =	vadd.f32 v15, v27;
	v25 =	vld [tilespmem:s10+$0x260]  }
0x435: {  	v14 =	vadd.f32 v14, v19;
	v10 =	vadd.f32 v10, v11;
	v27 =	vld [tilespmem:s10+$0x2E0]  }
0x436: {  	v15 =	vadd.f32 v20, v17;
	v12 =	vadd.f32 v13, v12;
	v29 =	vld [tilespmem:s10+$0x360]  }
0x437: {  	v13 =	vadd.f32 v21, v9;
	v10 =	vadd.f32 v10, v14;
	v11 =	vld [tilespmem:s10+$0x3E0]  }
0x438: {  	v12 =	vadd.f32 v12, v15;
	v14 =	vadd.f32 v22, v23  }
0x439: {  	v9 =	vadd.f32 v8, v5;
	v20 =	vshll.u32 v28, $0x10;
	[tilespmem:s0+$0x420] =	vst v10;
	v10 =	vadd.f32 v18, v26  }
0x43a: {  	v5 =	vshll.u32 v30, $0x10;
	v22 =	vshll.u32 v16, $0x10;
	v26 =	vshll.u32 v24, $0x10;
	[tilespmem:s0+$0x430] =	vst v12  }
.Ltmp4:
0x43b: {  	v31 =	vshll.u32 v25, $0x10;
	v32 =	vshll.u32 v27, $0x10;
	v8 =	vld [tilespmem:s10+$0xFFFFFC60];
	v33 =	vshll.u32 v29, $0x10;
	(pc) =	sbr.rel @p0 .LBB2_7-.Ltmp4, $4  }
0x43c: {  	v17 =	vand.u32 $0xFFFF0000, v28;
	v18 =	vand.u32 $0xFFFF0000, v30;
	v12 =	vld [tilespmem:s10+$0xFFFFFCE0];
	v34 =	vshll.u32 v11, $0x10  }
0x43d: {  	v21 =	vand.u32 $0xFFFF0000, v16;
	v23 =	vand.u32 $0xFFFF0000, v24;
	v19 =	vand.u32 $0xFFFF0000, v25;
	v15 =	vld [tilespmem:s10+$0xFFFFFD60]  }
0x43e: {  	v20 =	vadd.f32 v5, v20;
	v24 =	vand.u32 $0xFFFF0000, v27;
	v22 =	vadd.f32 v26, v22;
	v16 =	vld [tilespmem:s10+$0xFFFFFDE0]  }
0x43f: {  	v27 =	vand.u32 $0xFFFF0000, v29;
	v25 =	vadd.f32 v32, v31;
	v26 =	vadd.f32 v34, v33;
	s10 =	sadd.s32 $0x800, s10;
	v5 =	vld [tilespmem:s29+$0xFFFFFE60]  }
0x440: {  	v11 =	vand.u32 $0xFFFF0000, v11;
	v17 =	vadd.f32 v18, v17;
	v31 =	vadd.f32 v23, v21  }
0x441: {  	v19 =	vadd.f32 v24, v19;
	v11 =	vadd.f32 v11, v27  }
0x442: {  	v20 =	vadd.f32 v22, v20;
	v32 =	vadd.f32 v26, v25  }
0x443: {  	v17 =	vadd.f32 v31, v17;
	v11 =	vadd.f32 v11, v19  }
0x444: {  	v34 =	vld [tilespmem:s29+$0xFFFFFEE0];
	v35 =	vshll.u32 v8, $0x10;
	v6 =	vadd.f32 v7, v6;
	v33 =	vadd.f32 v32, v20  }
0x445: {  	v38 =	vld [tilespmem:s29+$0xFFFFFF60];
	v41 =	vand.u32 $0xFFFF0000, v8;
	v1 =	vadd.f32 v2, v1;
	v11 =	vadd.f32 v11, v17  }
0x446: {  	v42 =	vld [tilespmem:s29+$0xFFFFFFE0];
	v2 =	vadd.f32 v4, v3;
	v36 =	vshll.u32 v12, $0x10;
	v43 =	vand.u32 $0xFFFF0000, v12;
	[tilespmem:s30+$0x440] =	vst v33  }
0x447: {  	v37 =	vshll.u32 v15, $0x10;
	v46 =	vand.u32 $0xFFFF0000, v15;
	v8 =	vadd.f32 v43, v41;
	[tilespmem:s30+$0x450] =	vst v11  }
0x448: {  	v39 =	vshll.u32 v16, $0x10;
	v19 =	vadd.f32 v36, v35;
	v47 =	vand.u32 $0xFFFF0000, v16;
	v45 =	vld [tilespmem:s29+$0x70]  }
0x449: {  	v40 =	vshll.u32 v5, $0x10;
	v44 =	vadd.f32 v39, v37;
	v49 =	vand.u32 $0xFFFF0000, v5;
	v48 =	vld [tilespmem:s29+$0xF0]  }
0x44a: {  	v15 =	vadd.f32 v47, v46;
	v53 =	vshll.u32 v34, $0x10;
	v54 =	vshll.u32 v38, $0x10;
	v51 =	vld [tilespmem:s29+$0x170]  }
0x44b: {  	v56 =	vshll.u32 v42, $0x10;
	v17 =	vand.u32 $0xFFFF0000, v34;
	v18 =	vand.u32 $0xFFFF0000, v38;
	v52 =	vld [tilespmem:s29+$0x1F0]  }
0x44c: {  	v20 =	vadd.f32 v53, v40;
	v22 =	vadd.f32 v56, v54;
	v11 =	vand.u32 $0xFFFF0000, v42;
	v55 =	vld [tilespmem:s29+$0x270]  }
0x44d: {  	v5 =	vadd.f32 v17, v49;
	v57 =	vld [tilespmem:s29+$0x2F0];
	v11 =	vadd.f32 v11, v18  }
0x44e: {  	v50 =	vadd.f32 v44, v19;
	v8 =	vadd.f32 v15, v8;
	v58 =	vld [tilespmem:s29+$0x370]  }
0x44f: {  	v59 =	vld [tilespmem:s29+$0x3F0];
	v60 =	vadd.f32 v22, v20;
	v5 =	vadd.f32 v11, v5  }
0x450: {  	v13 =	vadd.f32 v14, v13;
	v1 =	vadd.f32 v2, v1  }
0x451: {  	v16 =	vadd.f32 v60, v50;
	v5 =	vadd.f32 v5, v8;
	v61 =	vand.u32 $0xFFFF0000, v45  }
0x452: {  	v62 =	vand.u32 $0xFFFF0000, v48;
	v63 =	vand.u32 $0xFFFF0000, v51;
	v25 =	vand.u32 $0xFFFF0000, v52  }
0x453: {  	[tilespmem:s0+$0x440] =	vst v16;
	v27 =	vand.u32 $0xFFFF0000, v55;
	v28 =	vand.u32 $0xFFFF0000, v57;
	v29 =	vand.u32 $0xFFFF0000, v58  }
0x454: {  	v30 =	vand.u32 $0xFFFF0000, v59;
	v37 =	vshll.u32 v45, $0x10;
	v39 =	vshll.u32 v48, $0x10;
	[tilespmem:s0+$0x450] =	vst v5  }
0x455: {  	v41 =	vshll.u32 v51, $0x10;
	v7 =	vshll.u32 v52, $0x10;
	v42 =	vshll.u32 v55, $0x10;
	v34 =	vld [tilespmem:s29+$0xFFFFFC70]  }
0x456: {  	v43 =	vshll.u32 v57, $0x10;
	v11 =	vadd.f32 v62, v61;
	v31 =	vadd.f32 v25, v63;
	v3 =	vld [tilespmem:s29+$0xFFFFFCF0]  }
0x457: {  	v44 =	vshll.u32 v58, $0x10;
	v32 =	vadd.f32 v28, v27;
	v33 =	vadd.f32 v30, v29;
	v36 =	vld [tilespmem:s29+$0xFFFFFD70]  }
0x458: {  	v15 =	vshll.u32 v59, $0x10;
	v4 =	vadd.f32 v39, v37;
	v7 =	vadd.f32 v7, v41;
	v38 =	vld [tilespmem:s29+$0xFFFFFDF0]  }
0x459: {  	v46 =	vadd.f32 v43, v42;
	v48 =	vadd.f32 v15, v44;
	v40 =	vld [tilespmem:s29+$0xFFFFFE70]  }
0x45a: {  	v45 =	vld [tilespmem:s29+$0xFFFFFEF0];
	v35 =	vadd.f32 v31, v11;
	v5 =	vadd.f32 v33, v32  }
0x45b: {  	[tilespmem:s26+$0x460] =	vst v1;
	v47 =	vld [tilespmem:s29+$0xFFFFFF70];
	v4 =	vadd.f32 v7, v4;
	v1 =	vadd.f32 v48, v46  }
0x45c: {  	v9 =	vadd.f32 v10, v9;
	v6 =	vadd.f32 v13, v6;
	v51 =	vld [tilespmem:s29+$0xFFFFFFF0]  }
0x45d: {  	v2 =	vadd.f32 v5, v35;
	v1 =	vadd.f32 v1, v4;
	v49 =	vshll.u32 v34, $0x10  }
0x45e: {  	v50 =	vshll.u32 v3, $0x10;
	v52 =	vshll.u32 v36, $0x10;
	v53 =	vshll.u32 v38, $0x10  }
0x45f: {  	v54 =	vshll.u32 v40, $0x10;
	v16 =	vand.u32 $0xFFFF0000, v34;
	v3 =	vand.u32 $0xFFFF0000, v3  }
0x460: {  	v8 =	vand.u32 $0xFFFF0000, v36;
	v11 =	vand.u32 $0xFFFF0000, v38;
	v5 =	vand.u32 $0xFFFF0000, v40  }
0x461: {  	v56 =	vshll.u32 v45, $0x10;
	v57 =	vshll.u32 v47, $0x10;
	v58 =	vshll.u32 v51, $0x10  }
0x462: {  	v10 =	vand.u32 $0xFFFF0000, v45;
	v15 =	vadd.f32 v50, v49;
	v55 =	vadd.f32 v53, v52  }
0x463: {  	v13 =	vand.u32 $0xFFFF0000, v47;
	v19 =	vadd.f32 v56, v54;
	v20 =	vadd.f32 v58, v57  }
0x464: {  	v59 =	vand.u32 $0xFFFF0000, v51;
	v3 =	vadd.f32 v3, v16;
	v8 =	vadd.f32 v11, v8  }
0x465: {  	v5 =	vadd.f32 v10, v5;
	v60 =	vadd.f32 v59, v13  }
0x466: {  	[tilespmem:s28+$0x460] =	vst v9;
	v61 =	vadd.f32 v55, v15;
	v62 =	vadd.f32 v20, v19  }
0x467: {  	[tilespmem:s28+$0x470] =	vst v6;
	v3 =	vadd.f32 v8, v3;
	v5 =	vadd.f32 v60, v5  }
.Ltmp5:
0x468: {  	[tilespmem:s30+$0x470] =	vst v2;
	v63 =	vadd.f32 v62, v61;
	(pc) =	sbr.rel @p1 .LBB2_10-.Ltmp5, $4  }
0x469: {  	[tilespmem:s30+$0x460] =	vst v1;
	v2 =	vadd.f32 v5, v3  }
0x46a: {  	[tilespmem:s0+$0x460] =	vst v63  }
0x46b: {  	s31 =	sadd.s32 $0x400, s25;
	[tilespmem:s0+$0x470] =	vst v2  }
0x46c: {  	[hbm4b:s31+s2] =	stream.linear.scatter [tilespmem:s18], [sflag:$0x4], $0x2000, $0x38;
	[tilespmem:$0x16000] =	vst v63  }
.Ltmp6:
0x46d: {  	(pc) =	sbr.rel .LBB2_4-.Ltmp6, $4  }
0x46e: {  	s0 =	sadd.s32 $0x300, s24  }
0x46f: {  	[tilespmem:s12], [sflag:$0x2] =	stream.indirect.gather [hbm4b:s3+s8], $0x80, s0, s8, $0xb8;
	[tilespmem:$0x16000] =	vst v63  }
0x470: {  	s31 =	sadd.s32 $0x380, s24;
	s23 =	sadd.s32 $0x1, s23  }
0x471: {  	[tilespmem:s14], [sflag:$0x2] =	stream.indirect.gather [hbm4b:s3+s8], $0x80, s31, s8, $0xb8;
	[tilespmem:$0x16000] =	vst v63  }
.LBB2_11:
0x472: {  	_ =	sfence.sel $0x180000  }
0x473: {  	[bflag:$0x0] =	sbarrier.arrive $0xFFFF  }
0x474: {  	_ =	strace $0x90000047  }
0x475: {  	s0 =	stileid.u32;
	[bflag:$0x2] =	sbarrier.arrive $0xFFFF  }
0x476: {  	p0 =	sne.s32 s0, $0x0;
	s0 =	rddreg [dreg:$0x2]  }
0x477: {  	s0 =	sadd.s32 @!p0 $0x100000, s0  }
0x478: {  	[sflag:s0] =	ssyncadd.tile.s32 @!p0 $0x1;
	_ =	shalt  }
.Lfunc_end2:
_tile_overlayer_lowered:
.L_overlay_start_2:
0x479: {  	(tag) =	ssettag $0x2  }
0x47a: {  	s0 =	rddreg [dreg:$0x0];
	s2 =	stileid.u32  }
0x47b: {  	s1 =	rddreg [dreg:$0x1];
	p0 =	sne.s32 s2, $0x0  }
0x47c: {  	s3 =	rddreg [dreg:$0x2];
	[bflag:$0x3] =	sbarrier.arrive $0xFFFF;
	s2 =	simm.s32 @!p0 $0x1C05  }
0x47d: {  	[timem:s3], [sflag:s2] =	dma.local @!p0 [hbm:s0], s1  }
0x47e: {  	s0 =	simm.s32 @!p0 $0x5  }
0x47f: {  	_ =	swait.ge @!p0 [sflag:s0], s1  }
0x480: {  	s1 =	ssub.s32 @!p0 $0x0, s1;
	[sflag:s0] =	ssyncset.done @!p0 $0x0  }
0x481: {  	[sflag:s0] =	ssyncadd.s32 @!p0 s1  }
0x482: {  	[bflag:$0x3] =	sbarrier.arrive $0xFFFF  }
0x483: {  	_ =	shalt  }

</sc_bundles>
